<compile_context>
chip_gen: v7x
topology: tpu7x:2x2x1
jax: 0.10.2.dev20260603
libtpu: 0.0.44.dev20260713+nightly
codegen_flags: <defaults>
</compile_context>

<pallas_src>
import functools

import jax
import jax.numpy as jnp
from jax import lax
from jax.experimental import pallas as pl
from jax.experimental.pallas import tpu as pltpu
import jax.experimental.pallas.tpu_sc as plsc

N_NODES = 10000
N_EDGES = 320000
NC = 2
NS = 16
LANES = 16
FC = 128
SLAB = 1000
ZROWS = 40
K = 80
NB = 4

_MESH = dict(core_axis_name="c", subcore_axis_name="s")


def _zero_slab(zbuf, acc, s):
    my0 = s * SLAB

    @pl.when(s < N_NODES // SLAB)
    def _zero():
        for t in range(SLAB // ZROWS):
            pltpu.sync_copy(zbuf, acc.at[pl.ds(my0 + t * ZROWS, ZROWS)])

    plsc.subcore_barrier()


def _writeout_slab(acc, out_hbm, s, out_off):
    plsc.subcore_barrier()
    my0 = s * SLAB

    @pl.when(s < N_NODES // SLAB)
    def _writeout():
        pltpu.sync_copy(acc.at[pl.ds(my0, SLAB)],
                        out_hbm.at[pl.ds(out_off + my0, SLAB)])


def _fill(buf, nrows, value):
    vv = jnp.full((LANES,), value, jnp.float32)

    def body(r, carry):
        for j in range(FC // LANES):
            buf[r, pl.ds(j * LANES, LANES)] = vv
        return carry

    lax.fori_loop(0, nrows, body, 0)


def _maybe(cond, fn):
    if isinstance(cond, bool):
        if cond:
            fn()
    else:
        pl.when(cond)(fn)


def _sc_degree_body(dst_hbm, out_hbm, idxd, ones_b, zbuf, acc,
                    i0, i1, i2, i3, t0, t1, t2, t3):
    c = lax.axis_index("c")
    s = lax.axis_index("s")
    _fill(ones_b, K, 1.0)
    _fill(zbuf, ZROWS, 0.0)
    _zero_slab(zbuf, acc, s)

    e_per = N_EDGES // (NC * NS)
    base = (c * NS + s) * e_per
    nch = e_per // K
    isems = (i0, i1, i2, i3)
    ssems = (t0, t1, t2, t3)

    def fire_i(g, b):
        pltpu.async_copy(dst_hbm.at[pl.ds(base + g * K, K)], idxd.at[b],
                         isems[b])

    def wait_i(b):
        pltpu.make_async_copy(dst_hbm.at[pl.ds(base, K)], idxd.at[b],
                              isems[b]).wait()

    def fire_s(g, b):
        pltpu.async_copy(ones_b, acc.at[idxd.at[b]], ssems[b], add=True)

    def wait_s(b):
        pltpu.make_async_copy(ones_b, acc.at[idxd.at[b]], ssems[b]).wait()

    def slot(g, j):
        wait_i(j)
        jp = (j + 3) % NB
        _maybe(g - 1 >= 0 if isinstance(g, int) else g >= 1,
               lambda: wait_s(jp))
        fire_s(g, j)
        _maybe(g + 3 < nch, lambda: fire_i(g + 3, jp))

    for g in range(3):
        fire_i(g, g)

    def quad(i, carry):
        for j in range(NB):
            slot(i * NB + j, j)
        return carry

    nquad = nch // NB
    lax.fori_loop(0, nquad, quad, 0)
    for g in range(nquad * NB, nch):
        slot(g, g % NB)
    wait_s((nch - 1) % NB)
    _writeout_slab(acc, out_hbm, s, c * N_NODES)


def _make_sc_degree():
    return functools.partial(
        pl.kernel,
        out_type=jax.ShapeDtypeStruct((NC * N_NODES, FC), jnp.float32),
        mesh=plsc.VectorSubcoreMesh(**_MESH),
        scratch_types=[
            pltpu.VMEM((NB, K), jnp.int32),
            pltpu.VMEM((K, FC), jnp.float32),
            pltpu.VMEM((ZROWS, FC), jnp.float32),
            pltpu.VMEM_SHARED((N_NODES, FC), jnp.float32),
        ] + [pltpu.SemaphoreType.DMA] * 8,
    )(_sc_degree_body)


def _sc_agg_body(split_edges, src_hbm, dst_hbm, y_hbm, out_hbm,
                 idxg, idxd, rows, zbuf, acc,
                 i0, i1, i2, i3, g0, g1, g2, g3, t0, t1, t2, t3):
    c = lax.axis_index("c")
    s = lax.axis_index("s")
    _fill(zbuf, ZROWS, 0.0)
    _zero_slab(zbuf, acc, s)

    if split_edges:
        e_per = N_EDGES // (NC * NS)
        base = (c * NS + s) * e_per
        off = None
    else:
        e_per = N_EDGES // NS
        base = s * e_per
        off = c * N_NODES
    nch = e_per // K
    isems = (i0, i1, i2, i3)
    gsems = (g0, g1, g2, g3)
    ssems = (t0, t1, t2, t3)

    def fire_i(g, b):
        eb = base + g * K
        pltpu.async_copy(src_hbm.at[pl.ds(eb, K)], idxg.at[b], isems[b])
        pltpu.async_copy(dst_hbm.at[pl.ds(eb, K)], idxd.at[b], isems[b])

    def wait_i(b):
        pltpu.make_async_copy(src_hbm.at[pl.ds(base, K)], idxg.at[b],
                              isems[b]).wait()
        pltpu.make_async_copy(dst_hbm.at[pl.ds(base, K)], idxd.at[b],
                              isems[b]).wait()
        if off is not None:
            for j in range(K // LANES):
                v = idxg[b, pl.ds(j * LANES, LANES)]
                idxg[b, pl.ds(j * LANES, LANES)] = v + off

    def fire_g(g, b):
        pltpu.async_copy(y_hbm.at[idxg.at[b]], rows.at[b], gsems[b])

    def wait_g(b):
        pltpu.make_async_copy(y_hbm.at[idxg.at[b]], rows.at[b],
                              gsems[b]).wait()

    def fire_s(g, b):
        pltpu.async_copy(rows.at[b], acc.at[idxd.at[b]], ssems[b], add=True)

    def wait_s(b):
        pltpu.make_async_copy(rows.at[b], acc.at[idxd.at[b]],
                              ssems[b]).wait()

    def slot(g, j):
        wait_g(j)
        jp = (j + 3) % NB
        _maybe(g - 1 >= 0 if isinstance(g, int) else g >= 1,
               lambda: wait_s(jp))
        fire_s(g, j)
        jn = (j + 2) % NB

        def _adv():
            wait_i(jn)
            fire_g(g + 2, jn)

        _maybe(g + 2 < nch, _adv)
        _maybe(g + 3 < nch, lambda: fire_i(g + 3, jp))

    for g in range(3):
        fire_i(g, g)
    wait_i(0)
    fire_g(0, 0)
    wait_i(1)
    fire_g(1, 1)

    def quad(i, carry):
        for j in range(NB):
            slot(i * NB + j, j)
        return carry

    nquad = nch // NB
    lax.fori_loop(0, nquad, quad, 0)
    for g in range(nquad * NB, nch):
        slot(g, g % NB)
    wait_s((nch - 1) % NB)
    _writeout_slab(acc, out_hbm, s, c * N_NODES)


def _make_sc_agg(split_edges):
    return functools.partial(
        pl.kernel,
        out_type=jax.ShapeDtypeStruct((NC * N_NODES, FC), jnp.float32),
        mesh=plsc.VectorSubcoreMesh(**_MESH),
        scratch_types=[
            pltpu.VMEM((NB, K), jnp.int32),
            pltpu.VMEM((NB, K), jnp.int32),
            pltpu.VMEM((NB, K, FC), jnp.float32),
            pltpu.VMEM((ZROWS, FC), jnp.float32),
            pltpu.VMEM_SHARED((N_NODES, FC), jnp.float32),
        ] + [pltpu.SemaphoreType.DMA] * 12,
    )(functools.partial(_sc_agg_body, split_edges))


def _dinv_from_parts(degp):
    deg = degp[0:N_NODES, 0:1] + degp[N_NODES:2 * N_NODES, 0:1] + 1.0
    return lax.rsqrt(deg)


def _tc_scale0_body(x_ref, degp_ref, z0_ref):
    dinv = _dinv_from_parts(degp_ref[...])
    z0_ref[...] = x_ref[...] * dinv


def _tc_layer2_body(agg1_ref, z0_ref, w1_ref, b1_ref, degp_ref, z_ref):
    dinv = _dinv_from_parts(degp_ref[...])
    agg = agg1_ref[0:N_NODES, :] + agg1_ref[N_NODES:2 * N_NODES, :]
    m1 = (agg + z0_ref[...]) * dinv
    h = jnp.maximum(
        jnp.dot(m1, w1_ref[...], preferred_element_type=jnp.float32)
        + b1_ref[...], 0.0)
    z_ref[...] = h * dinv


def _tc_final_body(agg2_ref, z_ref, w2_ref, b2_ref, degp_ref, batch_ref,
                   wg_ref, bg_ref, emb_ref, logit_ref):
    dinv = _dinv_from_parts(degp_ref[...])
    agg = agg2_ref[0:N_NODES, :] + agg2_ref[N_NODES:2 * N_NODES, :]
    m = (agg + z_ref[...]) * dinv
    ngr = emb_ref.shape[0]
    seg = batch_ref[...]
    p = (seg == lax.broadcasted_iota(jnp.int32, (1, ngr), 1)).astype(
        jnp.float32)
    pooled = lax.dot_general(p, m, (((0,), (0,)), ((), ())),
                             preferred_element_type=jnp.float32)
    counts = lax.dot_general(p, jnp.ones((N_NODES, 1), jnp.float32),
                             (((0,), (0,)), ((), ())),
                             preferred_element_type=jnp.float32)
    sums = (jnp.dot(pooled, w2_ref[...], preferred_element_type=jnp.float32)
            + counts * b2_ref[...])
    emb = sums / jnp.maximum(counts, 1.0)
    emb_ref[...] = emb
    logit_ref[...] = (jnp.dot(emb, wg_ref[...],
                              preferred_element_type=jnp.float32)
                      + bg_ref[...])


def kernel(x, edge_index, batch, W1, b1, W2, b2, Wg, bg):
    n, _ = x.shape
    hid = W1.shape[1]
    emb_d = W2.shape[1]
    ngroups = Wg.shape[1]
    ngraphs = 64
    src = edge_index[0]
    dst = edge_index[1]

    degp = _make_sc_degree()(dst)

    z0 = pl.pallas_call(
        _tc_scale0_body,
        out_shape=jax.ShapeDtypeStruct((n, x.shape[1]), jnp.float32),
    )(x, degp)

    agg1 = _make_sc_agg(split_edges=True)(src, dst, z0)

    z = pl.pallas_call(
        _tc_layer2_body,
        out_shape=jax.ShapeDtypeStruct((n, hid), jnp.float32),
    )(agg1, z0, W1, b1.reshape(1, -1), degp)

    agg2 = _make_sc_agg(split_edges=True)(src, dst, z)

    emb, logits = pl.pallas_call(
        _tc_final_body,
        out_shape=(
            jax.ShapeDtypeStruct((ngraphs, emb_d), jnp.float32),
            jax.ShapeDtypeStruct((ngraphs, ngroups), jnp.float32),
        ),
    )(agg2, z, W2, b2.reshape(1, -1), degp, batch.reshape(-1, 1), Wg,
      bg.reshape(1, -1))

    return emb, logits

# --- scband reference (transcript-rebuilt; emitter-appended) ---
"""Pipeline reference for scband-hierarchical-malware-gnn-9895604650047 (READ-ONLY COPY).

The authoritative reference and input builder live on the scoring server;
editing this copy changes nothing except your own understanding.
"""

import jax, jax.numpy as jnp
import numpy as np

NUM_NODES = 10000
NUM_EDGES = 320000
NUM_FEATURES = 128
HIDDEN = 128
EMBED = 256
NUM_GROUPS = 16
NUM_GRAPHS = 64


def setup_inputs(seed: int = 0) -> dict:
    key = jax.random.key(seed)
    ks = jax.random.split(key, 8)
    x = jax.random.normal(ks[0], (NUM_NODES, NUM_FEATURES), dtype=jnp.float32)
    edge_index = jax.random.randint(ks[1], (2, NUM_EDGES), 0, NUM_NODES, dtype=jnp.int32)
    batch = jnp.sort(jax.random.randint(ks[2], (NUM_NODES,), 0, NUM_GRAPHS, dtype=jnp.int32))
    W1 = jax.random.normal(ks[3], (NUM_FEATURES, HIDDEN), dtype=jnp.float32) * (1.0 / np.sqrt(NUM_FEATURES))
    b1 = jnp.zeros((HIDDEN,), dtype=jnp.float32)
    W2 = jax.random.normal(ks[4], (HIDDEN, EMBED), dtype=jnp.float32) * (1.0 / np.sqrt(HIDDEN))
    b2 = jnp.zeros((EMBED,), dtype=jnp.float32)
    Wg = jax.random.normal(ks[5], (EMBED, NUM_GROUPS), dtype=jnp.float32) * (1.0 / np.sqrt(EMBED))
    bg = jnp.zeros((NUM_GROUPS,), dtype=jnp.float32)
    return {"x": x, "edge_index": edge_index, "batch": batch,
            "W1": W1, "b1": b1, "W2": W2, "b2": b2, "Wg": Wg, "bg": bg}


def gcn_conv(x, edge_index, W, b):
    # GCNConv: out = D^{-1/2} (A + I) D^{-1/2} X W + b  (self-loops added, symmetric norm)
    N = x.shape[0]
    loop = jnp.arange(N, dtype=edge_index.dtype)
    src = jnp.concatenate([edge_index[0], loop])
    dst = jnp.concatenate([edge_index[1], loop])
    deg = jnp.zeros((N,), dtype=x.dtype).at[dst].add(1.0)
    dinv = jnp.where(deg > 0, 1.0 / jnp.sqrt(deg), 0.0)
    norm = dinv[src] * dinv[dst]
    xw = x @ W
    msg = xw[src] * norm[:, None]
    out = jnp.zeros((N, W.shape[1]), dtype=x.dtype).at[dst].add(msg)
    return out + b


def reference(x, edge_index, batch, W1, b1, W2, b2, Wg, bg):
    h = jax.nn.relu(gcn_conv(x, edge_index, W1, b1))
    # dropout p=0.5 is identity in eval mode
    h = gcn_conv(h, edge_index, W2, b2)
    # global_mean_pool over batch segment ids
    sums = jax.ops.segment_sum(h, batch, num_segments=NUM_GRAPHS)
    counts = jax.ops.segment_sum(jnp.ones((h.shape[0], 1), dtype=h.dtype), batch, num_segments=NUM_GRAPHS)
    embeddings = sums / jnp.maximum(counts, 1.0)
    group_logits = embeddings @ Wg + bg
    # family_classifiers ModuleDict is empty by default -> family_logits = {}
    return (embeddings, group_logits)

if __name__ == "__main__":
    import jax
    _d = setup_inputs()
    print(jax.jit(kernel)(*tuple(_d.values())))

</pallas_src>

<mosaic_0001>
#map = affine_map<(d0, d1) -> (0)>
#map1 = affine_map<(d0, d1) -> (0, 0)>
module attributes {stable_mosaic.version = 14 : i64} {
  func.func @_sc_agg_body(%arg0: i32, %arg1: i32, %arg2: memref<320000xi32, #tpu.memory_space<hbm>>, %arg3: memref<320000xi32, #tpu.memory_space<hbm>>, %arg4: memref<10000x128xf32, #tpu.memory_space<hbm>>, %arg5: memref<20000x128xf32, #tpu.memory_space<hbm>>, %arg6: memref<4x80xi32, #tpu.memory_space<vmem>>, %arg7: memref<4x80xi32, #tpu.memory_space<vmem>>, %arg8: memref<4x80x128xf32, #tpu.memory_space<vmem>>, %arg9: memref<40x128xf32, #tpu.memory_space<vmem>>, %arg10: memref<10000x128xf32, #tpu.memory_space<vmem_shared>>, %arg11: memref<!tpu.dma_semaphore, #tpu.memory_space<semaphore_mem>>, %arg12: memref<!tpu.dma_semaphore, #tpu.memory_space<semaphore_mem>>, %arg13: memref<!tpu.dma_semaphore, #tpu.memory_space<semaphore_mem>>, %arg14: memref<!tpu.dma_semaphore, #tpu.memory_space<semaphore_mem>>, %arg15: memref<!tpu.dma_semaphore, #tpu.memory_space<semaphore_mem>>, %arg16: memref<!tpu.dma_semaphore, #tpu.memory_space<semaphore_mem>>, %arg17: memref<!tpu.dma_semaphore, #tpu.memory_space<semaphore_mem>>, %arg18: memref<!tpu.dma_semaphore, #tpu.memory_space<semaphore_mem>>, %arg19: memref<!tpu.dma_semaphore, #tpu.memory_space<semaphore_mem>>, %arg20: memref<!tpu.dma_semaphore, #tpu.memory_space<semaphore_mem>>, %arg21: memref<!tpu.dma_semaphore, #tpu.memory_space<semaphore_mem>>, %arg22: memref<!tpu.dma_semaphore, #tpu.memory_space<semaphore_mem>>) attributes {dimension_semantics = [#tpu.dimension_semantics<core_parallel>, #tpu.dimension_semantics<subcore_parallel>], iteration_bounds = array<i64: 2, 16>, scalar_prefetch = 0 : i64, scratch_operands = 17 : i64, tpu.core_type = #tpu.core_type<sc_vector_subcore>, window_params = [{transform_indices = #map}, {transform_indices = #map}, {transform_indices = #map1}, {transform_indices = #map1}]} {
    %broadcast_in_dim3A = arith.constant 0.000000e+00 : f32
    %broadcast_in_dim3A_0 = vector.broadcast %broadcast_in_dim3A : f32 to vector<16xf32>
    %scan3A = arith.constant 0 : i32
    %scan3A_1 = arith.constant 0 : i32
    %scan3A_2 = arith.constant 40 : i32
    %scan3A_3 = arith.addi %scan3A_1, %scan3A_2 : i32
    %scan3A_4 = arith.constant 1 : i32
    scf.for %scan3A_195 = %scan3A_1 to %scan3A_3 step %scan3A_4  : i32 {
      %swap3A = arith.index_cast %scan3A_195 : i32 to index
      %swap3A_196 = arith.constant 0 : index
      %swap3A_197 = tpu.vector_load %arg9[%swap3A, %swap3A_196] {strides = array<i32>} : memref<40x128xf32, #tpu.memory_space<vmem>>, vector<1x16xf32>,
      %swap3A_198 = vector.shape_cast %swap3A_197 : vector<1x16xf32> to vector<16xf32>
      %swap3A_199 = vector.shape_cast %broadcast_in_dim3A_0 : vector<16xf32> to vector<1x16xf32>
      tpu.vector_store %arg9[%swap3A, %swap3A_196], %swap3A_199 {strides = array<i32>} : memref<40x128xf32, #tpu.memory_space<vmem>>, vector<1x16xf32>,
      %swap3A_200 = arith.index_cast %scan3A_195 : i32 to index
      %swap3A_201 = arith.constant 16 : index
      %swap3A_202 = tpu.vector_load %arg9[%swap3A_200, %swap3A_201] {strides = array<i32>} : memref<40x128xf32, #tpu.memory_space<vmem>>, vector<1x16xf32>,
      %swap3A_203 = vector.shape_cast %swap3A_202 : vector<1x16xf32> to vector<16xf32>
      %swap3A_204 = vector.shape_cast %broadcast_in_dim3A_0 : vector<16xf32> to vector<1x16xf32>
      tpu.vector_store %arg9[%swap3A_200, %swap3A_201], %swap3A_204 {strides = array<i32>} : memref<40x128xf32, #tpu.memory_space<vmem>>, vector<1x16xf32>,
      %swap3A_205 = arith.index_cast %scan3A_195 : i32 to index
      %swap3A_206 = arith.constant 32 : index
      %swap3A_207 = tpu.vector_load %arg9[%swap3A_205, %swap3A_206] {strides = array<i32>} : memref<40x128xf32, #tpu.memory_space<vmem>>, vector<1x16xf32>,
      %swap3A_208 = vector.shape_cast %swap3A_207 : vector<1x16xf32> to vector<16xf32>
      %swap3A_209 = vector.shape_cast %broadcast_in_dim3A_0 : vector<16xf32> to vector<1x16xf32>
      tpu.vector_store %arg9[%swap3A_205, %swap3A_206], %swap3A_209 {strides = array<i32>} : memref<40x128xf32, #tpu.memory_space<vmem>>, vector<1x16xf32>,
      %swap3A_210 = arith.index_cast %scan3A_195 : i32 to index
      %swap3A_211 = arith.constant 48 : index
      %swap3A_212 = tpu.vector_load %arg9[%swap3A_210, %swap3A_211] {strides = array<i32>} : memref<40x128xf32, #tpu.memory_space<vmem>>, vector<1x16xf32>,
      %swap3A_213 = vector.shape_cast %swap3A_212 : vector<1x16xf32> to vector<16xf32>
      %swap3A_214 = vector.shape_cast %broadcast_in_dim3A_0 : vector<16xf32> to vector<1x16xf32>
      tpu.vector_store %arg9[%swap3A_210, %swap3A_211], %swap3A_214 {strides = array<i32>} : memref<40x128xf32, #tpu.memory_space<vmem>>, vector<1x16xf32>,
      %swap3A_215 = arith.index_cast %scan3A_195 : i32 to index
      %swap3A_216 = arith.constant 64 : index
      %swap3A_217 = tpu.vector_load %arg9[%swap3A_215, %swap3A_216] {strides = array<i32>} : memref<40x128xf32, #tpu.memory_space<vmem>>, vector<1x16xf32>,
      %swap3A_218 = vector.shape_cast %swap3A_217 : vector<1x16xf32> to vector<16xf32>
      %swap3A_219 = vector.shape_cast %broadcast_in_dim3A_0 : vector<16xf32> to vector<1x16xf32>
      tpu.vector_store %arg9[%swap3A_215, %swap3A_216], %swap3A_219 {strides = array<i32>} : memref<40x128xf32, #tpu.memory_space<vmem>>, vector<1x16xf32>,
      %swap3A_220 = arith.index_cast %scan3A_195 : i32 to index
      %swap3A_221 = arith.constant 80 : index
      %swap3A_222 = tpu.vector_load %arg9[%swap3A_220, %swap3A_221] {strides = array<i32>} : memref<40x128xf32, #tpu.memory_space<vmem>>, vector<1x16xf32>,
      %swap3A_223 = vector.shape_cast %swap3A_222 : vector<1x16xf32> to vector<16xf32>
      %swap3A_224 = vector.shape_cast %broadcast_in_dim3A_0 : vector<16xf32> to vector<1x16xf32>
      tpu.vector_store %arg9[%swap3A_220, %swap3A_221], %swap3A_224 {strides = array<i32>} : memref<40x128xf32, #tpu.memory_space<vmem>>, vector<1x16xf32>,
      %swap3A_225 = arith.index_cast %scan3A_195 : i32 to index
      %swap3A_226 = arith.constant 96 : index
      %swap3A_227 = tpu.vector_load %arg9[%swap3A_225, %swap3A_226] {strides = array<i32>} : memref<40x128xf32, #tpu.memory_space<vmem>>, vector<1x16xf32>,
      %swap3A_228 = vector.shape_cast %swap3A_227 : vector<1x16xf32> to vector<16xf32>
      %swap3A_229 = vector.shape_cast %broadcast_in_dim3A_0 : vector<16xf32> to vector<1x16xf32>
      tpu.vector_store %arg9[%swap3A_225, %swap3A_226], %swap3A_229 {strides = array<i32>} : memref<40x128xf32, #tpu.memory_space<vmem>>, vector<1x16xf32>,
      %swap3A_230 = arith.index_cast %scan3A_195 : i32 to index
      %swap3A_231 = arith.constant 112 : index
      %swap3A_232 = tpu.vector_load %arg9[%swap3A_230, %swap3A_231] {strides = array<i32>} : memref<40x128xf32, #tpu.memory_space<vmem>>, vector<1x16xf32>,
      %swap3A_233 = vector.shape_cast %swap3A_232 : vector<1x16xf32> to vector<16xf32>
      %swap3A_234 = vector.shape_cast %broadcast_in_dim3A_0 : vector<16xf32> to vector<1x16xf32>
      tpu.vector_store %arg9[%swap3A_230, %swap3A_231], %swap3A_234 {strides = array<i32>} : memref<40x128xf32, #tpu.memory_space<vmem>>, vector<1x16xf32>,
    }
    %scan3A_5 = arith.constant 40 : i32
    %mul3A = arith.constant 1000 : i32
    %mul3A_6 = arith.muli %arg1, %mul3A : i32
    %lt3A = arith.constant 10 : i32
    %lt3A_7 = arith.cmpi slt, %arg1, %lt3A : i32
    %convert_element_type3A = arith.extui %lt3A_7 : i1 to i32
    %cond3A = arith.constant 0 : i32
    %cond3A_8 = arith.cmpi ne, %convert_element_type3A, %cond3A : i32
    scf.if %cond3A_8 {
      %add3A_195 = arith.constant 0 : i32
      %add3A_196 = arith.addi %mul3A_6, %add3A_195 : i32
      "tpu.region"() ({
        %run_scoped3A = tpu.sem_alloc : memref<!tpu.dma_semaphore, #tpu.memory_space<semaphore_mem>>
        %dma_start3A_245 = arith.constant 0 : i32
        %dma_start3A_246 = tpu.memref_slice %arg10[%add3A_196, %dma_start3A_245] : memref<10000x128xf32, #tpu.memory_space<vmem_shared>> -> memref<40x128xf32, #tpu.memory_space<vmem_shared>>
        %dma_start3A_247 = arith.constant 0 : i32
        %dma_start3A_248 = tpu.memref_slice %arg10[%add3A_196, %dma_start3A_247] : memref<10000x128xf32, #tpu.memory_space<vmem_shared>> -> memref<40x128xf32, #tpu.memory_space<vmem_shared>>
        tpu.enqueue_dma source(%arg9 : memref<40x128xf32, #tpu.memory_space<vmem>>) target(%dma_start3A_248 : memref<40x128xf32, #tpu.memory_space<vmem_shared>>) target_semaphore(%run_scoped3A : memref<!tpu.dma_semaphore, #tpu.memory_space<semaphore_mem>>)
        %dma_wait3A_249 = arith.constant 0 : i32
        %dma_wait3A_250 = tpu.memref_slice %arg10[%add3A_196, %dma_wait3A_249] : memref<10000x128xf32, #tpu.memory_space<vmem_shared>> -> memref<40x128xf32, #tpu.memory_space<vmem_shared>>
        %dma_wait3A_251 = arith.constant 0 : i32
        %dma_wait3A_252 = tpu.memref_slice %arg10[%add3A_196, %dma_wait3A_251] : memref<10000x128xf32, #tpu.memory_space<vmem_shared>> -> memref<40x128xf32, #tpu.memory_space<vmem_shared>>
        tpu.wait_dma2 semaphore(%run_scoped3A : memref<!tpu.dma_semaphore, #tpu.memory_space<semaphore_mem>>) src(%arg9 : memref<40x128xf32, #tpu.memory_space<vmem>>) dst(%dma_wait3A_252 : memref<40x128xf32, #tpu.memory_space<vmem_shared>>)
        tpu.yield
      }) : () -> ()
      %add3A_197 = arith.constant 40 : i32
      %add3A_198 = arith.addi %mul3A_6, %add3A_197 : i32
      "tpu.region"() ({
        %run_scoped3A = tpu.sem_alloc : memref<!tpu.dma_semaphore, #tpu.memory_space<semaphore_mem>>
        %dma_start3A_245 = arith.constant 0 : i32
        %dma_start3A_246 = tpu.memref_slice %arg10[%add3A_198, %dma_start3A_245] : memref<10000x128xf32, #tpu.memory_space<vmem_shared>> -> memref<40x128xf32, #tpu.memory_space<vmem_shared>>
        %dma_start3A_247 = arith.constant 0 : i32
        %dma_start3A_248 = tpu.memref_slice %arg10[%add3A_198, %dma_start3A_247] : memref<10000x128xf32, #tpu.memory_space<vmem_shared>> -> memref<40x128xf32, #tpu.memory_space<vmem_shared>>
        tpu.enqueue_dma source(%arg9 : memref<40x128xf32, #tpu.memory_space<vmem>>) target(%dma_start3A_248 : memref<40x128xf32, #tpu.memory_space<vmem_shared>>) target_semaphore(%run_scoped3A : memref<!tpu.dma_semaphore, #tpu.memory_space<semaphore_mem>>)
        %dma_wait3A_249 = arith.constant 0 : i32
        %dma_wait3A_250 = tpu.memref_slice %arg10[%add3A_198, %dma_wait3A_249] : memref<10000x128xf32, #tpu.memory_space<vmem_shared>> -> memref<40x128xf32, #tpu.memory_space<vmem_shared>>
        %dma_wait3A_251 = arith.constant 0 : i32
        %dma_wait3A_252 = tpu.memref_slice %arg10[%add3A_198, %dma_wait3A_251] : memref<10000x128xf32, #tpu.memory_space<vmem_shared>> -> memref<40x128xf32, #tpu.memory_space<vmem_shared>>
        tpu.wait_dma2 semaphore(%run_scoped3A : memref<!tpu.dma_semaphore, #tpu.memory_space<semaphore_mem>>) src(%arg9 : memref<40x128xf32, #tpu.memory_space<vmem>>) dst(%dma_wait3A_252 : memref<40x128xf32, #tpu.memory_space<vmem_shared>>)
        tpu.yield
      }) : () -> ()
      %add3A_199 = arith.constant 80 : i32
      %add3A_200 = arith.addi %mul3A_6, %add3A_199 : i32
      "tpu.region"() ({
        %run_scoped3A = tpu.sem_alloc : memref<!tpu.dma_semaphore, #tpu.memory_space<semaphore_mem>>
        %dma_start3A_245 = arith.constant 0 : i32
        %dma_start3A_246 = tpu.memref_slice %arg10[%add3A_200, %dma_start3A_245] : memref<10000x128xf32, #tpu.memory_space<vmem_shared>> -> memref<40x128xf32, #tpu.memory_space<vmem_shared>>
        %dma_start3A_247 = arith.constant 0 : i32
        %dma_start3A_248 = tpu.memref_slice %arg10[%add3A_200, %dma_start3A_247] : memref<10000x128xf32, #tpu.memory_space<vmem_shared>> -> memref<40x128xf32, #tpu.memory_space<vmem_shared>>
        tpu.enqueue_dma source(%arg9 : memref<40x128xf32, #tpu.memory_space<vmem>>) target(%dma_start3A_248 : memref<40x128xf32, #tpu.memory_space<vmem_shared>>) target_semaphore(%run_scoped3A : memref<!tpu.dma_semaphore, #tpu.memory_space<semaphore_mem>>)
        %dma_wait3A_249 = arith.constant 0 : i32
        %dma_wait3A_250 = tpu.memref_slice %arg10[%add3A_200, %dma_wait3A_249] : memref<10000x128xf32, #tpu.memory_space<vmem_shared>> -> memref<40x128xf32, #tpu.memory_space<vmem_shared>>
        %dma_wait3A_251 = arith.constant 0 : i32
        %dma_wait3A_252 = tpu.memref_slice %arg10[%add3A_200, %dma_wait3A_251] : memref<10000x128xf32, #tpu.memory_space<vmem_shared>> -> memref<40x128xf32, #tpu.memory_space<vmem_shared>>
        tpu.wait_dma2 semaphore(%run_scoped3A : memref<!tpu.dma_semaphore, #tpu.memory_space<semaphore_mem>>) src(%arg9 : memref<40x128xf32, #tpu.memory_space<vmem>>) dst(%dma_wait3A_252 : memref<40x128xf32, #tpu.memory_space<vmem_shared>>)
        tpu.yield
      }) : () -> ()
      %add3A_201 = arith.constant 120 : i32
      %add3A_202 = arith.addi %mul3A_6, %add3A_201 : i32
      "tpu.region"() ({
        %run_scoped3A = tpu.sem_alloc : memref<!tpu.dma_semaphore, #tpu.memory_space<semaphore_mem>>
        %dma_start3A_245 = arith.constant 0 : i32
        %dma_start3A_246 = tpu.memref_slice %arg10[%add3A_202, %dma_start3A_245] : memref<10000x128xf32, #tpu.memory_space<vmem_shared>> -> memref<40x128xf32, #tpu.memory_space<vmem_shared>>
        %dma_start3A_247 = arith.constant 0 : i32
        %dma_start3A_248 = tpu.memref_slice %arg10[%add3A_202, %dma_start3A_247] : memref<10000x128xf32, #tpu.memory_space<vmem_shared>> -> memref<40x128xf32, #tpu.memory_space<vmem_shared>>
        tpu.enqueue_dma source(%arg9 : memref<40x128xf32, #tpu.memory_space<vmem>>) target(%dma_start3A_248 : memref<40x128xf32, #tpu.memory_space<vmem_shared>>) target_semaphore(%run_scoped3A : memref<!tpu.dma_semaphore, #tpu.memory_space<semaphore_mem>>)
        %dma_wait3A_249 = arith.constant 0 : i32
        %dma_wait3A_250 = tpu.memref_slice %arg10[%add3A_202, %dma_wait3A_249] : memref<10000x128xf32, #tpu.memory_space<vmem_shared>> -> memref<40x128xf32, #tpu.memory_space<vmem_shared>>
        %dma_wait3A_251 = arith.constant 0 : i32
        %dma_wait3A_252 = tpu.memref_slice %arg10[%add3A_202, %dma_wait3A_251] : memref<10000x128xf32, #tpu.memory_space<vmem_shared>> -> memref<40x128xf32, #tpu.memory_space<vmem_shared>>
        tpu.wait_dma2 semaphore(%run_scoped3A : memref<!tpu.dma_semaphore, #tpu.memory_space<semaphore_mem>>) src(%arg9 : memref<40x128xf32, #tpu.memory_space<vmem>>) dst(%dma_wait3A_252 : memref<40x128xf32, #tpu.memory_space<vmem_shared>>)
        tpu.yield
      }) : () -> ()
      %add3A_203 = arith.constant 160 : i32
      %add3A_204 = arith.addi %mul3A_6, %add3A_203 : i32
      "tpu.region"() ({
        %run_scoped3A = tpu.sem_alloc : memref<!tpu.dma_semaphore, #tpu.memory_space<semaphore_mem>>
        %dma_start3A_245 = arith.constant 0 : i32
        %dma_start3A_246 = tpu.memref_slice %arg10[%add3A_204, %dma_start3A_245] : memref<10000x128xf32, #tpu.memory_space<vmem_shared>> -> memref<40x128xf32, #tpu.memory_space<vmem_shared>>
        %dma_start3A_247 = arith.constant 0 : i32
        %dma_start3A_248 = tpu.memref_slice %arg10[%add3A_204, %dma_start3A_247] : memref<10000x128xf32, #tpu.memory_space<vmem_shared>> -> memref<40x128xf32, #tpu.memory_space<vmem_shared>>
        tpu.enqueue_dma source(%arg9 : memref<40x128xf32, #tpu.memory_space<vmem>>) target(%dma_start3A_248 : memref<40x128xf32, #tpu.memory_space<vmem_shared>>) target_semaphore(%run_scoped3A : memref<!tpu.dma_semaphore, #tpu.memory_space<semaphore_mem>>)
        %dma_wait3A_249 = arith.constant 0 : i32
        %dma_wait3A_250 = tpu.memref_slice %arg10[%add3A_204, %dma_wait3A_249] : memref<10000x128xf32, #tpu.memory_space<vmem_shared>> -> memref<40x128xf32, #tpu.memory_space<vmem_shared>>
        %dma_wait3A_251 = arith.constant 0 : i32
        %dma_wait3A_252 = tpu.memref_slice %arg10[%add3A_204, %dma_wait3A_251] : memref<10000x128xf32, #tpu.memory_space<vmem_shared>> -> memref<40x128xf32, #tpu.memory_space<vmem_shared>>
        tpu.wait_dma2 semaphore(%run_scoped3A : memref<!tpu.dma_semaphore, #tpu.memory_space<semaphore_mem>>) src(%arg9 : memref<40x128xf32, #tpu.memory_space<vmem>>) dst(%dma_wait3A_252 : memref<40x128xf32, #tpu.memory_space<vmem_shared>>)
        tpu.yield
      }) : () -> ()
      %add3A_205 = arith.constant 200 : i32
      %add3A_206 = arith.addi %mul3A_6, %add3A_205 : i32
      "tpu.region"() ({
        %run_scoped3A = tpu.sem_alloc : memref<!tpu.dma_semaphore, #tpu.memory_space<semaphore_mem>>
        %dma_start3A_245 = arith.constant 0 : i32
        %dma_start3A_246 = tpu.memref_slice %arg10[%add3A_206, %dma_start3A_245] : memref<10000x128xf32, #tpu.memory_space<vmem_shared>> -> memref<40x128xf32, #tpu.memory_space<vmem_shared>>
        %dma_start3A_247 = arith.constant 0 : i32
        %dma_start3A_248 = tpu.memref_slice %arg10[%add3A_206, %dma_start3A_247] : memref<10000x128xf32, #tpu.memory_space<vmem_shared>> -> memref<40x128xf32, #tpu.memory_space<vmem_shared>>
        tpu.enqueue_dma source(%arg9 : memref<40x128xf32, #tpu.memory_space<vmem>>) target(%dma_start3A_248 : memref<40x128xf32, #tpu.memory_space<vmem_shared>>) target_semaphore(%run_scoped3A : memref<!tpu.dma_semaphore, #tpu.memory_space<semaphore_mem>>)
        %dma_wait3A_249 = arith.constant 0 : i32
        %dma_wait3A_250 = tpu.memref_slice %arg10[%add3A_206, %dma_wait3A_249] : memref<10000x128xf32, #tpu.memory_space<vmem_shared>> -> memref<40x128xf32, #tpu.memory_space<vmem_shared>>
        %dma_wait3A_251 = arith.constant 0 : i32
        %dma_wait3A_252 = tpu.memref_slice %arg10[%add3A_206, %dma_wait3A_251] : memref<10000x128xf32, #tpu.memory_space<vmem_shared>> -> memref<40x128xf32, #tpu.memory_space<vmem_shared>>
        tpu.wait_dma2 semaphore(%run_scoped3A : memref<!tpu.dma_semaphore, #tpu.memory_space<semaphore_mem>>) src(%arg9 : memref<40x128xf32, #tpu.memory_space<vmem>>) dst(%dma_wait3A_252 : memref<40x128xf32, #tpu.memory_space<vmem_shared>>)
        tpu.yield
      }) : () -> ()
      %add3A_207 = arith.constant 240 : i32
      %add3A_208 = arith.addi %mul3A_6, %add3A_207 : i32
      "tpu.region"() ({
        %run_scoped3A = tpu.sem_alloc : memref<!tpu.dma_semaphore, #tpu.memory_space<semaphore_mem>>
        %dma_start3A_245 = arith.constant 0 : i32
        %dma_start3A_246 = tpu.memref_slice %arg10[%add3A_208, %dma_start3A_245] : memref<10000x128xf32, #tpu.memory_space<vmem_shared>> -> memref<40x128xf32, #tpu.memory_space<vmem_shared>>
        %dma_start3A_247 = arith.constant 0 : i32
        %dma_start3A_248 = tpu.memref_slice %arg10[%add3A_208, %dma_start3A_247] : memref<10000x128xf32, #tpu.memory_space<vmem_shared>> -> memref<40x128xf32, #tpu.memory_space<vmem_shared>>
        tpu.enqueue_dma source(%arg9 : memref<40x128xf32, #tpu.memory_space<vmem>>) target(%dma_start3A_248 : memref<40x128xf32, #tpu.memory_space<vmem_shared>>) target_semaphore(%run_scoped3A : memref<!tpu.dma_semaphore, #tpu.memory_space<semaphore_mem>>)
        %dma_wait3A_249 = arith.constant 0 : i32
        %dma_wait3A_250 = tpu.memref_slice %arg10[%add3A_208, %dma_wait3A_249] : memref<10000x128xf32, #tpu.memory_space<vmem_shared>> -> memref<40x128xf32, #tpu.memory_space<vmem_shared>>
        %dma_wait3A_251 = arith.constant 0 : i32
        %dma_wait3A_252 = tpu.memref_slice %arg10[%add3A_208, %dma_wait3A_251] : memref<10000x128xf32, #tpu.memory_space<vmem_shared>> -> memref<40x128xf32, #tpu.memory_space<vmem_shared>>
        tpu.wait_dma2 semaphore(%run_scoped3A : memref<!tpu.dma_semaphore, #tpu.memory_space<semaphore_mem>>) src(%arg9 : memref<40x128xf32, #tpu.memory_space<vmem>>) dst(%dma_wait3A_252 : memref<40x128xf32, #tpu.memory_space<vmem_shared>>)
        tpu.yield
      }) : () -> ()
      %add3A_209 = arith.constant 280 : i32
      %add3A_210 = arith.addi %mul3A_6, %add3A_209 : i32
      "tpu.region"() ({
        %run_scoped3A = tpu.sem_alloc : memref<!tpu.dma_semaphore, #tpu.memory_space<semaphore_mem>>
        %dma_start3A_245 = arith.constant 0 : i32
        %dma_start3A_246 = tpu.memref_slice %arg10[%add3A_210, %dma_start3A_245] : memref<10000x128xf32, #tpu.memory_space<vmem_shared>> -> memref<40x128xf32, #tpu.memory_space<vmem_shared>>
        %dma_start3A_247 = arith.constant 0 : i32
        %dma_start3A_248 = tpu.memref_slice %arg10[%add3A_210, %dma_start3A_247] : memref<10000x128xf32, #tpu.memory_space<vmem_shared>> -> memref<40x128xf32, #tpu.memory_space<vmem_shared>>
        tpu.enqueue_dma source(%arg9 : memref<40x128xf32, #tpu.memory_space<vmem>>) target(%dma_start3A_248 : memref<40x128xf32, #tpu.memory_space<vmem_shared>>) target_semaphore(%run_scoped3A : memref<!tpu.dma_semaphore, #tpu.memory_space<semaphore_mem>>)
        %dma_wait3A_249 = arith.constant 0 : i32
        %dma_wait3A_250 = tpu.memref_slice %arg10[%add3A_210, %dma_wait3A_249] : memref<10000x128xf32, #tpu.memory_space<vmem_shared>> -> memref<40x128xf32, #tpu.memory_space<vmem_shared>>
        %dma_wait3A_251 = arith.constant 0 : i32
        %dma_wait3A_252 = tpu.memref_slice %arg10[%add3A_210, %dma_wait3A_251] : memref<10000x128xf32, #tpu.memory_space<vmem_shared>> -> memref<40x128xf32, #tpu.memory_space<vmem_shared>>
        tpu.wait_dma2 semaphore(%run_scoped3A : memref<!tpu.dma_semaphore, #tpu.memory_space<semaphore_mem>>) src(%arg9 : memref<40x128xf32, #tpu.memory_space<vmem>>) dst(%dma_wait3A_252 : memref<40x128xf32, #tpu.memory_space<vmem_shared>>)
        tpu.yield
      }) : () -> ()
      %add3A_211 = arith.constant 320 : i32
      %add3A_212 = arith.addi %mul3A_6, %add3A_211 : i32
      "tpu.region"() ({
        %run_scoped3A = tpu.sem_alloc : memref<!tpu.dma_semaphore, #tpu.memory_space<semaphore_mem>>
        %dma_start3A_245 = arith.constant 0 : i32
        %dma_start3A_246 = tpu.memref_slice %arg10[%add3A_212, %dma_start3A_245] : memref<10000x128xf32, #tpu.memory_space<vmem_shared>> -> memref<40x128xf32, #tpu.memory_space<vmem_shared>>
        %dma_start3A_247 = arith.constant 0 : i32
        %dma_start3A_248 = tpu.memref_slice %arg10[%add3A_212, %dma_start3A_247] : memref<10000x128xf32, #tpu.memory_space<vmem_shared>> -> memref<40x128xf32, #tpu.memory_space<vmem_shared>>
        tpu.enqueue_dma source(%arg9 : memref<40x128xf32, #tpu.memory_space<vmem>>) target(%dma_start3A_248 : memref<40x128xf32, #tpu.memory_space<vmem_shared>>) target_semaphore(%run_scoped3A : memref<!tpu.dma_semaphore, #tpu.memory_space<semaphore_mem>>)
        %dma_wait3A_249 = arith.constant 0 : i32
        %dma_wait3A_250 = tpu.memref_slice %arg10[%add3A_212, %dma_wait3A_249] : memref<10000x128xf32, #tpu.memory_space<vmem_shared>> -> memref<40x128xf32, #tpu.memory_space<vmem_shared>>
        %dma_wait3A_251 = arith.constant 0 : i32
        %dma_wait3A_252 = tpu.memref_slice %arg10[%add3A_212, %dma_wait3A_251] : memref<10000x128xf32, #tpu.memory_space<vmem_shared>> -> memref<40x128xf32, #tpu.memory_space<vmem_shared>>
        tpu.wait_dma2 semaphore(%run_scoped3A : memref<!tpu.dma_semaphore, #tpu.memory_space<semaphore_mem>>) src(%arg9 : memref<40x128xf32, #tpu.memory_space<vmem>>) dst(%dma_wait3A_252 : memref<40x128xf32, #tpu.memory_space<vmem_shared>>)
        tpu.yield
      }) : () -> ()
      %add3A_213 = arith.constant 360 : i32
      %add3A_214 = arith.addi %mul3A_6, %add3A_213 : i32
      "tpu.region"() ({
        %run_scoped3A = tpu.sem_alloc : memref<!tpu.dma_semaphore, #tpu.memory_space<semaphore_mem>>
        %dma_start3A_245 = arith.constant 0 : i32
        %dma_start3A_246 = tpu.memref_slice %arg10[%add3A_214, %dma_start3A_245] : memref<10000x128xf32, #tpu.memory_space<vmem_shared>> -> memref<40x128xf32, #tpu.memory_space<vmem_shared>>
        %dma_start3A_247 = arith.constant 0 : i32
        %dma_start3A_248 = tpu.memref_slice %arg10[%add3A_214, %dma_start3A_247] : memref<10000x128xf32, #tpu.memory_space<vmem_shared>> -> memref<40x128xf32, #tpu.memory_space<vmem_shared>>
        tpu.enqueue_dma source(%arg9 : memref<40x128xf32, #tpu.memory_space<vmem>>) target(%dma_start3A_248 : memref<40x128xf32, #tpu.memory_space<vmem_shared>>) target_semaphore(%run_scoped3A : memref<!tpu.dma_semaphore, #tpu.memory_space<semaphore_mem>>)
        %dma_wait3A_249 = arith.constant 0 : i32
        %dma_wait3A_250 = tpu.memref_slice %arg10[%add3A_214, %dma_wait3A_249] : memref<10000x128xf32, #tpu.memory_space<vmem_shared>> -> memref<40x128xf32, #tpu.memory_space<vmem_shared>>
        %dma_wait3A_251 = arith.constant 0 : i32
        %dma_wait3A_252 = tpu.memref_slice %arg10[%add3A_214, %dma_wait3A_251] : memref<10000x128xf32, #tpu.memory_space<vmem_shared>> -> memref<40x128xf32, #tpu.memory_space<vmem_shared>>
        tpu.wait_dma2 semaphore(%run_scoped3A : memref<!tpu.dma_semaphore, #tpu.memory_space<semaphore_mem>>) src(%arg9 : memref<40x128xf32, #tpu.memory_space<vmem>>) dst(%dma_wait3A_252 : memref<40x128xf32, #tpu.memory_space<vmem_shared>>)
        tpu.yield
      }) : () -> ()
      %add3A_215 = arith.constant 400 : i32
      %add3A_216 = arith.addi %mul3A_6, %add3A_215 : i32
      "tpu.region"() ({
        %run_scoped3A = tpu.sem_alloc : memref<!tpu.dma_semaphore, #tpu.memory_space<semaphore_mem>>
        %dma_start3A_245 = arith.constant 0 : i32
        %dma_start3A_246 = tpu.memref_slice %arg10[%add3A_216, %dma_start3A_245] : memref<10000x128xf32, #tpu.memory_space<vmem_shared>> -> memref<40x128xf32, #tpu.memory_space<vmem_shared>>
        %dma_start3A_247 = arith.constant 0 : i32
        %dma_start3A_248 = tpu.memref_slice %arg10[%add3A_216, %dma_start3A_247] : memref<10000x128xf32, #tpu.memory_space<vmem_shared>> -> memref<40x128xf32, #tpu.memory_space<vmem_shared>>
        tpu.enqueue_dma source(%arg9 : memref<40x128xf32, #tpu.memory_space<vmem>>) target(%dma_start3A_248 : memref<40x128xf32, #tpu.memory_space<vmem_shared>>) target_semaphore(%run_scoped3A : memref<!tpu.dma_semaphore, #tpu.memory_space<semaphore_mem>>)
        %dma_wait3A_249 = arith.constant 0 : i32
        %dma_wait3A_250 = tpu.memref_slice %arg10[%add3A_216, %dma_wait3A_249] : memref<10000x128xf32, #tpu.memory_space<vmem_shared>> -> memref<40x128xf32, #tpu.memory_space<vmem_shared>>
        %dma_wait3A_251 = arith.constant 0 : i32
        %dma_wait3A_252 = tpu.memref_slice %arg10[%add3A_216, %dma_wait3A_251] : memref<10000x128xf32, #tpu.memory_space<vmem_shared>> -> memref<40x128xf32, #tpu.memory_space<vmem_shared>>
        tpu.wait_dma2 semaphore(%run_scoped3A : memref<!tpu.dma_semaphore, #tpu.memory_space<semaphore_mem>>) src(%arg9 : memref<40x128xf32, #tpu.memory_space<vmem>>) dst(%dma_wait3A_252 : memref<40x128xf32, #tpu.memory_space<vmem_shared>>)
        tpu.yield
      }) : () -> ()
      %add3A_217 = arith.constant 440 : i32
      %add3A_218 = arith.addi %mul3A_6, %add3A_217 : i32
      "tpu.region"() ({
        %run_scoped3A = tpu.sem_alloc : memref<!tpu.dma_semaphore, #tpu.memory_space<semaphore_mem>>
        %dma_start3A_245 = arith.constant 0 : i32
        %dma_start3A_246 = tpu.memref_slice %arg10[%add3A_218, %dma_start3A_245] : memref<10000x128xf32, #tpu.memory_space<vmem_shared>> -> memref<40x128xf32, #tpu.memory_space<vmem_shared>>
        %dma_start3A_247 = arith.constant 0 : i32
        %dma_start3A_248 = tpu.memref_slice %arg10[%add3A_218, %dma_start3A_247] : memref<10000x128xf32, #tpu.memory_space<vmem_shared>> -> memref<40x128xf32, #tpu.memory_space<vmem_shared>>
        tpu.enqueue_dma source(%arg9 : memref<40x128xf32, #tpu.memory_space<vmem>>) target(%dma_start3A_248 : memref<40x128xf32, #tpu.memory_space<vmem_shared>>) target_semaphore(%run_scoped3A : memref<!tpu.dma_semaphore, #tpu.memory_space<semaphore_mem>>)
        %dma_wait3A_249 = arith.constant 0 : i32
        %dma_wait3A_250 = tpu.memref_slice %arg10[%add3A_218, %dma_wait3A_249] : memref<10000x128xf32, #tpu.memory_space<vmem_shared>> -> memref<40x128xf32, #tpu.memory_space<vmem_shared>>
        %dma_wait3A_251 = arith.constant 0 : i32
        %dma_wait3A_252 = tpu.memref_slice %arg10[%add3A_218, %dma_wait3A_251] : memref<10000x128xf32, #tpu.memory_space<vmem_shared>> -> memref<40x128xf32, #tpu.memory_space<vmem_shared>>
        tpu.wait_dma2 semaphore(%run_scoped3A : memref<!tpu.dma_semaphore, #tpu.memory_space<semaphore_mem>>) src(%arg9 : memref<40x128xf32, #tpu.memory_space<vmem>>) dst(%dma_wait3A_252 : memref<40x128xf32, #tpu.memory_space<vmem_shared>>)
        tpu.yield
      }) : () -> ()
      %add3A_219 = arith.constant 480 : i32
      %add3A_220 = arith.addi %mul3A_6, %add3A_219 : i32
      "tpu.region"() ({
        %run_scoped3A = tpu.sem_alloc : memref<!tpu.dma_semaphore, #tpu.memory_space<semaphore_mem>>
        %dma_start3A_245 = arith.constant 0 : i32
        %dma_start3A_246 = tpu.memref_slice %arg10[%add3A_220, %dma_start3A_245] : memref<10000x128xf32, #tpu.memory_space<vmem_shared>> -> memref<40x128xf32, #tpu.memory_space<vmem_shared>>
        %dma_start3A_247 = arith.constant 0 : i32
        %dma_start3A_248 = tpu.memref_slice %arg10[%add3A_220, %dma_start3A_247] : memref<10000x128xf32, #tpu.memory_space<vmem_shared>> -> memref<40x128xf32, #tpu.memory_space<vmem_shared>>
        tpu.enqueue_dma source(%arg9 : memref<40x128xf32, #tpu.memory_space<vmem>>) target(%dma_start3A_248 : memref<40x128xf32, #tpu.memory_space<vmem_shared>>) target_semaphore(%run_scoped3A : memref<!tpu.dma_semaphore, #tpu.memory_space<semaphore_mem>>)
        %dma_wait3A_249 = arith.constant 0 : i32
        %dma_wait3A_250 = tpu.memref_slice %arg10[%add3A_220, %dma_wait3A_249] : memref<10000x128xf32, #tpu.memory_space<vmem_shared>> -> memref<40x128xf32, #tpu.memory_space<vmem_shared>>
        %dma_wait3A_251 = arith.constant 0 : i32
        %dma_wait3A_252 = tpu.memref_slice %arg10[%add3A_220, %dma_wait3A_251] : memref<10000x128xf32, #tpu.memory_space<vmem_shared>> -> memref<40x128xf32, #tpu.memory_space<vmem_shared>>
        tpu.wait_dma2 semaphore(%run_scoped3A : memref<!tpu.dma_semaphore, #tpu.memory_space<semaphore_mem>>) src(%arg9 : memref<40x128xf32, #tpu.memory_space<vmem>>) dst(%dma_wait3A_252 : memref<40x128xf32, #tpu.memory_space<vmem_shared>>)
        tpu.yield
      }) : () -> ()
      %add3A_221 = arith.constant 520 : i32
      %add3A_222 = arith.addi %mul3A_6, %add3A_221 : i32
      "tpu.region"() ({
        %run_scoped3A = tpu.sem_alloc : memref<!tpu.dma_semaphore, #tpu.memory_space<semaphore_mem>>
        %dma_start3A_245 = arith.constant 0 : i32
        %dma_start3A_246 = tpu.memref_slice %arg10[%add3A_222, %dma_start3A_245] : memref<10000x128xf32, #tpu.memory_space<vmem_shared>> -> memref<40x128xf32, #tpu.memory_space<vmem_shared>>
        %dma_start3A_247 = arith.constant 0 : i32
        %dma_start3A_248 = tpu.memref_slice %arg10[%add3A_222, %dma_start3A_247] : memref<10000x128xf32, #tpu.memory_space<vmem_shared>> -> memref<40x128xf32, #tpu.memory_space<vmem_shared>>
        tpu.enqueue_dma source(%arg9 : memref<40x128xf32, #tpu.memory_space<vmem>>) target(%dma_start3A_248 : memref<40x128xf32, #tpu.memory_space<vmem_shared>>) target_semaphore(%run_scoped3A : memref<!tpu.dma_semaphore, #tpu.memory_space<semaphore_mem>>)
        %dma_wait3A_249 = arith.constant 0 : i32
        %dma_wait3A_250 = tpu.memref_slice %arg10[%add3A_222, %dma_wait3A_249] : memref<10000x128xf32, #tpu.memory_space<vmem_shared>> -> memref<40x128xf32, #tpu.memory_space<vmem_shared>>
        %dma_wait3A_251 = arith.constant 0 : i32
        %dma_wait3A_252 = tpu.memref_slice %arg10[%add3A_222, %dma_wait3A_251] : memref<10000x128xf32, #tpu.memory_space<vmem_shared>> -> memref<40x128xf32, #tpu.memory_space<vmem_shared>>
        tpu.wait_dma2 semaphore(%run_scoped3A : memref<!tpu.dma_semaphore, #tpu.memory_space<semaphore_mem>>) src(%arg9 : memref<40x128xf32, #tpu.memory_space<vmem>>) dst(%dma_wait3A_252 : memref<40x128xf32, #tpu.memory_space<vmem_shared>>)
        tpu.yield
      }) : () -> ()
      %add3A_223 = arith.constant 560 : i32
      %add3A_224 = arith.addi %mul3A_6, %add3A_223 : i32
      "tpu.region"() ({
        %run_scoped3A = tpu.sem_alloc : memref<!tpu.dma_semaphore, #tpu.memory_space<semaphore_mem>>
        %dma_start3A_245 = arith.constant 0 : i32
        %dma_start3A_246 = tpu.memref_slice %arg10[%add3A_224, %dma_start3A_245] : memref<10000x128xf32, #tpu.memory_space<vmem_shared>> -> memref<40x128xf32, #tpu.memory_space<vmem_shared>>
        %dma_start3A_247 = arith.constant 0 : i32
        %dma_start3A_248 = tpu.memref_slice %arg10[%add3A_224, %dma_start3A_247] : memref<10000x128xf32, #tpu.memory_space<vmem_shared>> -> memref<40x128xf32, #tpu.memory_space<vmem_shared>>
        tpu.enqueue_dma source(%arg9 : memref<40x128xf32, #tpu.memory_space<vmem>>) target(%dma_start3A_248 : memref<40x128xf32, #tpu.memory_space<vmem_shared>>) target_semaphore(%run_scoped3A : memref<!tpu.dma_semaphore, #tpu.memory_space<semaphore_mem>>)
        %dma_wait3A_249 = arith.constant 0 : i32
        %dma_wait3A_250 = tpu.memref_slice %arg10[%add3A_224, %dma_wait3A_249] : memref<10000x128xf32, #tpu.memory_space<vmem_shared>> -> memref<40x128xf32, #tpu.memory_space<vmem_shared>>
        %dma_wait3A_251 = arith.constant 0 : i32
        %dma_wait3A_252 = tpu.memref_slice %arg10[%add3A_224, %dma_wait3A_251] : memref<10000x128xf32, #tpu.memory_space<vmem_shared>> -> memref<40x128xf32, #tpu.memory_space<vmem_shared>>
        tpu.wait_dma2 semaphore(%run_scoped3A : memref<!tpu.dma_semaphore, #tpu.memory_space<semaphore_mem>>) src(%arg9 : memref<40x128xf32, #tpu.memory_space<vmem>>) dst(%dma_wait3A_252 : memref<40x128xf32, #tpu.memory_space<vmem_shared>>)
        tpu.yield
      }) : () -> ()
      %add3A_225 = arith.constant 600 : i32
      %add3A_226 = arith.addi %mul3A_6, %add3A_225 : i32
      "tpu.region"() ({
        %run_scoped3A = tpu.sem_alloc : memref<!tpu.dma_semaphore, #tpu.memory_space<semaphore_mem>>
        %dma_start3A_245 = arith.constant 0 : i32
        %dma_start3A_246 = tpu.memref_slice %arg10[%add3A_226, %dma_start3A_245] : memref<10000x128xf32, #tpu.memory_space<vmem_shared>> -> memref<40x128xf32, #tpu.memory_space<vmem_shared>>
        %dma_start3A_247 = arith.constant 0 : i32
        %dma_start3A_248 = tpu.memref_slice %arg10[%add3A_226, %dma_start3A_247] : memref<10000x128xf32, #tpu.memory_space<vmem_shared>> -> memref<40x128xf32, #tpu.memory_space<vmem_shared>>
        tpu.enqueue_dma source(%arg9 : memref<40x128xf32, #tpu.memory_space<vmem>>) target(%dma_start3A_248 : memref<40x128xf32, #tpu.memory_space<vmem_shared>>) target_semaphore(%run_scoped3A : memref<!tpu.dma_semaphore, #tpu.memory_space<semaphore_mem>>)
        %dma_wait3A_249 = arith.constant 0 : i32
        %dma_wait3A_250 = tpu.memref_slice %arg10[%add3A_226, %dma_wait3A_249] : memref<10000x128xf32, #tpu.memory_space<vmem_shared>> -> memref<40x128xf32, #tpu.memory_space<vmem_shared>>
        %dma_wait3A_251 = arith.constant 0 : i32
        %dma_wait3A_252 = tpu.memref_slice %arg10[%add3A_226, %dma_wait3A_251] : memref<10000x128xf32, #tpu.memory_space<vmem_shared>> -> memref<40x128xf32, #tpu.memory_space<vmem_shared>>
        tpu.wait_dma2 semaphore(%run_scoped3A : memref<!tpu.dma_semaphore, #tpu.memory_space<semaphore_mem>>) src(%arg9 : memref<40x128xf32, #tpu.memory_space<vmem>>) dst(%dma_wait3A_252 : memref<40x128xf32, #tpu.memory_space<vmem_shared>>)
        tpu.yield
      }) : () -> ()
      %add3A_227 = arith.constant 640 : i32
      %add3A_228 = arith.addi %mul3A_6, %add3A_227 : i32
      "tpu.region"() ({
        %run_scoped3A = tpu.sem_alloc : memref<!tpu.dma_semaphore, #tpu.memory_space<semaphore_mem>>
        %dma_start3A_245 = arith.constant 0 : i32
        %dma_start3A_246 = tpu.memref_slice %arg10[%add3A_228, %dma_start3A_245] : memref<10000x128xf32, #tpu.memory_space<vmem_shared>> -> memref<40x128xf32, #tpu.memory_space<vmem_shared>>
        %dma_start3A_247 = arith.constant 0 : i32
        %dma_start3A_248 = tpu.memref_slice %arg10[%add3A_228, %dma_start3A_247] : memref<10000x128xf32, #tpu.memory_space<vmem_shared>> -> memref<40x128xf32, #tpu.memory_space<vmem_shared>>
        tpu.enqueue_dma source(%arg9 : memref<40x128xf32, #tpu.memory_space<vmem>>) target(%dma_start3A_248 : memref<40x128xf32, #tpu.memory_space<vmem_shared>>) target_semaphore(%run_scoped3A : memref<!tpu.dma_semaphore, #tpu.memory_space<semaphore_mem>>)
        %dma_wait3A_249 = arith.constant 0 : i32
        %dma_wait3A_250 = tpu.memref_slice %arg10[%add3A_228, %dma_wait3A_249] : memref<10000x128xf32, #tpu.memory_space<vmem_shared>> -> memref<40x128xf32, #tpu.memory_space<vmem_shared>>
        %dma_wait3A_251 = arith.constant 0 : i32
        %dma_wait3A_252 = tpu.memref_slice %arg10[%add3A_228, %dma_wait3A_251] : memref<10000x128xf32, #tpu.memory_space<vmem_shared>> -> memref<40x128xf32, #tpu.memory_space<vmem_shared>>
        tpu.wait_dma2 semaphore(%run_scoped3A : memref<!tpu.dma_semaphore, #tpu.memory_space<semaphore_mem>>) src(%arg9 : memref<40x128xf32, #tpu.memory_space<vmem>>) dst(%dma_wait3A_252 : memref<40x128xf32, #tpu.memory_space<vmem_shared>>)
        tpu.yield
      }) : () -> ()
      %add3A_229 = arith.constant 680 : i32
      %add3A_230 = arith.addi %mul3A_6, %add3A_229 : i32
      "tpu.region"() ({
        %run_scoped3A = tpu.sem_alloc : memref<!tpu.dma_semaphore, #tpu.memory_space<semaphore_mem>>
        %dma_start3A_245 = arith.constant 0 : i32
        %dma_start3A_246 = tpu.memref_slice %arg10[%add3A_230, %dma_start3A_245] : memref<10000x128xf32, #tpu.memory_space<vmem_shared>> -> memref<40x128xf32, #tpu.memory_space<vmem_shared>>
        %dma_start3A_247 = arith.constant 0 : i32
        %dma_start3A_248 = tpu.memref_slice %arg10[%add3A_230, %dma_start3A_247] : memref<10000x128xf32, #tpu.memory_space<vmem_shared>> -> memref<40x128xf32, #tpu.memory_space<vmem_shared>>
        tpu.enqueue_dma source(%arg9 : memref<40x128xf32, #tpu.memory_space<vmem>>) target(%dma_start3A_248 : memref<40x128xf32, #tpu.memory_space<vmem_shared>>) target_semaphore(%run_scoped3A : memref<!tpu.dma_semaphore, #tpu.memory_space<semaphore_mem>>)
        %dma_wait3A_249 = arith.constant 0 : i32
        %dma_wait3A_250 = tpu.memref_slice %arg10[%add3A_230, %dma_wait3A_249] : memref<10000x128xf32, #tpu.memory_space<vmem_shared>> -> memref<40x128xf32, #tpu.memory_space<vmem_shared>>
        %dma_wait3A_251 = arith.constant 0 : i32
        %dma_wait3A_252 = tpu.memref_slice %arg10[%add3A_230, %dma_wait3A_251] : memref<10000x128xf32, #tpu.memory_space<vmem_shared>> -> memref<40x128xf32, #tpu.memory_space<vmem_shared>>
        tpu.wait_dma2 semaphore(%run_scoped3A : memref<!tpu.dma_semaphore, #tpu.memory_space<semaphore_mem>>) src(%arg9 : memref<40x128xf32, #tpu.memory_space<vmem>>) dst(%dma_wait3A_252 : memref<40x128xf32, #tpu.memory_space<vmem_shared>>)
        tpu.yield
      }) : () -> ()
      %add3A_231 = arith.constant 720 : i32
      %add3A_232 = arith.addi %mul3A_6, %add3A_231 : i32
      "tpu.region"() ({
        %run_scoped3A = tpu.sem_alloc : memref<!tpu.dma_semaphore, #tpu.memory_space<semaphore_mem>>
        %dma_start3A_245 = arith.constant 0 : i32
        %dma_start3A_246 = tpu.memref_slice %arg10[%add3A_232, %dma_start3A_245] : memref<10000x128xf32, #tpu.memory_space<vmem_shared>> -> memref<40x128xf32, #tpu.memory_space<vmem_shared>>
        %dma_start3A_247 = arith.constant 0 : i32
        %dma_start3A_248 = tpu.memref_slice %arg10[%add3A_232, %dma_start3A_247] : memref<10000x128xf32, #tpu.memory_space<vmem_shared>> -> memref<40x128xf32, #tpu.memory_space<vmem_shared>>
        tpu.enqueue_dma source(%arg9 : memref<40x128xf32, #tpu.memory_space<vmem>>) target(%dma_start3A_248 : memref<40x128xf32, #tpu.memory_space<vmem_shared>>) target_semaphore(%run_scoped3A : memref<!tpu.dma_semaphore, #tpu.memory_space<semaphore_mem>>)
        %dma_wait3A_249 = arith.constant 0 : i32
        %dma_wait3A_250 = tpu.memref_slice %arg10[%add3A_232, %dma_wait3A_249] : memref<10000x128xf32, #tpu.memory_space<vmem_shared>> -> memref<40x128xf32, #tpu.memory_space<vmem_shared>>
        %dma_wait3A_251 = arith.constant 0 : i32
        %dma_wait3A_252 = tpu.memref_slice %arg10[%add3A_232, %dma_wait3A_251] : memref<10000x128xf32, #tpu.memory_space<vmem_shared>> -> memref<40x128xf32, #tpu.memory_space<vmem_shared>>
        tpu.wait_dma2 semaphore(%run_scoped3A : memref<!tpu.dma_semaphore, #tpu.memory_space<semaphore_mem>>) src(%arg9 : memref<40x128xf32, #tpu.memory_space<vmem>>) dst(%dma_wait3A_252 : memref<40x128xf32, #tpu.memory_space<vmem_shared>>)
        tpu.yield
      }) : () -> ()
      %add3A_233 = arith.constant 760 : i32
      %add3A_234 = arith.addi %mul3A_6, %add3A_233 : i32
      "tpu.region"() ({
        %run_scoped3A = tpu.sem_alloc : memref<!tpu.dma_semaphore, #tpu.memory_space<semaphore_mem>>
        %dma_start3A_245 = arith.constant 0 : i32
        %dma_start3A_246 = tpu.memref_slice %arg10[%add3A_234, %dma_start3A_245] : memref<10000x128xf32, #tpu.memory_space<vmem_shared>> -> memref<40x128xf32, #tpu.memory_space<vmem_shared>>
        %dma_start3A_247 = arith.constant 0 : i32
        %dma_start3A_248 = tpu.memref_slice %arg10[%add3A_234, %dma_start3A_247] : memref<10000x128xf32, #tpu.memory_space<vmem_shared>> -> memref<40x128xf32, #tpu.memory_space<vmem_shared>>
        tpu.enqueue_dma source(%arg9 : memref<40x128xf32, #tpu.memory_space<vmem>>) target(%dma_start3A_248 : memref<40x128xf32, #tpu.memory_space<vmem_shared>>) target_semaphore(%run_scoped3A : memref<!tpu.dma_semaphore, #tpu.memory_space<semaphore_mem>>)
        %dma_wait3A_249 = arith.constant 0 : i32
        %dma_wait3A_250 = tpu.memref_slice %arg10[%add3A_234, %dma_wait3A_249] : memref<10000x128xf32, #tpu.memory_space<vmem_shared>> -> memref<40x128xf32, #tpu.memory_space<vmem_shared>>
        %dma_wait3A_251 = arith.constant 0 : i32
        %dma_wait3A_252 = tpu.memref_slice %arg10[%add3A_234, %dma_wait3A_251] : memref<10000x128xf32, #tpu.memory_space<vmem_shared>> -> memref<40x128xf32, #tpu.memory_space<vmem_shared>>
        tpu.wait_dma2 semaphore(%run_scoped3A : memref<!tpu.dma_semaphore, #tpu.memory_space<semaphore_mem>>) src(%arg9 : memref<40x128xf32, #tpu.memory_space<vmem>>) dst(%dma_wait3A_252 : memref<40x128xf32, #tpu.memory_space<vmem_shared>>)
        tpu.yield
      }) : () -> ()
      %add3A_235 = arith.constant 800 : i32
      %add3A_236 = arith.addi %mul3A_6, %add3A_235 : i32
      "tpu.region"() ({
        %run_scoped3A = tpu.sem_alloc : memref<!tpu.dma_semaphore, #tpu.memory_space<semaphore_mem>>
        %dma_start3A_245 = arith.constant 0 : i32
        %dma_start3A_246 = tpu.memref_slice %arg10[%add3A_236, %dma_start3A_245] : memref<10000x128xf32, #tpu.memory_space<vmem_shared>> -> memref<40x128xf32, #tpu.memory_space<vmem_shared>>
        %dma_start3A_247 = arith.constant 0 : i32
        %dma_start3A_248 = tpu.memref_slice %arg10[%add3A_236, %dma_start3A_247] : memref<10000x128xf32, #tpu.memory_space<vmem_shared>> -> memref<40x128xf32, #tpu.memory_space<vmem_shared>>
        tpu.enqueue_dma source(%arg9 : memref<40x128xf32, #tpu.memory_space<vmem>>) target(%dma_start3A_248 : memref<40x128xf32, #tpu.memory_space<vmem_shared>>) target_semaphore(%run_scoped3A : memref<!tpu.dma_semaphore, #tpu.memory_space<semaphore_mem>>)
        %dma_wait3A_249 = arith.constant 0 : i32
        %dma_wait3A_250 = tpu.memref_slice %arg10[%add3A_236, %dma_wait3A_249] : memref<10000x128xf32, #tpu.memory_space<vmem_shared>> -> memref<40x128xf32, #tpu.memory_space<vmem_shared>>
        %dma_wait3A_251 = arith.constant 0 : i32
        %dma_wait3A_252 = tpu.memref_slice %arg10[%add3A_236, %dma_wait3A_251] : memref<10000x128xf32, #tpu.memory_space<vmem_shared>> -> memref<40x128xf32, #tpu.memory_space<vmem_shared>>
        tpu.wait_dma2 semaphore(%run_scoped3A : memref<!tpu.dma_semaphore, #tpu.memory_space<semaphore_mem>>) src(%arg9 : memref<40x128xf32, #tpu.memory_space<vmem>>) dst(%dma_wait3A_252 : memref<40x128xf32, #tpu.memory_space<vmem_shared>>)
        tpu.yield
      }) : () -> ()
      %add3A_237 = arith.constant 840 : i32
      %add3A_238 = arith.addi %mul3A_6, %add3A_237 : i32
      "tpu.region"() ({
        %run_scoped3A = tpu.sem_alloc : memref<!tpu.dma_semaphore, #tpu.memory_space<semaphore_mem>>
        %dma_start3A_245 = arith.constant 0 : i32
        %dma_start3A_246 = tpu.memref_slice %arg10[%add3A_238, %dma_start3A_245] : memref<10000x128xf32, #tpu.memory_space<vmem_shared>> -> memref<40x128xf32, #tpu.memory_space<vmem_shared>>
        %dma_start3A_247 = arith.constant 0 : i32
        %dma_start3A_248 = tpu.memref_slice %arg10[%add3A_238, %dma_start3A_247] : memref<10000x128xf32, #tpu.memory_space<vmem_shared>> -> memref<40x128xf32, #tpu.memory_space<vmem_shared>>
        tpu.enqueue_dma source(%arg9 : memref<40x128xf32, #tpu.memory_space<vmem>>) target(%dma_start3A_248 : memref<40x128xf32, #tpu.memory_space<vmem_shared>>) target_semaphore(%run_scoped3A : memref<!tpu.dma_semaphore, #tpu.memory_space<semaphore_mem>>)
        %dma_wait3A_249 = arith.constant 0 : i32
        %dma_wait3A_250 = tpu.memref_slice %arg10[%add3A_238, %dma_wait3A_249] : memref<10000x128xf32, #tpu.memory_space<vmem_shared>> -> memref<40x128xf32, #tpu.memory_space<vmem_shared>>
        %dma_wait3A_251 = arith.constant 0 : i32
        %dma_wait3A_252 = tpu.memref_slice %arg10[%add3A_238, %dma_wait3A_251] : memref<10000x128xf32, #tpu.memory_space<vmem_shared>> -> memref<40x128xf32, #tpu.memory_space<vmem_shared>>
        tpu.wait_dma2 semaphore(%run_scoped3A : memref<!tpu.dma_semaphore, #tpu.memory_space<semaphore_mem>>) src(%arg9 : memref<40x128xf32, #tpu.memory_space<vmem>>) dst(%dma_wait3A_252 : memref<40x128xf32, #tpu.memory_space<vmem_shared>>)
        tpu.yield
      }) : () -> ()
      %add3A_239 = arith.constant 880 : i32
      %add3A_240 = arith.addi %mul3A_6, %add3A_239 : i32
      "tpu.region"() ({
        %run_scoped3A = tpu.sem_alloc : memref<!tpu.dma_semaphore, #tpu.memory_space<semaphore_mem>>
        %dma_start3A_245 = arith.constant 0 : i32
        %dma_start3A_246 = tpu.memref_slice %arg10[%add3A_240, %dma_start3A_245] : memref<10000x128xf32, #tpu.memory_space<vmem_shared>> -> memref<40x128xf32, #tpu.memory_space<vmem_shared>>
        %dma_start3A_247 = arith.constant 0 : i32
        %dma_start3A_248 = tpu.memref_slice %arg10[%add3A_240, %dma_start3A_247] : memref<10000x128xf32, #tpu.memory_space<vmem_shared>> -> memref<40x128xf32, #tpu.memory_space<vmem_shared>>
        tpu.enqueue_dma source(%arg9 : memref<40x128xf32, #tpu.memory_space<vmem>>) target(%dma_start3A_248 : memref<40x128xf32, #tpu.memory_space<vmem_shared>>) target_semaphore(%run_scoped3A : memref<!tpu.dma_semaphore, #tpu.memory_space<semaphore_mem>>)
        %dma_wait3A_249 = arith.constant 0 : i32
        %dma_wait3A_250 = tpu.memref_slice %arg10[%add3A_240, %dma_wait3A_249] : memref<10000x128xf32, #tpu.memory_space<vmem_shared>> -> memref<40x128xf32, #tpu.memory_space<vmem_shared>>
        %dma_wait3A_251 = arith.constant 0 : i32
        %dma_wait3A_252 = tpu.memref_slice %arg10[%add3A_240, %dma_wait3A_251] : memref<10000x128xf32, #tpu.memory_space<vmem_shared>> -> memref<40x128xf32, #tpu.memory_space<vmem_shared>>
        tpu.wait_dma2 semaphore(%run_scoped3A : memref<!tpu.dma_semaphore, #tpu.memory_space<semaphore_mem>>) src(%arg9 : memref<40x128xf32, #tpu.memory_space<vmem>>) dst(%dma_wait3A_252 : memref<40x128xf32, #tpu.memory_space<vmem_shared>>)
        tpu.yield
      }) : () -> ()
      %add3A_241 = arith.constant 920 : i32
      %add3A_242 = arith.addi %mul3A_6, %add3A_241 : i32
      "tpu.region"() ({
        %run_scoped3A = tpu.sem_alloc : memref<!tpu.dma_semaphore, #tpu.memory_space<semaphore_mem>>
        %dma_start3A_245 = arith.constant 0 : i32
        %dma_start3A_246 = tpu.memref_slice %arg10[%add3A_242, %dma_start3A_245] : memref<10000x128xf32, #tpu.memory_space<vmem_shared>> -> memref<40x128xf32, #tpu.memory_space<vmem_shared>>
        %dma_start3A_247 = arith.constant 0 : i32
        %dma_start3A_248 = tpu.memref_slice %arg10[%add3A_242, %dma_start3A_247] : memref<10000x128xf32, #tpu.memory_space<vmem_shared>> -> memref<40x128xf32, #tpu.memory_space<vmem_shared>>
        tpu.enqueue_dma source(%arg9 : memref<40x128xf32, #tpu.memory_space<vmem>>) target(%dma_start3A_248 : memref<40x128xf32, #tpu.memory_space<vmem_shared>>) target_semaphore(%run_scoped3A : memref<!tpu.dma_semaphore, #tpu.memory_space<semaphore_mem>>)
        %dma_wait3A_249 = arith.constant 0 : i32
        %dma_wait3A_250 = tpu.memref_slice %arg10[%add3A_242, %dma_wait3A_249] : memref<10000x128xf32, #tpu.memory_space<vmem_shared>> -> memref<40x128xf32, #tpu.memory_space<vmem_shared>>
        %dma_wait3A_251 = arith.constant 0 : i32
        %dma_wait3A_252 = tpu.memref_slice %arg10[%add3A_242, %dma_wait3A_251] : memref<10000x128xf32, #tpu.memory_space<vmem_shared>> -> memref<40x128xf32, #tpu.memory_space<vmem_shared>>
        tpu.wait_dma2 semaphore(%run_scoped3A : memref<!tpu.dma_semaphore, #tpu.memory_space<semaphore_mem>>) src(%arg9 : memref<40x128xf32, #tpu.memory_space<vmem>>) dst(%dma_wait3A_252 : memref<40x128xf32, #tpu.memory_space<vmem_shared>>)
        tpu.yield
      }) : () -> ()
      %add3A_243 = arith.constant 960 : i32
      %add3A_244 = arith.addi %mul3A_6, %add3A_243 : i32
      "tpu.region"() ({
        %run_scoped3A = tpu.sem_alloc : memref<!tpu.dma_semaphore, #tpu.memory_space<semaphore_mem>>
        %dma_start3A_245 = arith.constant 0 : i32
        %dma_start3A_246 = tpu.memref_slice %arg10[%add3A_244, %dma_start3A_245] : memref<10000x128xf32, #tpu.memory_space<vmem_shared>> -> memref<40x128xf32, #tpu.memory_space<vmem_shared>>
        %dma_start3A_247 = arith.constant 0 : i32
        %dma_start3A_248 = tpu.memref_slice %arg10[%add3A_244, %dma_start3A_247] : memref<10000x128xf32, #tpu.memory_space<vmem_shared>> -> memref<40x128xf32, #tpu.memory_space<vmem_shared>>
        tpu.enqueue_dma source(%arg9 : memref<40x128xf32, #tpu.memory_space<vmem>>) target(%dma_start3A_248 : memref<40x128xf32, #tpu.memory_space<vmem_shared>>) target_semaphore(%run_scoped3A : memref<!tpu.dma_semaphore, #tpu.memory_space<semaphore_mem>>)
        %dma_wait3A_249 = arith.constant 0 : i32
        %dma_wait3A_250 = tpu.memref_slice %arg10[%add3A_244, %dma_wait3A_249] : memref<10000x128xf32, #tpu.memory_space<vmem_shared>> -> memref<40x128xf32, #tpu.memory_space<vmem_shared>>
        %dma_wait3A_251 = arith.constant 0 : i32
        %dma_wait3A_252 = tpu.memref_slice %arg10[%add3A_244, %dma_wait3A_251] : memref<10000x128xf32, #tpu.memory_space<vmem_shared>> -> memref<40x128xf32, #tpu.memory_space<vmem_shared>>
        tpu.wait_dma2 semaphore(%run_scoped3A : memref<!tpu.dma_semaphore, #tpu.memory_space<semaphore_mem>>) src(%arg9 : memref<40x128xf32, #tpu.memory_space<vmem>>) dst(%dma_wait3A_252 : memref<40x128xf32, #tpu.memory_space<vmem_shared>>)
        tpu.yield
      }) : () -> ()
    } else {
    }
    %barrier3A = arith.constant 0 : index
    tpu.barrier barrier_id(%barrier3A)
    %mul3A_9 = arith.constant 16 : i32
    %mul3A_10 = arith.muli %arg0, %mul3A_9 : i32
    %add3A = arith.addi %mul3A_10, %arg1 : i32
    %mul3A_11 = arith.constant 10000 : i32
    %mul3A_12 = arith.muli %add3A, %mul3A_11 : i32
    %add3A_13 = arith.constant 0 : i32
    %add3A_14 = arith.addi %mul3A_12, %add3A_13 : i32
    %dma_start3A = arith.constant 0 : i32
    %dma_start3A_15 = arith.constant 0 : i32
    %dma_start3A_16 = tpu.memref_slice %arg6[%dma_start3A, %dma_start3A_15] : memref<4x80xi32, #tpu.memory_space<vmem>> -> memref<1x80xi32, #tpu.memory_space<vmem>>
    %dma_start3A_17 = tpu.memref_squeeze %dma_start3A_16 : memref<1x80xi32, #tpu.memory_space<vmem>> -> memref<80xi32, #tpu.memory_space<vmem>>
    %dma_start3A_18 = tpu.memref_slice %arg2[%add3A_14] : memref<320000xi32, #tpu.memory_space<hbm>> -> memref<80xi32, #tpu.memory_space<hbm>>
    %dma_start3A_19 = arith.constant 0 : i32
    %dma_start3A_20 = tpu.memref_slice %arg6[%dma_start3A, %dma_start3A_19] : memref<4x80xi32, #tpu.memory_space<vmem>> -> memref<1x80xi32, #tpu.memory_space<vmem>>
    %dma_start3A_21 = tpu.memref_squeeze %dma_start3A_20 : memref<1x80xi32, #tpu.memory_space<vmem>> -> memref<80xi32, #tpu.memory_space<vmem>>
    %dma_start3A_22 = tpu.memref_slice %arg2[%add3A_14] : memref<320000xi32, #tpu.memory_space<hbm>> -> memref<80xi32, #tpu.memory_space<hbm>>
    tpu.enqueue_dma source(%dma_start3A_22 : memref<80xi32, #tpu.memory_space<hbm>>) target(%dma_start3A_21 : memref<80xi32, #tpu.memory_space<vmem>>) target_semaphore(%arg11 : memref<!tpu.dma_semaphore, #tpu.memory_space<semaphore_mem>>)
    %dma_start3A_23 = arith.constant 0 : i32
    %dma_start3A_24 = arith.constant 0 : i32
    %dma_start3A_25 = tpu.memref_slice %arg7[%dma_start3A_23, %dma_start3A_24] : memref<4x80xi32, #tpu.memory_space<vmem>> -> memref<1x80xi32, #tpu.memory_space<vmem>>
    %dma_start3A_26 = tpu.memref_squeeze %dma_start3A_25 : memref<1x80xi32, #tpu.memory_space<vmem>> -> memref<80xi32, #tpu.memory_space<vmem>>
    %dma_start3A_27 = tpu.memref_slice %arg3[%add3A_14] : memref<320000xi32, #tpu.memory_space<hbm>> -> memref<80xi32, #tpu.memory_space<hbm>>
    %dma_start3A_28 = arith.constant 0 : i32
    %dma_start3A_29 = tpu.memref_slice %arg7[%dma_start3A_23, %dma_start3A_28] : memref<4x80xi32, #tpu.memory_space<vmem>> -> memref<1x80xi32, #tpu.memory_space<vmem>>
    %dma_start3A_30 = tpu.memref_squeeze %dma_start3A_29 : memref<1x80xi32, #tpu.memory_space<vmem>> -> memref<80xi32, #tpu.memory_space<vmem>>
    %dma_start3A_31 = tpu.memref_slice %arg3[%add3A_14] : memref<320000xi32, #tpu.memory_space<hbm>> -> memref<80xi32, #tpu.memory_space<hbm>>
    tpu.enqueue_dma source(%dma_start3A_31 : memref<80xi32, #tpu.memory_space<hbm>>) target(%dma_start3A_30 : memref<80xi32, #tpu.memory_space<vmem>>) target_semaphore(%arg11 : memref<!tpu.dma_semaphore, #tpu.memory_space<semaphore_mem>>)
    %add3A_32 = arith.constant 80 : i32
    %add3A_33 = arith.addi %mul3A_12, %add3A_32 : i32
    %dma_start3A_34 = arith.constant 1 : i32
    %dma_start3A_35 = arith.constant 0 : i32
    %dma_start3A_36 = tpu.memref_slice %arg6[%dma_start3A_34, %dma_start3A_35] : memref<4x80xi32, #tpu.memory_space<vmem>> -> memref<1x80xi32, #tpu.memory_space<vmem>>
    %dma_start3A_37 = tpu.memref_squeeze %dma_start3A_36 : memref<1x80xi32, #tpu.memory_space<vmem>> -> memref<80xi32, #tpu.memory_space<vmem>>
    %dma_start3A_38 = tpu.memref_slice %arg2[%add3A_33] : memref<320000xi32, #tpu.memory_space<hbm>> -> memref<80xi32, #tpu.memory_space<hbm>>
    %dma_start3A_39 = arith.constant 0 : i32
    %dma_start3A_40 = tpu.memref_slice %arg6[%dma_start3A_34, %dma_start3A_39] : memref<4x80xi32, #tpu.memory_space<vmem>> -> memref<1x80xi32, #tpu.memory_space<vmem>>
    %dma_start3A_41 = tpu.memref_squeeze %dma_start3A_40 : memref<1x80xi32, #tpu.memory_space<vmem>> -> memref<80xi32, #tpu.memory_space<vmem>>
    %dma_start3A_42 = tpu.memref_slice %arg2[%add3A_33] : memref<320000xi32, #tpu.memory_space<hbm>> -> memref<80xi32, #tpu.memory_space<hbm>>
    tpu.enqueue_dma source(%dma_start3A_42 : memref<80xi32, #tpu.memory_space<hbm>>) target(%dma_start3A_41 : memref<80xi32, #tpu.memory_space<vmem>>) target_semaphore(%arg12 : memref<!tpu.dma_semaphore, #tpu.memory_space<semaphore_mem>>)
    %dma_start3A_43 = arith.constant 1 : i32
    %dma_start3A_44 = arith.constant 0 : i32
    %dma_start3A_45 = tpu.memref_slice %arg7[%dma_start3A_43, %dma_start3A_44] : memref<4x80xi32, #tpu.memory_space<vmem>> -> memref<1x80xi32, #tpu.memory_space<vmem>>
    %dma_start3A_46 = tpu.memref_squeeze %dma_start3A_45 : memref<1x80xi32, #tpu.memory_space<vmem>> -> memref<80xi32, #tpu.memory_space<vmem>>
    %dma_start3A_47 = tpu.memref_slice %arg3[%add3A_33] : memref<320000xi32, #tpu.memory_space<hbm>> -> memref<80xi32, #tpu.memory_space<hbm>>
    %dma_start3A_48 = arith.constant 0 : i32
    %dma_start3A_49 = tpu.memref_slice %arg7[%dma_start3A_43, %dma_start3A_48] : memref<4x80xi32, #tpu.memory_space<vmem>> -> memref<1x80xi32, #tpu.memory_space<vmem>>
    %dma_start3A_50 = tpu.memref_squeeze %dma_start3A_49 : memref<1x80xi32, #tpu.memory_space<vmem>> -> memref<80xi32, #tpu.memory_space<vmem>>
    %dma_start3A_51 = tpu.memref_slice %arg3[%add3A_33] : memref<320000xi32, #tpu.memory_space<hbm>> -> memref<80xi32, #tpu.memory_space<hbm>>
    tpu.enqueue_dma source(%dma_start3A_51 : memref<80xi32, #tpu.memory_space<hbm>>) target(%dma_start3A_50 : memref<80xi32, #tpu.memory_space<vmem>>) target_semaphore(%arg12 : memref<!tpu.dma_semaphore, #tpu.memory_space<semaphore_mem>>)
    %add3A_52 = arith.constant 160 : i32
    %add3A_53 = arith.addi %mul3A_12, %add3A_52 : i32
    %dma_start3A_54 = arith.constant 2 : i32
    %dma_start3A_55 = arith.constant 0 : i32
    %dma_start3A_56 = tpu.memref_slice %arg6[%dma_start3A_54, %dma_start3A_55] : memref<4x80xi32, #tpu.memory_space<vmem>> -> memref<1x80xi32, #tpu.memory_space<vmem>>
    %dma_start3A_57 = tpu.memref_squeeze %dma_start3A_56 : memref<1x80xi32, #tpu.memory_space<vmem>> -> memref<80xi32, #tpu.memory_space<vmem>>
    %dma_start3A_58 = tpu.memref_slice %arg2[%add3A_53] : memref<320000xi32, #tpu.memory_space<hbm>> -> memref<80xi32, #tpu.memory_space<hbm>>
    %dma_start3A_59 = arith.constant 0 : i32
    %dma_start3A_60 = tpu.memref_slice %arg6[%dma_start3A_54, %dma_start3A_59] : memref<4x80xi32, #tpu.memory_space<vmem>> -> memref<1x80xi32, #tpu.memory_space<vmem>>
    %dma_start3A_61 = tpu.memref_squeeze %dma_start3A_60 : memref<1x80xi32, #tpu.memory_space<vmem>> -> memref<80xi32, #tpu.memory_space<vmem>>
    %dma_start3A_62 = tpu.memref_slice %arg2[%add3A_53] : memref<320000xi32, #tpu.memory_space<hbm>> -> memref<80xi32, #tpu.memory_space<hbm>>
    tpu.enqueue_dma source(%dma_start3A_62 : memref<80xi32, #tpu.memory_space<hbm>>) target(%dma_start3A_61 : memref<80xi32, #tpu.memory_space<vmem>>) target_semaphore(%arg13 : memref<!tpu.dma_semaphore, #tpu.memory_space<semaphore_mem>>)
    %dma_start3A_63 = arith.constant 2 : i32
    %dma_start3A_64 = arith.constant 0 : i32
    %dma_start3A_65 = tpu.memref_slice %arg7[%dma_start3A_63, %dma_start3A_64] : memref<4x80xi32, #tpu.memory_space<vmem>> -> memref<1x80xi32, #tpu.memory_space<vmem>>
    %dma_start3A_66 = tpu.memref_squeeze %dma_start3A_65 : memref<1x80xi32, #tpu.memory_space<vmem>> -> memref<80xi32, #tpu.memory_space<vmem>>
    %dma_start3A_67 = tpu.memref_slice %arg3[%add3A_53] : memref<320000xi32, #tpu.memory_space<hbm>> -> memref<80xi32, #tpu.memory_space<hbm>>
    %dma_start3A_68 = arith.constant 0 : i32
    %dma_start3A_69 = tpu.memref_slice %arg7[%dma_start3A_63, %dma_start3A_68] : memref<4x80xi32, #tpu.memory_space<vmem>> -> memref<1x80xi32, #tpu.memory_space<vmem>>
    %dma_start3A_70 = tpu.memref_squeeze %dma_start3A_69 : memref<1x80xi32, #tpu.memory_space<vmem>> -> memref<80xi32, #tpu.memory_space<vmem>>
    %dma_start3A_71 = tpu.memref_slice %arg3[%add3A_53] : memref<320000xi32, #tpu.memory_space<hbm>> -> memref<80xi32, #tpu.memory_space<hbm>>
    tpu.enqueue_dma source(%dma_start3A_71 : memref<80xi32, #tpu.memory_space<hbm>>) target(%dma_start3A_70 : memref<80xi32, #tpu.memory_space<vmem>>) target_semaphore(%arg13 : memref<!tpu.dma_semaphore, #tpu.memory_space<semaphore_mem>>)
    %dma_wait3A = arith.constant 0 : i32
    %dma_wait3A_72 = arith.constant 0 : i32
    %dma_wait3A_73 = tpu.memref_slice %arg6[%dma_wait3A, %dma_wait3A_72] : memref<4x80xi32, #tpu.memory_space<vmem>> -> memref<1x80xi32, #tpu.memory_space<vmem>>
    %dma_wait3A_74 = tpu.memref_squeeze %dma_wait3A_73 : memref<1x80xi32, #tpu.memory_space<vmem>> -> memref<80xi32, #tpu.memory_space<vmem>>
    %dma_wait3A_75 = tpu.memref_slice %arg2[%mul3A_12] : memref<320000xi32, #tpu.memory_space<hbm>> -> memref<80xi32, #tpu.memory_space<hbm>>
    %dma_wait3A_76 = arith.constant 0 : i32
    %dma_wait3A_77 = tpu.memref_slice %arg6[%dma_wait3A, %dma_wait3A_76] : memref<4x80xi32, #tpu.memory_space<vmem>> -> memref<1x80xi32, #tpu.memory_space<vmem>>
    %dma_wait3A_78 = tpu.memref_squeeze %dma_wait3A_77 : memref<1x80xi32, #tpu.memory_space<vmem>> -> memref<80xi32, #tpu.memory_space<vmem>>
    %dma_wait3A_79 = tpu.memref_slice %arg2[%mul3A_12] : memref<320000xi32, #tpu.memory_space<hbm>> -> memref<80xi32, #tpu.memory_space<hbm>>
    tpu.wait_dma2 semaphore(%arg11 : memref<!tpu.dma_semaphore, #tpu.memory_space<semaphore_mem>>) src(%dma_wait3A_79 : memref<80xi32, #tpu.memory_space<hbm>>) dst(%dma_wait3A_78 : memref<80xi32, #tpu.memory_space<vmem>>)
    %dma_wait3A_80 = arith.constant 0 : i32
    %dma_wait3A_81 = arith.constant 0 : i32
    %dma_wait3A_82 = tpu.memref_slice %arg7[%dma_wait3A_80, %dma_wait3A_81] : memref<4x80xi32, #tpu.memory_space<vmem>> -> memref<1x80xi32, #tpu.memory_space<vmem>>
    %dma_wait3A_83 = tpu.memref_squeeze %dma_wait3A_82 : memref<1x80xi32, #tpu.memory_space<vmem>> -> memref<80xi32, #tpu.memory_space<vmem>>
    %dma_wait3A_84 = tpu.memref_slice %arg3[%mul3A_12] : memref<320000xi32, #tpu.memory_space<hbm>> -> memref<80xi32, #tpu.memory_space<hbm>>
    %dma_wait3A_85 = arith.constant 0 : i32
    %dma_wait3A_86 = tpu.memref_slice %arg7[%dma_wait3A_80, %dma_wait3A_85] : memref<4x80xi32, #tpu.memory_space<vmem>> -> memref<1x80xi32, #tpu.memory_space<vmem>>
    %dma_wait3A_87 = tpu.memref_squeeze %dma_wait3A_86 : memref<1x80xi32, #tpu.memory_space<vmem>> -> memref<80xi32, #tpu.memory_space<vmem>>
    %dma_wait3A_88 = tpu.memref_slice %arg3[%mul3A_12] : memref<320000xi32, #tpu.memory_space<hbm>> -> memref<80xi32, #tpu.memory_space<hbm>>
    tpu.wait_dma2 semaphore(%arg11 : memref<!tpu.dma_semaphore, #tpu.memory_space<semaphore_mem>>) src(%dma_wait3A_88 : memref<80xi32, #tpu.memory_space<hbm>>) dst(%dma_wait3A_87 : memref<80xi32, #tpu.memory_space<vmem>>)
    %dma_start3A_89 = arith.constant 0 : i32
    %dma_start3A_90 = arith.constant 0 : i32
    %dma_start3A_91 = arith.constant 0 : i32
    %dma_start3A_92 = arith.constant 0 : i32
    %dma_start3A_93 = tpu.memref_slice %arg8[%dma_start3A_90, %dma_start3A_91, %dma_start3A_92] : memref<4x80x128xf32, #tpu.memory_space<vmem>> -> memref<1x80x128xf32, #tpu.memory_space<vmem>>
    %dma_start3A_94 = tpu.memref_squeeze %dma_start3A_93 : memref<1x80x128xf32, #tpu.memory_space<vmem>> -> memref<80x128xf32, #tpu.memory_space<vmem>>
    %dma_start3A_95 = arith.constant 0 : i32
    %dma_start3A_96 = tpu.memref_slice %arg6[%dma_start3A_89, %dma_start3A_95] : memref<4x80xi32, #tpu.memory_space<vmem>> -> memref<1x80xi32, #tpu.memory_space<vmem>>
    %dma_start3A_97 = tpu.memref_squeeze %dma_start3A_96 : memref<1x80xi32, #tpu.memory_space<vmem>> -> memref<80xi32, #tpu.memory_space<vmem>>
    %dma_start3A_98 = arith.constant 0 : i32
    %dma_start3A_99 = arith.constant 0 : i32
    %dma_start3A_100 = tpu.memref_slice %arg4[%dma_start3A_98, %dma_start3A_99] : memref<10000x128xf32, #tpu.memory_space<hbm>> -> memref<10000x128xf32, #tpu.memory_space<hbm>>
    tpu.enqueue_indirect_dma source(%dma_start3A_100 : memref<10000x128xf32, #tpu.memory_space<hbm>>) target(%dma_start3A_94 : memref<80x128xf32, #tpu.memory_space<vmem>>) offsets(%dma_start3A_97 : memref<80xi32, #tpu.memory_space<vmem>>) semaphore(%arg15 : memref<!tpu.dma_semaphore, #tpu.memory_space<semaphore_mem>>)
    %dma_wait3A_101 = arith.constant 1 : i32
    %dma_wait3A_102 = arith.constant 0 : i32
    %dma_wait3A_103 = tpu.memref_slice %arg6[%dma_wait3A_101, %dma_wait3A_102] : memref<4x80xi32, #tpu.memory_space<vmem>> -> memref<1x80xi32, #tpu.memory_space<vmem>>
    %dma_wait3A_104 = tpu.memref_squeeze %dma_wait3A_103 : memref<1x80xi32, #tpu.memory_space<vmem>> -> memref<80xi32, #tpu.memory_space<vmem>>
    %dma_wait3A_105 = tpu.memref_slice %arg2[%mul3A_12] : memref<320000xi32, #tpu.memory_space<hbm>> -> memref<80xi32, #tpu.memory_space<hbm>>
    %dma_wait3A_106 = arith.constant 0 : i32
    %dma_wait3A_107 = tpu.memref_slice %arg6[%dma_wait3A_101, %dma_wait3A_106] : memref<4x80xi32, #tpu.memory_space<vmem>> -> memref<1x80xi32, #tpu.memory_space<vmem>>
    %dma_wait3A_108 = tpu.memref_squeeze %dma_wait3A_107 : memref<1x80xi32, #tpu.memory_space<vmem>> -> memref<80xi32, #tpu.memory_space<vmem>>
    %dma_wait3A_109 = tpu.memref_slice %arg2[%mul3A_12] : memref<320000xi32, #tpu.memory_space<hbm>> -> memref<80xi32, #tpu.memory_space<hbm>>
    tpu.wait_dma2 semaphore(%arg12 : memref<!tpu.dma_semaphore, #tpu.memory_space<semaphore_mem>>) src(%dma_wait3A_109 : memref<80xi32, #tpu.memory_space<hbm>>) dst(%dma_wait3A_108 : memref<80xi32, #tpu.memory_space<vmem>>)
    %dma_wait3A_110 = arith.constant 1 : i32
    %dma_wait3A_111 = arith.constant 0 : i32
    %dma_wait3A_112 = tpu.memref_slice %arg7[%dma_wait3A_110, %dma_wait3A_111] : memref<4x80xi32, #tpu.memory_space<vmem>> -> memref<1x80xi32, #tpu.memory_space<vmem>>
    %dma_wait3A_113 = tpu.memref_squeeze %dma_wait3A_112 : memref<1x80xi32, #tpu.memory_space<vmem>> -> memref<80xi32, #tpu.memory_space<vmem>>
    %dma_wait3A_114 = tpu.memref_slice %arg3[%mul3A_12] : memref<320000xi32, #tpu.memory_space<hbm>> -> memref<80xi32, #tpu.memory_space<hbm>>
    %dma_wait3A_115 = arith.constant 0 : i32
    %dma_wait3A_116 = tpu.memref_slice %arg7[%dma_wait3A_110, %dma_wait3A_115] : memref<4x80xi32, #tpu.memory_space<vmem>> -> memref<1x80xi32, #tpu.memory_space<vmem>>
    %dma_wait3A_117 = tpu.memref_squeeze %dma_wait3A_116 : memref<1x80xi32, #tpu.memory_space<vmem>> -> memref<80xi32, #tpu.memory_space<vmem>>
    %dma_wait3A_118 = tpu.memref_slice %arg3[%mul3A_12] : memref<320000xi32, #tpu.memory_space<hbm>> -> memref<80xi32, #tpu.memory_space<hbm>>
    tpu.wait_dma2 semaphore(%arg12 : memref<!tpu.dma_semaphore, #tpu.memory_space<semaphore_mem>>) src(%dma_wait3A_118 : memref<80xi32, #tpu.memory_space<hbm>>) dst(%dma_wait3A_117 : memref<80xi32, #tpu.memory_space<vmem>>)
    %dma_start3A_119 = arith.constant 1 : i32
    %dma_start3A_120 = arith.constant 1 : i32
    %dma_start3A_121 = arith.constant 0 : i32
    %dma_start3A_122 = arith.constant 0 : i32
    %dma_start3A_123 = tpu.memref_slice %arg8[%dma_start3A_120, %dma_start3A_121, %dma_start3A_122] : memref<4x80x128xf32, #tpu.memory_space<vmem>> -> memref<1x80x128xf32, #tpu.memory_space<vmem>>
    %dma_start3A_124 = tpu.memref_squeeze %dma_start3A_123 : memref<1x80x128xf32, #tpu.memory_space<vmem>> -> memref<80x128xf32, #tpu.memory_space<vmem>>
    %dma_start3A_125 = arith.constant 0 : i32
    %dma_start3A_126 = tpu.memref_slice %arg6[%dma_start3A_119, %dma_start3A_125] : memref<4x80xi32, #tpu.memory_space<vmem>> -> memref<1x80xi32, #tpu.memory_space<vmem>>
    %dma_start3A_127 = tpu.memref_squeeze %dma_start3A_126 : memref<1x80xi32, #tpu.memory_space<vmem>> -> memref<80xi32, #tpu.memory_space<vmem>>
    %dma_start3A_128 = arith.constant 0 : i32
    %dma_start3A_129 = arith.constant 0 : i32
    %dma_start3A_130 = tpu.memref_slice %arg4[%dma_start3A_128, %dma_start3A_129] : memref<10000x128xf32, #tpu.memory_space<hbm>> -> memref<10000x128xf32, #tpu.memory_space<hbm>>
    tpu.enqueue_indirect_dma source(%dma_start3A_130 : memref<10000x128xf32, #tpu.memory_space<hbm>>) target(%dma_start3A_124 : memref<80x128xf32, #tpu.memory_space<vmem>>) offsets(%dma_start3A_127 : memref<80xi32, #tpu.memory_space<vmem>>) semaphore(%arg16 : memref<!tpu.dma_semaphore, #tpu.memory_space<semaphore_mem>>)
    %scan3A_131 = arith.constant 0 : i32
    %scan3A_132 = arith.constant 0 : i32
    %scan3A_133 = arith.constant 31 : i32
    %scan3A_134 = arith.addi %scan3A_132, %scan3A_133 : i32
    %scan3A_135 = arith.constant 1 : i32
    scf.for %scan3A_195 = %scan3A_132 to %scan3A_134 step %scan3A_135  : i32 {
      %mul3A_196 = arith.constant 4 : i32
      %mul3A_197 = arith.muli %scan3A_195, %mul3A_196 : i32
      %add3A_198 = arith.constant 0 : i32
      %add3A_199 = arith.addi %mul3A_197, %add3A_198 : i32
      %dma_wait3A_200 = arith.constant 0 : i32
      %dma_wait3A_201 = arith.constant 0 : i32
      %dma_wait3A_202 = arith.constant 0 : i32
      %dma_wait3A_203 = arith.constant 0 : i32
      %dma_wait3A_204 = tpu.memref_slice %arg8[%dma_wait3A_201, %dma_wait3A_202, %dma_wait3A_203] : memref<4x80x128xf32, #tpu.memory_space<vmem>> -> memref<1x80x128xf32, #tpu.memory_space<vmem>>
      %dma_wait3A_205 = tpu.memref_squeeze %dma_wait3A_204 : memref<1x80x128xf32, #tpu.memory_space<vmem>> -> memref<80x128xf32, #tpu.memory_space<vmem>>
      %dma_wait3A_206 = arith.constant 0 : i32
      %dma_wait3A_207 = tpu.memref_slice %arg6[%dma_wait3A_200, %dma_wait3A_206] : memref<4x80xi32, #tpu.memory_space<vmem>> -> memref<1x80xi32, #tpu.memory_space<vmem>>
      %dma_wait3A_208 = tpu.memref_squeeze %dma_wait3A_207 : memref<1x80xi32, #tpu.memory_space<vmem>> -> memref<80xi32, #tpu.memory_space<vmem>>
      %dma_wait3A_209 = arith.constant 0 : i32
      %dma_wait3A_210 = arith.constant 0 : i32
      %dma_wait3A_211 = tpu.memref_slice %arg4[%dma_wait3A_209, %dma_wait3A_210] : memref<10000x128xf32, #tpu.memory_space<hbm>> -> memref<10000x128xf32, #tpu.memory_space<hbm>>
      tpu.wait_indirect_dma semaphore(%arg15 : memref<!tpu.dma_semaphore, #tpu.memory_space<semaphore_mem>>) src(%dma_wait3A_211 : memref<10000x128xf32, #tpu.memory_space<hbm>>) dst(%dma_wait3A_205 : memref<80x128xf32, #tpu.memory_space<vmem>>)
      %ge3A = arith.constant 1 : i32
      %ge3A_212 = arith.cmpi sge, %add3A_199, %ge3A : i32
      %convert_element_type3A_213 = arith.extui %ge3A_212 : i1 to i32
      %cond3A_214 = arith.constant 0 : i32
      %cond3A_215 = arith.cmpi ne, %convert_element_type3A_213, %cond3A_214 : i32
      scf.if %cond3A_215 {
        %dma_wait3A_383 = arith.constant 3 : i32
        %dma_wait3A_384 = arith.constant 3 : i32
        %dma_wait3A_385 = arith.constant 0 : i32
        %dma_wait3A_386 = arith.constant 0 : i32
        %dma_wait3A_387 = tpu.memref_slice %arg8[%dma_wait3A_383, %dma_wait3A_385, %dma_wait3A_386] : memref<4x80x128xf32, #tpu.memory_space<vmem>> -> memref<1x80x128xf32, #tpu.memory_space<vmem>>
        %dma_wait3A_388 = tpu.memref_squeeze %dma_wait3A_387 : memref<1x80x128xf32, #tpu.memory_space<vmem>> -> memref<80x128xf32, #tpu.memory_space<vmem>>
        %dma_wait3A_389 = arith.constant 0 : i32
        %dma_wait3A_390 = tpu.memref_slice %arg7[%dma_wait3A_384, %dma_wait3A_389] : memref<4x80xi32, #tpu.memory_space<vmem>> -> memref<1x80xi32, #tpu.memory_space<vmem>>
        %dma_wait3A_391 = tpu.memref_squeeze %dma_wait3A_390 : memref<1x80xi32, #tpu.memory_space<vmem>> -> memref<80xi32, #tpu.memory_space<vmem>>
        %dma_wait3A_392 = arith.constant 0 : i32
        %dma_wait3A_393 = arith.constant 0 : i32
        %dma_wait3A_394 = tpu.memref_slice %arg10[%dma_wait3A_392, %dma_wait3A_393] : memref<10000x128xf32, #tpu.memory_space<vmem_shared>> -> memref<10000x128xf32, #tpu.memory_space<vmem_shared>>
        tpu.wait_indirect_dma semaphore(%arg22 : memref<!tpu.dma_semaphore, #tpu.memory_space<semaphore_mem>>) src(%dma_wait3A_388 : memref<80x128xf32, #tpu.memory_space<vmem>>) dst(%dma_wait3A_394 : memref<10000x128xf32, #tpu.memory_space<vmem_shared>>)
      } else {
      }
      %dma_start3A_216 = arith.constant 0 : i32
      %dma_start3A_217 = arith.constant 0 : i32
      %dma_start3A_218 = arith.constant 0 : i32
      %dma_start3A_219 = arith.constant 0 : i32
      %dma_start3A_220 = tpu.memref_slice %arg8[%dma_start3A_216, %dma_start3A_218, %dma_start3A_219] : memref<4x80x128xf32, #tpu.memory_space<vmem>> -> memref<1x80x128xf32, #tpu.memory_space<vmem>>
      %dma_start3A_221 = tpu.memref_squeeze %dma_start3A_220 : memref<1x80x128xf32, #tpu.memory_space<vmem>> -> memref<80x128xf32, #tpu.memory_space<vmem>>
      %dma_start3A_222 = arith.constant 0 : i32
      %dma_start3A_223 = tpu.memref_slice %arg7[%dma_start3A_217, %dma_start3A_222] : memref<4x80xi32, #tpu.memory_space<vmem>> -> memref<1x80xi32, #tpu.memory_space<vmem>>
      %dma_start3A_224 = tpu.memref_squeeze %dma_start3A_223 : memref<1x80xi32, #tpu.memory_space<vmem>> -> memref<80xi32, #tpu.memory_space<vmem>>
      %dma_start3A_225 = arith.constant 0 : i32
      %dma_start3A_226 = arith.constant 0 : i32
      %dma_start3A_227 = tpu.memref_slice %arg10[%dma_start3A_225, %dma_start3A_226] : memref<10000x128xf32, #tpu.memory_space<vmem_shared>> -> memref<10000x128xf32, #tpu.memory_space<vmem_shared>>
      tpu.enqueue_indirect_dma source(%dma_start3A_221 : memref<80x128xf32, #tpu.memory_space<vmem>>) target(%dma_start3A_227 : memref<10000x128xf32, #tpu.memory_space<vmem_shared>>) offsets(%dma_start3A_224 : memref<80xi32, #tpu.memory_space<vmem>>) semaphore(%arg19 : memref<!tpu.dma_semaphore, #tpu.memory_space<semaphore_mem>>) {add = true}
      %add3A_228 = arith.constant 2 : i32
      %add3A_229 = arith.addi %add3A_199, %add3A_228 : i32
      %lt3A_230 = arith.constant 125 : i32
      %lt3A_231 = arith.cmpi slt, %add3A_229, %lt3A_230 : i32
      %convert_element_type3A_232 = arith.extui %lt3A_231 : i1 to i32
      %cond3A_233 = arith.constant 0 : i32
      %cond3A_234 = arith.cmpi ne, %convert_element_type3A_232, %cond3A_233 : i32
      scf.if %cond3A_234 {
        %dma_wait3A_383 = arith.constant 2 : i32
        %dma_wait3A_384 = arith.constant 0 : i32
        %dma_wait3A_385 = tpu.memref_slice %arg6[%dma_wait3A_383, %dma_wait3A_384] : memref<4x80xi32, #tpu.memory_space<vmem>> -> memref<1x80xi32, #tpu.memory_space<vmem>>
        %dma_wait3A_386 = tpu.memref_squeeze %dma_wait3A_385 : memref<1x80xi32, #tpu.memory_space<vmem>> -> memref<80xi32, #tpu.memory_space<vmem>>
        %dma_wait3A_387 = tpu.memref_slice %arg2[%mul3A_12] : memref<320000xi32, #tpu.memory_space<hbm>> -> memref<80xi32, #tpu.memory_space<hbm>>
        %dma_wait3A_388 = arith.constant 0 : i32
        %dma_wait3A_389 = tpu.memref_slice %arg6[%dma_wait3A_383, %dma_wait3A_388] : memref<4x80xi32, #tpu.memory_space<vmem>> -> memref<1x80xi32, #tpu.memory_space<vmem>>
        %dma_wait3A_390 = tpu.memref_squeeze %dma_wait3A_389 : memref<1x80xi32, #tpu.memory_space<vmem>> -> memref<80xi32, #tpu.memory_space<vmem>>
        %dma_wait3A_391 = tpu.memref_slice %arg2[%mul3A_12] : memref<320000xi32, #tpu.memory_space<hbm>> -> memref<80xi32, #tpu.memory_space<hbm>>
        tpu.wait_dma2 semaphore(%arg13 : memref<!tpu.dma_semaphore, #tpu.memory_space<semaphore_mem>>) src(%dma_wait3A_391 : memref<80xi32, #tpu.memory_space<hbm>>) dst(%dma_wait3A_390 : memref<80xi32, #tpu.memory_space<vmem>>)
        %dma_wait3A_392 = arith.constant 2 : i32
        %dma_wait3A_393 = arith.constant 0 : i32
        %dma_wait3A_394 = tpu.memref_slice %arg7[%dma_wait3A_392, %dma_wait3A_393] : memref<4x80xi32, #tpu.memory_space<vmem>> -> memref<1x80xi32, #tpu.memory_space<vmem>>
        %dma_wait3A_395 = tpu.memref_squeeze %dma_wait3A_394 : memref<1x80xi32, #tpu.memory_space<vmem>> -> memref<80xi32, #tpu.memory_space<vmem>>
        %dma_wait3A_396 = tpu.memref_slice %arg3[%mul3A_12] : memref<320000xi32, #tpu.memory_space<hbm>> -> memref<80xi32, #tpu.memory_space<hbm>>
        %dma_wait3A_397 = arith.constant 0 : i32
        %dma_wait3A_398 = tpu.memref_slice %arg7[%dma_wait3A_392, %dma_wait3A_397] : memref<4x80xi32, #tpu.memory_space<vmem>> -> memref<1x80xi32, #tpu.memory_space<vmem>>
        %dma_wait3A_399 = tpu.memref_squeeze %dma_wait3A_398 : memref<1x80xi32, #tpu.memory_space<vmem>> -> memref<80xi32, #tpu.memory_space<vmem>>
        %dma_wait3A_400 = tpu.memref_slice %arg3[%mul3A_12] : memref<320000xi32, #tpu.memory_space<hbm>> -> memref<80xi32, #tpu.memory_space<hbm>>
        tpu.wait_dma2 semaphore(%arg13 : memref<!tpu.dma_semaphore, #tpu.memory_space<semaphore_mem>>) src(%dma_wait3A_400 : memref<80xi32, #tpu.memory_space<hbm>>) dst(%dma_wait3A_399 : memref<80xi32, #tpu.memory_space<vmem>>)
        %add3A_401 = arith.constant 2 : i32
        %add3A_402 = arith.addi %add3A_199, %add3A_401 : i32
        %dma_start3A_403 = arith.constant 2 : i32
        %dma_start3A_404 = arith.constant 2 : i32
        %dma_start3A_405 = arith.constant 0 : i32
        %dma_start3A_406 = arith.constant 0 : i32
        %dma_start3A_407 = tpu.memref_slice %arg8[%dma_start3A_404, %dma_start3A_405, %dma_start3A_406] : memref<4x80x128xf32, #tpu.memory_space<vmem>> -> memref<1x80x128xf32, #tpu.memory_space<vmem>>
        %dma_start3A_408 = tpu.memref_squeeze %dma_start3A_407 : memref<1x80x128xf32, #tpu.memory_space<vmem>> -> memref<80x128xf32, #tpu.memory_space<vmem>>
        %dma_start3A_409 = arith.constant 0 : i32
        %dma_start3A_410 = tpu.memref_slice %arg6[%dma_start3A_403, %dma_start3A_409] : memref<4x80xi32, #tpu.memory_space<vmem>> -> memref<1x80xi32, #tpu.memory_space<vmem>>
        %dma_start3A_411 = tpu.memref_squeeze %dma_start3A_410 : memref<1x80xi32, #tpu.memory_space<vmem>> -> memref<80xi32, #tpu.memory_space<vmem>>
        %dma_start3A_412 = arith.constant 0 : i32
        %dma_start3A_413 = arith.constant 0 : i32
        %dma_start3A_414 = tpu.memref_slice %arg4[%dma_start3A_412, %dma_start3A_413] : memref<10000x128xf32, #tpu.memory_space<hbm>> -> memref<10000x128xf32, #tpu.memory_space<hbm>>
        tpu.enqueue_indirect_dma source(%dma_start3A_414 : memref<10000x128xf32, #tpu.memory_space<hbm>>) target(%dma_start3A_408 : memref<80x128xf32, #tpu.memory_space<vmem>>) offsets(%dma_start3A_411 : memref<80xi32, #tpu.memory_space<vmem>>) semaphore(%arg17 : memref<!tpu.dma_semaphore, #tpu.memory_space<semaphore_mem>>)
      } else {
      }
      %add3A_235 = arith.constant 3 : i32
      %add3A_236 = arith.addi %add3A_199, %add3A_235 : i32
      %lt3A_237 = arith.constant 125 : i32
      %lt3A_238 = arith.cmpi slt, %add3A_236, %lt3A_237 : i32
      %convert_element_type3A_239 = arith.extui %lt3A_238 : i1 to i32
      %cond3A_240 = arith.constant 0 : i32
      %cond3A_241 = arith.cmpi ne, %convert_element_type3A_239, %cond3A_240 : i32
      scf.if %cond3A_241 {
        %add3A_383 = arith.constant 3 : i32
        %add3A_384 = arith.addi %add3A_199, %add3A_383 : i32
        %mul3A_385 = arith.constant 80 : i32
        %mul3A_386 = arith.muli %add3A_384, %mul3A_385 : i32
        %add3A_387 = arith.addi %mul3A_12, %mul3A_386 : i32
        %dma_start3A_388 = arith.constant 3 : i32
        %dma_start3A_389 = arith.constant 0 : i32
        %dma_start3A_390 = tpu.memref_slice %arg6[%dma_start3A_388, %dma_start3A_389] : memref<4x80xi32, #tpu.memory_space<vmem>> -> memref<1x80xi32, #tpu.memory_space<vmem>>
        %dma_start3A_391 = tpu.memref_squeeze %dma_start3A_390 : memref<1x80xi32, #tpu.memory_space<vmem>> -> memref<80xi32, #tpu.memory_space<vmem>>
        %dma_start3A_392 = tpu.memref_slice %arg2[%add3A_387] : memref<320000xi32, #tpu.memory_space<hbm>> -> memref<80xi32, #tpu.memory_space<hbm>>
        %dma_start3A_393 = arith.constant 0 : i32
        %dma_start3A_394 = tpu.memref_slice %arg6[%dma_start3A_388, %dma_start3A_393] : memref<4x80xi32, #tpu.memory_space<vmem>> -> memref<1x80xi32, #tpu.memory_space<vmem>>
        %dma_start3A_395 = tpu.memref_squeeze %dma_start3A_394 : memref<1x80xi32, #tpu.memory_space<vmem>> -> memref<80xi32, #tpu.memory_space<vmem>>
        %dma_start3A_396 = tpu.memref_slice %arg2[%add3A_387] : memref<320000xi32, #tpu.memory_space<hbm>> -> memref<80xi32, #tpu.memory_space<hbm>>
        tpu.enqueue_dma source(%dma_start3A_396 : memref<80xi32, #tpu.memory_space<hbm>>) target(%dma_start3A_395 : memref<80xi32, #tpu.memory_space<vmem>>) target_semaphore(%arg14 : memref<!tpu.dma_semaphore, #tpu.memory_space<semaphore_mem>>)
        %dma_start3A_397 = arith.constant 3 : i32
        %dma_start3A_398 = arith.constant 0 : i32
        %dma_start3A_399 = tpu.memref_slice %arg7[%dma_start3A_397, %dma_start3A_398] : memref<4x80xi32, #tpu.memory_space<vmem>> -> memref<1x80xi32, #tpu.memory_space<vmem>>
        %dma_start3A_400 = tpu.memref_squeeze %dma_start3A_399 : memref<1x80xi32, #tpu.memory_space<vmem>> -> memref<80xi32, #tpu.memory_space<vmem>>
        %dma_start3A_401 = tpu.memref_slice %arg3[%add3A_387] : memref<320000xi32, #tpu.memory_space<hbm>> -> memref<80xi32, #tpu.memory_space<hbm>>
        %dma_start3A_402 = arith.constant 0 : i32
        %dma_start3A_403 = tpu.memref_slice %arg7[%dma_start3A_397, %dma_start3A_402] : memref<4x80xi32, #tpu.memory_space<vmem>> -> memref<1x80xi32, #tpu.memory_space<vmem>>
        %dma_start3A_404 = tpu.memref_squeeze %dma_start3A_403 : memref<1x80xi32, #tpu.memory_space<vmem>> -> memref<80xi32, #tpu.memory_space<vmem>>
        %dma_start3A_405 = tpu.memref_slice %arg3[%add3A_387] : memref<320000xi32, #tpu.memory_space<hbm>> -> memref<80xi32, #tpu.memory_space<hbm>>
        tpu.enqueue_dma source(%dma_start3A_405 : memref<80xi32, #tpu.memory_space<hbm>>) target(%dma_start3A_404 : memref<80xi32, #tpu.memory_space<vmem>>) target_semaphore(%arg14 : memref<!tpu.dma_semaphore, #tpu.memory_space<semaphore_mem>>)
      } else {
      }
      %mul3A_242 = arith.constant 4 : i32
      %mul3A_243 = arith.muli %scan3A_195, %mul3A_242 : i32
      %add3A_244 = arith.constant 1 : i32
      %add3A_245 = arith.addi %mul3A_243, %add3A_244 : i32
      %dma_wait3A_246 = arith.constant 1 : i32
      %dma_wait3A_247 = arith.constant 1 : i32
      %dma_wait3A_248 = arith.constant 0 : i32
      %dma_wait3A_249 = arith.constant 0 : i32
      %dma_wait3A_250 = tpu.memref_slice %arg8[%dma_wait3A_247, %dma_wait3A_248, %dma_wait3A_249] : memref<4x80x128xf32, #tpu.memory_space<vmem>> -> memref<1x80x128xf32, #tpu.memory_space<vmem>>
      %dma_wait3A_251 = tpu.memref_squeeze %dma_wait3A_250 : memref<1x80x128xf32, #tpu.memory_space<vmem>> -> memref<80x128xf32, #tpu.memory_space<vmem>>
      %dma_wait3A_252 = arith.constant 0 : i32
      %dma_wait3A_253 = tpu.memref_slice %arg6[%dma_wait3A_246, %dma_wait3A_252] : memref<4x80xi32, #tpu.memory_space<vmem>> -> memref<1x80xi32, #tpu.memory_space<vmem>>
      %dma_wait3A_254 = tpu.memref_squeeze %dma_wait3A_253 : memref<1x80xi32, #tpu.memory_space<vmem>> -> memref<80xi32, #tpu.memory_space<vmem>>
      %dma_wait3A_255 = arith.constant 0 : i32
      %dma_wait3A_256 = arith.constant 0 : i32
      %dma_wait3A_257 = tpu.memref_slice %arg4[%dma_wait3A_255, %dma_wait3A_256] : memref<10000x128xf32, #tpu.memory_space<hbm>> -> memref<10000x128xf32, #tpu.memory_space<hbm>>
      tpu.wait_indirect_dma semaphore(%arg16 : memref<!tpu.dma_semaphore, #tpu.memory_space<semaphore_mem>>) src(%dma_wait3A_257 : memref<10000x128xf32, #tpu.memory_space<hbm>>) dst(%dma_wait3A_251 : memref<80x128xf32, #tpu.memory_space<vmem>>)
      %ge3A_258 = arith.constant 1 : i32
      %ge3A_259 = arith.cmpi sge, %add3A_245, %ge3A_258 : i32
      %convert_element_type3A_260 = arith.extui %ge3A_259 : i1 to i32
      %cond3A_261 = arith.constant 0 : i32
      %cond3A_262 = arith.cmpi ne, %convert_element_type3A_260, %cond3A_261 : i32
      scf.if %cond3A_262 {
        %dma_wait3A_383 = arith.constant 0 : i32
        %dma_wait3A_384 = arith.constant 0 : i32
        %dma_wait3A_385 = arith.constant 0 : i32
        %dma_wait3A_386 = arith.constant 0 : i32
        %dma_wait3A_387 = tpu.memref_slice %arg8[%dma_wait3A_383, %dma_wait3A_385, %dma_wait3A_386] : memref<4x80x128xf32, #tpu.memory_space<vmem>> -> memref<1x80x128xf32, #tpu.memory_space<vmem>>
        %dma_wait3A_388 = tpu.memref_squeeze %dma_wait3A_387 : memref<1x80x128xf32, #tpu.memory_space<vmem>> -> memref<80x128xf32, #tpu.memory_space<vmem>>
        %dma_wait3A_389 = arith.constant 0 : i32
        %dma_wait3A_390 = tpu.memref_slice %arg7[%dma_wait3A_384, %dma_wait3A_389] : memref<4x80xi32, #tpu.memory_space<vmem>> -> memref<1x80xi32, #tpu.memory_space<vmem>>
        %dma_wait3A_391 = tpu.memref_squeeze %dma_wait3A_390 : memref<1x80xi32, #tpu.memory_space<vmem>> -> memref<80xi32, #tpu.memory_space<vmem>>
        %dma_wait3A_392 = arith.constant 0 : i32
        %dma_wait3A_393 = arith.constant 0 : i32
        %dma_wait3A_394 = tpu.memref_slice %arg10[%dma_wait3A_392, %dma_wait3A_393] : memref<10000x128xf32, #tpu.memory_space<vmem_shared>> -> memref<10000x128xf32, #tpu.memory_space<vmem_shared>>
        tpu.wait_indirect_dma semaphore(%arg19 : memref<!tpu.dma_semaphore, #tpu.memory_space<semaphore_mem>>) src(%dma_wait3A_388 : memref<80x128xf32, #tpu.memory_space<vmem>>) dst(%dma_wait3A_394 : memref<10000x128xf32, #tpu.memory_space<vmem_shared>>)
      } else {
      }
      %dma_start3A_263 = arith.constant 1 : i32
      %dma_start3A_264 = arith.constant 1 : i32
      %dma_start3A_265 = arith.constant 0 : i32
      %dma_start3A_266 = arith.constant 0 : i32
      %dma_start3A_267 = tpu.memref_slice %arg8[%dma_start3A_263, %dma_start3A_265, %dma_start3A_266] : memref<4x80x128xf32, #tpu.memory_space<vmem>> -> memref<1x80x128xf32, #tpu.memory_space<vmem>>
      %dma_start3A_268 = tpu.memref_squeeze %dma_start3A_267 : memref<1x80x128xf32, #tpu.memory_space<vmem>> -> memref<80x128xf32, #tpu.memory_space<vmem>>
      %dma_start3A_269 = arith.constant 0 : i32
      %dma_start3A_270 = tpu.memref_slice %arg7[%dma_start3A_264, %dma_start3A_269] : memref<4x80xi32, #tpu.memory_space<vmem>> -> memref<1x80xi32, #tpu.memory_space<vmem>>
      %dma_start3A_271 = tpu.memref_squeeze %dma_start3A_270 : memref<1x80xi32, #tpu.memory_space<vmem>> -> memref<80xi32, #tpu.memory_space<vmem>>
      %dma_start3A_272 = arith.constant 0 : i32
      %dma_start3A_273 = arith.constant 0 : i32
      %dma_start3A_274 = tpu.memref_slice %arg10[%dma_start3A_272, %dma_start3A_273] : memref<10000x128xf32, #tpu.memory_space<vmem_shared>> -> memref<10000x128xf32, #tpu.memory_space<vmem_shared>>
      tpu.enqueue_indirect_dma source(%dma_start3A_268 : memref<80x128xf32, #tpu.memory_space<vmem>>) target(%dma_start3A_274 : memref<10000x128xf32, #tpu.memory_space<vmem_shared>>) offsets(%dma_start3A_271 : memref<80xi32, #tpu.memory_space<vmem>>) semaphore(%arg20 : memref<!tpu.dma_semaphore, #tpu.memory_space<semaphore_mem>>) {add = true}
      %add3A_275 = arith.constant 2 : i32
      %add3A_276 = arith.addi %add3A_245, %add3A_275 : i32
      %lt3A_277 = arith.constant 125 : i32
      %lt3A_278 = arith.cmpi slt, %add3A_276, %lt3A_277 : i32
      %convert_element_type3A_279 = arith.extui %lt3A_278 : i1 to i32
      %cond3A_280 = arith.constant 0 : i32
      %cond3A_281 = arith.cmpi ne, %convert_element_type3A_279, %cond3A_280 : i32
      scf.if %cond3A_281 {
        %dma_wait3A_383 = arith.constant 3 : i32
        %dma_wait3A_384 = arith.constant 0 : i32
        %dma_wait3A_385 = tpu.memref_slice %arg6[%dma_wait3A_383, %dma_wait3A_384] : memref<4x80xi32, #tpu.memory_space<vmem>> -> memref<1x80xi32, #tpu.memory_space<vmem>>
        %dma_wait3A_386 = tpu.memref_squeeze %dma_wait3A_385 : memref<1x80xi32, #tpu.memory_space<vmem>> -> memref<80xi32, #tpu.memory_space<vmem>>
        %dma_wait3A_387 = tpu.memref_slice %arg2[%mul3A_12] : memref<320000xi32, #tpu.memory_space<hbm>> -> memref<80xi32, #tpu.memory_space<hbm>>
        %dma_wait3A_388 = arith.constant 0 : i32
        %dma_wait3A_389 = tpu.memref_slice %arg6[%dma_wait3A_383, %dma_wait3A_388] : memref<4x80xi32, #tpu.memory_space<vmem>> -> memref<1x80xi32, #tpu.memory_space<vmem>>
        %dma_wait3A_390 = tpu.memref_squeeze %dma_wait3A_389 : memref<1x80xi32, #tpu.memory_space<vmem>> -> memref<80xi32, #tpu.memory_space<vmem>>
        %dma_wait3A_391 = tpu.memref_slice %arg2[%mul3A_12] : memref<320000xi32, #tpu.memory_space<hbm>> -> memref<80xi32, #tpu.memory_space<hbm>>
        tpu.wait_dma2 semaphore(%arg14 : memref<!tpu.dma_semaphore, #tpu.memory_space<semaphore_mem>>) src(%dma_wait3A_391 : memref<80xi32, #tpu.memory_space<hbm>>) dst(%dma_wait3A_390 : memref<80xi32, #tpu.memory_space<vmem>>)
        %dma_wait3A_392 = arith.constant 3 : i32
        %dma_wait3A_393 = arith.constant 0 : i32
        %dma_wait3A_394 = tpu.memref_slice %arg7[%dma_wait3A_392, %dma_wait3A_393] : memref<4x80xi32, #tpu.memory_space<vmem>> -> memref<1x80xi32, #tpu.memory_space<vmem>>
        %dma_wait3A_395 = tpu.memref_squeeze %dma_wait3A_394 : memref<1x80xi32, #tpu.memory_space<vmem>> -> memref<80xi32, #tpu.memory_space<vmem>>
        %dma_wait3A_396 = tpu.memref_slice %arg3[%mul3A_12] : memref<320000xi32, #tpu.memory_space<hbm>> -> memref<80xi32, #tpu.memory_space<hbm>>
        %dma_wait3A_397 = arith.constant 0 : i32
        %dma_wait3A_398 = tpu.memref_slice %arg7[%dma_wait3A_392, %dma_wait3A_397] : memref<4x80xi32, #tpu.memory_space<vmem>> -> memref<1x80xi32, #tpu.memory_space<vmem>>
        %dma_wait3A_399 = tpu.memref_squeeze %dma_wait3A_398 : memref<1x80xi32, #tpu.memory_space<vmem>> -> memref<80xi32, #tpu.memory_space<vmem>>
        %dma_wait3A_400 = tpu.memref_slice %arg3[%mul3A_12] : memref<320000xi32, #tpu.memory_space<hbm>> -> memref<80xi32, #tpu.memory_space<hbm>>
        tpu.wait_dma2 semaphore(%arg14 : memref<!tpu.dma_semaphore, #tpu.memory_space<semaphore_mem>>) src(%dma_wait3A_400 : memref<80xi32, #tpu.memory_space<hbm>>) dst(%dma_wait3A_399 : memref<80xi32, #tpu.memory_space<vmem>>)
        %add3A_401 = arith.constant 2 : i32
        %add3A_402 = arith.addi %add3A_245, %add3A_401 : i32
        %dma_start3A_403 = arith.constant 3 : i32
        %dma_start3A_404 = arith.constant 3 : i32
        %dma_start3A_405 = arith.constant 0 : i32
        %dma_start3A_406 = arith.constant 0 : i32
        %dma_start3A_407 = tpu.memref_slice %arg8[%dma_start3A_404, %dma_start3A_405, %dma_start3A_406] : memref<4x80x128xf32, #tpu.memory_space<vmem>> -> memref<1x80x128xf32, #tpu.memory_space<vmem>>
        %dma_start3A_408 = tpu.memref_squeeze %dma_start3A_407 : memref<1x80x128xf32, #tpu.memory_space<vmem>> -> memref<80x128xf32, #tpu.memory_space<vmem>>
        %dma_start3A_409 = arith.constant 0 : i32
        %dma_start3A_410 = tpu.memref_slice %arg6[%dma_start3A_403, %dma_start3A_409] : memref<4x80xi32, #tpu.memory_space<vmem>> -> memref<1x80xi32, #tpu.memory_space<vmem>>
        %dma_start3A_411 = tpu.memref_squeeze %dma_start3A_410 : memref<1x80xi32, #tpu.memory_space<vmem>> -> memref<80xi32, #tpu.memory_space<vmem>>
        %dma_start3A_412 = arith.constant 0 : i32
        %dma_start3A_413 = arith.constant 0 : i32
        %dma_start3A_414 = tpu.memref_slice %arg4[%dma_start3A_412, %dma_start3A_413] : memref<10000x128xf32, #tpu.memory_space<hbm>> -> memref<10000x128xf32, #tpu.memory_space<hbm>>
        tpu.enqueue_indirect_dma source(%dma_start3A_414 : memref<10000x128xf32, #tpu.memory_space<hbm>>) target(%dma_start3A_408 : memref<80x128xf32, #tpu.memory_space<vmem>>) offsets(%dma_start3A_411 : memref<80xi32, #tpu.memory_space<vmem>>) semaphore(%arg18 : memref<!tpu.dma_semaphore, #tpu.memory_space<semaphore_mem>>)
      } else {
      }
      %add3A_282 = arith.constant 3 : i32
      %add3A_283 = arith.addi %add3A_245, %add3A_282 : i32
      %lt3A_284 = arith.constant 125 : i32
      %lt3A_285 = arith.cmpi slt, %add3A_283, %lt3A_284 : i32
      %convert_element_type3A_286 = arith.extui %lt3A_285 : i1 to i32
      %cond3A_287 = arith.constant 0 : i32
      %cond3A_288 = arith.cmpi ne, %convert_element_type3A_286, %cond3A_287 : i32
      scf.if %cond3A_288 {
        %add3A_383 = arith.constant 3 : i32
        %add3A_384 = arith.addi %add3A_245, %add3A_383 : i32
        %mul3A_385 = arith.constant 80 : i32
        %mul3A_386 = arith.muli %add3A_384, %mul3A_385 : i32
        %add3A_387 = arith.addi %mul3A_12, %mul3A_386 : i32
        %dma_start3A_388 = arith.constant 0 : i32
        %dma_start3A_389 = arith.constant 0 : i32
        %dma_start3A_390 = tpu.memref_slice %arg6[%dma_start3A_388, %dma_start3A_389] : memref<4x80xi32, #tpu.memory_space<vmem>> -> memref<1x80xi32, #tpu.memory_space<vmem>>
        %dma_start3A_391 = tpu.memref_squeeze %dma_start3A_390 : memref<1x80xi32, #tpu.memory_space<vmem>> -> memref<80xi32, #tpu.memory_space<vmem>>
        %dma_start3A_392 = tpu.memref_slice %arg2[%add3A_387] : memref<320000xi32, #tpu.memory_space<hbm>> -> memref<80xi32, #tpu.memory_space<hbm>>
        %dma_start3A_393 = arith.constant 0 : i32
        %dma_start3A_394 = tpu.memref_slice %arg6[%dma_start3A_388, %dma_start3A_393] : memref<4x80xi32, #tpu.memory_space<vmem>> -> memref<1x80xi32, #tpu.memory_space<vmem>>
        %dma_start3A_395 = tpu.memref_squeeze %dma_start3A_394 : memref<1x80xi32, #tpu.memory_space<vmem>> -> memref<80xi32, #tpu.memory_space<vmem>>
        %dma_start3A_396 = tpu.memref_slice %arg2[%add3A_387] : memref<320000xi32, #tpu.memory_space<hbm>> -> memref<80xi32, #tpu.memory_space<hbm>>
        tpu.enqueue_dma source(%dma_start3A_396 : memref<80xi32, #tpu.memory_space<hbm>>) target(%dma_start3A_395 : memref<80xi32, #tpu.memory_space<vmem>>) target_semaphore(%arg11 : memref<!tpu.dma_semaphore, #tpu.memory_space<semaphore_mem>>)
        %dma_start3A_397 = arith.constant 0 : i32
        %dma_start3A_398 = arith.constant 0 : i32
        %dma_start3A_399 = tpu.memref_slice %arg7[%dma_start3A_397, %dma_start3A_398] : memref<4x80xi32, #tpu.memory_space<vmem>> -> memref<1x80xi32, #tpu.memory_space<vmem>>
        %dma_start3A_400 = tpu.memref_squeeze %dma_start3A_399 : memref<1x80xi32, #tpu.memory_space<vmem>> -> memref<80xi32, #tpu.memory_space<vmem>>
        %dma_start3A_401 = tpu.memref_slice %arg3[%add3A_387] : memref<320000xi32, #tpu.memory_space<hbm>> -> memref<80xi32, #tpu.memory_space<hbm>>
        %dma_start3A_402 = arith.constant 0 : i32
        %dma_start3A_403 = tpu.memref_slice %arg7[%dma_start3A_397, %dma_start3A_402] : memref<4x80xi32, #tpu.memory_space<vmem>> -> memref<1x80xi32, #tpu.memory_space<vmem>>
        %dma_start3A_404 = tpu.memref_squeeze %dma_start3A_403 : memref<1x80xi32, #tpu.memory_space<vmem>> -> memref<80xi32, #tpu.memory_space<vmem>>
        %dma_start3A_405 = tpu.memref_slice %arg3[%add3A_387] : memref<320000xi32, #tpu.memory_space<hbm>> -> memref<80xi32, #tpu.memory_space<hbm>>
        tpu.enqueue_dma source(%dma_start3A_405 : memref<80xi32, #tpu.memory_space<hbm>>) target(%dma_start3A_404 : memref<80xi32, #tpu.memory_space<vmem>>) target_semaphore(%arg11 : memref<!tpu.dma_semaphore, #tpu.memory_space<semaphore_mem>>)
      } else {
      }
      %mul3A_289 = arith.constant 4 : i32
      %mul3A_290 = arith.muli %scan3A_195, %mul3A_289 : i32
      %add3A_291 = arith.constant 2 : i32
      %add3A_292 = arith.addi %mul3A_290, %add3A_291 : i32
      %dma_wait3A_293 = arith.constant 2 : i32
      %dma_wait3A_294 = arith.constant 2 : i32
      %dma_wait3A_295 = arith.constant 0 : i32
      %dma_wait3A_296 = arith.constant 0 : i32
      %dma_wait3A_297 = tpu.memref_slice %arg8[%dma_wait3A_294, %dma_wait3A_295, %dma_wait3A_296] : memref<4x80x128xf32, #tpu.memory_space<vmem>> -> memref<1x80x128xf32, #tpu.memory_space<vmem>>
      %dma_wait3A_298 = tpu.memref_squeeze %dma_wait3A_297 : memref<1x80x128xf32, #tpu.memory_space<vmem>> -> memref<80x128xf32, #tpu.memory_space<vmem>>
      %dma_wait3A_299 = arith.constant 0 : i32
      %dma_wait3A_300 = tpu.memref_slice %arg6[%dma_wait3A_293, %dma_wait3A_299] : memref<4x80xi32, #tpu.memory_space<vmem>> -> memref<1x80xi32, #tpu.memory_space<vmem>>
      %dma_wait3A_301 = tpu.memref_squeeze %dma_wait3A_300 : memref<1x80xi32, #tpu.memory_space<vmem>> -> memref<80xi32, #tpu.memory_space<vmem>>
      %dma_wait3A_302 = arith.constant 0 : i32
      %dma_wait3A_303 = arith.constant 0 : i32
      %dma_wait3A_304 = tpu.memref_slice %arg4[%dma_wait3A_302, %dma_wait3A_303] : memref<10000x128xf32, #tpu.memory_space<hbm>> -> memref<10000x128xf32, #tpu.memory_space<hbm>>
      tpu.wait_indirect_dma semaphore(%arg17 : memref<!tpu.dma_semaphore, #tpu.memory_space<semaphore_mem>>) src(%dma_wait3A_304 : memref<10000x128xf32, #tpu.memory_space<hbm>>) dst(%dma_wait3A_298 : memref<80x128xf32, #tpu.memory_space<vmem>>)
      %ge3A_305 = arith.constant 1 : i32
      %ge3A_306 = arith.cmpi sge, %add3A_292, %ge3A_305 : i32
      %convert_element_type3A_307 = arith.extui %ge3A_306 : i1 to i32
      %cond3A_308 = arith.constant 0 : i32
      %cond3A_309 = arith.cmpi ne, %convert_element_type3A_307, %cond3A_308 : i32
      scf.if %cond3A_309 {
        %dma_wait3A_383 = arith.constant 1 : i32
        %dma_wait3A_384 = arith.constant 1 : i32
        %dma_wait3A_385 = arith.constant 0 : i32
        %dma_wait3A_386 = arith.constant 0 : i32
        %dma_wait3A_387 = tpu.memref_slice %arg8[%dma_wait3A_383, %dma_wait3A_385, %dma_wait3A_386] : memref<4x80x128xf32, #tpu.memory_space<vmem>> -> memref<1x80x128xf32, #tpu.memory_space<vmem>>
        %dma_wait3A_388 = tpu.memref_squeeze %dma_wait3A_387 : memref<1x80x128xf32, #tpu.memory_space<vmem>> -> memref<80x128xf32, #tpu.memory_space<vmem>>
        %dma_wait3A_389 = arith.constant 0 : i32
        %dma_wait3A_390 = tpu.memref_slice %arg7[%dma_wait3A_384, %dma_wait3A_389] : memref<4x80xi32, #tpu.memory_space<vmem>> -> memref<1x80xi32, #tpu.memory_space<vmem>>
        %dma_wait3A_391 = tpu.memref_squeeze %dma_wait3A_390 : memref<1x80xi32, #tpu.memory_space<vmem>> -> memref<80xi32, #tpu.memory_space<vmem>>
        %dma_wait3A_392 = arith.constant 0 : i32
        %dma_wait3A_393 = arith.constant 0 : i32
        %dma_wait3A_394 = tpu.memref_slice %arg10[%dma_wait3A_392, %dma_wait3A_393] : memref<10000x128xf32, #tpu.memory_space<vmem_shared>> -> memref<10000x128xf32, #tpu.memory_space<vmem_shared>>
        tpu.wait_indirect_dma semaphore(%arg20 : memref<!tpu.dma_semaphore, #tpu.memory_space<semaphore_mem>>) src(%dma_wait3A_388 : memref<80x128xf32, #tpu.memory_space<vmem>>) dst(%dma_wait3A_394 : memref<10000x128xf32, #tpu.memory_space<vmem_shared>>)
      } else {
      }
      %dma_start3A_310 = arith.constant 2 : i32
      %dma_start3A_311 = arith.constant 2 : i32
      %dma_start3A_312 = arith.constant 0 : i32
      %dma_start3A_313 = arith.constant 0 : i32
      %dma_start3A_314 = tpu.memref_slice %arg8[%dma_start3A_310, %dma_start3A_312, %dma_start3A_313] : memref<4x80x128xf32, #tpu.memory_space<vmem>> -> memref<1x80x128xf32, #tpu.memory_space<vmem>>
      %dma_start3A_315 = tpu.memref_squeeze %dma_start3A_314 : memref<1x80x128xf32, #tpu.memory_space<vmem>> -> memref<80x128xf32, #tpu.memory_space<vmem>>
      %dma_start3A_316 = arith.constant 0 : i32
      %dma_start3A_317 = tpu.memref_slice %arg7[%dma_start3A_311, %dma_start3A_316] : memref<4x80xi32, #tpu.memory_space<vmem>> -> memref<1x80xi32, #tpu.memory_space<vmem>>
      %dma_start3A_318 = tpu.memref_squeeze %dma_start3A_317 : memref<1x80xi32, #tpu.memory_space<vmem>> -> memref<80xi32, #tpu.memory_space<vmem>>
      %dma_start3A_319 = arith.constant 0 : i32
      %dma_start3A_320 = arith.constant 0 : i32
      %dma_start3A_321 = tpu.memref_slice %arg10[%dma_start3A_319, %dma_start3A_320] : memref<10000x128xf32, #tpu.memory_space<vmem_shared>> -> memref<10000x128xf32, #tpu.memory_space<vmem_shared>>
      tpu.enqueue_indirect_dma source(%dma_start3A_315 : memref<80x128xf32, #tpu.memory_space<vmem>>) target(%dma_start3A_321 : memref<10000x128xf32, #tpu.memory_space<vmem_shared>>) offsets(%dma_start3A_318 : memref<80xi32, #tpu.memory_space<vmem>>) semaphore(%arg21 : memref<!tpu.dma_semaphore, #tpu.memory_space<semaphore_mem>>) {add = true}
      %add3A_322 = arith.constant 2 : i32
      %add3A_323 = arith.addi %add3A_292, %add3A_322 : i32
      %lt3A_324 = arith.constant 125 : i32
      %lt3A_325 = arith.cmpi slt, %add3A_323, %lt3A_324 : i32
      %convert_element_type3A_326 = arith.extui %lt3A_325 : i1 to i32
      %cond3A_327 = arith.constant 0 : i32
      %cond3A_328 = arith.cmpi ne, %convert_element_type3A_326, %cond3A_327 : i32
      scf.if %cond3A_328 {
        %dma_wait3A_383 = arith.constant 0 : i32
        %dma_wait3A_384 = arith.constant 0 : i32
        %dma_wait3A_385 = tpu.memref_slice %arg6[%dma_wait3A_383, %dma_wait3A_384] : memref<4x80xi32, #tpu.memory_space<vmem>> -> memref<1x80xi32, #tpu.memory_space<vmem>>
        %dma_wait3A_386 = tpu.memref_squeeze %dma_wait3A_385 : memref<1x80xi32, #tpu.memory_space<vmem>> -> memref<80xi32, #tpu.memory_space<vmem>>
        %dma_wait3A_387 = tpu.memref_slice %arg2[%mul3A_12] : memref<320000xi32, #tpu.memory_space<hbm>> -> memref<80xi32, #tpu.memory_space<hbm>>
        %dma_wait3A_388 = arith.constant 0 : i32
        %dma_wait3A_389 = tpu.memref_slice %arg6[%dma_wait3A_383, %dma_wait3A_388] : memref<4x80xi32, #tpu.memory_space<vmem>> -> memref<1x80xi32, #tpu.memory_space<vmem>>
        %dma_wait3A_390 = tpu.memref_squeeze %dma_wait3A_389 : memref<1x80xi32, #tpu.memory_space<vmem>> -> memref<80xi32, #tpu.memory_space<vmem>>
        %dma_wait3A_391 = tpu.memref_slice %arg2[%mul3A_12] : memref<320000xi32, #tpu.memory_space<hbm>> -> memref<80xi32, #tpu.memory_space<hbm>>
        tpu.wait_dma2 semaphore(%arg11 : memref<!tpu.dma_semaphore, #tpu.memory_space<semaphore_mem>>) src(%dma_wait3A_391 : memref<80xi32, #tpu.memory_space<hbm>>) dst(%dma_wait3A_390 : memref<80xi32, #tpu.memory_space<vmem>>)
        %dma_wait3A_392 = arith.constant 0 : i32
        %dma_wait3A_393 = arith.constant 0 : i32
        %dma_wait3A_394 = tpu.memref_slice %arg7[%dma_wait3A_392, %dma_wait3A_393] : memref<4x80xi32, #tpu.memory_space<vmem>> -> memref<1x80xi32, #tpu.memory_space<vmem>>
        %dma_wait3A_395 = tpu.memref_squeeze %dma_wait3A_394 : memref<1x80xi32, #tpu.memory_space<vmem>> -> memref<80xi32, #tpu.memory_space<vmem>>
        %dma_wait3A_396 = tpu.memref_slice %arg3[%mul3A_12] : memref<320000xi32, #tpu.memory_space<hbm>> -> memref<80xi32, #tpu.memory_space<hbm>>
        %dma_wait3A_397 = arith.constant 0 : i32
        %dma_wait3A_398 = tpu.memref_slice %arg7[%dma_wait3A_392, %dma_wait3A_397] : memref<4x80xi32, #tpu.memory_space<vmem>> -> memref<1x80xi32, #tpu.memory_space<vmem>>
        %dma_wait3A_399 = tpu.memref_squeeze %dma_wait3A_398 : memref<1x80xi32, #tpu.memory_space<vmem>> -> memref<80xi32, #tpu.memory_space<vmem>>
        %dma_wait3A_400 = tpu.memref_slice %arg3[%mul3A_12] : memref<320000xi32, #tpu.memory_space<hbm>> -> memref<80xi32, #tpu.memory_space<hbm>>
        tpu.wait_dma2 semaphore(%arg11 : memref<!tpu.dma_semaphore, #tpu.memory_space<semaphore_mem>>) src(%dma_wait3A_400 : memref<80xi32, #tpu.memory_space<hbm>>) dst(%dma_wait3A_399 : memref<80xi32, #tpu.memory_space<vmem>>)
        %add3A_401 = arith.constant 2 : i32
        %add3A_402 = arith.addi %add3A_292, %add3A_401 : i32
        %dma_start3A_403 = arith.constant 0 : i32
        %dma_start3A_404 = arith.constant 0 : i32
        %dma_start3A_405 = arith.constant 0 : i32
        %dma_start3A_406 = arith.constant 0 : i32
        %dma_start3A_407 = tpu.memref_slice %arg8[%dma_start3A_404, %dma_start3A_405, %dma_start3A_406] : memref<4x80x128xf32, #tpu.memory_space<vmem>> -> memref<1x80x128xf32, #tpu.memory_space<vmem>>
        %dma_start3A_408 = tpu.memref_squeeze %dma_start3A_407 : memref<1x80x128xf32, #tpu.memory_space<vmem>> -> memref<80x128xf32, #tpu.memory_space<vmem>>
        %dma_start3A_409 = arith.constant 0 : i32
        %dma_start3A_410 = tpu.memref_slice %arg6[%dma_start3A_403, %dma_start3A_409] : memref<4x80xi32, #tpu.memory_space<vmem>> -> memref<1x80xi32, #tpu.memory_space<vmem>>
        %dma_start3A_411 = tpu.memref_squeeze %dma_start3A_410 : memref<1x80xi32, #tpu.memory_space<vmem>> -> memref<80xi32, #tpu.memory_space<vmem>>
        %dma_start3A_412 = arith.constant 0 : i32
        %dma_start3A_413 = arith.constant 0 : i32
        %dma_start3A_414 = tpu.memref_slice %arg4[%dma_start3A_412, %dma_start3A_413] : memref<10000x128xf32, #tpu.memory_space<hbm>> -> memref<10000x128xf32, #tpu.memory_space<hbm>>
        tpu.enqueue_indirect_dma source(%dma_start3A_414 : memref<10000x128xf32, #tpu.memory_space<hbm>>) target(%dma_start3A_408 : memref<80x128xf32, #tpu.memory_space<vmem>>) offsets(%dma_start3A_411 : memref<80xi32, #tpu.memory_space<vmem>>) semaphore(%arg15 : memref<!tpu.dma_semaphore, #tpu.memory_space<semaphore_mem>>)
      } else {
      }
      %add3A_329 = arith.constant 3 : i32
      %add3A_330 = arith.addi %add3A_292, %add3A_329 : i32
      %lt3A_331 = arith.constant 125 : i32
      %lt3A_332 = arith.cmpi slt, %add3A_330, %lt3A_331 : i32
      %convert_element_type3A_333 = arith.extui %lt3A_332 : i1 to i32
      %cond3A_334 = arith.constant 0 : i32
      %cond3A_335 = arith.cmpi ne, %convert_element_type3A_333, %cond3A_334 : i32
      scf.if %cond3A_335 {
        %add3A_383 = arith.constant 3 : i32
        %add3A_384 = arith.addi %add3A_292, %add3A_383 : i32
        %mul3A_385 = arith.constant 80 : i32
        %mul3A_386 = arith.muli %add3A_384, %mul3A_385 : i32
        %add3A_387 = arith.addi %mul3A_12, %mul3A_386 : i32
        %dma_start3A_388 = arith.constant 1 : i32
        %dma_start3A_389 = arith.constant 0 : i32
        %dma_start3A_390 = tpu.memref_slice %arg6[%dma_start3A_388, %dma_start3A_389] : memref<4x80xi32, #tpu.memory_space<vmem>> -> memref<1x80xi32, #tpu.memory_space<vmem>>
        %dma_start3A_391 = tpu.memref_squeeze %dma_start3A_390 : memref<1x80xi32, #tpu.memory_space<vmem>> -> memref<80xi32, #tpu.memory_space<vmem>>
        %dma_start3A_392 = tpu.memref_slice %arg2[%add3A_387] : memref<320000xi32, #tpu.memory_space<hbm>> -> memref<80xi32, #tpu.memory_space<hbm>>
        %dma_start3A_393 = arith.constant 0 : i32
        %dma_start3A_394 = tpu.memref_slice %arg6[%dma_start3A_388, %dma_start3A_393] : memref<4x80xi32, #tpu.memory_space<vmem>> -> memref<1x80xi32, #tpu.memory_space<vmem>>
        %dma_start3A_395 = tpu.memref_squeeze %dma_start3A_394 : memref<1x80xi32, #tpu.memory_space<vmem>> -> memref<80xi32, #tpu.memory_space<vmem>>
        %dma_start3A_396 = tpu.memref_slice %arg2[%add3A_387] : memref<320000xi32, #tpu.memory_space<hbm>> -> memref<80xi32, #tpu.memory_space<hbm>>
        tpu.enqueue_dma source(%dma_start3A_396 : memref<80xi32, #tpu.memory_space<hbm>>) target(%dma_start3A_395 : memref<80xi32, #tpu.memory_space<vmem>>) target_semaphore(%arg12 : memref<!tpu.dma_semaphore, #tpu.memory_space<semaphore_mem>>)
        %dma_start3A_397 = arith.constant 1 : i32
        %dma_start3A_398 = arith.constant 0 : i32
        %dma_start3A_399 = tpu.memref_slice %arg7[%dma_start3A_397, %dma_start3A_398] : memref<4x80xi32, #tpu.memory_space<vmem>> -> memref<1x80xi32, #tpu.memory_space<vmem>>
        %dma_start3A_400 = tpu.memref_squeeze %dma_start3A_399 : memref<1x80xi32, #tpu.memory_space<vmem>> -> memref<80xi32, #tpu.memory_space<vmem>>
        %dma_start3A_401 = tpu.memref_slice %arg3[%add3A_387] : memref<320000xi32, #tpu.memory_space<hbm>> -> memref<80xi32, #tpu.memory_space<hbm>>
        %dma_start3A_402 = arith.constant 0 : i32
        %dma_start3A_403 = tpu.memref_slice %arg7[%dma_start3A_397, %dma_start3A_402] : memref<4x80xi32, #tpu.memory_space<vmem>> -> memref<1x80xi32, #tpu.memory_space<vmem>>
        %dma_start3A_404 = tpu.memref_squeeze %dma_start3A_403 : memref<1x80xi32, #tpu.memory_space<vmem>> -> memref<80xi32, #tpu.memory_space<vmem>>
        %dma_start3A_405 = tpu.memref_slice %arg3[%add3A_387] : memref<320000xi32, #tpu.memory_space<hbm>> -> memref<80xi32, #tpu.memory_space<hbm>>
        tpu.enqueue_dma source(%dma_start3A_405 : memref<80xi32, #tpu.memory_space<hbm>>) target(%dma_start3A_404 : memref<80xi32, #tpu.memory_space<vmem>>) target_semaphore(%arg12 : memref<!tpu.dma_semaphore, #tpu.memory_space<semaphore_mem>>)
      } else {
      }
      %mul3A_336 = arith.constant 4 : i32
      %mul3A_337 = arith.muli %scan3A_195, %mul3A_336 : i32
      %add3A_338 = arith.constant 3 : i32
      %add3A_339 = arith.addi %mul3A_337, %add3A_338 : i32
      %dma_wait3A_340 = arith.constant 3 : i32
      %dma_wait3A_341 = arith.constant 3 : i32
      %dma_wait3A_342 = arith.constant 0 : i32
      %dma_wait3A_343 = arith.constant 0 : i32
      %dma_wait3A_344 = tpu.memref_slice %arg8[%dma_wait3A_341, %dma_wait3A_342, %dma_wait3A_343] : memref<4x80x128xf32, #tpu.memory_space<vmem>> -> memref<1x80x128xf32, #tpu.memory_space<vmem>>
      %dma_wait3A_345 = tpu.memref_squeeze %dma_wait3A_344 : memref<1x80x128xf32, #tpu.memory_space<vmem>> -> memref<80x128xf32, #tpu.memory_space<vmem>>
      %dma_wait3A_346 = arith.constant 0 : i32
      %dma_wait3A_347 = tpu.memref_slice %arg6[%dma_wait3A_340, %dma_wait3A_346] : memref<4x80xi32, #tpu.memory_space<vmem>> -> memref<1x80xi32, #tpu.memory_space<vmem>>
      %dma_wait3A_348 = tpu.memref_squeeze %dma_wait3A_347 : memref<1x80xi32, #tpu.memory_space<vmem>> -> memref<80xi32, #tpu.memory_space<vmem>>
      %dma_wait3A_349 = arith.constant 0 : i32
      %dma_wait3A_350 = arith.constant 0 : i32
      %dma_wait3A_351 = tpu.memref_slice %arg4[%dma_wait3A_349, %dma_wait3A_350] : memref<10000x128xf32, #tpu.memory_space<hbm>> -> memref<10000x128xf32, #tpu.memory_space<hbm>>
      tpu.wait_indirect_dma semaphore(%arg18 : memref<!tpu.dma_semaphore, #tpu.memory_space<semaphore_mem>>) src(%dma_wait3A_351 : memref<10000x128xf32, #tpu.memory_space<hbm>>) dst(%dma_wait3A_345 : memref<80x128xf32, #tpu.memory_space<vmem>>)
      %ge3A_352 = arith.constant 1 : i32
      %ge3A_353 = arith.cmpi sge, %add3A_339, %ge3A_352 : i32
      %convert_element_type3A_354 = arith.extui %ge3A_353 : i1 to i32
      %cond3A_355 = arith.constant 0 : i32
      %cond3A_356 = arith.cmpi ne, %convert_element_type3A_354, %cond3A_355 : i32
      scf.if %cond3A_356 {
        %dma_wait3A_383 = arith.constant 2 : i32
        %dma_wait3A_384 = arith.constant 2 : i32
        %dma_wait3A_385 = arith.constant 0 : i32
        %dma_wait3A_386 = arith.constant 0 : i32
        %dma_wait3A_387 = tpu.memref_slice %arg8[%dma_wait3A_383, %dma_wait3A_385, %dma_wait3A_386] : memref<4x80x128xf32, #tpu.memory_space<vmem>> -> memref<1x80x128xf32, #tpu.memory_space<vmem>>
        %dma_wait3A_388 = tpu.memref_squeeze %dma_wait3A_387 : memref<1x80x128xf32, #tpu.memory_space<vmem>> -> memref<80x128xf32, #tpu.memory_space<vmem>>
        %dma_wait3A_389 = arith.constant 0 : i32
        %dma_wait3A_390 = tpu.memref_slice %arg7[%dma_wait3A_384, %dma_wait3A_389] : memref<4x80xi32, #tpu.memory_space<vmem>> -> memref<1x80xi32, #tpu.memory_space<vmem>>
        %dma_wait3A_391 = tpu.memref_squeeze %dma_wait3A_390 : memref<1x80xi32, #tpu.memory_space<vmem>> -> memref<80xi32, #tpu.memory_space<vmem>>
        %dma_wait3A_392 = arith.constant 0 : i32
        %dma_wait3A_393 = arith.constant 0 : i32
        %dma_wait3A_394 = tpu.memref_slice %arg10[%dma_wait3A_392, %dma_wait3A_393] : memref<10000x128xf32, #tpu.memory_space<vmem_shared>> -> memref<10000x128xf32, #tpu.memory_space<vmem_shared>>
        tpu.wait_indirect_dma semaphore(%arg21 : memref<!tpu.dma_semaphore, #tpu.memory_space<semaphore_mem>>) src(%dma_wait3A_388 : memref<80x128xf32, #tpu.memory_space<vmem>>) dst(%dma_wait3A_394 : memref<10000x128xf32, #tpu.memory_space<vmem_shared>>)
      } else {
      }
      %dma_start3A_357 = arith.constant 3 : i32
      %dma_start3A_358 = arith.constant 3 : i32
      %dma_start3A_359 = arith.constant 0 : i32
      %dma_start3A_360 = arith.constant 0 : i32
      %dma_start3A_361 = tpu.memref_slice %arg8[%dma_start3A_357, %dma_start3A_359, %dma_start3A_360] : memref<4x80x128xf32, #tpu.memory_space<vmem>> -> memref<1x80x128xf32, #tpu.memory_space<vmem>>
      %dma_start3A_362 = tpu.memref_squeeze %dma_start3A_361 : memref<1x80x128xf32, #tpu.memory_space<vmem>> -> memref<80x128xf32, #tpu.memory_space<vmem>>
      %dma_start3A_363 = arith.constant 0 : i32
      %dma_start3A_364 = tpu.memref_slice %arg7[%dma_start3A_358, %dma_start3A_363] : memref<4x80xi32, #tpu.memory_space<vmem>> -> memref<1x80xi32, #tpu.memory_space<vmem>>
      %dma_start3A_365 = tpu.memref_squeeze %dma_start3A_364 : memref<1x80xi32, #tpu.memory_space<vmem>> -> memref<80xi32, #tpu.memory_space<vmem>>
      %dma_start3A_366 = arith.constant 0 : i32
      %dma_start3A_367 = arith.constant 0 : i32
      %dma_start3A_368 = tpu.memref_slice %arg10[%dma_start3A_366, %dma_start3A_367] : memref<10000x128xf32, #tpu.memory_space<vmem_shared>> -> memref<10000x128xf32, #tpu.memory_space<vmem_shared>>
      tpu.enqueue_indirect_dma source(%dma_start3A_362 : memref<80x128xf32, #tpu.memory_space<vmem>>) target(%dma_start3A_368 : memref<10000x128xf32, #tpu.memory_space<vmem_shared>>) offsets(%dma_start3A_365 : memref<80xi32, #tpu.memory_space<vmem>>) semaphore(%arg22 : memref<!tpu.dma_semaphore, #tpu.memory_space<semaphore_mem>>) {add = true}
      %add3A_369 = arith.constant 2 : i32
      %add3A_370 = arith.addi %add3A_339, %add3A_369 : i32
      %lt3A_371 = arith.constant 125 : i32
      %lt3A_372 = arith.cmpi slt, %add3A_370, %lt3A_371 : i32
      %convert_element_type3A_373 = arith.extui %lt3A_372 : i1 to i32
      %cond3A_374 = arith.constant 0 : i32
      %cond3A_375 = arith.cmpi ne, %convert_element_type3A_373, %cond3A_374 : i32
      scf.if %cond3A_375 {
        %dma_wait3A_383 = arith.constant 1 : i32
        %dma_wait3A_384 = arith.constant 0 : i32
        %dma_wait3A_385 = tpu.memref_slice %arg6[%dma_wait3A_383, %dma_wait3A_384] : memref<4x80xi32, #tpu.memory_space<vmem>> -> memref<1x80xi32, #tpu.memory_space<vmem>>
        %dma_wait3A_386 = tpu.memref_squeeze %dma_wait3A_385 : memref<1x80xi32, #tpu.memory_space<vmem>> -> memref<80xi32, #tpu.memory_space<vmem>>
        %dma_wait3A_387 = tpu.memref_slice %arg2[%mul3A_12] : memref<320000xi32, #tpu.memory_space<hbm>> -> memref<80xi32, #tpu.memory_space<hbm>>
        %dma_wait3A_388 = arith.constant 0 : i32
        %dma_wait3A_389 = tpu.memref_slice %arg6[%dma_wait3A_383, %dma_wait3A_388] : memref<4x80xi32, #tpu.memory_space<vmem>> -> memref<1x80xi32, #tpu.memory_space<vmem>>
        %dma_wait3A_390 = tpu.memref_squeeze %dma_wait3A_389 : memref<1x80xi32, #tpu.memory_space<vmem>> -> memref<80xi32, #tpu.memory_space<vmem>>
        %dma_wait3A_391 = tpu.memref_slice %arg2[%mul3A_12] : memref<320000xi32, #tpu.memory_space<hbm>> -> memref<80xi32, #tpu.memory_space<hbm>>
        tpu.wait_dma2 semaphore(%arg12 : memref<!tpu.dma_semaphore, #tpu.memory_space<semaphore_mem>>) src(%dma_wait3A_391 : memref<80xi32, #tpu.memory_space<hbm>>) dst(%dma_wait3A_390 : memref<80xi32, #tpu.memory_space<vmem>>)
        %dma_wait3A_392 = arith.constant 1 : i32
        %dma_wait3A_393 = arith.constant 0 : i32
        %dma_wait3A_394 = tpu.memref_slice %arg7[%dma_wait3A_392, %dma_wait3A_393] : memref<4x80xi32, #tpu.memory_space<vmem>> -> memref<1x80xi32, #tpu.memory_space<vmem>>
        %dma_wait3A_395 = tpu.memref_squeeze %dma_wait3A_394 : memref<1x80xi32, #tpu.memory_space<vmem>> -> memref<80xi32, #tpu.memory_space<vmem>>
        %dma_wait3A_396 = tpu.memref_slice %arg3[%mul3A_12] : memref<320000xi32, #tpu.memory_space<hbm>> -> memref<80xi32, #tpu.memory_space<hbm>>
        %dma_wait3A_397 = arith.constant 0 : i32
        %dma_wait3A_398 = tpu.memref_slice %arg7[%dma_wait3A_392, %dma_wait3A_397] : memref<4x80xi32, #tpu.memory_space<vmem>> -> memref<1x80xi32, #tpu.memory_space<vmem>>
        %dma_wait3A_399 = tpu.memref_squeeze %dma_wait3A_398 : memref<1x80xi32, #tpu.memory_space<vmem>> -> memref<80xi32, #tpu.memory_space<vmem>>
        %dma_wait3A_400 = tpu.memref_slice %arg3[%mul3A_12] : memref<320000xi32, #tpu.memory_space<hbm>> -> memref<80xi32, #tpu.memory_space<hbm>>
        tpu.wait_dma2 semaphore(%arg12 : memref<!tpu.dma_semaphore, #tpu.memory_space<semaphore_mem>>) src(%dma_wait3A_400 : memref<80xi32, #tpu.memory_space<hbm>>) dst(%dma_wait3A_399 : memref<80xi32, #tpu.memory_space<vmem>>)
        %add3A_401 = arith.constant 2 : i32
        %add3A_402 = arith.addi %add3A_339, %add3A_401 : i32
        %dma_start3A_403 = arith.constant 1 : i32
        %dma_start3A_404 = arith.constant 1 : i32
        %dma_start3A_405 = arith.constant 0 : i32
        %dma_start3A_406 = arith.constant 0 : i32
        %dma_start3A_407 = tpu.memref_slice %arg8[%dma_start3A_404, %dma_start3A_405, %dma_start3A_406] : memref<4x80x128xf32, #tpu.memory_space<vmem>> -> memref<1x80x128xf32, #tpu.memory_space<vmem>>
        %dma_start3A_408 = tpu.memref_squeeze %dma_start3A_407 : memref<1x80x128xf32, #tpu.memory_space<vmem>> -> memref<80x128xf32, #tpu.memory_space<vmem>>
        %dma_start3A_409 = arith.constant 0 : i32
        %dma_start3A_410 = tpu.memref_slice %arg6[%dma_start3A_403, %dma_start3A_409] : memref<4x80xi32, #tpu.memory_space<vmem>> -> memref<1x80xi32, #tpu.memory_space<vmem>>
        %dma_start3A_411 = tpu.memref_squeeze %dma_start3A_410 : memref<1x80xi32, #tpu.memory_space<vmem>> -> memref<80xi32, #tpu.memory_space<vmem>>
        %dma_start3A_412 = arith.constant 0 : i32
        %dma_start3A_413 = arith.constant 0 : i32
        %dma_start3A_414 = tpu.memref_slice %arg4[%dma_start3A_412, %dma_start3A_413] : memref<10000x128xf32, #tpu.memory_space<hbm>> -> memref<10000x128xf32, #tpu.memory_space<hbm>>
        tpu.enqueue_indirect_dma source(%dma_start3A_414 : memref<10000x128xf32, #tpu.memory_space<hbm>>) target(%dma_start3A_408 : memref<80x128xf32, #tpu.memory_space<vmem>>) offsets(%dma_start3A_411 : memref<80xi32, #tpu.memory_space<vmem>>) semaphore(%arg16 : memref<!tpu.dma_semaphore, #tpu.memory_space<semaphore_mem>>)
      } else {
      }
      %add3A_376 = arith.constant 3 : i32
      %add3A_377 = arith.addi %add3A_339, %add3A_376 : i32
      %lt3A_378 = arith.constant 125 : i32
      %lt3A_379 = arith.cmpi slt, %add3A_377, %lt3A_378 : i32
      %convert_element_type3A_380 = arith.extui %lt3A_379 : i1 to i32
      %cond3A_381 = arith.constant 0 : i32
      %cond3A_382 = arith.cmpi ne, %convert_element_type3A_380, %cond3A_381 : i32
      scf.if %cond3A_382 {
        %add3A_383 = arith.constant 3 : i32
        %add3A_384 = arith.addi %add3A_339, %add3A_383 : i32
        %mul3A_385 = arith.constant 80 : i32
        %mul3A_386 = arith.muli %add3A_384, %mul3A_385 : i32
        %add3A_387 = arith.addi %mul3A_12, %mul3A_386 : i32
        %dma_start3A_388 = arith.constant 2 : i32
        %dma_start3A_389 = arith.constant 0 : i32
        %dma_start3A_390 = tpu.memref_slice %arg6[%dma_start3A_388, %dma_start3A_389] : memref<4x80xi32, #tpu.memory_space<vmem>> -> memref<1x80xi32, #tpu.memory_space<vmem>>
        %dma_start3A_391 = tpu.memref_squeeze %dma_start3A_390 : memref<1x80xi32, #tpu.memory_space<vmem>> -> memref<80xi32, #tpu.memory_space<vmem>>
        %dma_start3A_392 = tpu.memref_slice %arg2[%add3A_387] : memref<320000xi32, #tpu.memory_space<hbm>> -> memref<80xi32, #tpu.memory_space<hbm>>
        %dma_start3A_393 = arith.constant 0 : i32
        %dma_start3A_394 = tpu.memref_slice %arg6[%dma_start3A_388, %dma_start3A_393] : memref<4x80xi32, #tpu.memory_space<vmem>> -> memref<1x80xi32, #tpu.memory_space<vmem>>
        %dma_start3A_395 = tpu.memref_squeeze %dma_start3A_394 : memref<1x80xi32, #tpu.memory_space<vmem>> -> memref<80xi32, #tpu.memory_space<vmem>>
        %dma_start3A_396 = tpu.memref_slice %arg2[%add3A_387] : memref<320000xi32, #tpu.memory_space<hbm>> -> memref<80xi32, #tpu.memory_space<hbm>>
        tpu.enqueue_dma source(%dma_start3A_396 : memref<80xi32, #tpu.memory_space<hbm>>) target(%dma_start3A_395 : memref<80xi32, #tpu.memory_space<vmem>>) target_semaphore(%arg13 : memref<!tpu.dma_semaphore, #tpu.memory_space<semaphore_mem>>)
        %dma_start3A_397 = arith.constant 2 : i32
        %dma_start3A_398 = arith.constant 0 : i32
        %dma_start3A_399 = tpu.memref_slice %arg7[%dma_start3A_397, %dma_start3A_398] : memref<4x80xi32, #tpu.memory_space<vmem>> -> memref<1x80xi32, #tpu.memory_space<vmem>>
        %dma_start3A_400 = tpu.memref_squeeze %dma_start3A_399 : memref<1x80xi32, #tpu.memory_space<vmem>> -> memref<80xi32, #tpu.memory_space<vmem>>
        %dma_start3A_401 = tpu.memref_slice %arg3[%add3A_387] : memref<320000xi32, #tpu.memory_space<hbm>> -> memref<80xi32, #tpu.memory_space<hbm>>
        %dma_start3A_402 = arith.constant 0 : i32
        %dma_start3A_403 = tpu.memref_slice %arg7[%dma_start3A_397, %dma_start3A_402] : memref<4x80xi32, #tpu.memory_space<vmem>> -> memref<1x80xi32, #tpu.memory_space<vmem>>
        %dma_start3A_404 = tpu.memref_squeeze %dma_start3A_403 : memref<1x80xi32, #tpu.memory_space<vmem>> -> memref<80xi32, #tpu.memory_space<vmem>>
        %dma_start3A_405 = tpu.memref_slice %arg3[%add3A_387] : memref<320000xi32, #tpu.memory_space<hbm>> -> memref<80xi32, #tpu.memory_space<hbm>>
        tpu.enqueue_dma source(%dma_start3A_405 : memref<80xi32, #tpu.memory_space<hbm>>) target(%dma_start3A_404 : memref<80xi32, #tpu.memory_space<vmem>>) target_semaphore(%arg13 : memref<!tpu.dma_semaphore, #tpu.memory_space<semaphore_mem>>)
      } else {
      }
    }
    %scan3A_136 = arith.constant 31 : i32
    %dma_wait3A_137 = arith.constant 0 : i32
    %dma_wait3A_138 = arith.constant 0 : i32
    %dma_wait3A_139 = arith.constant 0 : i32
    %dma_wait3A_140 = arith.constant 0 : i32
    %dma_wait3A_141 = tpu.memref_slice %arg8[%dma_wait3A_138, %dma_wait3A_139, %dma_wait3A_140] : memref<4x80x128xf32, #tpu.memory_space<vmem>> -> memref<1x80x128xf32, #tpu.memory_space<vmem>>
    %dma_wait3A_142 = tpu.memref_squeeze %dma_wait3A_141 : memref<1x80x128xf32, #tpu.memory_space<vmem>> -> memref<80x128xf32, #tpu.memory_space<vmem>>
    %dma_wait3A_143 = arith.constant 0 : i32
    %dma_wait3A_144 = tpu.memref_slice %arg6[%dma_wait3A_137, %dma_wait3A_143] : memref<4x80xi32, #tpu.memory_space<vmem>> -> memref<1x80xi32, #tpu.memory_space<vmem>>
    %dma_wait3A_145 = tpu.memref_squeeze %dma_wait3A_144 : memref<1x80xi32, #tpu.memory_space<vmem>> -> memref<80xi32, #tpu.memory_space<vmem>>
    %dma_wait3A_146 = arith.constant 0 : i32
    %dma_wait3A_147 = arith.constant 0 : i32
    %dma_wait3A_148 = tpu.memref_slice %arg4[%dma_wait3A_146, %dma_wait3A_147] : memref<10000x128xf32, #tpu.memory_space<hbm>> -> memref<10000x128xf32, #tpu.memory_space<hbm>>
    tpu.wait_indirect_dma semaphore(%arg15 : memref<!tpu.dma_semaphore, #tpu.memory_space<semaphore_mem>>) src(%dma_wait3A_148 : memref<10000x128xf32, #tpu.memory_space<hbm>>) dst(%dma_wait3A_142 : memref<80x128xf32, #tpu.memory_space<vmem>>)
    %dma_wait3A_149 = arith.constant 3 : i32
    %dma_wait3A_150 = arith.constant 3 : i32
    %dma_wait3A_151 = arith.constant 0 : i32
    %dma_wait3A_152 = arith.constant 0 : i32
    %dma_wait3A_153 = tpu.memref_slice %arg8[%dma_wait3A_149, %dma_wait3A_151, %dma_wait3A_152] : memref<4x80x128xf32, #tpu.memory_space<vmem>> -> memref<1x80x128xf32, #tpu.memory_space<vmem>>
    %dma_wait3A_154 = tpu.memref_squeeze %dma_wait3A_153 : memref<1x80x128xf32, #tpu.memory_space<vmem>> -> memref<80x128xf32, #tpu.memory_space<vmem>>
    %dma_wait3A_155 = arith.constant 0 : i32
    %dma_wait3A_156 = tpu.memref_slice %arg7[%dma_wait3A_150, %dma_wait3A_155] : memref<4x80xi32, #tpu.memory_space<vmem>> -> memref<1x80xi32, #tpu.memory_space<vmem>>
    %dma_wait3A_157 = tpu.memref_squeeze %dma_wait3A_156 : memref<1x80xi32, #tpu.memory_space<vmem>> -> memref<80xi32, #tpu.memory_space<vmem>>
    %dma_wait3A_158 = arith.constant 0 : i32
    %dma_wait3A_159 = arith.constant 0 : i32
    %dma_wait3A_160 = tpu.memref_slice %arg10[%dma_wait3A_158, %dma_wait3A_159] : memref<10000x128xf32, #tpu.memory_space<vmem_shared>> -> memref<10000x128xf32, #tpu.memory_space<vmem_shared>>
    tpu.wait_indirect_dma semaphore(%arg22 : memref<!tpu.dma_semaphore, #tpu.memory_space<semaphore_mem>>) src(%dma_wait3A_154 : memref<80x128xf32, #tpu.memory_space<vmem>>) dst(%dma_wait3A_160 : memref<10000x128xf32, #tpu.memory_space<vmem_shared>>)
    %dma_start3A_161 = arith.constant 0 : i32
    %dma_start3A_162 = arith.constant 0 : i32
    %dma_start3A_163 = arith.constant 0 : i32
    %dma_start3A_164 = arith.constant 0 : i32
    %dma_start3A_165 = tpu.memref_slice %arg8[%dma_start3A_161, %dma_start3A_163, %dma_start3A_164] : memref<4x80x128xf32, #tpu.memory_space<vmem>> -> memref<1x80x128xf32, #tpu.memory_space<vmem>>
    %dma_start3A_166 = tpu.memref_squeeze %dma_start3A_165 : memref<1x80x128xf32, #tpu.memory_space<vmem>> -> memref<80x128xf32, #tpu.memory_space<vmem>>
    %dma_start3A_167 = arith.constant 0 : i32
    %dma_start3A_168 = tpu.memref_slice %arg7[%dma_start3A_162, %dma_start3A_167] : memref<4x80xi32, #tpu.memory_space<vmem>> -> memref<1x80xi32, #tpu.memory_space<vmem>>
    %dma_start3A_169 = tpu.memref_squeeze %dma_start3A_168 : memref<1x80xi32, #tpu.memory_space<vmem>> -> memref<80xi32, #tpu.memory_space<vmem>>
    %dma_start3A_170 = arith.constant 0 : i32
    %dma_start3A_171 = arith.constant 0 : i32
    %dma_start3A_172 = tpu.memref_slice %arg10[%dma_start3A_170, %dma_start3A_171] : memref<10000x128xf32, #tpu.memory_space<vmem_shared>> -> memref<10000x128xf32, #tpu.memory_space<vmem_shared>>
    tpu.enqueue_indirect_dma source(%dma_start3A_166 : memref<80x128xf32, #tpu.memory_space<vmem>>) target(%dma_start3A_172 : memref<10000x128xf32, #tpu.memory_space<vmem_shared>>) offsets(%dma_start3A_169 : memref<80xi32, #tpu.memory_space<vmem>>) semaphore(%arg19 : memref<!tpu.dma_semaphore, #tpu.memory_space<semaphore_mem>>) {add = true}
    %dma_wait3A_173 = arith.constant 0 : i32
    %dma_wait3A_174 = arith.constant 0 : i32
    %dma_wait3A_175 = arith.constant 0 : i32
    %dma_wait3A_176 = arith.constant 0 : i32
    %dma_wait3A_177 = tpu.memref_slice %arg8[%dma_wait3A_173, %dma_wait3A_175, %dma_wait3A_176] : memref<4x80x128xf32, #tpu.memory_space<vmem>> -> memref<1x80x128xf32, #tpu.memory_space<vmem>>
    %dma_wait3A_178 = tpu.memref_squeeze %dma_wait3A_177 : memref<1x80x128xf32, #tpu.memory_space<vmem>> -> memref<80x128xf32, #tpu.memory_space<vmem>>
    %dma_wait3A_179 = arith.constant 0 : i32
    %dma_wait3A_180 = tpu.memref_slice %arg7[%dma_wait3A_174, %dma_wait3A_179] : memref<4x80xi32, #tpu.memory_space<vmem>> -> memref<1x80xi32, #tpu.memory_space<vmem>>
    %dma_wait3A_181 = tpu.memref_squeeze %dma_wait3A_180 : memref<1x80xi32, #tpu.memory_space<vmem>> -> memref<80xi32, #tpu.memory_space<vmem>>
    %dma_wait3A_182 = arith.constant 0 : i32
    %dma_wait3A_183 = arith.constant 0 : i32
    %dma_wait3A_184 = tpu.memref_slice %arg10[%dma_wait3A_182, %dma_wait3A_183] : memref<10000x128xf32, #tpu.memory_space<vmem_shared>> -> memref<10000x128xf32, #tpu.memory_space<vmem_shared>>
    tpu.wait_indirect_dma semaphore(%arg19 : memref<!tpu.dma_semaphore, #tpu.memory_space<semaphore_mem>>) src(%dma_wait3A_178 : memref<80x128xf32, #tpu.memory_space<vmem>>) dst(%dma_wait3A_184 : memref<10000x128xf32, #tpu.memory_space<vmem_shared>>)
    %mul3A_185 = arith.constant 10000 : i32
    %mul3A_186 = arith.muli %arg0, %mul3A_185 : i32
    %barrier3A_187 = arith.constant 0 : index
    tpu.barrier barrier_id(%barrier3A_187)
    %mul3A_188 = arith.constant 1000 : i32
    %mul3A_189 = arith.muli %arg1, %mul3A_188 : i32
    %lt3A_190 = arith.constant 10 : i32
    %lt3A_191 = arith.cmpi slt, %arg1, %lt3A_190 : i32
    %convert_element_type3A_192 = arith.extui %lt3A_191 : i1 to i32
    %cond3A_193 = arith.constant 0 : i32
    %cond3A_194 = arith.cmpi ne, %convert_element_type3A_192, %cond3A_193 : i32
    scf.if %cond3A_194 {
      %add3A_195 = arith.addi %mul3A_186, %mul3A_189 : i32
      "tpu.region"() ({
        %run_scoped3A = tpu.sem_alloc : memref<!tpu.dma_semaphore, #tpu.memory_space<semaphore_mem>>
        %dma_start3A_196 = arith.constant 0 : i32
        %dma_start3A_197 = tpu.memref_slice %arg5[%add3A_195, %dma_start3A_196] : memref<20000x128xf32, #tpu.memory_space<hbm>> -> memref<1000x128xf32, #tpu.memory_space<hbm>>
        %dma_start3A_198 = arith.constant 0 : i32
        %dma_start3A_199 = tpu.memref_slice %arg10[%mul3A_189, %dma_start3A_198] : memref<10000x128xf32, #tpu.memory_space<vmem_shared>> -> memref<1000x128xf32, #tpu.memory_space<vmem_shared>>
        tpu.enqueue_dma source(%dma_start3A_199 : memref<1000x128xf32, #tpu.memory_space<vmem_shared>>) target(%dma_start3A_197 : memref<1000x128xf32, #tpu.memory_space<hbm>>) target_semaphore(%run_scoped3A : memref<!tpu.dma_semaphore, #tpu.memory_space<semaphore_mem>>)
        %dma_wait3A_200 = arith.constant 0 : i32
        %dma_wait3A_201 = tpu.memref_slice %arg5[%add3A_195, %dma_wait3A_200] : memref<20000x128xf32, #tpu.memory_space<hbm>> -> memref<1000x128xf32, #tpu.memory_space<hbm>>
        %dma_wait3A_202 = arith.constant 0 : i32
        %dma_wait3A_203 = tpu.memref_slice %arg10[%mul3A_189, %dma_wait3A_202] : memref<10000x128xf32, #tpu.memory_space<vmem_shared>> -> memref<1000x128xf32, #tpu.memory_space<vmem_shared>>
        tpu.wait_dma2 semaphore(%run_scoped3A : memref<!tpu.dma_semaphore, #tpu.memory_space<semaphore_mem>>) src(%dma_wait3A_203 : memref<1000x128xf32, #tpu.memory_space<vmem_shared>>) dst(%dma_wait3A_201 : memref<1000x128xf32, #tpu.memory_space<hbm>>)
        tpu.yield
      }) : () -> ()
    } else {
    }
    return
  }
}

#map = affine_map<(d0, d1) -> (0)>
#map1 = affine_map<(d0, d1) -> (0, 0)>
module attributes {stable_mosaic.version = 14 : i64} {
  func.func @_sc_degree_body(%arg0: i32, %arg1: i32, %arg2: memref<320000xi32, #tpu.memory_space<hbm>>, %arg3: memref<20000x128xf32, #tpu.memory_space<hbm>>, %arg4: memref<4x80xi32, #tpu.memory_space<vmem>>, %arg5: memref<80x128xf32, #tpu.memory_space<vmem>>, %arg6: memref<40x128xf32, #tpu.memory_space<vmem>>, %arg7: memref<10000x128xf32, #tpu.memory_space<vmem_shared>>, %arg8: memref<!tpu.dma_semaphore, #tpu.memory_space<semaphore_mem>>, %arg9: memref<!tpu.dma_semaphore, #tpu.memory_space<semaphore_mem>>, %arg10: memref<!tpu.dma_semaphore, #tpu.memory_space<semaphore_mem>>, %arg11: memref<!tpu.dma_semaphore, #tpu.memory_space<semaphore_mem>>, %arg12: memref<!tpu.dma_semaphore, #tpu.memory_space<semaphore_mem>>, %arg13: memref<!tpu.dma_semaphore, #tpu.memory_space<semaphore_mem>>, %arg14: memref<!tpu.dma_semaphore, #tpu.memory_space<semaphore_mem>>, %arg15: memref<!tpu.dma_semaphore, #tpu.memory_space<semaphore_mem>>) attributes {dimension_semantics = [#tpu.dimension_semantics<core_parallel>, #tpu.dimension_semantics<subcore_parallel>], iteration_bounds = array<i64: 2, 16>, scalar_prefetch = 0 : i64, scratch_operands = 12 : i64, tpu.core_type = #tpu.core_type<sc_vector_subcore>, window_params = [{transform_indices = #map}, {transform_indices = #map1}]} {
    %broadcast_in_dim3A = arith.constant 1.000000e+00 : f32
    %broadcast_in_dim3A_0 = vector.broadcast %broadcast_in_dim3A : f32 to vector<16xf32>
    %scan3A = arith.constant 0 : i32
    %scan3A_1 = arith.constant 0 : i32
    %scan3A_2 = arith.constant 80 : i32
    %scan3A_3 = arith.addi %scan3A_1, %scan3A_2 : i32
    %scan3A_4 = arith.constant 1 : i32
    scf.for %scan3A_98 = %scan3A_1 to %scan3A_3 step %scan3A_4  : i32 {
      %swap3A = arith.index_cast %scan3A_98 : i32 to index
      %swap3A_99 = arith.constant 0 : index
      %swap3A_100 = tpu.vector_load %arg5[%swap3A, %swap3A_99] {strides = array<i32>} : memref<80x128xf32, #tpu.memory_space<vmem>>, vector<1x16xf32>,
      %swap3A_101 = vector.shape_cast %swap3A_100 : vector<1x16xf32> to vector<16xf32>
      %swap3A_102 = vector.shape_cast %broadcast_in_dim3A_0 : vector<16xf32> to vector<1x16xf32>
      tpu.vector_store %arg5[%swap3A, %swap3A_99], %swap3A_102 {strides = array<i32>} : memref<80x128xf32, #tpu.memory_space<vmem>>, vector<1x16xf32>,
      %swap3A_103 = arith.index_cast %scan3A_98 : i32 to index
      %swap3A_104 = arith.constant 16 : index
      %swap3A_105 = tpu.vector_load %arg5[%swap3A_103, %swap3A_104] {strides = array<i32>} : memref<80x128xf32, #tpu.memory_space<vmem>>, vector<1x16xf32>,
      %swap3A_106 = vector.shape_cast %swap3A_105 : vector<1x16xf32> to vector<16xf32>
      %swap3A_107 = vector.shape_cast %broadcast_in_dim3A_0 : vector<16xf32> to vector<1x16xf32>
      tpu.vector_store %arg5[%swap3A_103, %swap3A_104], %swap3A_107 {strides = array<i32>} : memref<80x128xf32, #tpu.memory_space<vmem>>, vector<1x16xf32>,
      %swap3A_108 = arith.index_cast %scan3A_98 : i32 to index
      %swap3A_109 = arith.constant 32 : index
      %swap3A_110 = tpu.vector_load %arg5[%swap3A_108, %swap3A_109] {strides = array<i32>} : memref<80x128xf32, #tpu.memory_space<vmem>>, vector<1x16xf32>,
      %swap3A_111 = vector.shape_cast %swap3A_110 : vector<1x16xf32> to vector<16xf32>
      %swap3A_112 = vector.shape_cast %broadcast_in_dim3A_0 : vector<16xf32> to vector<1x16xf32>
      tpu.vector_store %arg5[%swap3A_108, %swap3A_109], %swap3A_112 {strides = array<i32>} : memref<80x128xf32, #tpu.memory_space<vmem>>, vector<1x16xf32>,
      %swap3A_113 = arith.index_cast %scan3A_98 : i32 to index
      %swap3A_114 = arith.constant 48 : index
      %swap3A_115 = tpu.vector_load %arg5[%swap3A_113, %swap3A_114] {strides = array<i32>} : memref<80x128xf32, #tpu.memory_space<vmem>>, vector<1x16xf32>,
      %swap3A_116 = vector.shape_cast %swap3A_115 : vector<1x16xf32> to vector<16xf32>
      %swap3A_117 = vector.shape_cast %broadcast_in_dim3A_0 : vector<16xf32> to vector<1x16xf32>
      tpu.vector_store %arg5[%swap3A_113, %swap3A_114], %swap3A_117 {strides = array<i32>} : memref<80x128xf32, #tpu.memory_space<vmem>>, vector<1x16xf32>,
      %swap3A_118 = arith.index_cast %scan3A_98 : i32 to index
      %swap3A_119 = arith.constant 64 : index
      %swap3A_120 = tpu.vector_load %arg5[%swap3A_118, %swap3A_119] {strides = array<i32>} : memref<80x128xf32, #tpu.memory_space<vmem>>, vector<1x16xf32>,
      %swap3A_121 = vector.shape_cast %swap3A_120 : vector<1x16xf32> to vector<16xf32>
      %swap3A_122 = vector.shape_cast %broadcast_in_dim3A_0 : vector<16xf32> to vector<1x16xf32>
      tpu.vector_store %arg5[%swap3A_118, %swap3A_119], %swap3A_122 {strides = array<i32>} : memref<80x128xf32, #tpu.memory_space<vmem>>, vector<1x16xf32>,
      %swap3A_123 = arith.index_cast %scan3A_98 : i32 to index
      %swap3A_124 = arith.constant 80 : index
      %swap3A_125 = tpu.vector_load %arg5[%swap3A_123, %swap3A_124] {strides = array<i32>} : memref<80x128xf32, #tpu.memory_space<vmem>>, vector<1x16xf32>,
      %swap3A_126 = vector.shape_cast %swap3A_125 : vector<1x16xf32> to vector<16xf32>
      %swap3A_127 = vector.shape_cast %broadcast_in_dim3A_0 : vector<16xf32> to vector<1x16xf32>
      tpu.vector_store %arg5[%swap3A_123, %swap3A_124], %swap3A_127 {strides = array<i32>} : memref<80x128xf32, #tpu.memory_space<vmem>>, vector<1x16xf32>,
      %swap3A_128 = arith.index_cast %scan3A_98 : i32 to index
      %swap3A_129 = arith.constant 96 : index
      %swap3A_130 = tpu.vector_load %arg5[%swap3A_128, %swap3A_129] {strides = array<i32>} : memref<80x128xf32, #tpu.memory_space<vmem>>, vector<1x16xf32>,
      %swap3A_131 = vector.shape_cast %swap3A_130 : vector<1x16xf32> to vector<16xf32>
      %swap3A_132 = vector.shape_cast %broadcast_in_dim3A_0 : vector<16xf32> to vector<1x16xf32>
      tpu.vector_store %arg5[%swap3A_128, %swap3A_129], %swap3A_132 {strides = array<i32>} : memref<80x128xf32, #tpu.memory_space<vmem>>, vector<1x16xf32>,
      %swap3A_133 = arith.index_cast %scan3A_98 : i32 to index
      %swap3A_134 = arith.constant 112 : index
      %swap3A_135 = tpu.vector_load %arg5[%swap3A_133, %swap3A_134] {strides = array<i32>} : memref<80x128xf32, #tpu.memory_space<vmem>>, vector<1x16xf32>,
      %swap3A_136 = vector.shape_cast %swap3A_135 : vector<1x16xf32> to vector<16xf32>
      %swap3A_137 = vector.shape_cast %broadcast_in_dim3A_0 : vector<16xf32> to vector<1x16xf32>
      tpu.vector_store %arg5[%swap3A_133, %swap3A_134], %swap3A_137 {strides = array<i32>} : memref<80x128xf32, #tpu.memory_space<vmem>>, vector<1x16xf32>,
    }
    %scan3A_5 = arith.constant 80 : i32
    %broadcast_in_dim3A_6 = arith.constant 0.000000e+00 : f32
    %broadcast_in_dim3A_7 = vector.broadcast %broadcast_in_dim3A_6 : f32 to vector<16xf32>
    %scan3A_8 = arith.constant 0 : i32
    %scan3A_9 = arith.constant 0 : i32
    %scan3A_10 = arith.constant 40 : i32
    %scan3A_11 = arith.addi %scan3A_9, %scan3A_10 : i32
    %scan3A_12 = arith.constant 1 : i32
    scf.for %scan3A_98 = %scan3A_9 to %scan3A_11 step %scan3A_12  : i32 {
      %swap3A = arith.index_cast %scan3A_98 : i32 to index
      %swap3A_99 = arith.constant 0 : index
      %swap3A_100 = tpu.vector_load %arg6[%swap3A, %swap3A_99] {strides = array<i32>} : memref<40x128xf32, #tpu.memory_space<vmem>>, vector<1x16xf32>,
      %swap3A_101 = vector.shape_cast %swap3A_100 : vector<1x16xf32> to vector<16xf32>
      %swap3A_102 = vector.shape_cast %broadcast_in_dim3A_7 : vector<16xf32> to vector<1x16xf32>
      tpu.vector_store %arg6[%swap3A, %swap3A_99], %swap3A_102 {strides = array<i32>} : memref<40x128xf32, #tpu.memory_space<vmem>>, vector<1x16xf32>,
      %swap3A_103 = arith.index_cast %scan3A_98 : i32 to index
      %swap3A_104 = arith.constant 16 : index
      %swap3A_105 = tpu.vector_load %arg6[%swap3A_103, %swap3A_104] {strides = array<i32>} : memref<40x128xf32, #tpu.memory_space<vmem>>, vector<1x16xf32>,
      %swap3A_106 = vector.shape_cast %swap3A_105 : vector<1x16xf32> to vector<16xf32>
      %swap3A_107 = vector.shape_cast %broadcast_in_dim3A_7 : vector<16xf32> to vector<1x16xf32>
      tpu.vector_store %arg6[%swap3A_103, %swap3A_104], %swap3A_107 {strides = array<i32>} : memref<40x128xf32, #tpu.memory_space<vmem>>, vector<1x16xf32>,
      %swap3A_108 = arith.index_cast %scan3A_98 : i32 to index
      %swap3A_109 = arith.constant 32 : index
      %swap3A_110 = tpu.vector_load %arg6[%swap3A_108, %swap3A_109] {strides = array<i32>} : memref<40x128xf32, #tpu.memory_space<vmem>>, vector<1x16xf32>,
      %swap3A_111 = vector.shape_cast %swap3A_110 : vector<1x16xf32> to vector<16xf32>
      %swap3A_112 = vector.shape_cast %broadcast_in_dim3A_7 : vector<16xf32> to vector<1x16xf32>
      tpu.vector_store %arg6[%swap3A_108, %swap3A_109], %swap3A_112 {strides = array<i32>} : memref<40x128xf32, #tpu.memory_space<vmem>>, vector<1x16xf32>,
      %swap3A_113 = arith.index_cast %scan3A_98 : i32 to index
      %swap3A_114 = arith.constant 48 : index
      %swap3A_115 = tpu.vector_load %arg6[%swap3A_113, %swap3A_114] {strides = array<i32>} : memref<40x128xf32, #tpu.memory_space<vmem>>, vector<1x16xf32>,
      %swap3A_116 = vector.shape_cast %swap3A_115 : vector<1x16xf32> to vector<16xf32>
      %swap3A_117 = vector.shape_cast %broadcast_in_dim3A_7 : vector<16xf32> to vector<1x16xf32>
      tpu.vector_store %arg6[%swap3A_113, %swap3A_114], %swap3A_117 {strides = array<i32>} : memref<40x128xf32, #tpu.memory_space<vmem>>, vector<1x16xf32>,
      %swap3A_118 = arith.index_cast %scan3A_98 : i32 to index
      %swap3A_119 = arith.constant 64 : index
      %swap3A_120 = tpu.vector_load %arg6[%swap3A_118, %swap3A_119] {strides = array<i32>} : memref<40x128xf32, #tpu.memory_space<vmem>>, vector<1x16xf32>,
      %swap3A_121 = vector.shape_cast %swap3A_120 : vector<1x16xf32> to vector<16xf32>
      %swap3A_122 = vector.shape_cast %broadcast_in_dim3A_7 : vector<16xf32> to vector<1x16xf32>
      tpu.vector_store %arg6[%swap3A_118, %swap3A_119], %swap3A_122 {strides = array<i32>} : memref<40x128xf32, #tpu.memory_space<vmem>>, vector<1x16xf32>,
      %swap3A_123 = arith.index_cast %scan3A_98 : i32 to index
      %swap3A_124 = arith.constant 80 : index
      %swap3A_125 = tpu.vector_load %arg6[%swap3A_123, %swap3A_124] {strides = array<i32>} : memref<40x128xf32, #tpu.memory_space<vmem>>, vector<1x16xf32>,
      %swap3A_126 = vector.shape_cast %swap3A_125 : vector<1x16xf32> to vector<16xf32>
      %swap3A_127 = vector.shape_cast %broadcast_in_dim3A_7 : vector<16xf32> to vector<1x16xf32>
      tpu.vector_store %arg6[%swap3A_123, %swap3A_124], %swap3A_127 {strides = array<i32>} : memref<40x128xf32, #tpu.memory_space<vmem>>, vector<1x16xf32>,
      %swap3A_128 = arith.index_cast %scan3A_98 : i32 to index
      %swap3A_129 = arith.constant 96 : index
      %swap3A_130 = tpu.vector_load %arg6[%swap3A_128, %swap3A_129] {strides = array<i32>} : memref<40x128xf32, #tpu.memory_space<vmem>>, vector<1x16xf32>,
      %swap3A_131 = vector.shape_cast %swap3A_130 : vector<1x16xf32> to vector<16xf32>
      %swap3A_132 = vector.shape_cast %broadcast_in_dim3A_7 : vector<16xf32> to vector<1x16xf32>
      tpu.vector_store %arg6[%swap3A_128, %swap3A_129], %swap3A_132 {strides = array<i32>} : memref<40x128xf32, #tpu.memory_space<vmem>>, vector<1x16xf32>,
      %swap3A_133 = arith.index_cast %scan3A_98 : i32 to index
      %swap3A_134 = arith.constant 112 : index
      %swap3A_135 = tpu.vector_load %arg6[%swap3A_133, %swap3A_134] {strides = array<i32>} : memref<40x128xf32, #tpu.memory_space<vmem>>, vector<1x16xf32>,
      %swap3A_136 = vector.shape_cast %swap3A_135 : vector<1x16xf32> to vector<16xf32>
      %swap3A_137 = vector.shape_cast %broadcast_in_dim3A_7 : vector<16xf32> to vector<1x16xf32>
      tpu.vector_store %arg6[%swap3A_133, %swap3A_134], %swap3A_137 {strides = array<i32>} : memref<40x128xf32, #tpu.memory_space<vmem>>, vector<1x16xf32>,
    }
    %scan3A_13 = arith.constant 40 : i32
    %mul3A = arith.constant 1000 : i32
    %mul3A_14 = arith.muli %arg1, %mul3A : i32
    %lt3A = arith.constant 10 : i32
    %lt3A_15 = arith.cmpi slt, %arg1, %lt3A : i32
    %convert_element_type3A = arith.extui %lt3A_15 : i1 to i32
    %cond3A = arith.constant 0 : i32
    %cond3A_16 = arith.cmpi ne, %convert_element_type3A, %cond3A : i32
    scf.if %cond3A_16 {
      %add3A_98 = arith.constant 0 : i32
      %add3A_99 = arith.addi %mul3A_14, %add3A_98 : i32
      "tpu.region"() ({
        %run_scoped3A = tpu.sem_alloc : memref<!tpu.dma_semaphore, #tpu.memory_space<semaphore_mem>>
        %dma_start3A_148 = arith.constant 0 : i32
        %dma_start3A_149 = tpu.memref_slice %arg7[%add3A_99, %dma_start3A_148] : memref<10000x128xf32, #tpu.memory_space<vmem_shared>> -> memref<40x128xf32, #tpu.memory_space<vmem_shared>>
        %dma_start3A_150 = arith.constant 0 : i32
        %dma_start3A_151 = tpu.memref_slice %arg7[%add3A_99, %dma_start3A_150] : memref<10000x128xf32, #tpu.memory_space<vmem_shared>> -> memref<40x128xf32, #tpu.memory_space<vmem_shared>>
        tpu.enqueue_dma source(%arg6 : memref<40x128xf32, #tpu.memory_space<vmem>>) target(%dma_start3A_151 : memref<40x128xf32, #tpu.memory_space<vmem_shared>>) target_semaphore(%run_scoped3A : memref<!tpu.dma_semaphore, #tpu.memory_space<semaphore_mem>>)
        %dma_wait3A_152 = arith.constant 0 : i32
        %dma_wait3A_153 = tpu.memref_slice %arg7[%add3A_99, %dma_wait3A_152] : memref<10000x128xf32, #tpu.memory_space<vmem_shared>> -> memref<40x128xf32, #tpu.memory_space<vmem_shared>>
        %dma_wait3A_154 = arith.constant 0 : i32
        %dma_wait3A_155 = tpu.memref_slice %arg7[%add3A_99, %dma_wait3A_154] : memref<10000x128xf32, #tpu.memory_space<vmem_shared>> -> memref<40x128xf32, #tpu.memory_space<vmem_shared>>
        tpu.wait_dma2 semaphore(%run_scoped3A : memref<!tpu.dma_semaphore, #tpu.memory_space<semaphore_mem>>) src(%arg6 : memref<40x128xf32, #tpu.memory_space<vmem>>) dst(%dma_wait3A_155 : memref<40x128xf32, #tpu.memory_space<vmem_shared>>)
        tpu.yield
      }) : () -> ()
      %add3A_100 = arith.constant 40 : i32
      %add3A_101 = arith.addi %mul3A_14, %add3A_100 : i32
      "tpu.region"() ({
        %run_scoped3A = tpu.sem_alloc : memref<!tpu.dma_semaphore, #tpu.memory_space<semaphore_mem>>
        %dma_start3A_148 = arith.constant 0 : i32
        %dma_start3A_149 = tpu.memref_slice %arg7[%add3A_101, %dma_start3A_148] : memref<10000x128xf32, #tpu.memory_space<vmem_shared>> -> memref<40x128xf32, #tpu.memory_space<vmem_shared>>
        %dma_start3A_150 = arith.constant 0 : i32
        %dma_start3A_151 = tpu.memref_slice %arg7[%add3A_101, %dma_start3A_150] : memref<10000x128xf32, #tpu.memory_space<vmem_shared>> -> memref<40x128xf32, #tpu.memory_space<vmem_shared>>
        tpu.enqueue_dma source(%arg6 : memref<40x128xf32, #tpu.memory_space<vmem>>) target(%dma_start3A_151 : memref<40x128xf32, #tpu.memory_space<vmem_shared>>) target_semaphore(%run_scoped3A : memref<!tpu.dma_semaphore, #tpu.memory_space<semaphore_mem>>)
        %dma_wait3A_152 = arith.constant 0 : i32
        %dma_wait3A_153 = tpu.memref_slice %arg7[%add3A_101, %dma_wait3A_152] : memref<10000x128xf32, #tpu.memory_space<vmem_shared>> -> memref<40x128xf32, #tpu.memory_space<vmem_shared>>
        %dma_wait3A_154 = arith.constant 0 : i32
        %dma_wait3A_155 = tpu.memref_slice %arg7[%add3A_101, %dma_wait3A_154] : memref<10000x128xf32, #tpu.memory_space<vmem_shared>> -> memref<40x128xf32, #tpu.memory_space<vmem_shared>>
        tpu.wait_dma2 semaphore(%run_scoped3A : memref<!tpu.dma_semaphore, #tpu.memory_space<semaphore_mem>>) src(%arg6 : memref<40x128xf32, #tpu.memory_space<vmem>>) dst(%dma_wait3A_155 : memref<40x128xf32, #tpu.memory_space<vmem_shared>>)
        tpu.yield
      }) : () -> ()
      %add3A_102 = arith.constant 80 : i32
      %add3A_103 = arith.addi %mul3A_14, %add3A_102 : i32
      "tpu.region"() ({
        %run_scoped3A = tpu.sem_alloc : memref<!tpu.dma_semaphore, #tpu.memory_space<semaphore_mem>>
        %dma_start3A_148 = arith.constant 0 : i32
        %dma_start3A_149 = tpu.memref_slice %arg7[%add3A_103, %dma_start3A_148] : memref<10000x128xf32, #tpu.memory_space<vmem_shared>> -> memref<40x128xf32, #tpu.memory_space<vmem_shared>>
        %dma_start3A_150 = arith.constant 0 : i32
        %dma_start3A_151 = tpu.memref_slice %arg7[%add3A_103, %dma_start3A_150] : memref<10000x128xf32, #tpu.memory_space<vmem_shared>> -> memref<40x128xf32, #tpu.memory_space<vmem_shared>>
        tpu.enqueue_dma source(%arg6 : memref<40x128xf32, #tpu.memory_space<vmem>>) target(%dma_start3A_151 : memref<40x128xf32, #tpu.memory_space<vmem_shared>>) target_semaphore(%run_scoped3A : memref<!tpu.dma_semaphore, #tpu.memory_space<semaphore_mem>>)
        %dma_wait3A_152 = arith.constant 0 : i32
        %dma_wait3A_153 = tpu.memref_slice %arg7[%add3A_103, %dma_wait3A_152] : memref<10000x128xf32, #tpu.memory_space<vmem_shared>> -> memref<40x128xf32, #tpu.memory_space<vmem_shared>>
        %dma_wait3A_154 = arith.constant 0 : i32
        %dma_wait3A_155 = tpu.memref_slice %arg7[%add3A_103, %dma_wait3A_154] : memref<10000x128xf32, #tpu.memory_space<vmem_shared>> -> memref<40x128xf32, #tpu.memory_space<vmem_shared>>
        tpu.wait_dma2 semaphore(%run_scoped3A : memref<!tpu.dma_semaphore, #tpu.memory_space<semaphore_mem>>) src(%arg6 : memref<40x128xf32, #tpu.memory_space<vmem>>) dst(%dma_wait3A_155 : memref<40x128xf32, #tpu.memory_space<vmem_shared>>)
        tpu.yield
      }) : () -> ()
      %add3A_104 = arith.constant 120 : i32
      %add3A_105 = arith.addi %mul3A_14, %add3A_104 : i32
      "tpu.region"() ({
        %run_scoped3A = tpu.sem_alloc : memref<!tpu.dma_semaphore, #tpu.memory_space<semaphore_mem>>
        %dma_start3A_148 = arith.constant 0 : i32
        %dma_start3A_149 = tpu.memref_slice %arg7[%add3A_105, %dma_start3A_148] : memref<10000x128xf32, #tpu.memory_space<vmem_shared>> -> memref<40x128xf32, #tpu.memory_space<vmem_shared>>
        %dma_start3A_150 = arith.constant 0 : i32
        %dma_start3A_151 = tpu.memref_slice %arg7[%add3A_105, %dma_start3A_150] : memref<10000x128xf32, #tpu.memory_space<vmem_shared>> -> memref<40x128xf32, #tpu.memory_space<vmem_shared>>
        tpu.enqueue_dma source(%arg6 : memref<40x128xf32, #tpu.memory_space<vmem>>) target(%dma_start3A_151 : memref<40x128xf32, #tpu.memory_space<vmem_shared>>) target_semaphore(%run_scoped3A : memref<!tpu.dma_semaphore, #tpu.memory_space<semaphore_mem>>)
        %dma_wait3A_152 = arith.constant 0 : i32
        %dma_wait3A_153 = tpu.memref_slice %arg7[%add3A_105, %dma_wait3A_152] : memref<10000x128xf32, #tpu.memory_space<vmem_shared>> -> memref<40x128xf32, #tpu.memory_space<vmem_shared>>
        %dma_wait3A_154 = arith.constant 0 : i32
        %dma_wait3A_155 = tpu.memref_slice %arg7[%add3A_105, %dma_wait3A_154] : memref<10000x128xf32, #tpu.memory_space<vmem_shared>> -> memref<40x128xf32, #tpu.memory_space<vmem_shared>>
        tpu.wait_dma2 semaphore(%run_scoped3A : memref<!tpu.dma_semaphore, #tpu.memory_space<semaphore_mem>>) src(%arg6 : memref<40x128xf32, #tpu.memory_space<vmem>>) dst(%dma_wait3A_155 : memref<40x128xf32, #tpu.memory_space<vmem_shared>>)
        tpu.yield
      }) : () -> ()
      %add3A_106 = arith.constant 160 : i32
      %add3A_107 = arith.addi %mul3A_14, %add3A_106 : i32
      "tpu.region"() ({
        %run_scoped3A = tpu.sem_alloc : memref<!tpu.dma_semaphore, #tpu.memory_space<semaphore_mem>>
        %dma_start3A_148 = arith.constant 0 : i32
        %dma_start3A_149 = tpu.memref_slice %arg7[%add3A_107, %dma_start3A_148] : memref<10000x128xf32, #tpu.memory_space<vmem_shared>> -> memref<40x128xf32, #tpu.memory_space<vmem_shared>>
        %dma_start3A_150 = arith.constant 0 : i32
        %dma_start3A_151 = tpu.memref_slice %arg7[%add3A_107, %dma_start3A_150] : memref<10000x128xf32, #tpu.memory_space<vmem_shared>> -> memref<40x128xf32, #tpu.memory_space<vmem_shared>>
        tpu.enqueue_dma source(%arg6 : memref<40x128xf32, #tpu.memory_space<vmem>>) target(%dma_start3A_151 : memref<40x128xf32, #tpu.memory_space<vmem_shared>>) target_semaphore(%run_scoped3A : memref<!tpu.dma_semaphore, #tpu.memory_space<semaphore_mem>>)
        %dma_wait3A_152 = arith.constant 0 : i32
        %dma_wait3A_153 = tpu.memref_slice %arg7[%add3A_107, %dma_wait3A_152] : memref<10000x128xf32, #tpu.memory_space<vmem_shared>> -> memref<40x128xf32, #tpu.memory_space<vmem_shared>>
        %dma_wait3A_154 = arith.constant 0 : i32
        %dma_wait3A_155 = tpu.memref_slice %arg7[%add3A_107, %dma_wait3A_154] : memref<10000x128xf32, #tpu.memory_space<vmem_shared>> -> memref<40x128xf32, #tpu.memory_space<vmem_shared>>
        tpu.wait_dma2 semaphore(%run_scoped3A : memref<!tpu.dma_semaphore, #tpu.memory_space<semaphore_mem>>) src(%arg6 : memref<40x128xf32, #tpu.memory_space<vmem>>) dst(%dma_wait3A_155 : memref<40x128xf32, #tpu.memory_space<vmem_shared>>)
        tpu.yield
      }) : () -> ()
      %add3A_108 = arith.constant 200 : i32
      %add3A_109 = arith.addi %mul3A_14, %add3A_108 : i32
      "tpu.region"() ({
        %run_scoped3A = tpu.sem_alloc : memref<!tpu.dma_semaphore, #tpu.memory_space<semaphore_mem>>
        %dma_start3A_148 = arith.constant 0 : i32
        %dma_start3A_149 = tpu.memref_slice %arg7[%add3A_109, %dma_start3A_148] : memref<10000x128xf32, #tpu.memory_space<vmem_shared>> -> memref<40x128xf32, #tpu.memory_space<vmem_shared>>
        %dma_start3A_150 = arith.constant 0 : i32
        %dma_start3A_151 = tpu.memref_slice %arg7[%add3A_109, %dma_start3A_150] : memref<10000x128xf32, #tpu.memory_space<vmem_shared>> -> memref<40x128xf32, #tpu.memory_space<vmem_shared>>
        tpu.enqueue_dma source(%arg6 : memref<40x128xf32, #tpu.memory_space<vmem>>) target(%dma_start3A_151 : memref<40x128xf32, #tpu.memory_space<vmem_shared>>) target_semaphore(%run_scoped3A : memref<!tpu.dma_semaphore, #tpu.memory_space<semaphore_mem>>)
        %dma_wait3A_152 = arith.constant 0 : i32
        %dma_wait3A_153 = tpu.memref_slice %arg7[%add3A_109, %dma_wait3A_152] : memref<10000x128xf32, #tpu.memory_space<vmem_shared>> -> memref<40x128xf32, #tpu.memory_space<vmem_shared>>
        %dma_wait3A_154 = arith.constant 0 : i32
        %dma_wait3A_155 = tpu.memref_slice %arg7[%add3A_109, %dma_wait3A_154] : memref<10000x128xf32, #tpu.memory_space<vmem_shared>> -> memref<40x128xf32, #tpu.memory_space<vmem_shared>>
        tpu.wait_dma2 semaphore(%run_scoped3A : memref<!tpu.dma_semaphore, #tpu.memory_space<semaphore_mem>>) src(%arg6 : memref<40x128xf32, #tpu.memory_space<vmem>>) dst(%dma_wait3A_155 : memref<40x128xf32, #tpu.memory_space<vmem_shared>>)
        tpu.yield
      }) : () -> ()
      %add3A_110 = arith.constant 240 : i32
      %add3A_111 = arith.addi %mul3A_14, %add3A_110 : i32
      "tpu.region"() ({
        %run_scoped3A = tpu.sem_alloc : memref<!tpu.dma_semaphore, #tpu.memory_space<semaphore_mem>>
        %dma_start3A_148 = arith.constant 0 : i32
        %dma_start3A_149 = tpu.memref_slice %arg7[%add3A_111, %dma_start3A_148] : memref<10000x128xf32, #tpu.memory_space<vmem_shared>> -> memref<40x128xf32, #tpu.memory_space<vmem_shared>>
        %dma_start3A_150 = arith.constant 0 : i32
        %dma_start3A_151 = tpu.memref_slice %arg7[%add3A_111, %dma_start3A_150] : memref<10000x128xf32, #tpu.memory_space<vmem_shared>> -> memref<40x128xf32, #tpu.memory_space<vmem_shared>>
        tpu.enqueue_dma source(%arg6 : memref<40x128xf32, #tpu.memory_space<vmem>>) target(%dma_start3A_151 : memref<40x128xf32, #tpu.memory_space<vmem_shared>>) target_semaphore(%run_scoped3A : memref<!tpu.dma_semaphore, #tpu.memory_space<semaphore_mem>>)
        %dma_wait3A_152 = arith.constant 0 : i32
        %dma_wait3A_153 = tpu.memref_slice %arg7[%add3A_111, %dma_wait3A_152] : memref<10000x128xf32, #tpu.memory_space<vmem_shared>> -> memref<40x128xf32, #tpu.memory_space<vmem_shared>>
        %dma_wait3A_154 = arith.constant 0 : i32
        %dma_wait3A_155 = tpu.memref_slice %arg7[%add3A_111, %dma_wait3A_154] : memref<10000x128xf32, #tpu.memory_space<vmem_shared>> -> memref<40x128xf32, #tpu.memory_space<vmem_shared>>
        tpu.wait_dma2 semaphore(%run_scoped3A : memref<!tpu.dma_semaphore, #tpu.memory_space<semaphore_mem>>) src(%arg6 : memref<40x128xf32, #tpu.memory_space<vmem>>) dst(%dma_wait3A_155 : memref<40x128xf32, #tpu.memory_space<vmem_shared>>)
        tpu.yield
      }) : () -> ()
      %add3A_112 = arith.constant 280 : i32
      %add3A_113 = arith.addi %mul3A_14, %add3A_112 : i32
      "tpu.region"() ({
        %run_scoped3A = tpu.sem_alloc : memref<!tpu.dma_semaphore, #tpu.memory_space<semaphore_mem>>
        %dma_start3A_148 = arith.constant 0 : i32
        %dma_start3A_149 = tpu.memref_slice %arg7[%add3A_113, %dma_start3A_148] : memref<10000x128xf32, #tpu.memory_space<vmem_shared>> -> memref<40x128xf32, #tpu.memory_space<vmem_shared>>
        %dma_start3A_150 = arith.constant 0 : i32
        %dma_start3A_151 = tpu.memref_slice %arg7[%add3A_113, %dma_start3A_150] : memref<10000x128xf32, #tpu.memory_space<vmem_shared>> -> memref<40x128xf32, #tpu.memory_space<vmem_shared>>
        tpu.enqueue_dma source(%arg6 : memref<40x128xf32, #tpu.memory_space<vmem>>) target(%dma_start3A_151 : memref<40x128xf32, #tpu.memory_space<vmem_shared>>) target_semaphore(%run_scoped3A : memref<!tpu.dma_semaphore, #tpu.memory_space<semaphore_mem>>)
        %dma_wait3A_152 = arith.constant 0 : i32
        %dma_wait3A_153 = tpu.memref_slice %arg7[%add3A_113, %dma_wait3A_152] : memref<10000x128xf32, #tpu.memory_space<vmem_shared>> -> memref<40x128xf32, #tpu.memory_space<vmem_shared>>
        %dma_wait3A_154 = arith.constant 0 : i32
        %dma_wait3A_155 = tpu.memref_slice %arg7[%add3A_113, %dma_wait3A_154] : memref<10000x128xf32, #tpu.memory_space<vmem_shared>> -> memref<40x128xf32, #tpu.memory_space<vmem_shared>>
        tpu.wait_dma2 semaphore(%run_scoped3A : memref<!tpu.dma_semaphore, #tpu.memory_space<semaphore_mem>>) src(%arg6 : memref<40x128xf32, #tpu.memory_space<vmem>>) dst(%dma_wait3A_155 : memref<40x128xf32, #tpu.memory_space<vmem_shared>>)
        tpu.yield
      }) : () -> ()
      %add3A_114 = arith.constant 320 : i32
      %add3A_115 = arith.addi %mul3A_14, %add3A_114 : i32
      "tpu.region"() ({
        %run_scoped3A = tpu.sem_alloc : memref<!tpu.dma_semaphore, #tpu.memory_space<semaphore_mem>>
        %dma_start3A_148 = arith.constant 0 : i32
        %dma_start3A_149 = tpu.memref_slice %arg7[%add3A_115, %dma_start3A_148] : memref<10000x128xf32, #tpu.memory_space<vmem_shared>> -> memref<40x128xf32, #tpu.memory_space<vmem_shared>>
        %dma_start3A_150 = arith.constant 0 : i32
        %dma_start3A_151 = tpu.memref_slice %arg7[%add3A_115, %dma_start3A_150] : memref<10000x128xf32, #tpu.memory_space<vmem_shared>> -> memref<40x128xf32, #tpu.memory_space<vmem_shared>>
        tpu.enqueue_dma source(%arg6 : memref<40x128xf32, #tpu.memory_space<vmem>>) target(%dma_start3A_151 : memref<40x128xf32, #tpu.memory_space<vmem_shared>>) target_semaphore(%run_scoped3A : memref<!tpu.dma_semaphore, #tpu.memory_space<semaphore_mem>>)
        %dma_wait3A_152 = arith.constant 0 : i32
        %dma_wait3A_153 = tpu.memref_slice %arg7[%add3A_115, %dma_wait3A_152] : memref<10000x128xf32, #tpu.memory_space<vmem_shared>> -> memref<40x128xf32, #tpu.memory_space<vmem_shared>>
        %dma_wait3A_154 = arith.constant 0 : i32
        %dma_wait3A_155 = tpu.memref_slice %arg7[%add3A_115, %dma_wait3A_154] : memref<10000x128xf32, #tpu.memory_space<vmem_shared>> -> memref<40x128xf32, #tpu.memory_space<vmem_shared>>
        tpu.wait_dma2 semaphore(%run_scoped3A : memref<!tpu.dma_semaphore, #tpu.memory_space<semaphore_mem>>) src(%arg6 : memref<40x128xf32, #tpu.memory_space<vmem>>) dst(%dma_wait3A_155 : memref<40x128xf32, #tpu.memory_space<vmem_shared>>)
        tpu.yield
      }) : () -> ()
      %add3A_116 = arith.constant 360 : i32
      %add3A_117 = arith.addi %mul3A_14, %add3A_116 : i32
      "tpu.region"() ({
        %run_scoped3A = tpu.sem_alloc : memref<!tpu.dma_semaphore, #tpu.memory_space<semaphore_mem>>
        %dma_start3A_148 = arith.constant 0 : i32
        %dma_start3A_149 = tpu.memref_slice %arg7[%add3A_117, %dma_start3A_148] : memref<10000x128xf32, #tpu.memory_space<vmem_shared>> -> memref<40x128xf32, #tpu.memory_space<vmem_shared>>
        %dma_start3A_150 = arith.constant 0 : i32
        %dma_start3A_151 = tpu.memref_slice %arg7[%add3A_117, %dma_start3A_150] : memref<10000x128xf32, #tpu.memory_space<vmem_shared>> -> memref<40x128xf32, #tpu.memory_space<vmem_shared>>
        tpu.enqueue_dma source(%arg6 : memref<40x128xf32, #tpu.memory_space<vmem>>) target(%dma_start3A_151 : memref<40x128xf32, #tpu.memory_space<vmem_shared>>) target_semaphore(%run_scoped3A : memref<!tpu.dma_semaphore, #tpu.memory_space<semaphore_mem>>)
        %dma_wait3A_152 = arith.constant 0 : i32
        %dma_wait3A_153 = tpu.memref_slice %arg7[%add3A_117, %dma_wait3A_152] : memref<10000x128xf32, #tpu.memory_space<vmem_shared>> -> memref<40x128xf32, #tpu.memory_space<vmem_shared>>
        %dma_wait3A_154 = arith.constant 0 : i32
        %dma_wait3A_155 = tpu.memref_slice %arg7[%add3A_117, %dma_wait3A_154] : memref<10000x128xf32, #tpu.memory_space<vmem_shared>> -> memref<40x128xf32, #tpu.memory_space<vmem_shared>>
        tpu.wait_dma2 semaphore(%run_scoped3A : memref<!tpu.dma_semaphore, #tpu.memory_space<semaphore_mem>>) src(%arg6 : memref<40x128xf32, #tpu.memory_space<vmem>>) dst(%dma_wait3A_155 : memref<40x128xf32, #tpu.memory_space<vmem_shared>>)
        tpu.yield
      }) : () -> ()
      %add3A_118 = arith.constant 400 : i32
      %add3A_119 = arith.addi %mul3A_14, %add3A_118 : i32
      "tpu.region"() ({
        %run_scoped3A = tpu.sem_alloc : memref<!tpu.dma_semaphore, #tpu.memory_space<semaphore_mem>>
        %dma_start3A_148 = arith.constant 0 : i32
        %dma_start3A_149 = tpu.memref_slice %arg7[%add3A_119, %dma_start3A_148] : memref<10000x128xf32, #tpu.memory_space<vmem_shared>> -> memref<40x128xf32, #tpu.memory_space<vmem_shared>>
        %dma_start3A_150 = arith.constant 0 : i32
        %dma_start3A_151 = tpu.memref_slice %arg7[%add3A_119, %dma_start3A_150] : memref<10000x128xf32, #tpu.memory_space<vmem_shared>> -> memref<40x128xf32, #tpu.memory_space<vmem_shared>>
        tpu.enqueue_dma source(%arg6 : memref<40x128xf32, #tpu.memory_space<vmem>>) target(%dma_start3A_151 : memref<40x128xf32, #tpu.memory_space<vmem_shared>>) target_semaphore(%run_scoped3A : memref<!tpu.dma_semaphore, #tpu.memory_space<semaphore_mem>>)
        %dma_wait3A_152 = arith.constant 0 : i32
        %dma_wait3A_153 = tpu.memref_slice %arg7[%add3A_119, %dma_wait3A_152] : memref<10000x128xf32, #tpu.memory_space<vmem_shared>> -> memref<40x128xf32, #tpu.memory_space<vmem_shared>>
        %dma_wait3A_154 = arith.constant 0 : i32
        %dma_wait3A_155 = tpu.memref_slice %arg7[%add3A_119, %dma_wait3A_154] : memref<10000x128xf32, #tpu.memory_space<vmem_shared>> -> memref<40x128xf32, #tpu.memory_space<vmem_shared>>
        tpu.wait_dma2 semaphore(%run_scoped3A : memref<!tpu.dma_semaphore, #tpu.memory_space<semaphore_mem>>) src(%arg6 : memref<40x128xf32, #tpu.memory_space<vmem>>) dst(%dma_wait3A_155 : memref<40x128xf32, #tpu.memory_space<vmem_shared>>)
        tpu.yield
      }) : () -> ()
      %add3A_120 = arith.constant 440 : i32
      %add3A_121 = arith.addi %mul3A_14, %add3A_120 : i32
      "tpu.region"() ({
        %run_scoped3A = tpu.sem_alloc : memref<!tpu.dma_semaphore, #tpu.memory_space<semaphore_mem>>
        %dma_start3A_148 = arith.constant 0 : i32
        %dma_start3A_149 = tpu.memref_slice %arg7[%add3A_121, %dma_start3A_148] : memref<10000x128xf32, #tpu.memory_space<vmem_shared>> -> memref<40x128xf32, #tpu.memory_space<vmem_shared>>
        %dma_start3A_150 = arith.constant 0 : i32
        %dma_start3A_151 = tpu.memref_slice %arg7[%add3A_121, %dma_start3A_150] : memref<10000x128xf32, #tpu.memory_space<vmem_shared>> -> memref<40x128xf32, #tpu.memory_space<vmem_shared>>
        tpu.enqueue_dma source(%arg6 : memref<40x128xf32, #tpu.memory_space<vmem>>) target(%dma_start3A_151 : memref<40x128xf32, #tpu.memory_space<vmem_shared>>) target_semaphore(%run_scoped3A : memref<!tpu.dma_semaphore, #tpu.memory_space<semaphore_mem>>)
        %dma_wait3A_152 = arith.constant 0 : i32
        %dma_wait3A_153 = tpu.memref_slice %arg7[%add3A_121, %dma_wait3A_152] : memref<10000x128xf32, #tpu.memory_space<vmem_shared>> -> memref<40x128xf32, #tpu.memory_space<vmem_shared>>
        %dma_wait3A_154 = arith.constant 0 : i32
        %dma_wait3A_155 = tpu.memref_slice %arg7[%add3A_121, %dma_wait3A_154] : memref<10000x128xf32, #tpu.memory_space<vmem_shared>> -> memref<40x128xf32, #tpu.memory_space<vmem_shared>>
        tpu.wait_dma2 semaphore(%run_scoped3A : memref<!tpu.dma_semaphore, #tpu.memory_space<semaphore_mem>>) src(%arg6 : memref<40x128xf32, #tpu.memory_space<vmem>>) dst(%dma_wait3A_155 : memref<40x128xf32, #tpu.memory_space<vmem_shared>>)
        tpu.yield
      }) : () -> ()
      %add3A_122 = arith.constant 480 : i32
      %add3A_123 = arith.addi %mul3A_14, %add3A_122 : i32
      "tpu.region"() ({
        %run_scoped3A = tpu.sem_alloc : memref<!tpu.dma_semaphore, #tpu.memory_space<semaphore_mem>>
        %dma_start3A_148 = arith.constant 0 : i32
        %dma_start3A_149 = tpu.memref_slice %arg7[%add3A_123, %dma_start3A_148] : memref<10000x128xf32, #tpu.memory_space<vmem_shared>> -> memref<40x128xf32, #tpu.memory_space<vmem_shared>>
        %dma_start3A_150 = arith.constant 0 : i32
        %dma_start3A_151 = tpu.memref_slice %arg7[%add3A_123, %dma_start3A_150] : memref<10000x128xf32, #tpu.memory_space<vmem_shared>> -> memref<40x128xf32, #tpu.memory_space<vmem_shared>>
        tpu.enqueue_dma source(%arg6 : memref<40x128xf32, #tpu.memory_space<vmem>>) target(%dma_start3A_151 : memref<40x128xf32, #tpu.memory_space<vmem_shared>>) target_semaphore(%run_scoped3A : memref<!tpu.dma_semaphore, #tpu.memory_space<semaphore_mem>>)
        %dma_wait3A_152 = arith.constant 0 : i32
        %dma_wait3A_153 = tpu.memref_slice %arg7[%add3A_123, %dma_wait3A_152] : memref<10000x128xf32, #tpu.memory_space<vmem_shared>> -> memref<40x128xf32, #tpu.memory_space<vmem_shared>>
        %dma_wait3A_154 = arith.constant 0 : i32
        %dma_wait3A_155 = tpu.memref_slice %arg7[%add3A_123, %dma_wait3A_154] : memref<10000x128xf32, #tpu.memory_space<vmem_shared>> -> memref<40x128xf32, #tpu.memory_space<vmem_shared>>
        tpu.wait_dma2 semaphore(%run_scoped3A : memref<!tpu.dma_semaphore, #tpu.memory_space<semaphore_mem>>) src(%arg6 : memref<40x128xf32, #tpu.memory_space<vmem>>) dst(%dma_wait3A_155 : memref<40x128xf32, #tpu.memory_space<vmem_shared>>)
        tpu.yield
      }) : () -> ()
      %add3A_124 = arith.constant 520 : i32
      %add3A_125 = arith.addi %mul3A_14, %add3A_124 : i32
      "tpu.region"() ({
        %run_scoped3A = tpu.sem_alloc : memref<!tpu.dma_semaphore, #tpu.memory_space<semaphore_mem>>
        %dma_start3A_148 = arith.constant 0 : i32
        %dma_start3A_149 = tpu.memref_slice %arg7[%add3A_125, %dma_start3A_148] : memref<10000x128xf32, #tpu.memory_space<vmem_shared>> -> memref<40x128xf32, #tpu.memory_space<vmem_shared>>
        %dma_start3A_150 = arith.constant 0 : i32
        %dma_start3A_151 = tpu.memref_slice %arg7[%add3A_125, %dma_start3A_150] : memref<10000x128xf32, #tpu.memory_space<vmem_shared>> -> memref<40x128xf32, #tpu.memory_space<vmem_shared>>
        tpu.enqueue_dma source(%arg6 : memref<40x128xf32, #tpu.memory_space<vmem>>) target(%dma_start3A_151 : memref<40x128xf32, #tpu.memory_space<vmem_shared>>) target_semaphore(%run_scoped3A : memref<!tpu.dma_semaphore, #tpu.memory_space<semaphore_mem>>)
        %dma_wait3A_152 = arith.constant 0 : i32
        %dma_wait3A_153 = tpu.memref_slice %arg7[%add3A_125, %dma_wait3A_152] : memref<10000x128xf32, #tpu.memory_space<vmem_shared>> -> memref<40x128xf32, #tpu.memory_space<vmem_shared>>
        %dma_wait3A_154 = arith.constant 0 : i32
        %dma_wait3A_155 = tpu.memref_slice %arg7[%add3A_125, %dma_wait3A_154] : memref<10000x128xf32, #tpu.memory_space<vmem_shared>> -> memref<40x128xf32, #tpu.memory_space<vmem_shared>>
        tpu.wait_dma2 semaphore(%run_scoped3A : memref<!tpu.dma_semaphore, #tpu.memory_space<semaphore_mem>>) src(%arg6 : memref<40x128xf32, #tpu.memory_space<vmem>>) dst(%dma_wait3A_155 : memref<40x128xf32, #tpu.memory_space<vmem_shared>>)
        tpu.yield
      }) : () -> ()
      %add3A_126 = arith.constant 560 : i32
      %add3A_127 = arith.addi %mul3A_14, %add3A_126 : i32
      "tpu.region"() ({
        %run_scoped3A = tpu.sem_alloc : memref<!tpu.dma_semaphore, #tpu.memory_space<semaphore_mem>>
        %dma_start3A_148 = arith.constant 0 : i32
        %dma_start3A_149 = tpu.memref_slice %arg7[%add3A_127, %dma_start3A_148] : memref<10000x128xf32, #tpu.memory_space<vmem_shared>> -> memref<40x128xf32, #tpu.memory_space<vmem_shared>>
        %dma_start3A_150 = arith.constant 0 : i32
        %dma_start3A_151 = tpu.memref_slice %arg7[%add3A_127, %dma_start3A_150] : memref<10000x128xf32, #tpu.memory_space<vmem_shared>> -> memref<40x128xf32, #tpu.memory_space<vmem_shared>>
        tpu.enqueue_dma source(%arg6 : memref<40x128xf32, #tpu.memory_space<vmem>>) target(%dma_start3A_151 : memref<40x128xf32, #tpu.memory_space<vmem_shared>>) target_semaphore(%run_scoped3A : memref<!tpu.dma_semaphore, #tpu.memory_space<semaphore_mem>>)
        %dma_wait3A_152 = arith.constant 0 : i32
        %dma_wait3A_153 = tpu.memref_slice %arg7[%add3A_127, %dma_wait3A_152] : memref<10000x128xf32, #tpu.memory_space<vmem_shared>> -> memref<40x128xf32, #tpu.memory_space<vmem_shared>>
        %dma_wait3A_154 = arith.constant 0 : i32
        %dma_wait3A_155 = tpu.memref_slice %arg7[%add3A_127, %dma_wait3A_154] : memref<10000x128xf32, #tpu.memory_space<vmem_shared>> -> memref<40x128xf32, #tpu.memory_space<vmem_shared>>
        tpu.wait_dma2 semaphore(%run_scoped3A : memref<!tpu.dma_semaphore, #tpu.memory_space<semaphore_mem>>) src(%arg6 : memref<40x128xf32, #tpu.memory_space<vmem>>) dst(%dma_wait3A_155 : memref<40x128xf32, #tpu.memory_space<vmem_shared>>)
        tpu.yield
      }) : () -> ()
      %add3A_128 = arith.constant 600 : i32
      %add3A_129 = arith.addi %mul3A_14, %add3A_128 : i32
      "tpu.region"() ({
        %run_scoped3A = tpu.sem_alloc : memref<!tpu.dma_semaphore, #tpu.memory_space<semaphore_mem>>
        %dma_start3A_148 = arith.constant 0 : i32
        %dma_start3A_149 = tpu.memref_slice %arg7[%add3A_129, %dma_start3A_148] : memref<10000x128xf32, #tpu.memory_space<vmem_shared>> -> memref<40x128xf32, #tpu.memory_space<vmem_shared>>
        %dma_start3A_150 = arith.constant 0 : i32
        %dma_start3A_151 = tpu.memref_slice %arg7[%add3A_129, %dma_start3A_150] : memref<10000x128xf32, #tpu.memory_space<vmem_shared>> -> memref<40x128xf32, #tpu.memory_space<vmem_shared>>
        tpu.enqueue_dma source(%arg6 : memref<40x128xf32, #tpu.memory_space<vmem>>) target(%dma_start3A_151 : memref<40x128xf32, #tpu.memory_space<vmem_shared>>) target_semaphore(%run_scoped3A : memref<!tpu.dma_semaphore, #tpu.memory_space<semaphore_mem>>)
        %dma_wait3A_152 = arith.constant 0 : i32
        %dma_wait3A_153 = tpu.memref_slice %arg7[%add3A_129, %dma_wait3A_152] : memref<10000x128xf32, #tpu.memory_space<vmem_shared>> -> memref<40x128xf32, #tpu.memory_space<vmem_shared>>
        %dma_wait3A_154 = arith.constant 0 : i32
        %dma_wait3A_155 = tpu.memref_slice %arg7[%add3A_129, %dma_wait3A_154] : memref<10000x128xf32, #tpu.memory_space<vmem_shared>> -> memref<40x128xf32, #tpu.memory_space<vmem_shared>>
        tpu.wait_dma2 semaphore(%run_scoped3A : memref<!tpu.dma_semaphore, #tpu.memory_space<semaphore_mem>>) src(%arg6 : memref<40x128xf32, #tpu.memory_space<vmem>>) dst(%dma_wait3A_155 : memref<40x128xf32, #tpu.memory_space<vmem_shared>>)
        tpu.yield
      }) : () -> ()
      %add3A_130 = arith.constant 640 : i32
      %add3A_131 = arith.addi %mul3A_14, %add3A_130 : i32
      "tpu.region"() ({
        %run_scoped3A = tpu.sem_alloc : memref<!tpu.dma_semaphore, #tpu.memory_space<semaphore_mem>>
        %dma_start3A_148 = arith.constant 0 : i32
        %dma_start3A_149 = tpu.memref_slice %arg7[%add3A_131, %dma_start3A_148] : memref<10000x128xf32, #tpu.memory_space<vmem_shared>> -> memref<40x128xf32, #tpu.memory_space<vmem_shared>>
        %dma_start3A_150 = arith.constant 0 : i32
        %dma_start3A_151 = tpu.memref_slice %arg7[%add3A_131, %dma_start3A_150] : memref<10000x128xf32, #tpu.memory_space<vmem_shared>> -> memref<40x128xf32, #tpu.memory_space<vmem_shared>>
        tpu.enqueue_dma source(%arg6 : memref<40x128xf32, #tpu.memory_space<vmem>>) target(%dma_start3A_151 : memref<40x128xf32, #tpu.memory_space<vmem_shared>>) target_semaphore(%run_scoped3A : memref<!tpu.dma_semaphore, #tpu.memory_space<semaphore_mem>>)
        %dma_wait3A_152 = arith.constant 0 : i32
        %dma_wait3A_153 = tpu.memref_slice %arg7[%add3A_131, %dma_wait3A_152] : memref<10000x128xf32, #tpu.memory_space<vmem_shared>> -> memref<40x128xf32, #tpu.memory_space<vmem_shared>>
        %dma_wait3A_154 = arith.constant 0 : i32
        %dma_wait3A_155 = tpu.memref_slice %arg7[%add3A_131, %dma_wait3A_154] : memref<10000x128xf32, #tpu.memory_space<vmem_shared>> -> memref<40x128xf32, #tpu.memory_space<vmem_shared>>
        tpu.wait_dma2 semaphore(%run_scoped3A : memref<!tpu.dma_semaphore, #tpu.memory_space<semaphore_mem>>) src(%arg6 : memref<40x128xf32, #tpu.memory_space<vmem>>) dst(%dma_wait3A_155 : memref<40x128xf32, #tpu.memory_space<vmem_shared>>)
        tpu.yield
      }) : () -> ()
      %add3A_132 = arith.constant 680 : i32
      %add3A_133 = arith.addi %mul3A_14, %add3A_132 : i32
      "tpu.region"() ({
        %run_scoped3A = tpu.sem_alloc : memref<!tpu.dma_semaphore, #tpu.memory_space<semaphore_mem>>
        %dma_start3A_148 = arith.constant 0 : i32
        %dma_start3A_149 = tpu.memref_slice %arg7[%add3A_133, %dma_start3A_148] : memref<10000x128xf32, #tpu.memory_space<vmem_shared>> -> memref<40x128xf32, #tpu.memory_space<vmem_shared>>
        %dma_start3A_150 = arith.constant 0 : i32
        %dma_start3A_151 = tpu.memref_slice %arg7[%add3A_133, %dma_start3A_150] : memref<10000x128xf32, #tpu.memory_space<vmem_shared>> -> memref<40x128xf32, #tpu.memory_space<vmem_shared>>
        tpu.enqueue_dma source(%arg6 : memref<40x128xf32, #tpu.memory_space<vmem>>) target(%dma_start3A_151 : memref<40x128xf32, #tpu.memory_space<vmem_shared>>) target_semaphore(%run_scoped3A : memref<!tpu.dma_semaphore, #tpu.memory_space<semaphore_mem>>)
        %dma_wait3A_152 = arith.constant 0 : i32
        %dma_wait3A_153 = tpu.memref_slice %arg7[%add3A_133, %dma_wait3A_152] : memref<10000x128xf32, #tpu.memory_space<vmem_shared>> -> memref<40x128xf32, #tpu.memory_space<vmem_shared>>
        %dma_wait3A_154 = arith.constant 0 : i32
        %dma_wait3A_155 = tpu.memref_slice %arg7[%add3A_133, %dma_wait3A_154] : memref<10000x128xf32, #tpu.memory_space<vmem_shared>> -> memref<40x128xf32, #tpu.memory_space<vmem_shared>>
        tpu.wait_dma2 semaphore(%run_scoped3A : memref<!tpu.dma_semaphore, #tpu.memory_space<semaphore_mem>>) src(%arg6 : memref<40x128xf32, #tpu.memory_space<vmem>>) dst(%dma_wait3A_155 : memref<40x128xf32, #tpu.memory_space<vmem_shared>>)
        tpu.yield
      }) : () -> ()
      %add3A_134 = arith.constant 720 : i32
      %add3A_135 = arith.addi %mul3A_14, %add3A_134 : i32
      "tpu.region"() ({
        %run_scoped3A = tpu.sem_alloc : memref<!tpu.dma_semaphore, #tpu.memory_space<semaphore_mem>>
        %dma_start3A_148 = arith.constant 0 : i32
        %dma_start3A_149 = tpu.memref_slice %arg7[%add3A_135, %dma_start3A_148] : memref<10000x128xf32, #tpu.memory_space<vmem_shared>> -> memref<40x128xf32, #tpu.memory_space<vmem_shared>>
        %dma_start3A_150 = arith.constant 0 : i32
        %dma_start3A_151 = tpu.memref_slice %arg7[%add3A_135, %dma_start3A_150] : memref<10000x128xf32, #tpu.memory_space<vmem_shared>> -> memref<40x128xf32, #tpu.memory_space<vmem_shared>>
        tpu.enqueue_dma source(%arg6 : memref<40x128xf32, #tpu.memory_space<vmem>>) target(%dma_start3A_151 : memref<40x128xf32, #tpu.memory_space<vmem_shared>>) target_semaphore(%run_scoped3A : memref<!tpu.dma_semaphore, #tpu.memory_space<semaphore_mem>>)
        %dma_wait3A_152 = arith.constant 0 : i32
        %dma_wait3A_153 = tpu.memref_slice %arg7[%add3A_135, %dma_wait3A_152] : memref<10000x128xf32, #tpu.memory_space<vmem_shared>> -> memref<40x128xf32, #tpu.memory_space<vmem_shared>>
        %dma_wait3A_154 = arith.constant 0 : i32
        %dma_wait3A_155 = tpu.memref_slice %arg7[%add3A_135, %dma_wait3A_154] : memref<10000x128xf32, #tpu.memory_space<vmem_shared>> -> memref<40x128xf32, #tpu.memory_space<vmem_shared>>
        tpu.wait_dma2 semaphore(%run_scoped3A : memref<!tpu.dma_semaphore, #tpu.memory_space<semaphore_mem>>) src(%arg6 : memref<40x128xf32, #tpu.memory_space<vmem>>) dst(%dma_wait3A_155 : memref<40x128xf32, #tpu.memory_space<vmem_shared>>)
        tpu.yield
      }) : () -> ()
      %add3A_136 = arith.constant 760 : i32
      %add3A_137 = arith.addi %mul3A_14, %add3A_136 : i32
      "tpu.region"() ({
        %run_scoped3A = tpu.sem_alloc : memref<!tpu.dma_semaphore, #tpu.memory_space<semaphore_mem>>
        %dma_start3A_148 = arith.constant 0 : i32
        %dma_start3A_149 = tpu.memref_slice %arg7[%add3A_137, %dma_start3A_148] : memref<10000x128xf32, #tpu.memory_space<vmem_shared>> -> memref<40x128xf32, #tpu.memory_space<vmem_shared>>
        %dma_start3A_150 = arith.constant 0 : i32
        %dma_start3A_151 = tpu.memref_slice %arg7[%add3A_137, %dma_start3A_150] : memref<10000x128xf32, #tpu.memory_space<vmem_shared>> -> memref<40x128xf32, #tpu.memory_space<vmem_shared>>
        tpu.enqueue_dma source(%arg6 : memref<40x128xf32, #tpu.memory_space<vmem>>) target(%dma_start3A_151 : memref<40x128xf32, #tpu.memory_space<vmem_shared>>) target_semaphore(%run_scoped3A : memref<!tpu.dma_semaphore, #tpu.memory_space<semaphore_mem>>)
        %dma_wait3A_152 = arith.constant 0 : i32
        %dma_wait3A_153 = tpu.memref_slice %arg7[%add3A_137, %dma_wait3A_152] : memref<10000x128xf32, #tpu.memory_space<vmem_shared>> -> memref<40x128xf32, #tpu.memory_space<vmem_shared>>
        %dma_wait3A_154 = arith.constant 0 : i32
        %dma_wait3A_155 = tpu.memref_slice %arg7[%add3A_137, %dma_wait3A_154] : memref<10000x128xf32, #tpu.memory_space<vmem_shared>> -> memref<40x128xf32, #tpu.memory_space<vmem_shared>>
        tpu.wait_dma2 semaphore(%run_scoped3A : memref<!tpu.dma_semaphore, #tpu.memory_space<semaphore_mem>>) src(%arg6 : memref<40x128xf32, #tpu.memory_space<vmem>>) dst(%dma_wait3A_155 : memref<40x128xf32, #tpu.memory_space<vmem_shared>>)
        tpu.yield
      }) : () -> ()
      %add3A_138 = arith.constant 800 : i32
      %add3A_139 = arith.addi %mul3A_14, %add3A_138 : i32
      "tpu.region"() ({
        %run_scoped3A = tpu.sem_alloc : memref<!tpu.dma_semaphore, #tpu.memory_space<semaphore_mem>>
        %dma_start3A_148 = arith.constant 0 : i32
        %dma_start3A_149 = tpu.memref_slice %arg7[%add3A_139, %dma_start3A_148] : memref<10000x128xf32, #tpu.memory_space<vmem_shared>> -> memref<40x128xf32, #tpu.memory_space<vmem_shared>>
        %dma_start3A_150 = arith.constant 0 : i32
        %dma_start3A_151 = tpu.memref_slice %arg7[%add3A_139, %dma_start3A_150] : memref<10000x128xf32, #tpu.memory_space<vmem_shared>> -> memref<40x128xf32, #tpu.memory_space<vmem_shared>>
        tpu.enqueue_dma source(%arg6 : memref<40x128xf32, #tpu.memory_space<vmem>>) target(%dma_start3A_151 : memref<40x128xf32, #tpu.memory_space<vmem_shared>>) target_semaphore(%run_scoped3A : memref<!tpu.dma_semaphore, #tpu.memory_space<semaphore_mem>>)
        %dma_wait3A_152 = arith.constant 0 : i32
        %dma_wait3A_153 = tpu.memref_slice %arg7[%add3A_139, %dma_wait3A_152] : memref<10000x128xf32, #tpu.memory_space<vmem_shared>> -> memref<40x128xf32, #tpu.memory_space<vmem_shared>>
        %dma_wait3A_154 = arith.constant 0 : i32
        %dma_wait3A_155 = tpu.memref_slice %arg7[%add3A_139, %dma_wait3A_154] : memref<10000x128xf32, #tpu.memory_space<vmem_shared>> -> memref<40x128xf32, #tpu.memory_space<vmem_shared>>
        tpu.wait_dma2 semaphore(%run_scoped3A : memref<!tpu.dma_semaphore, #tpu.memory_space<semaphore_mem>>) src(%arg6 : memref<40x128xf32, #tpu.memory_space<vmem>>) dst(%dma_wait3A_155 : memref<40x128xf32, #tpu.memory_space<vmem_shared>>)
        tpu.yield
      }) : () -> ()
      %add3A_140 = arith.constant 840 : i32
      %add3A_141 = arith.addi %mul3A_14, %add3A_140 : i32
      "tpu.region"() ({
        %run_scoped3A = tpu.sem_alloc : memref<!tpu.dma_semaphore, #tpu.memory_space<semaphore_mem>>
        %dma_start3A_148 = arith.constant 0 : i32
        %dma_start3A_149 = tpu.memref_slice %arg7[%add3A_141, %dma_start3A_148] : memref<10000x128xf32, #tpu.memory_space<vmem_shared>> -> memref<40x128xf32, #tpu.memory_space<vmem_shared>>
        %dma_start3A_150 = arith.constant 0 : i32
        %dma_start3A_151 = tpu.memref_slice %arg7[%add3A_141, %dma_start3A_150] : memref<10000x128xf32, #tpu.memory_space<vmem_shared>> -> memref<40x128xf32, #tpu.memory_space<vmem_shared>>
        tpu.enqueue_dma source(%arg6 : memref<40x128xf32, #tpu.memory_space<vmem>>) target(%dma_start3A_151 : memref<40x128xf32, #tpu.memory_space<vmem_shared>>) target_semaphore(%run_scoped3A : memref<!tpu.dma_semaphore, #tpu.memory_space<semaphore_mem>>)
        %dma_wait3A_152 = arith.constant 0 : i32
        %dma_wait3A_153 = tpu.memref_slice %arg7[%add3A_141, %dma_wait3A_152] : memref<10000x128xf32, #tpu.memory_space<vmem_shared>> -> memref<40x128xf32, #tpu.memory_space<vmem_shared>>
        %dma_wait3A_154 = arith.constant 0 : i32
        %dma_wait3A_155 = tpu.memref_slice %arg7[%add3A_141, %dma_wait3A_154] : memref<10000x128xf32, #tpu.memory_space<vmem_shared>> -> memref<40x128xf32, #tpu.memory_space<vmem_shared>>
        tpu.wait_dma2 semaphore(%run_scoped3A : memref<!tpu.dma_semaphore, #tpu.memory_space<semaphore_mem>>) src(%arg6 : memref<40x128xf32, #tpu.memory_space<vmem>>) dst(%dma_wait3A_155 : memref<40x128xf32, #tpu.memory_space<vmem_shared>>)
        tpu.yield
      }) : () -> ()
      %add3A_142 = arith.constant 880 : i32
      %add3A_143 = arith.addi %mul3A_14, %add3A_142 : i32
      "tpu.region"() ({
        %run_scoped3A = tpu.sem_alloc : memref<!tpu.dma_semaphore, #tpu.memory_space<semaphore_mem>>
        %dma_start3A_148 = arith.constant 0 : i32
        %dma_start3A_149 = tpu.memref_slice %arg7[%add3A_143, %dma_start3A_148] : memref<10000x128xf32, #tpu.memory_space<vmem_shared>> -> memref<40x128xf32, #tpu.memory_space<vmem_shared>>
        %dma_start3A_150 = arith.constant 0 : i32
        %dma_start3A_151 = tpu.memref_slice %arg7[%add3A_143, %dma_start3A_150] : memref<10000x128xf32, #tpu.memory_space<vmem_shared>> -> memref<40x128xf32, #tpu.memory_space<vmem_shared>>
        tpu.enqueue_dma source(%arg6 : memref<40x128xf32, #tpu.memory_space<vmem>>) target(%dma_start3A_151 : memref<40x128xf32, #tpu.memory_space<vmem_shared>>) target_semaphore(%run_scoped3A : memref<!tpu.dma_semaphore, #tpu.memory_space<semaphore_mem>>)
        %dma_wait3A_152 = arith.constant 0 : i32
        %dma_wait3A_153 = tpu.memref_slice %arg7[%add3A_143, %dma_wait3A_152] : memref<10000x128xf32, #tpu.memory_space<vmem_shared>> -> memref<40x128xf32, #tpu.memory_space<vmem_shared>>
        %dma_wait3A_154 = arith.constant 0 : i32
        %dma_wait3A_155 = tpu.memref_slice %arg7[%add3A_143, %dma_wait3A_154] : memref<10000x128xf32, #tpu.memory_space<vmem_shared>> -> memref<40x128xf32, #tpu.memory_space<vmem_shared>>
        tpu.wait_dma2 semaphore(%run_scoped3A : memref<!tpu.dma_semaphore, #tpu.memory_space<semaphore_mem>>) src(%arg6 : memref<40x128xf32, #tpu.memory_space<vmem>>) dst(%dma_wait3A_155 : memref<40x128xf32, #tpu.memory_space<vmem_shared>>)
        tpu.yield
      }) : () -> ()
      %add3A_144 = arith.constant 920 : i32
      %add3A_145 = arith.addi %mul3A_14, %add3A_144 : i32
      "tpu.region"() ({
        %run_scoped3A = tpu.sem_alloc : memref<!tpu.dma_semaphore, #tpu.memory_space<semaphore_mem>>
        %dma_start3A_148 = arith.constant 0 : i32
        %dma_start3A_149 = tpu.memref_slice %arg7[%add3A_145, %dma_start3A_148] : memref<10000x128xf32, #tpu.memory_space<vmem_shared>> -> memref<40x128xf32, #tpu.memory_space<vmem_shared>>
        %dma_start3A_150 = arith.constant 0 : i32
        %dma_start3A_151 = tpu.memref_slice %arg7[%add3A_145, %dma_start3A_150] : memref<10000x128xf32, #tpu.memory_space<vmem_shared>> -> memref<40x128xf32, #tpu.memory_space<vmem_shared>>
        tpu.enqueue_dma source(%arg6 : memref<40x128xf32, #tpu.memory_space<vmem>>) target(%dma_start3A_151 : memref<40x128xf32, #tpu.memory_space<vmem_shared>>) target_semaphore(%run_scoped3A : memref<!tpu.dma_semaphore, #tpu.memory_space<semaphore_mem>>)
        %dma_wait3A_152 = arith.constant 0 : i32
        %dma_wait3A_153 = tpu.memref_slice %arg7[%add3A_145, %dma_wait3A_152] : memref<10000x128xf32, #tpu.memory_space<vmem_shared>> -> memref<40x128xf32, #tpu.memory_space<vmem_shared>>
        %dma_wait3A_154 = arith.constant 0 : i32
        %dma_wait3A_155 = tpu.memref_slice %arg7[%add3A_145, %dma_wait3A_154] : memref<10000x128xf32, #tpu.memory_space<vmem_shared>> -> memref<40x128xf32, #tpu.memory_space<vmem_shared>>
        tpu.wait_dma2 semaphore(%run_scoped3A : memref<!tpu.dma_semaphore, #tpu.memory_space<semaphore_mem>>) src(%arg6 : memref<40x128xf32, #tpu.memory_space<vmem>>) dst(%dma_wait3A_155 : memref<40x128xf32, #tpu.memory_space<vmem_shared>>)
        tpu.yield
      }) : () -> ()
      %add3A_146 = arith.constant 960 : i32
      %add3A_147 = arith.addi %mul3A_14, %add3A_146 : i32
      "tpu.region"() ({
        %run_scoped3A = tpu.sem_alloc : memref<!tpu.dma_semaphore, #tpu.memory_space<semaphore_mem>>
        %dma_start3A_148 = arith.constant 0 : i32
        %dma_start3A_149 = tpu.memref_slice %arg7[%add3A_147, %dma_start3A_148] : memref<10000x128xf32, #tpu.memory_space<vmem_shared>> -> memref<40x128xf32, #tpu.memory_space<vmem_shared>>
        %dma_start3A_150 = arith.constant 0 : i32
        %dma_start3A_151 = tpu.memref_slice %arg7[%add3A_147, %dma_start3A_150] : memref<10000x128xf32, #tpu.memory_space<vmem_shared>> -> memref<40x128xf32, #tpu.memory_space<vmem_shared>>
        tpu.enqueue_dma source(%arg6 : memref<40x128xf32, #tpu.memory_space<vmem>>) target(%dma_start3A_151 : memref<40x128xf32, #tpu.memory_space<vmem_shared>>) target_semaphore(%run_scoped3A : memref<!tpu.dma_semaphore, #tpu.memory_space<semaphore_mem>>)
        %dma_wait3A_152 = arith.constant 0 : i32
        %dma_wait3A_153 = tpu.memref_slice %arg7[%add3A_147, %dma_wait3A_152] : memref<10000x128xf32, #tpu.memory_space<vmem_shared>> -> memref<40x128xf32, #tpu.memory_space<vmem_shared>>
        %dma_wait3A_154 = arith.constant 0 : i32
        %dma_wait3A_155 = tpu.memref_slice %arg7[%add3A_147, %dma_wait3A_154] : memref<10000x128xf32, #tpu.memory_space<vmem_shared>> -> memref<40x128xf32, #tpu.memory_space<vmem_shared>>
        tpu.wait_dma2 semaphore(%run_scoped3A : memref<!tpu.dma_semaphore, #tpu.memory_space<semaphore_mem>>) src(%arg6 : memref<40x128xf32, #tpu.memory_space<vmem>>) dst(%dma_wait3A_155 : memref<40x128xf32, #tpu.memory_space<vmem_shared>>)
        tpu.yield
      }) : () -> ()
    } else {
    }
    %barrier3A = arith.constant 0 : index
    tpu.barrier barrier_id(%barrier3A)
    %mul3A_17 = arith.constant 16 : i32
    %mul3A_18 = arith.muli %arg0, %mul3A_17 : i32
    %add3A = arith.addi %mul3A_18, %arg1 : i32
    %mul3A_19 = arith.constant 10000 : i32
    %mul3A_20 = arith.muli %add3A, %mul3A_19 : i32
    %add3A_21 = arith.constant 0 : i32
    %add3A_22 = arith.addi %mul3A_20, %add3A_21 : i32
    %dma_start3A = arith.constant 0 : i32
    %dma_start3A_23 = arith.constant 0 : i32
    %dma_start3A_24 = tpu.memref_slice %arg4[%dma_start3A, %dma_start3A_23] : memref<4x80xi32, #tpu.memory_space<vmem>> -> memref<1x80xi32, #tpu.memory_space<vmem>>
    %dma_start3A_25 = tpu.memref_squeeze %dma_start3A_24 : memref<1x80xi32, #tpu.memory_space<vmem>> -> memref<80xi32, #tpu.memory_space<vmem>>
    %dma_start3A_26 = tpu.memref_slice %arg2[%add3A_22] : memref<320000xi32, #tpu.memory_space<hbm>> -> memref<80xi32, #tpu.memory_space<hbm>>
    %dma_start3A_27 = arith.constant 0 : i32
    %dma_start3A_28 = tpu.memref_slice %arg4[%dma_start3A, %dma_start3A_27] : memref<4x80xi32, #tpu.memory_space<vmem>> -> memref<1x80xi32, #tpu.memory_space<vmem>>
    %dma_start3A_29 = tpu.memref_squeeze %dma_start3A_28 : memref<1x80xi32, #tpu.memory_space<vmem>> -> memref<80xi32, #tpu.memory_space<vmem>>
    %dma_start3A_30 = tpu.memref_slice %arg2[%add3A_22] : memref<320000xi32, #tpu.memory_space<hbm>> -> memref<80xi32, #tpu.memory_space<hbm>>
    tpu.enqueue_dma source(%dma_start3A_30 : memref<80xi32, #tpu.memory_space<hbm>>) target(%dma_start3A_29 : memref<80xi32, #tpu.memory_space<vmem>>) target_semaphore(%arg8 : memref<!tpu.dma_semaphore, #tpu.memory_space<semaphore_mem>>)
    %add3A_31 = arith.constant 80 : i32
    %add3A_32 = arith.addi %mul3A_20, %add3A_31 : i32
    %dma_start3A_33 = arith.constant 1 : i32
    %dma_start3A_34 = arith.constant 0 : i32
    %dma_start3A_35 = tpu.memref_slice %arg4[%dma_start3A_33, %dma_start3A_34] : memref<4x80xi32, #tpu.memory_space<vmem>> -> memref<1x80xi32, #tpu.memory_space<vmem>>
    %dma_start3A_36 = tpu.memref_squeeze %dma_start3A_35 : memref<1x80xi32, #tpu.memory_space<vmem>> -> memref<80xi32, #tpu.memory_space<vmem>>
    %dma_start3A_37 = tpu.memref_slice %arg2[%add3A_32] : memref<320000xi32, #tpu.memory_space<hbm>> -> memref<80xi32, #tpu.memory_space<hbm>>
    %dma_start3A_38 = arith.constant 0 : i32
    %dma_start3A_39 = tpu.memref_slice %arg4[%dma_start3A_33, %dma_start3A_38] : memref<4x80xi32, #tpu.memory_space<vmem>> -> memref<1x80xi32, #tpu.memory_space<vmem>>
    %dma_start3A_40 = tpu.memref_squeeze %dma_start3A_39 : memref<1x80xi32, #tpu.memory_space<vmem>> -> memref<80xi32, #tpu.memory_space<vmem>>
    %dma_start3A_41 = tpu.memref_slice %arg2[%add3A_32] : memref<320000xi32, #tpu.memory_space<hbm>> -> memref<80xi32, #tpu.memory_space<hbm>>
    tpu.enqueue_dma source(%dma_start3A_41 : memref<80xi32, #tpu.memory_space<hbm>>) target(%dma_start3A_40 : memref<80xi32, #tpu.memory_space<vmem>>) target_semaphore(%arg9 : memref<!tpu.dma_semaphore, #tpu.memory_space<semaphore_mem>>)
    %add3A_42 = arith.constant 160 : i32
    %add3A_43 = arith.addi %mul3A_20, %add3A_42 : i32
    %dma_start3A_44 = arith.constant 2 : i32
    %dma_start3A_45 = arith.constant 0 : i32
    %dma_start3A_46 = tpu.memref_slice %arg4[%dma_start3A_44, %dma_start3A_45] : memref<4x80xi32, #tpu.memory_space<vmem>> -> memref<1x80xi32, #tpu.memory_space<vmem>>
    %dma_start3A_47 = tpu.memref_squeeze %dma_start3A_46 : memref<1x80xi32, #tpu.memory_space<vmem>> -> memref<80xi32, #tpu.memory_space<vmem>>
    %dma_start3A_48 = tpu.memref_slice %arg2[%add3A_43] : memref<320000xi32, #tpu.memory_space<hbm>> -> memref<80xi32, #tpu.memory_space<hbm>>
    %dma_start3A_49 = arith.constant 0 : i32
    %dma_start3A_50 = tpu.memref_slice %arg4[%dma_start3A_44, %dma_start3A_49] : memref<4x80xi32, #tpu.memory_space<vmem>> -> memref<1x80xi32, #tpu.memory_space<vmem>>
    %dma_start3A_51 = tpu.memref_squeeze %dma_start3A_50 : memref<1x80xi32, #tpu.memory_space<vmem>> -> memref<80xi32, #tpu.memory_space<vmem>>
    %dma_start3A_52 = tpu.memref_slice %arg2[%add3A_43] : memref<320000xi32, #tpu.memory_space<hbm>> -> memref<80xi32, #tpu.memory_space<hbm>>
    tpu.enqueue_dma source(%dma_start3A_52 : memref<80xi32, #tpu.memory_space<hbm>>) target(%dma_start3A_51 : memref<80xi32, #tpu.memory_space<vmem>>) target_semaphore(%arg10 : memref<!tpu.dma_semaphore, #tpu.memory_space<semaphore_mem>>)
    %scan3A_53 = arith.constant 0 : i32
    %scan3A_54 = arith.constant 0 : i32
    %scan3A_55 = arith.constant 31 : i32
    %scan3A_56 = arith.addi %scan3A_54, %scan3A_55 : i32
    %scan3A_57 = arith.constant 1 : i32
    scf.for %scan3A_98 = %scan3A_54 to %scan3A_56 step %scan3A_57  : i32 {
      %mul3A_99 = arith.constant 4 : i32
      %mul3A_100 = arith.muli %scan3A_98, %mul3A_99 : i32
      %add3A_101 = arith.constant 0 : i32
      %add3A_102 = arith.addi %mul3A_100, %add3A_101 : i32
      %dma_wait3A_103 = arith.constant 0 : i32
      %dma_wait3A_104 = arith.constant 0 : i32
      %dma_wait3A_105 = tpu.memref_slice %arg4[%dma_wait3A_103, %dma_wait3A_104] : memref<4x80xi32, #tpu.memory_space<vmem>> -> memref<1x80xi32, #tpu.memory_space<vmem>>
      %dma_wait3A_106 = tpu.memref_squeeze %dma_wait3A_105 : memref<1x80xi32, #tpu.memory_space<vmem>> -> memref<80xi32, #tpu.memory_space<vmem>>
      %dma_wait3A_107 = tpu.memref_slice %arg2[%mul3A_20] : memref<320000xi32, #tpu.memory_space<hbm>> -> memref<80xi32, #tpu.memory_space<hbm>>
      %dma_wait3A_108 = arith.constant 0 : i32
      %dma_wait3A_109 = tpu.memref_slice %arg4[%dma_wait3A_103, %dma_wait3A_108] : memref<4x80xi32, #tpu.memory_space<vmem>> -> memref<1x80xi32, #tpu.memory_space<vmem>>
      %dma_wait3A_110 = tpu.memref_squeeze %dma_wait3A_109 : memref<1x80xi32, #tpu.memory_space<vmem>> -> memref<80xi32, #tpu.memory_space<vmem>>
      %dma_wait3A_111 = tpu.memref_slice %arg2[%mul3A_20] : memref<320000xi32, #tpu.memory_space<hbm>> -> memref<80xi32, #tpu.memory_space<hbm>>
      tpu.wait_dma2 semaphore(%arg8 : memref<!tpu.dma_semaphore, #tpu.memory_space<semaphore_mem>>) src(%dma_wait3A_111 : memref<80xi32, #tpu.memory_space<hbm>>) dst(%dma_wait3A_110 : memref<80xi32, #tpu.memory_space<vmem>>)
      %ge3A = arith.constant 1 : i32
      %ge3A_112 = arith.cmpi sge, %add3A_102, %ge3A : i32
      %convert_element_type3A_113 = arith.extui %ge3A_112 : i1 to i32
      %cond3A_114 = arith.constant 0 : i32
      %cond3A_115 = arith.cmpi ne, %convert_element_type3A_113, %cond3A_114 : i32
      scf.if %cond3A_115 {
        %dma_wait3A_226 = arith.constant 3 : i32
        %dma_wait3A_227 = arith.constant 0 : i32
        %dma_wait3A_228 = tpu.memref_slice %arg4[%dma_wait3A_226, %dma_wait3A_227] : memref<4x80xi32, #tpu.memory_space<vmem>> -> memref<1x80xi32, #tpu.memory_space<vmem>>
        %dma_wait3A_229 = tpu.memref_squeeze %dma_wait3A_228 : memref<1x80xi32, #tpu.memory_space<vmem>> -> memref<80xi32, #tpu.memory_space<vmem>>
        %dma_wait3A_230 = arith.constant 0 : i32
        %dma_wait3A_231 = arith.constant 0 : i32
        %dma_wait3A_232 = tpu.memref_slice %arg7[%dma_wait3A_230, %dma_wait3A_231] : memref<10000x128xf32, #tpu.memory_space<vmem_shared>> -> memref<10000x128xf32, #tpu.memory_space<vmem_shared>>
        tpu.wait_indirect_dma semaphore(%arg15 : memref<!tpu.dma_semaphore, #tpu.memory_space<semaphore_mem>>) src(%arg5 : memref<80x128xf32, #tpu.memory_space<vmem>>) dst(%dma_wait3A_232 : memref<10000x128xf32, #tpu.memory_space<vmem_shared>>)
      } else {
      }
      %dma_start3A_116 = arith.constant 0 : i32
      %dma_start3A_117 = arith.constant 0 : i32
      %dma_start3A_118 = tpu.memref_slice %arg4[%dma_start3A_116, %dma_start3A_117] : memref<4x80xi32, #tpu.memory_space<vmem>> -> memref<1x80xi32, #tpu.memory_space<vmem>>
      %dma_start3A_119 = tpu.memref_squeeze %dma_start3A_118 : memref<1x80xi32, #tpu.memory_space<vmem>> -> memref<80xi32, #tpu.memory_space<vmem>>
      %dma_start3A_120 = arith.constant 0 : i32
      %dma_start3A_121 = arith.constant 0 : i32
      %dma_start3A_122 = tpu.memref_slice %arg7[%dma_start3A_120, %dma_start3A_121] : memref<10000x128xf32, #tpu.memory_space<vmem_shared>> -> memref<10000x128xf32, #tpu.memory_space<vmem_shared>>
      tpu.enqueue_indirect_dma source(%arg5 : memref<80x128xf32, #tpu.memory_space<vmem>>) target(%dma_start3A_122 : memref<10000x128xf32, #tpu.memory_space<vmem_shared>>) offsets(%dma_start3A_119 : memref<80xi32, #tpu.memory_space<vmem>>) semaphore(%arg12 : memref<!tpu.dma_semaphore, #tpu.memory_space<semaphore_mem>>) {add = true}
      %add3A_123 = arith.constant 3 : i32
      %add3A_124 = arith.addi %add3A_102, %add3A_123 : i32
      %lt3A_125 = arith.constant 125 : i32
      %lt3A_126 = arith.cmpi slt, %add3A_124, %lt3A_125 : i32
      %convert_element_type3A_127 = arith.extui %lt3A_126 : i1 to i32
      %cond3A_128 = arith.constant 0 : i32
      %cond3A_129 = arith.cmpi ne, %convert_element_type3A_127, %cond3A_128 : i32
      scf.if %cond3A_129 {
        %add3A_226 = arith.constant 3 : i32
        %add3A_227 = arith.addi %add3A_102, %add3A_226 : i32
        %mul3A_228 = arith.constant 80 : i32
        %mul3A_229 = arith.muli %add3A_227, %mul3A_228 : i32
        %add3A_230 = arith.addi %mul3A_20, %mul3A_229 : i32
        %dma_start3A_231 = arith.constant 3 : i32
        %dma_start3A_232 = arith.constant 0 : i32
        %dma_start3A_233 = tpu.memref_slice %arg4[%dma_start3A_231, %dma_start3A_232] : memref<4x80xi32, #tpu.memory_space<vmem>> -> memref<1x80xi32, #tpu.memory_space<vmem>>
        %dma_start3A_234 = tpu.memref_squeeze %dma_start3A_233 : memref<1x80xi32, #tpu.memory_space<vmem>> -> memref<80xi32, #tpu.memory_space<vmem>>
        %dma_start3A_235 = tpu.memref_slice %arg2[%add3A_230] : memref<320000xi32, #tpu.memory_space<hbm>> -> memref<80xi32, #tpu.memory_space<hbm>>
        %dma_start3A_236 = arith.constant 0 : i32
        %dma_start3A_237 = tpu.memref_slice %arg4[%dma_start3A_231, %dma_start3A_236] : memref<4x80xi32, #tpu.memory_space<vmem>> -> memref<1x80xi32, #tpu.memory_space<vmem>>
        %dma_start3A_238 = tpu.memref_squeeze %dma_start3A_237 : memref<1x80xi32, #tpu.memory_space<vmem>> -> memref<80xi32, #tpu.memory_space<vmem>>
        %dma_start3A_239 = tpu.memref_slice %arg2[%add3A_230] : memref<320000xi32, #tpu.memory_space<hbm>> -> memref<80xi32, #tpu.memory_space<hbm>>
        tpu.enqueue_dma source(%dma_start3A_239 : memref<80xi32, #tpu.memory_space<hbm>>) target(%dma_start3A_238 : memref<80xi32, #tpu.memory_space<vmem>>) target_semaphore(%arg11 : memref<!tpu.dma_semaphore, #tpu.memory_space<semaphore_mem>>)
      } else {
      }
      %mul3A_130 = arith.constant 4 : i32
      %mul3A_131 = arith.muli %scan3A_98, %mul3A_130 : i32
      %add3A_132 = arith.constant 1 : i32
      %add3A_133 = arith.addi %mul3A_131, %add3A_132 : i32
      %dma_wait3A_134 = arith.constant 1 : i32
      %dma_wait3A_135 = arith.constant 0 : i32
      %dma_wait3A_136 = tpu.memref_slice %arg4[%dma_wait3A_134, %dma_wait3A_135] : memref<4x80xi32, #tpu.memory_space<vmem>> -> memref<1x80xi32, #tpu.memory_space<vmem>>
      %dma_wait3A_137 = tpu.memref_squeeze %dma_wait3A_136 : memref<1x80xi32, #tpu.memory_space<vmem>> -> memref<80xi32, #tpu.memory_space<vmem>>
      %dma_wait3A_138 = tpu.memref_slice %arg2[%mul3A_20] : memref<320000xi32, #tpu.memory_space<hbm>> -> memref<80xi32, #tpu.memory_space<hbm>>
      %dma_wait3A_139 = arith.constant 0 : i32
      %dma_wait3A_140 = tpu.memref_slice %arg4[%dma_wait3A_134, %dma_wait3A_139] : memref<4x80xi32, #tpu.memory_space<vmem>> -> memref<1x80xi32, #tpu.memory_space<vmem>>
      %dma_wait3A_141 = tpu.memref_squeeze %dma_wait3A_140 : memref<1x80xi32, #tpu.memory_space<vmem>> -> memref<80xi32, #tpu.memory_space<vmem>>
      %dma_wait3A_142 = tpu.memref_slice %arg2[%mul3A_20] : memref<320000xi32, #tpu.memory_space<hbm>> -> memref<80xi32, #tpu.memory_space<hbm>>
      tpu.wait_dma2 semaphore(%arg9 : memref<!tpu.dma_semaphore, #tpu.memory_space<semaphore_mem>>) src(%dma_wait3A_142 : memref<80xi32, #tpu.memory_space<hbm>>) dst(%dma_wait3A_141 : memref<80xi32, #tpu.memory_space<vmem>>)
      %ge3A_143 = arith.constant 1 : i32
      %ge3A_144 = arith.cmpi sge, %add3A_133, %ge3A_143 : i32
      %convert_element_type3A_145 = arith.extui %ge3A_144 : i1 to i32
      %cond3A_146 = arith.constant 0 : i32
      %cond3A_147 = arith.cmpi ne, %convert_element_type3A_145, %cond3A_146 : i32
      scf.if %cond3A_147 {
        %dma_wait3A_226 = arith.constant 0 : i32
        %dma_wait3A_227 = arith.constant 0 : i32
        %dma_wait3A_228 = tpu.memref_slice %arg4[%dma_wait3A_226, %dma_wait3A_227] : memref<4x80xi32, #tpu.memory_space<vmem>> -> memref<1x80xi32, #tpu.memory_space<vmem>>
        %dma_wait3A_229 = tpu.memref_squeeze %dma_wait3A_228 : memref<1x80xi32, #tpu.memory_space<vmem>> -> memref<80xi32, #tpu.memory_space<vmem>>
        %dma_wait3A_230 = arith.constant 0 : i32
        %dma_wait3A_231 = arith.constant 0 : i32
        %dma_wait3A_232 = tpu.memref_slice %arg7[%dma_wait3A_230, %dma_wait3A_231] : memref<10000x128xf32, #tpu.memory_space<vmem_shared>> -> memref<10000x128xf32, #tpu.memory_space<vmem_shared>>
        tpu.wait_indirect_dma semaphore(%arg12 : memref<!tpu.dma_semaphore, #tpu.memory_space<semaphore_mem>>) src(%arg5 : memref<80x128xf32, #tpu.memory_space<vmem>>) dst(%dma_wait3A_232 : memref<10000x128xf32, #tpu.memory_space<vmem_shared>>)
      } else {
      }
      %dma_start3A_148 = arith.constant 1 : i32
      %dma_start3A_149 = arith.constant 0 : i32
      %dma_start3A_150 = tpu.memref_slice %arg4[%dma_start3A_148, %dma_start3A_149] : memref<4x80xi32, #tpu.memory_space<vmem>> -> memref<1x80xi32, #tpu.memory_space<vmem>>
      %dma_start3A_151 = tpu.memref_squeeze %dma_start3A_150 : memref<1x80xi32, #tpu.memory_space<vmem>> -> memref<80xi32, #tpu.memory_space<vmem>>
      %dma_start3A_152 = arith.constant 0 : i32
      %dma_start3A_153 = arith.constant 0 : i32
      %dma_start3A_154 = tpu.memref_slice %arg7[%dma_start3A_152, %dma_start3A_153] : memref<10000x128xf32, #tpu.memory_space<vmem_shared>> -> memref<10000x128xf32, #tpu.memory_space<vmem_shared>>
      tpu.enqueue_indirect_dma source(%arg5 : memref<80x128xf32, #tpu.memory_space<vmem>>) target(%dma_start3A_154 : memref<10000x128xf32, #tpu.memory_space<vmem_shared>>) offsets(%dma_start3A_151 : memref<80xi32, #tpu.memory_space<vmem>>) semaphore(%arg13 : memref<!tpu.dma_semaphore, #tpu.memory_space<semaphore_mem>>) {add = true}
      %add3A_155 = arith.constant 3 : i32
      %add3A_156 = arith.addi %add3A_133, %add3A_155 : i32
      %lt3A_157 = arith.constant 125 : i32
      %lt3A_158 = arith.cmpi slt, %add3A_156, %lt3A_157 : i32
      %convert_element_type3A_159 = arith.extui %lt3A_158 : i1 to i32
      %cond3A_160 = arith.constant 0 : i32
      %cond3A_161 = arith.cmpi ne, %convert_element_type3A_159, %cond3A_160 : i32
      scf.if %cond3A_161 {
        %add3A_226 = arith.constant 3 : i32
        %add3A_227 = arith.addi %add3A_133, %add3A_226 : i32
        %mul3A_228 = arith.constant 80 : i32
        %mul3A_229 = arith.muli %add3A_227, %mul3A_228 : i32
        %add3A_230 = arith.addi %mul3A_20, %mul3A_229 : i32
        %dma_start3A_231 = arith.constant 0 : i32
        %dma_start3A_232 = arith.constant 0 : i32
        %dma_start3A_233 = tpu.memref_slice %arg4[%dma_start3A_231, %dma_start3A_232] : memref<4x80xi32, #tpu.memory_space<vmem>> -> memref<1x80xi32, #tpu.memory_space<vmem>>
        %dma_start3A_234 = tpu.memref_squeeze %dma_start3A_233 : memref<1x80xi32, #tpu.memory_space<vmem>> -> memref<80xi32, #tpu.memory_space<vmem>>
        %dma_start3A_235 = tpu.memref_slice %arg2[%add3A_230] : memref<320000xi32, #tpu.memory_space<hbm>> -> memref<80xi32, #tpu.memory_space<hbm>>
        %dma_start3A_236 = arith.constant 0 : i32
        %dma_start3A_237 = tpu.memref_slice %arg4[%dma_start3A_231, %dma_start3A_236] : memref<4x80xi32, #tpu.memory_space<vmem>> -> memref<1x80xi32, #tpu.memory_space<vmem>>
        %dma_start3A_238 = tpu.memref_squeeze %dma_start3A_237 : memref<1x80xi32, #tpu.memory_space<vmem>> -> memref<80xi32, #tpu.memory_space<vmem>>
        %dma_start3A_239 = tpu.memref_slice %arg2[%add3A_230] : memref<320000xi32, #tpu.memory_space<hbm>> -> memref<80xi32, #tpu.memory_space<hbm>>
        tpu.enqueue_dma source(%dma_start3A_239 : memref<80xi32, #tpu.memory_space<hbm>>) target(%dma_start3A_238 : memref<80xi32, #tpu.memory_space<vmem>>) target_semaphore(%arg8 : memref<!tpu.dma_semaphore, #tpu.memory_space<semaphore_mem>>)
      } else {
      }
      %mul3A_162 = arith.constant 4 : i32
      %mul3A_163 = arith.muli %scan3A_98, %mul3A_162 : i32
      %add3A_164 = arith.constant 2 : i32
      %add3A_165 = arith.addi %mul3A_163, %add3A_164 : i32
      %dma_wait3A_166 = arith.constant 2 : i32
      %dma_wait3A_167 = arith.constant 0 : i32
      %dma_wait3A_168 = tpu.memref_slice %arg4[%dma_wait3A_166, %dma_wait3A_167] : memref<4x80xi32, #tpu.memory_space<vmem>> -> memref<1x80xi32, #tpu.memory_space<vmem>>
      %dma_wait3A_169 = tpu.memref_squeeze %dma_wait3A_168 : memref<1x80xi32, #tpu.memory_space<vmem>> -> memref<80xi32, #tpu.memory_space<vmem>>
      %dma_wait3A_170 = tpu.memref_slice %arg2[%mul3A_20] : memref<320000xi32, #tpu.memory_space<hbm>> -> memref<80xi32, #tpu.memory_space<hbm>>
      %dma_wait3A_171 = arith.constant 0 : i32
      %dma_wait3A_172 = tpu.memref_slice %arg4[%dma_wait3A_166, %dma_wait3A_171] : memref<4x80xi32, #tpu.memory_space<vmem>> -> memref<1x80xi32, #tpu.memory_space<vmem>>
      %dma_wait3A_173 = tpu.memref_squeeze %dma_wait3A_172 : memref<1x80xi32, #tpu.memory_space<vmem>> -> memref<80xi32, #tpu.memory_space<vmem>>
      %dma_wait3A_174 = tpu.memref_slice %arg2[%mul3A_20] : memref<320000xi32, #tpu.memory_space<hbm>> -> memref<80xi32, #tpu.memory_space<hbm>>
      tpu.wait_dma2 semaphore(%arg10 : memref<!tpu.dma_semaphore, #tpu.memory_space<semaphore_mem>>) src(%dma_wait3A_174 : memref<80xi32, #tpu.memory_space<hbm>>) dst(%dma_wait3A_173 : memref<80xi32, #tpu.memory_space<vmem>>)
      %ge3A_175 = arith.constant 1 : i32
      %ge3A_176 = arith.cmpi sge, %add3A_165, %ge3A_175 : i32
      %convert_element_type3A_177 = arith.extui %ge3A_176 : i1 to i32
      %cond3A_178 = arith.constant 0 : i32
      %cond3A_179 = arith.cmpi ne, %convert_element_type3A_177, %cond3A_178 : i32
      scf.if %cond3A_179 {
        %dma_wait3A_226 = arith.constant 1 : i32
        %dma_wait3A_227 = arith.constant 0 : i32
        %dma_wait3A_228 = tpu.memref_slice %arg4[%dma_wait3A_226, %dma_wait3A_227] : memref<4x80xi32, #tpu.memory_space<vmem>> -> memref<1x80xi32, #tpu.memory_space<vmem>>
        %dma_wait3A_229 = tpu.memref_squeeze %dma_wait3A_228 : memref<1x80xi32, #tpu.memory_space<vmem>> -> memref<80xi32, #tpu.memory_space<vmem>>
        %dma_wait3A_230 = arith.constant 0 : i32
        %dma_wait3A_231 = arith.constant 0 : i32
        %dma_wait3A_232 = tpu.memref_slice %arg7[%dma_wait3A_230, %dma_wait3A_231] : memref<10000x128xf32, #tpu.memory_space<vmem_shared>> -> memref<10000x128xf32, #tpu.memory_space<vmem_shared>>
        tpu.wait_indirect_dma semaphore(%arg13 : memref<!tpu.dma_semaphore, #tpu.memory_space<semaphore_mem>>) src(%arg5 : memref<80x128xf32, #tpu.memory_space<vmem>>) dst(%dma_wait3A_232 : memref<10000x128xf32, #tpu.memory_space<vmem_shared>>)
      } else {
      }
      %dma_start3A_180 = arith.constant 2 : i32
      %dma_start3A_181 = arith.constant 0 : i32
      %dma_start3A_182 = tpu.memref_slice %arg4[%dma_start3A_180, %dma_start3A_181] : memref<4x80xi32, #tpu.memory_space<vmem>> -> memref<1x80xi32, #tpu.memory_space<vmem>>
      %dma_start3A_183 = tpu.memref_squeeze %dma_start3A_182 : memref<1x80xi32, #tpu.memory_space<vmem>> -> memref<80xi32, #tpu.memory_space<vmem>>
      %dma_start3A_184 = arith.constant 0 : i32
      %dma_start3A_185 = arith.constant 0 : i32
      %dma_start3A_186 = tpu.memref_slice %arg7[%dma_start3A_184, %dma_start3A_185] : memref<10000x128xf32, #tpu.memory_space<vmem_shared>> -> memref<10000x128xf32, #tpu.memory_space<vmem_shared>>
      tpu.enqueue_indirect_dma source(%arg5 : memref<80x128xf32, #tpu.memory_space<vmem>>) target(%dma_start3A_186 : memref<10000x128xf32, #tpu.memory_space<vmem_shared>>) offsets(%dma_start3A_183 : memref<80xi32, #tpu.memory_space<vmem>>) semaphore(%arg14 : memref<!tpu.dma_semaphore, #tpu.memory_space<semaphore_mem>>) {add = true}
      %add3A_187 = arith.constant 3 : i32
      %add3A_188 = arith.addi %add3A_165, %add3A_187 : i32
      %lt3A_189 = arith.constant 125 : i32
      %lt3A_190 = arith.cmpi slt, %add3A_188, %lt3A_189 : i32
      %convert_element_type3A_191 = arith.extui %lt3A_190 : i1 to i32
      %cond3A_192 = arith.constant 0 : i32
      %cond3A_193 = arith.cmpi ne, %convert_element_type3A_191, %cond3A_192 : i32
      scf.if %cond3A_193 {
        %add3A_226 = arith.constant 3 : i32
        %add3A_227 = arith.addi %add3A_165, %add3A_226 : i32
        %mul3A_228 = arith.constant 80 : i32
        %mul3A_229 = arith.muli %add3A_227, %mul3A_228 : i32
        %add3A_230 = arith.addi %mul3A_20, %mul3A_229 : i32
        %dma_start3A_231 = arith.constant 1 : i32
        %dma_start3A_232 = arith.constant 0 : i32
        %dma_start3A_233 = tpu.memref_slice %arg4[%dma_start3A_231, %dma_start3A_232] : memref<4x80xi32, #tpu.memory_space<vmem>> -> memref<1x80xi32, #tpu.memory_space<vmem>>
        %dma_start3A_234 = tpu.memref_squeeze %dma_start3A_233 : memref<1x80xi32, #tpu.memory_space<vmem>> -> memref<80xi32, #tpu.memory_space<vmem>>
        %dma_start3A_235 = tpu.memref_slice %arg2[%add3A_230] : memref<320000xi32, #tpu.memory_space<hbm>> -> memref<80xi32, #tpu.memory_space<hbm>>
        %dma_start3A_236 = arith.constant 0 : i32
        %dma_start3A_237 = tpu.memref_slice %arg4[%dma_start3A_231, %dma_start3A_236] : memref<4x80xi32, #tpu.memory_space<vmem>> -> memref<1x80xi32, #tpu.memory_space<vmem>>
        %dma_start3A_238 = tpu.memref_squeeze %dma_start3A_237 : memref<1x80xi32, #tpu.memory_space<vmem>> -> memref<80xi32, #tpu.memory_space<vmem>>
        %dma_start3A_239 = tpu.memref_slice %arg2[%add3A_230] : memref<320000xi32, #tpu.memory_space<hbm>> -> memref<80xi32, #tpu.memory_space<hbm>>
        tpu.enqueue_dma source(%dma_start3A_239 : memref<80xi32, #tpu.memory_space<hbm>>) target(%dma_start3A_238 : memref<80xi32, #tpu.memory_space<vmem>>) target_semaphore(%arg9 : memref<!tpu.dma_semaphore, #tpu.memory_space<semaphore_mem>>)
      } else {
      }
      %mul3A_194 = arith.constant 4 : i32
      %mul3A_195 = arith.muli %scan3A_98, %mul3A_194 : i32
      %add3A_196 = arith.constant 3 : i32
      %add3A_197 = arith.addi %mul3A_195, %add3A_196 : i32
      %dma_wait3A_198 = arith.constant 3 : i32
      %dma_wait3A_199 = arith.constant 0 : i32
      %dma_wait3A_200 = tpu.memref_slice %arg4[%dma_wait3A_198, %dma_wait3A_199] : memref<4x80xi32, #tpu.memory_space<vmem>> -> memref<1x80xi32, #tpu.memory_space<vmem>>
      %dma_wait3A_201 = tpu.memref_squeeze %dma_wait3A_200 : memref<1x80xi32, #tpu.memory_space<vmem>> -> memref<80xi32, #tpu.memory_space<vmem>>
      %dma_wait3A_202 = tpu.memref_slice %arg2[%mul3A_20] : memref<320000xi32, #tpu.memory_space<hbm>> -> memref<80xi32, #tpu.memory_space<hbm>>
      %dma_wait3A_203 = arith.constant 0 : i32
      %dma_wait3A_204 = tpu.memref_slice %arg4[%dma_wait3A_198, %dma_wait3A_203] : memref<4x80xi32, #tpu.memory_space<vmem>> -> memref<1x80xi32, #tpu.memory_space<vmem>>
      %dma_wait3A_205 = tpu.memref_squeeze %dma_wait3A_204 : memref<1x80xi32, #tpu.memory_space<vmem>> -> memref<80xi32, #tpu.memory_space<vmem>>
      %dma_wait3A_206 = tpu.memref_slice %arg2[%mul3A_20] : memref<320000xi32, #tpu.memory_space<hbm>> -> memref<80xi32, #tpu.memory_space<hbm>>
      tpu.wait_dma2 semaphore(%arg11 : memref<!tpu.dma_semaphore, #tpu.memory_space<semaphore_mem>>) src(%dma_wait3A_206 : memref<80xi32, #tpu.memory_space<hbm>>) dst(%dma_wait3A_205 : memref<80xi32, #tpu.memory_space<vmem>>)
      %ge3A_207 = arith.constant 1 : i32
      %ge3A_208 = arith.cmpi sge, %add3A_197, %ge3A_207 : i32
      %convert_element_type3A_209 = arith.extui %ge3A_208 : i1 to i32
      %cond3A_210 = arith.constant 0 : i32
      %cond3A_211 = arith.cmpi ne, %convert_element_type3A_209, %cond3A_210 : i32
      scf.if %cond3A_211 {
        %dma_wait3A_226 = arith.constant 2 : i32
        %dma_wait3A_227 = arith.constant 0 : i32
        %dma_wait3A_228 = tpu.memref_slice %arg4[%dma_wait3A_226, %dma_wait3A_227] : memref<4x80xi32, #tpu.memory_space<vmem>> -> memref<1x80xi32, #tpu.memory_space<vmem>>
        %dma_wait3A_229 = tpu.memref_squeeze %dma_wait3A_228 : memref<1x80xi32, #tpu.memory_space<vmem>> -> memref<80xi32, #tpu.memory_space<vmem>>
        %dma_wait3A_230 = arith.constant 0 : i32
        %dma_wait3A_231 = arith.constant 0 : i32
        %dma_wait3A_232 = tpu.memref_slice %arg7[%dma_wait3A_230, %dma_wait3A_231] : memref<10000x128xf32, #tpu.memory_space<vmem_shared>> -> memref<10000x128xf32, #tpu.memory_space<vmem_shared>>
        tpu.wait_indirect_dma semaphore(%arg14 : memref<!tpu.dma_semaphore, #tpu.memory_space<semaphore_mem>>) src(%arg5 : memref<80x128xf32, #tpu.memory_space<vmem>>) dst(%dma_wait3A_232 : memref<10000x128xf32, #tpu.memory_space<vmem_shared>>)
      } else {
      }
      %dma_start3A_212 = arith.constant 3 : i32
      %dma_start3A_213 = arith.constant 0 : i32
      %dma_start3A_214 = tpu.memref_slice %arg4[%dma_start3A_212, %dma_start3A_213] : memref<4x80xi32, #tpu.memory_space<vmem>> -> memref<1x80xi32, #tpu.memory_space<vmem>>
      %dma_start3A_215 = tpu.memref_squeeze %dma_start3A_214 : memref<1x80xi32, #tpu.memory_space<vmem>> -> memref<80xi32, #tpu.memory_space<vmem>>
      %dma_start3A_216 = arith.constant 0 : i32
      %dma_start3A_217 = arith.constant 0 : i32
      %dma_start3A_218 = tpu.memref_slice %arg7[%dma_start3A_216, %dma_start3A_217] : memref<10000x128xf32, #tpu.memory_space<vmem_shared>> -> memref<10000x128xf32, #tpu.memory_space<vmem_shared>>
      tpu.enqueue_indirect_dma source(%arg5 : memref<80x128xf32, #tpu.memory_space<vmem>>) target(%dma_start3A_218 : memref<10000x128xf32, #tpu.memory_space<vmem_shared>>) offsets(%dma_start3A_215 : memref<80xi32, #tpu.memory_space<vmem>>) semaphore(%arg15 : memref<!tpu.dma_semaphore, #tpu.memory_space<semaphore_mem>>) {add = true}
      %add3A_219 = arith.constant 3 : i32
      %add3A_220 = arith.addi %add3A_197, %add3A_219 : i32
      %lt3A_221 = arith.constant 125 : i32
      %lt3A_222 = arith.cmpi slt, %add3A_220, %lt3A_221 : i32
      %convert_element_type3A_223 = arith.extui %lt3A_222 : i1 to i32
      %cond3A_224 = arith.constant 0 : i32
      %cond3A_225 = arith.cmpi ne, %convert_element_type3A_223, %cond3A_224 : i32
      scf.if %cond3A_225 {
        %add3A_226 = arith.constant 3 : i32
        %add3A_227 = arith.addi %add3A_197, %add3A_226 : i32
        %mul3A_228 = arith.constant 80 : i32
        %mul3A_229 = arith.muli %add3A_227, %mul3A_228 : i32
        %add3A_230 = arith.addi %mul3A_20, %mul3A_229 : i32
        %dma_start3A_231 = arith.constant 2 : i32
        %dma_start3A_232 = arith.constant 0 : i32
        %dma_start3A_233 = tpu.memref_slice %arg4[%dma_start3A_231, %dma_start3A_232] : memref<4x80xi32, #tpu.memory_space<vmem>> -> memref<1x80xi32, #tpu.memory_space<vmem>>
        %dma_start3A_234 = tpu.memref_squeeze %dma_start3A_233 : memref<1x80xi32, #tpu.memory_space<vmem>> -> memref<80xi32, #tpu.memory_space<vmem>>
        %dma_start3A_235 = tpu.memref_slice %arg2[%add3A_230] : memref<320000xi32, #tpu.memory_space<hbm>> -> memref<80xi32, #tpu.memory_space<hbm>>
        %dma_start3A_236 = arith.constant 0 : i32
        %dma_start3A_237 = tpu.memref_slice %arg4[%dma_start3A_231, %dma_start3A_236] : memref<4x80xi32, #tpu.memory_space<vmem>> -> memref<1x80xi32, #tpu.memory_space<vmem>>
        %dma_start3A_238 = tpu.memref_squeeze %dma_start3A_237 : memref<1x80xi32, #tpu.memory_space<vmem>> -> memref<80xi32, #tpu.memory_space<vmem>>
        %dma_start3A_239 = tpu.memref_slice %arg2[%add3A_230] : memref<320000xi32, #tpu.memory_space<hbm>> -> memref<80xi32, #tpu.memory_space<hbm>>
        tpu.enqueue_dma source(%dma_start3A_239 : memref<80xi32, #tpu.memory_space<hbm>>) target(%dma_start3A_238 : memref<80xi32, #tpu.memory_space<vmem>>) target_semaphore(%arg10 : memref<!tpu.dma_semaphore, #tpu.memory_space<semaphore_mem>>)
      } else {
      }
    }
    %scan3A_58 = arith.constant 31 : i32
    %dma_wait3A = arith.constant 0 : i32
    %dma_wait3A_59 = arith.constant 0 : i32
    %dma_wait3A_60 = tpu.memref_slice %arg4[%dma_wait3A, %dma_wait3A_59] : memref<4x80xi32, #tpu.memory_space<vmem>> -> memref<1x80xi32, #tpu.memory_space<vmem>>
    %dma_wait3A_61 = tpu.memref_squeeze %dma_wait3A_60 : memref<1x80xi32, #tpu.memory_space<vmem>> -> memref<80xi32, #tpu.memory_space<vmem>>
    %dma_wait3A_62 = tpu.memref_slice %arg2[%mul3A_20] : memref<320000xi32, #tpu.memory_space<hbm>> -> memref<80xi32, #tpu.memory_space<hbm>>
    %dma_wait3A_63 = arith.constant 0 : i32
    %dma_wait3A_64 = tpu.memref_slice %arg4[%dma_wait3A, %dma_wait3A_63] : memref<4x80xi32, #tpu.memory_space<vmem>> -> memref<1x80xi32, #tpu.memory_space<vmem>>
    %dma_wait3A_65 = tpu.memref_squeeze %dma_wait3A_64 : memref<1x80xi32, #tpu.memory_space<vmem>> -> memref<80xi32, #tpu.memory_space<vmem>>
    %dma_wait3A_66 = tpu.memref_slice %arg2[%mul3A_20] : memref<320000xi32, #tpu.memory_space<hbm>> -> memref<80xi32, #tpu.memory_space<hbm>>
    tpu.wait_dma2 semaphore(%arg8 : memref<!tpu.dma_semaphore, #tpu.memory_space<semaphore_mem>>) src(%dma_wait3A_66 : memref<80xi32, #tpu.memory_space<hbm>>) dst(%dma_wait3A_65 : memref<80xi32, #tpu.memory_space<vmem>>)
    %dma_wait3A_67 = arith.constant 3 : i32
    %dma_wait3A_68 = arith.constant 0 : i32
    %dma_wait3A_69 = tpu.memref_slice %arg4[%dma_wait3A_67, %dma_wait3A_68] : memref<4x80xi32, #tpu.memory_space<vmem>> -> memref<1x80xi32, #tpu.memory_space<vmem>>
    %dma_wait3A_70 = tpu.memref_squeeze %dma_wait3A_69 : memref<1x80xi32, #tpu.memory_space<vmem>> -> memref<80xi32, #tpu.memory_space<vmem>>
    %dma_wait3A_71 = arith.constant 0 : i32
    %dma_wait3A_72 = arith.constant 0 : i32
    %dma_wait3A_73 = tpu.memref_slice %arg7[%dma_wait3A_71, %dma_wait3A_72] : memref<10000x128xf32, #tpu.memory_space<vmem_shared>> -> memref<10000x128xf32, #tpu.memory_space<vmem_shared>>
    tpu.wait_indirect_dma semaphore(%arg15 : memref<!tpu.dma_semaphore, #tpu.memory_space<semaphore_mem>>) src(%arg5 : memref<80x128xf32, #tpu.memory_space<vmem>>) dst(%dma_wait3A_73 : memref<10000x128xf32, #tpu.memory_space<vmem_shared>>)
    %dma_start3A_74 = arith.constant 0 : i32
    %dma_start3A_75 = arith.constant 0 : i32
    %dma_start3A_76 = tpu.memref_slice %arg4[%dma_start3A_74, %dma_start3A_75] : memref<4x80xi32, #tpu.memory_space<vmem>> -> memref<1x80xi32, #tpu.memory_space<vmem>>
    %dma_start3A_77 = tpu.memref_squeeze %dma_start3A_76 : memref<1x80xi32, #tpu.memory_space<vmem>> -> memref<80xi32, #tpu.memory_space<vmem>>
    %dma_start3A_78 = arith.constant 0 : i32
    %dma_start3A_79 = arith.constant 0 : i32
    %dma_start3A_80 = tpu.memref_slice %arg7[%dma_start3A_78, %dma_start3A_79] : memref<10000x128xf32, #tpu.memory_space<vmem_shared>> -> memref<10000x128xf32, #tpu.memory_space<vmem_shared>>
    tpu.enqueue_indirect_dma source(%arg5 : memref<80x128xf32, #tpu.memory_space<vmem>>) target(%dma_start3A_80 : memref<10000x128xf32, #tpu.memory_space<vmem_shared>>) offsets(%dma_start3A_77 : memref<80xi32, #tpu.memory_space<vmem>>) semaphore(%arg12 : memref<!tpu.dma_semaphore, #tpu.memory_space<semaphore_mem>>) {add = true}
    %dma_wait3A_81 = arith.constant 0 : i32
    %dma_wait3A_82 = arith.constant 0 : i32
    %dma_wait3A_83 = tpu.memref_slice %arg4[%dma_wait3A_81, %dma_wait3A_82] : memref<4x80xi32, #tpu.memory_space<vmem>> -> memref<1x80xi32, #tpu.memory_space<vmem>>
    %dma_wait3A_84 = tpu.memref_squeeze %dma_wait3A_83 : memref<1x80xi32, #tpu.memory_space<vmem>> -> memref<80xi32, #tpu.memory_space<vmem>>
    %dma_wait3A_85 = arith.constant 0 : i32
    %dma_wait3A_86 = arith.constant 0 : i32
    %dma_wait3A_87 = tpu.memref_slice %arg7[%dma_wait3A_85, %dma_wait3A_86] : memref<10000x128xf32, #tpu.memory_space<vmem_shared>> -> memref<10000x128xf32, #tpu.memory_space<vmem_shared>>
    tpu.wait_indirect_dma semaphore(%arg12 : memref<!tpu.dma_semaphore, #tpu.memory_space<semaphore_mem>>) src(%arg5 : memref<80x128xf32, #tpu.memory_space<vmem>>) dst(%dma_wait3A_87 : memref<10000x128xf32, #tpu.memory_space<vmem_shared>>)
    %mul3A_88 = arith.constant 10000 : i32
    %mul3A_89 = arith.muli %arg0, %mul3A_88 : i32
    %barrier3A_90 = arith.constant 0 : index
    tpu.barrier barrier_id(%barrier3A_90)
    %mul3A_91 = arith.constant 1000 : i32
    %mul3A_92 = arith.muli %arg1, %mul3A_91 : i32
    %lt3A_93 = arith.constant 10 : i32
    %lt3A_94 = arith.cmpi slt, %arg1, %lt3A_93 : i32
    %convert_element_type3A_95 = arith.extui %lt3A_94 : i1 to i32
    %cond3A_96 = arith.constant 0 : i32
    %cond3A_97 = arith.cmpi ne, %convert_element_type3A_95, %cond3A_96 : i32
    scf.if %cond3A_97 {
      %add3A_98 = arith.addi %mul3A_89, %mul3A_92 : i32
      "tpu.region"() ({
        %run_scoped3A = tpu.sem_alloc : memref<!tpu.dma_semaphore, #tpu.memory_space<semaphore_mem>>
        %dma_start3A_99 = arith.constant 0 : i32
        %dma_start3A_100 = tpu.memref_slice %arg3[%add3A_98, %dma_start3A_99] : memref<20000x128xf32, #tpu.memory_space<hbm>> -> memref<1000x128xf32, #tpu.memory_space<hbm>>
        %dma_start3A_101 = arith.constant 0 : i32
        %dma_start3A_102 = tpu.memref_slice %arg7[%mul3A_92, %dma_start3A_101] : memref<10000x128xf32, #tpu.memory_space<vmem_shared>> -> memref<1000x128xf32, #tpu.memory_space<vmem_shared>>
        tpu.enqueue_dma source(%dma_start3A_102 : memref<1000x128xf32, #tpu.memory_space<vmem_shared>>) target(%dma_start3A_100 : memref<1000x128xf32, #tpu.memory_space<hbm>>) target_semaphore(%run_scoped3A : memref<!tpu.dma_semaphore, #tpu.memory_space<semaphore_mem>>)
        %dma_wait3A_103 = arith.constant 0 : i32
        %dma_wait3A_104 = tpu.memref_slice %arg3[%add3A_98, %dma_wait3A_103] : memref<20000x128xf32, #tpu.memory_space<hbm>> -> memref<1000x128xf32, #tpu.memory_space<hbm>>
        %dma_wait3A_105 = arith.constant 0 : i32
        %dma_wait3A_106 = tpu.memref_slice %arg7[%mul3A_92, %dma_wait3A_105] : memref<10000x128xf32, #tpu.memory_space<vmem_shared>> -> memref<1000x128xf32, #tpu.memory_space<vmem_shared>>
        tpu.wait_dma2 semaphore(%run_scoped3A : memref<!tpu.dma_semaphore, #tpu.memory_space<semaphore_mem>>) src(%dma_wait3A_106 : memref<1000x128xf32, #tpu.memory_space<vmem_shared>>) dst(%dma_wait3A_104 : memref<1000x128xf32, #tpu.memory_space<hbm>>)
        tpu.yield
      }) : () -> ()
    } else {
    }
    return
  }
}

#map = affine_map<(d0, d1) -> (0)>
#map1 = affine_map<(d0, d1) -> (0, 0)>
module attributes {stable_mosaic.version = 14 : i64} {
  func.func @_sc_agg_body(%arg0: i32, %arg1: i32, %arg2: memref<320000xi32, #tpu.memory_space<hbm>>, %arg3: memref<320000xi32, #tpu.memory_space<hbm>>, %arg4: memref<10000x128xf32, #tpu.memory_space<hbm>>, %arg5: memref<20000x128xf32, #tpu.memory_space<hbm>>, %arg6: memref<4x80xi32, #tpu.memory_space<vmem>>, %arg7: memref<4x80xi32, #tpu.memory_space<vmem>>, %arg8: memref<4x80x128xf32, #tpu.memory_space<vmem>>, %arg9: memref<40x128xf32, #tpu.memory_space<vmem>>, %arg10: memref<10000x128xf32, #tpu.memory_space<vmem_shared>>, %arg11: memref<!tpu.dma_semaphore, #tpu.memory_space<semaphore_mem>>, %arg12: memref<!tpu.dma_semaphore, #tpu.memory_space<semaphore_mem>>, %arg13: memref<!tpu.dma_semaphore, #tpu.memory_space<semaphore_mem>>, %arg14: memref<!tpu.dma_semaphore, #tpu.memory_space<semaphore_mem>>, %arg15: memref<!tpu.dma_semaphore, #tpu.memory_space<semaphore_mem>>, %arg16: memref<!tpu.dma_semaphore, #tpu.memory_space<semaphore_mem>>, %arg17: memref<!tpu.dma_semaphore, #tpu.memory_space<semaphore_mem>>, %arg18: memref<!tpu.dma_semaphore, #tpu.memory_space<semaphore_mem>>, %arg19: memref<!tpu.dma_semaphore, #tpu.memory_space<semaphore_mem>>, %arg20: memref<!tpu.dma_semaphore, #tpu.memory_space<semaphore_mem>>, %arg21: memref<!tpu.dma_semaphore, #tpu.memory_space<semaphore_mem>>, %arg22: memref<!tpu.dma_semaphore, #tpu.memory_space<semaphore_mem>>) attributes {dimension_semantics = [#tpu.dimension_semantics<core_parallel>, #tpu.dimension_semantics<subcore_parallel>], iteration_bounds = array<i64: 2, 16>, scalar_prefetch = 0 : i64, scratch_operands = 17 : i64, tpu.core_type = #tpu.core_type<sc_vector_subcore>, window_params = [{transform_indices = #map}, {transform_indices = #map}, {transform_indices = #map1}, {transform_indices = #map1}]} {
    %broadcast_in_dim3A = arith.constant 0.000000e+00 : f32
    %broadcast_in_dim3A_0 = vector.broadcast %broadcast_in_dim3A : f32 to vector<16xf32>
    %scan3A = arith.constant 0 : i32
    %scan3A_1 = arith.constant 0 : i32
    %scan3A_2 = arith.constant 40 : i32
    %scan3A_3 = arith.addi %scan3A_1, %scan3A_2 : i32
    %scan3A_4 = arith.constant 1 : i32
    scf.for %scan3A_195 = %scan3A_1 to %scan3A_3 step %scan3A_4  : i32 {
      %swap3A = arith.index_cast %scan3A_195 : i32 to index
      %swap3A_196 = arith.constant 0 : index
      %swap3A_197 = tpu.vector_load %arg9[%swap3A, %swap3A_196] {strides = array<i32>} : memref<40x128xf32, #tpu.memory_space<vmem>>, vector<1x16xf32>,
      %swap3A_198 = vector.shape_cast %swap3A_197 : vector<1x16xf32> to vector<16xf32>
      %swap3A_199 = vector.shape_cast %broadcast_in_dim3A_0 : vector<16xf32> to vector<1x16xf32>
      tpu.vector_store %arg9[%swap3A, %swap3A_196], %swap3A_199 {strides = array<i32>} : memref<40x128xf32, #tpu.memory_space<vmem>>, vector<1x16xf32>,
      %swap3A_200 = arith.index_cast %scan3A_195 : i32 to index
      %swap3A_201 = arith.constant 16 : index
      %swap3A_202 = tpu.vector_load %arg9[%swap3A_200, %swap3A_201] {strides = array<i32>} : memref<40x128xf32, #tpu.memory_space<vmem>>, vector<1x16xf32>,
      %swap3A_203 = vector.shape_cast %swap3A_202 : vector<1x16xf32> to vector<16xf32>
      %swap3A_204 = vector.shape_cast %broadcast_in_dim3A_0 : vector<16xf32> to vector<1x16xf32>
      tpu.vector_store %arg9[%swap3A_200, %swap3A_201], %swap3A_204 {strides = array<i32>} : memref<40x128xf32, #tpu.memory_space<vmem>>, vector<1x16xf32>,
      %swap3A_205 = arith.index_cast %scan3A_195 : i32 to index
      %swap3A_206 = arith.constant 32 : index
      %swap3A_207 = tpu.vector_load %arg9[%swap3A_205, %swap3A_206] {strides = array<i32>} : memref<40x128xf32, #tpu.memory_space<vmem>>, vector<1x16xf32>,
      %swap3A_208 = vector.shape_cast %swap3A_207 : vector<1x16xf32> to vector<16xf32>
      %swap3A_209 = vector.shape_cast %broadcast_in_dim3A_0 : vector<16xf32> to vector<1x16xf32>
      tpu.vector_store %arg9[%swap3A_205, %swap3A_206], %swap3A_209 {strides = array<i32>} : memref<40x128xf32, #tpu.memory_space<vmem>>, vector<1x16xf32>,
      %swap3A_210 = arith.index_cast %scan3A_195 : i32 to index
      %swap3A_211 = arith.constant 48 : index
      %swap3A_212 = tpu.vector_load %arg9[%swap3A_210, %swap3A_211] {strides = array<i32>} : memref<40x128xf32, #tpu.memory_space<vmem>>, vector<1x16xf32>,
      %swap3A_213 = vector.shape_cast %swap3A_212 : vector<1x16xf32> to vector<16xf32>
      %swap3A_214 = vector.shape_cast %broadcast_in_dim3A_0 : vector<16xf32> to vector<1x16xf32>
      tpu.vector_store %arg9[%swap3A_210, %swap3A_211], %swap3A_214 {strides = array<i32>} : memref<40x128xf32, #tpu.memory_space<vmem>>, vector<1x16xf32>,
      %swap3A_215 = arith.index_cast %scan3A_195 : i32 to index
      %swap3A_216 = arith.constant 64 : index
      %swap3A_217 = tpu.vector_load %arg9[%swap3A_215, %swap3A_216] {strides = array<i32>} : memref<40x128xf32, #tpu.memory_space<vmem>>, vector<1x16xf32>,
      %swap3A_218 = vector.shape_cast %swap3A_217 : vector<1x16xf32> to vector<16xf32>
      %swap3A_219 = vector.shape_cast %broadcast_in_dim3A_0 : vector<16xf32> to vector<1x16xf32>
      tpu.vector_store %arg9[%swap3A_215, %swap3A_216], %swap3A_219 {strides = array<i32>} : memref<40x128xf32, #tpu.memory_space<vmem>>, vector<1x16xf32>,
      %swap3A_220 = arith.index_cast %scan3A_195 : i32 to index
      %swap3A_221 = arith.constant 80 : index
      %swap3A_222 = tpu.vector_load %arg9[%swap3A_220, %swap3A_221] {strides = array<i32>} : memref<40x128xf32, #tpu.memory_space<vmem>>, vector<1x16xf32>,
      %swap3A_223 = vector.shape_cast %swap3A_222 : vector<1x16xf32> to vector<16xf32>
      %swap3A_224 = vector.shape_cast %broadcast_in_dim3A_0 : vector<16xf32> to vector<1x16xf32>
      tpu.vector_store %arg9[%swap3A_220, %swap3A_221], %swap3A_224 {strides = array<i32>} : memref<40x128xf32, #tpu.memory_space<vmem>>, vector<1x16xf32>,
      %swap3A_225 = arith.index_cast %scan3A_195 : i32 to index
      %swap3A_226 = arith.constant 96 : index
      %swap3A_227 = tpu.vector_load %arg9[%swap3A_225, %swap3A_226] {strides = array<i32>} : memref<40x128xf32, #tpu.memory_space<vmem>>, vector<1x16xf32>,
      %swap3A_228 = vector.shape_cast %swap3A_227 : vector<1x16xf32> to vector<16xf32>
      %swap3A_229 = vector.shape_cast %broadcast_in_dim3A_0 : vector<16xf32> to vector<1x16xf32>
      tpu.vector_store %arg9[%swap3A_225, %swap3A_226], %swap3A_229 {strides = array<i32>} : memref<40x128xf32, #tpu.memory_space<vmem>>, vector<1x16xf32>,
      %swap3A_230 = arith.index_cast %scan3A_195 : i32 to index
      %swap3A_231 = arith.constant 112 : index
      %swap3A_232 = tpu.vector_load %arg9[%swap3A_230, %swap3A_231] {strides = array<i32>} : memref<40x128xf32, #tpu.memory_space<vmem>>, vector<1x16xf32>,
      %swap3A_233 = vector.shape_cast %swap3A_232 : vector<1x16xf32> to vector<16xf32>
      %swap3A_234 = vector.shape_cast %broadcast_in_dim3A_0 : vector<16xf32> to vector<1x16xf32>
      tpu.vector_store %arg9[%swap3A_230, %swap3A_231], %swap3A_234 {strides = array<i32>} : memref<40x128xf32, #tpu.memory_space<vmem>>, vector<1x16xf32>,
    }
    %scan3A_5 = arith.constant 40 : i32
    %mul3A = arith.constant 1000 : i32
    %mul3A_6 = arith.muli %arg1, %mul3A : i32
    %lt3A = arith.constant 10 : i32
    %lt3A_7 = arith.cmpi slt, %arg1, %lt3A : i32
    %convert_element_type3A = arith.extui %lt3A_7 : i1 to i32
    %cond3A = arith.constant 0 : i32
    %cond3A_8 = arith.cmpi ne, %convert_element_type3A, %cond3A : i32
    scf.if %cond3A_8 {
      %add3A_195 = arith.constant 0 : i32
      %add3A_196 = arith.addi %mul3A_6, %add3A_195 : i32
      "tpu.region"() ({
        %run_scoped3A = tpu.sem_alloc : memref<!tpu.dma_semaphore, #tpu.memory_space<semaphore_mem>>
        %dma_start3A_245 = arith.constant 0 : i32
        %dma_start3A_246 = tpu.memref_slice %arg10[%add3A_196, %dma_start3A_245] : memref<10000x128xf32, #tpu.memory_space<vmem_shared>> -> memref<40x128xf32, #tpu.memory_space<vmem_shared>>
        %dma_start3A_247 = arith.constant 0 : i32
        %dma_start3A_248 = tpu.memref_slice %arg10[%add3A_196, %dma_start3A_247] : memref<10000x128xf32, #tpu.memory_space<vmem_shared>> -> memref<40x128xf32, #tpu.memory_space<vmem_shared>>
        tpu.enqueue_dma source(%arg9 : memref<40x128xf32, #tpu.memory_space<vmem>>) target(%dma_start3A_248 : memref<40x128xf32, #tpu.memory_space<vmem_shared>>) target_semaphore(%run_scoped3A : memref<!tpu.dma_semaphore, #tpu.memory_space<semaphore_mem>>)
        %dma_wait3A_249 = arith.constant 0 : i32
        %dma_wait3A_250 = tpu.memref_slice %arg10[%add3A_196, %dma_wait3A_249] : memref<10000x128xf32, #tpu.memory_space<vmem_shared>> -> memref<40x128xf32, #tpu.memory_space<vmem_shared>>
        %dma_wait3A_251 = arith.constant 0 : i32
        %dma_wait3A_252 = tpu.memref_slice %arg10[%add3A_196, %dma_wait3A_251] : memref<10000x128xf32, #tpu.memory_space<vmem_shared>> -> memref<40x128xf32, #tpu.memory_space<vmem_shared>>
        tpu.wait_dma2 semaphore(%run_scoped3A : memref<!tpu.dma_semaphore, #tpu.memory_space<semaphore_mem>>) src(%arg9 : memref<40x128xf32, #tpu.memory_space<vmem>>) dst(%dma_wait3A_252 : memref<40x128xf32, #tpu.memory_space<vmem_shared>>)
        tpu.yield
      }) : () -> ()
      %add3A_197 = arith.constant 40 : i32
      %add3A_198 = arith.addi %mul3A_6, %add3A_197 : i32
      "tpu.region"() ({
        %run_scoped3A = tpu.sem_alloc : memref<!tpu.dma_semaphore, #tpu.memory_space<semaphore_mem>>
        %dma_start3A_245 = arith.constant 0 : i32
        %dma_start3A_246 = tpu.memref_slice %arg10[%add3A_198, %dma_start3A_245] : memref<10000x128xf32, #tpu.memory_space<vmem_shared>> -> memref<40x128xf32, #tpu.memory_space<vmem_shared>>
        %dma_start3A_247 = arith.constant 0 : i32
        %dma_start3A_248 = tpu.memref_slice %arg10[%add3A_198, %dma_start3A_247] : memref<10000x128xf32, #tpu.memory_space<vmem_shared>> -> memref<40x128xf32, #tpu.memory_space<vmem_shared>>
        tpu.enqueue_dma source(%arg9 : memref<40x128xf32, #tpu.memory_space<vmem>>) target(%dma_start3A_248 : memref<40x128xf32, #tpu.memory_space<vmem_shared>>) target_semaphore(%run_scoped3A : memref<!tpu.dma_semaphore, #tpu.memory_space<semaphore_mem>>)
        %dma_wait3A_249 = arith.constant 0 : i32
        %dma_wait3A_250 = tpu.memref_slice %arg10[%add3A_198, %dma_wait3A_249] : memref<10000x128xf32, #tpu.memory_space<vmem_shared>> -> memref<40x128xf32, #tpu.memory_space<vmem_shared>>
        %dma_wait3A_251 = arith.constant 0 : i32
        %dma_wait3A_252 = tpu.memref_slice %arg10[%add3A_198, %dma_wait3A_251] : memref<10000x128xf32, #tpu.memory_space<vmem_shared>> -> memref<40x128xf32, #tpu.memory_space<vmem_shared>>
        tpu.wait_dma2 semaphore(%run_scoped3A : memref<!tpu.dma_semaphore, #tpu.memory_space<semaphore_mem>>) src(%arg9 : memref<40x128xf32, #tpu.memory_space<vmem>>) dst(%dma_wait3A_252 : memref<40x128xf32, #tpu.memory_space<vmem_shared>>)
        tpu.yield
      }) : () -> ()
      %add3A_199 = arith.constant 80 : i32
      %add3A_200 = arith.addi %mul3A_6, %add3A_199 : i32
      "tpu.region"() ({
        %run_scoped3A = tpu.sem_alloc : memref<!tpu.dma_semaphore, #tpu.memory_space<semaphore_mem>>
        %dma_start3A_245 = arith.constant 0 : i32
        %dma_start3A_246 = tpu.memref_slice %arg10[%add3A_200, %dma_start3A_245] : memref<10000x128xf32, #tpu.memory_space<vmem_shared>> -> memref<40x128xf32, #tpu.memory_space<vmem_shared>>
        %dma_start3A_247 = arith.constant 0 : i32
        %dma_start3A_248 = tpu.memref_slice %arg10[%add3A_200, %dma_start3A_247] : memref<10000x128xf32, #tpu.memory_space<vmem_shared>> -> memref<40x128xf32, #tpu.memory_space<vmem_shared>>
        tpu.enqueue_dma source(%arg9 : memref<40x128xf32, #tpu.memory_space<vmem>>) target(%dma_start3A_248 : memref<40x128xf32, #tpu.memory_space<vmem_shared>>) target_semaphore(%run_scoped3A : memref<!tpu.dma_semaphore, #tpu.memory_space<semaphore_mem>>)
        %dma_wait3A_249 = arith.constant 0 : i32
        %dma_wait3A_250 = tpu.memref_slice %arg10[%add3A_200, %dma_wait3A_249] : memref<10000x128xf32, #tpu.memory_space<vmem_shared>> -> memref<40x128xf32, #tpu.memory_space<vmem_shared>>
        %dma_wait3A_251 = arith.constant 0 : i32
        %dma_wait3A_252 = tpu.memref_slice %arg10[%add3A_200, %dma_wait3A_251] : memref<10000x128xf32, #tpu.memory_space<vmem_shared>> -> memref<40x128xf32, #tpu.memory_space<vmem_shared>>
        tpu.wait_dma2 semaphore(%run_scoped3A : memref<!tpu.dma_semaphore, #tpu.memory_space<semaphore_mem>>) src(%arg9 : memref<40x128xf32, #tpu.memory_space<vmem>>) dst(%dma_wait3A_252 : memref<40x128xf32, #tpu.memory_space<vmem_shared>>)
        tpu.yield
      }) : () -> ()
      %add3A_201 = arith.constant 120 : i32
      %add3A_202 = arith.addi %mul3A_6, %add3A_201 : i32
      "tpu.region"() ({
        %run_scoped3A = tpu.sem_alloc : memref<!tpu.dma_semaphore, #tpu.memory_space<semaphore_mem>>
        %dma_start3A_245 = arith.constant 0 : i32
        %dma_start3A_246 = tpu.memref_slice %arg10[%add3A_202, %dma_start3A_245] : memref<10000x128xf32, #tpu.memory_space<vmem_shared>> -> memref<40x128xf32, #tpu.memory_space<vmem_shared>>
        %dma_start3A_247 = arith.constant 0 : i32
        %dma_start3A_248 = tpu.memref_slice %arg10[%add3A_202, %dma_start3A_247] : memref<10000x128xf32, #tpu.memory_space<vmem_shared>> -> memref<40x128xf32, #tpu.memory_space<vmem_shared>>
        tpu.enqueue_dma source(%arg9 : memref<40x128xf32, #tpu.memory_space<vmem>>) target(%dma_start3A_248 : memref<40x128xf32, #tpu.memory_space<vmem_shared>>) target_semaphore(%run_scoped3A : memref<!tpu.dma_semaphore, #tpu.memory_space<semaphore_mem>>)
        %dma_wait3A_249 = arith.constant 0 : i32
        %dma_wait3A_250 = tpu.memref_slice %arg10[%add3A_202, %dma_wait3A_249] : memref<10000x128xf32, #tpu.memory_space<vmem_shared>> -> memref<40x128xf32, #tpu.memory_space<vmem_shared>>
        %dma_wait3A_251 = arith.constant 0 : i32
        %dma_wait3A_252 = tpu.memref_slice %arg10[%add3A_202, %dma_wait3A_251] : memref<10000x128xf32, #tpu.memory_space<vmem_shared>> -> memref<40x128xf32, #tpu.memory_space<vmem_shared>>
        tpu.wait_dma2 semaphore(%run_scoped3A : memref<!tpu.dma_semaphore, #tpu.memory_space<semaphore_mem>>) src(%arg9 : memref<40x128xf32, #tpu.memory_space<vmem>>) dst(%dma_wait3A_252 : memref<40x128xf32, #tpu.memory_space<vmem_shared>>)
        tpu.yield
      }) : () -> ()
      %add3A_203 = arith.constant 160 : i32
      %add3A_204 = arith.addi %mul3A_6, %add3A_203 : i32
      "tpu.region"() ({
        %run_scoped3A = tpu.sem_alloc : memref<!tpu.dma_semaphore, #tpu.memory_space<semaphore_mem>>
        %dma_start3A_245 = arith.constant 0 : i32
        %dma_start3A_246 = tpu.memref_slice %arg10[%add3A_204, %dma_start3A_245] : memref<10000x128xf32, #tpu.memory_space<vmem_shared>> -> memref<40x128xf32, #tpu.memory_space<vmem_shared>>
        %dma_start3A_247 = arith.constant 0 : i32
        %dma_start3A_248 = tpu.memref_slice %arg10[%add3A_204, %dma_start3A_247] : memref<10000x128xf32, #tpu.memory_space<vmem_shared>> -> memref<40x128xf32, #tpu.memory_space<vmem_shared>>
        tpu.enqueue_dma source(%arg9 : memref<40x128xf32, #tpu.memory_space<vmem>>) target(%dma_start3A_248 : memref<40x128xf32, #tpu.memory_space<vmem_shared>>) target_semaphore(%run_scoped3A : memref<!tpu.dma_semaphore, #tpu.memory_space<semaphore_mem>>)
        %dma_wait3A_249 = arith.constant 0 : i32
        %dma_wait3A_250 = tpu.memref_slice %arg10[%add3A_204, %dma_wait3A_249] : memref<10000x128xf32, #tpu.memory_space<vmem_shared>> -> memref<40x128xf32, #tpu.memory_space<vmem_shared>>
        %dma_wait3A_251 = arith.constant 0 : i32
        %dma_wait3A_252 = tpu.memref_slice %arg10[%add3A_204, %dma_wait3A_251] : memref<10000x128xf32, #tpu.memory_space<vmem_shared>> -> memref<40x128xf32, #tpu.memory_space<vmem_shared>>
        tpu.wait_dma2 semaphore(%run_scoped3A : memref<!tpu.dma_semaphore, #tpu.memory_space<semaphore_mem>>) src(%arg9 : memref<40x128xf32, #tpu.memory_space<vmem>>) dst(%dma_wait3A_252 : memref<40x128xf32, #tpu.memory_space<vmem_shared>>)
        tpu.yield
      }) : () -> ()
      %add3A_205 = arith.constant 200 : i32
      %add3A_206 = arith.addi %mul3A_6, %add3A_205 : i32
      "tpu.region"() ({
        %run_scoped3A = tpu.sem_alloc : memref<!tpu.dma_semaphore, #tpu.memory_space<semaphore_mem>>
        %dma_start3A_245 = arith.constant 0 : i32
        %dma_start3A_246 = tpu.memref_slice %arg10[%add3A_206, %dma_start3A_245] : memref<10000x128xf32, #tpu.memory_space<vmem_shared>> -> memref<40x128xf32, #tpu.memory_space<vmem_shared>>
        %dma_start3A_247 = arith.constant 0 : i32
        %dma_start3A_248 = tpu.memref_slice %arg10[%add3A_206, %dma_start3A_247] : memref<10000x128xf32, #tpu.memory_space<vmem_shared>> -> memref<40x128xf32, #tpu.memory_space<vmem_shared>>
        tpu.enqueue_dma source(%arg9 : memref<40x128xf32, #tpu.memory_space<vmem>>) target(%dma_start3A_248 : memref<40x128xf32, #tpu.memory_space<vmem_shared>>) target_semaphore(%run_scoped3A : memref<!tpu.dma_semaphore, #tpu.memory_space<semaphore_mem>>)
        %dma_wait3A_249 = arith.constant 0 : i32
        %dma_wait3A_250 = tpu.memref_slice %arg10[%add3A_206, %dma_wait3A_249] : memref<10000x128xf32, #tpu.memory_space<vmem_shared>> -> memref<40x128xf32, #tpu.memory_space<vmem_shared>>
        %dma_wait3A_251 = arith.constant 0 : i32
        %dma_wait3A_252 = tpu.memref_slice %arg10[%add3A_206, %dma_wait3A_251] : memref<10000x128xf32, #tpu.memory_space<vmem_shared>> -> memref<40x128xf32, #tpu.memory_space<vmem_shared>>
        tpu.wait_dma2 semaphore(%run_scoped3A : memref<!tpu.dma_semaphore, #tpu.memory_space<semaphore_mem>>) src(%arg9 : memref<40x128xf32, #tpu.memory_space<vmem>>) dst(%dma_wait3A_252 : memref<40x128xf32, #tpu.memory_space<vmem_shared>>)
        tpu.yield
      }) : () -> ()
      %add3A_207 = arith.constant 240 : i32
      %add3A_208 = arith.addi %mul3A_6, %add3A_207 : i32
      "tpu.region"() ({
        %run_scoped3A = tpu.sem_alloc : memref<!tpu.dma_semaphore, #tpu.memory_space<semaphore_mem>>
        %dma_start3A_245 = arith.constant 0 : i32
        %dma_start3A_246 = tpu.memref_slice %arg10[%add3A_208, %dma_start3A_245] : memref<10000x128xf32, #tpu.memory_space<vmem_shared>> -> memref<40x128xf32, #tpu.memory_space<vmem_shared>>
        %dma_start3A_247 = arith.constant 0 : i32
        %dma_start3A_248 = tpu.memref_slice %arg10[%add3A_208, %dma_start3A_247] : memref<10000x128xf32, #tpu.memory_space<vmem_shared>> -> memref<40x128xf32, #tpu.memory_space<vmem_shared>>
        tpu.enqueue_dma source(%arg9 : memref<40x128xf32, #tpu.memory_space<vmem>>) target(%dma_start3A_248 : memref<40x128xf32, #tpu.memory_space<vmem_shared>>) target_semaphore(%run_scoped3A : memref<!tpu.dma_semaphore, #tpu.memory_space<semaphore_mem>>)
        %dma_wait3A_249 = arith.constant 0 : i32
        %dma_wait3A_250 = tpu.memref_slice %arg10[%add3A_208, %dma_wait3A_249] : memref<10000x128xf32, #tpu.memory_space<vmem_shared>> -> memref<40x128xf32, #tpu.memory_space<vmem_shared>>
        %dma_wait3A_251 = arith.constant 0 : i32
        %dma_wait3A_252 = tpu.memref_slice %arg10[%add3A_208, %dma_wait3A_251] : memref<10000x128xf32, #tpu.memory_space<vmem_shared>> -> memref<40x128xf32, #tpu.memory_space<vmem_shared>>
        tpu.wait_dma2 semaphore(%run_scoped3A : memref<!tpu.dma_semaphore, #tpu.memory_space<semaphore_mem>>) src(%arg9 : memref<40x128xf32, #tpu.memory_space<vmem>>) dst(%dma_wait3A_252 : memref<40x128xf32, #tpu.memory_space<vmem_shared>>)
        tpu.yield
      }) : () -> ()
      %add3A_209 = arith.constant 280 : i32
      %add3A_210 = arith.addi %mul3A_6, %add3A_209 : i32
      "tpu.region"() ({
        %run_scoped3A = tpu.sem_alloc : memref<!tpu.dma_semaphore, #tpu.memory_space<semaphore_mem>>
        %dma_start3A_245 = arith.constant 0 : i32
        %dma_start3A_246 = tpu.memref_slice %arg10[%add3A_210, %dma_start3A_245] : memref<10000x128xf32, #tpu.memory_space<vmem_shared>> -> memref<40x128xf32, #tpu.memory_space<vmem_shared>>
        %dma_start3A_247 = arith.constant 0 : i32
        %dma_start3A_248 = tpu.memref_slice %arg10[%add3A_210, %dma_start3A_247] : memref<10000x128xf32, #tpu.memory_space<vmem_shared>> -> memref<40x128xf32, #tpu.memory_space<vmem_shared>>
        tpu.enqueue_dma source(%arg9 : memref<40x128xf32, #tpu.memory_space<vmem>>) target(%dma_start3A_248 : memref<40x128xf32, #tpu.memory_space<vmem_shared>>) target_semaphore(%run_scoped3A : memref<!tpu.dma_semaphore, #tpu.memory_space<semaphore_mem>>)
        %dma_wait3A_249 = arith.constant 0 : i32
        %dma_wait3A_250 = tpu.memref_slice %arg10[%add3A_210, %dma_wait3A_249] : memref<10000x128xf32, #tpu.memory_space<vmem_shared>> -> memref<40x128xf32, #tpu.memory_space<vmem_shared>>
        %dma_wait3A_251 = arith.constant 0 : i32
        %dma_wait3A_252 = tpu.memref_slice %arg10[%add3A_210, %dma_wait3A_251] : memref<10000x128xf32, #tpu.memory_space<vmem_shared>> -> memref<40x128xf32, #tpu.memory_space<vmem_shared>>
        tpu.wait_dma2 semaphore(%run_scoped3A : memref<!tpu.dma_semaphore, #tpu.memory_space<semaphore_mem>>) src(%arg9 : memref<40x128xf32, #tpu.memory_space<vmem>>) dst(%dma_wait3A_252 : memref<40x128xf32, #tpu.memory_space<vmem_shared>>)
        tpu.yield
      }) : () -> ()
      %add3A_211 = arith.constant 320 : i32
      %add3A_212 = arith.addi %mul3A_6, %add3A_211 : i32
      "tpu.region"() ({
        %run_scoped3A = tpu.sem_alloc : memref<!tpu.dma_semaphore, #tpu.memory_space<semaphore_mem>>
        %dma_start3A_245 = arith.constant 0 : i32
        %dma_start3A_246 = tpu.memref_slice %arg10[%add3A_212, %dma_start3A_245] : memref<10000x128xf32, #tpu.memory_space<vmem_shared>> -> memref<40x128xf32, #tpu.memory_space<vmem_shared>>
        %dma_start3A_247 = arith.constant 0 : i32
        %dma_start3A_248 = tpu.memref_slice %arg10[%add3A_212, %dma_start3A_247] : memref<10000x128xf32, #tpu.memory_space<vmem_shared>> -> memref<40x128xf32, #tpu.memory_space<vmem_shared>>
        tpu.enqueue_dma source(%arg9 : memref<40x128xf32, #tpu.memory_space<vmem>>) target(%dma_start3A_248 : memref<40x128xf32, #tpu.memory_space<vmem_shared>>) target_semaphore(%run_scoped3A : memref<!tpu.dma_semaphore, #tpu.memory_space<semaphore_mem>>)
        %dma_wait3A_249 = arith.constant 0 : i32
        %dma_wait3A_250 = tpu.memref_slice %arg10[%add3A_212, %dma_wait3A_249] : memref<10000x128xf32, #tpu.memory_space<vmem_shared>> -> memref<40x128xf32, #tpu.memory_space<vmem_shared>>
        %dma_wait3A_251 = arith.constant 0 : i32
        %dma_wait3A_252 = tpu.memref_slice %arg10[%add3A_212, %dma_wait3A_251] : memref<10000x128xf32, #tpu.memory_space<vmem_shared>> -> memref<40x128xf32, #tpu.memory_space<vmem_shared>>
        tpu.wait_dma2 semaphore(%run_scoped3A : memref<!tpu.dma_semaphore, #tpu.memory_space<semaphore_mem>>) src(%arg9 : memref<40x128xf32, #tpu.memory_space<vmem>>) dst(%dma_wait3A_252 : memref<40x128xf32, #tpu.memory_space<vmem_shared>>)
        tpu.yield
      }) : () -> ()
      %add3A_213 = arith.constant 360 : i32
      %add3A_214 = arith.addi %mul3A_6, %add3A_213 : i32
      "tpu.region"() ({
        %run_scoped3A = tpu.sem_alloc : memref<!tpu.dma_semaphore, #tpu.memory_space<semaphore_mem>>
        %dma_start3A_245 = arith.constant 0 : i32
        %dma_start3A_246 = tpu.memref_slice %arg10[%add3A_214, %dma_start3A_245] : memref<10000x128xf32, #tpu.memory_space<vmem_shared>> -> memref<40x128xf32, #tpu.memory_space<vmem_shared>>
        %dma_start3A_247 = arith.constant 0 : i32
        %dma_start3A_248 = tpu.memref_slice %arg10[%add3A_214, %dma_start3A_247] : memref<10000x128xf32, #tpu.memory_space<vmem_shared>> -> memref<40x128xf32, #tpu.memory_space<vmem_shared>>
        tpu.enqueue_dma source(%arg9 : memref<40x128xf32, #tpu.memory_space<vmem>>) target(%dma_start3A_248 : memref<40x128xf32, #tpu.memory_space<vmem_shared>>) target_semaphore(%run_scoped3A : memref<!tpu.dma_semaphore, #tpu.memory_space<semaphore_mem>>)
        %dma_wait3A_249 = arith.constant 0 : i32
        %dma_wait3A_250 = tpu.memref_slice %arg10[%add3A_214, %dma_wait3A_249] : memref<10000x128xf32, #tpu.memory_space<vmem_shared>> -> memref<40x128xf32, #tpu.memory_space<vmem_shared>>
        %dma_wait3A_251 = arith.constant 0 : i32
        %dma_wait3A_252 = tpu.memref_slice %arg10[%add3A_214, %dma_wait3A_251] : memref<10000x128xf32, #tpu.memory_space<vmem_shared>> -> memref<40x128xf32, #tpu.memory_space<vmem_shared>>
        tpu.wait_dma2 semaphore(%run_scoped3A : memref<!tpu.dma_semaphore, #tpu.memory_space<semaphore_mem>>) src(%arg9 : memref<40x128xf32, #tpu.memory_space<vmem>>) dst(%dma_wait3A_252 : memref<40x128xf32, #tpu.memory_space<vmem_shared>>)
        tpu.yield
      }) : () -> ()
      %add3A_215 = arith.constant 400 : i32
      %add3A_216 = arith.addi %mul3A_6, %add3A_215 : i32
      "tpu.region"() ({
        %run_scoped3A = tpu.sem_alloc : memref<!tpu.dma_semaphore, #tpu.memory_space<semaphore_mem>>
        %dma_start3A_245 = arith.constant 0 : i32
        %dma_start3A_246 = tpu.memref_slice %arg10[%add3A_216, %dma_start3A_245] : memref<10000x128xf32, #tpu.memory_space<vmem_shared>> -> memref<40x128xf32, #tpu.memory_space<vmem_shared>>
        %dma_start3A_247 = arith.constant 0 : i32
        %dma_start3A_248 = tpu.memref_slice %arg10[%add3A_216, %dma_start3A_247] : memref<10000x128xf32, #tpu.memory_space<vmem_shared>> -> memref<40x128xf32, #tpu.memory_space<vmem_shared>>
        tpu.enqueue_dma source(%arg9 : memref<40x128xf32, #tpu.memory_space<vmem>>) target(%dma_start3A_248 : memref<40x128xf32, #tpu.memory_space<vmem_shared>>) target_semaphore(%run_scoped3A : memref<!tpu.dma_semaphore, #tpu.memory_space<semaphore_mem>>)
        %dma_wait3A_249 = arith.constant 0 : i32
        %dma_wait3A_250 = tpu.memref_slice %arg10[%add3A_216, %dma_wait3A_249] : memref<10000x128xf32, #tpu.memory_space<vmem_shared>> -> memref<40x128xf32, #tpu.memory_space<vmem_shared>>
        %dma_wait3A_251 = arith.constant 0 : i32
        %dma_wait3A_252 = tpu.memref_slice %arg10[%add3A_216, %dma_wait3A_251] : memref<10000x128xf32, #tpu.memory_space<vmem_shared>> -> memref<40x128xf32, #tpu.memory_space<vmem_shared>>
        tpu.wait_dma2 semaphore(%run_scoped3A : memref<!tpu.dma_semaphore, #tpu.memory_space<semaphore_mem>>) src(%arg9 : memref<40x128xf32, #tpu.memory_space<vmem>>) dst(%dma_wait3A_252 : memref<40x128xf32, #tpu.memory_space<vmem_shared>>)
        tpu.yield
      }) : () -> ()
      %add3A_217 = arith.constant 440 : i32
      %add3A_218 = arith.addi %mul3A_6, %add3A_217 : i32
      "tpu.region"() ({
        %run_scoped3A = tpu.sem_alloc : memref<!tpu.dma_semaphore, #tpu.memory_space<semaphore_mem>>
        %dma_start3A_245 = arith.constant 0 : i32
        %dma_start3A_246 = tpu.memref_slice %arg10[%add3A_218, %dma_start3A_245] : memref<10000x128xf32, #tpu.memory_space<vmem_shared>> -> memref<40x128xf32, #tpu.memory_space<vmem_shared>>
        %dma_start3A_247 = arith.constant 0 : i32
        %dma_start3A_248 = tpu.memref_slice %arg10[%add3A_218, %dma_start3A_247] : memref<10000x128xf32, #tpu.memory_space<vmem_shared>> -> memref<40x128xf32, #tpu.memory_space<vmem_shared>>
        tpu.enqueue_dma source(%arg9 : memref<40x128xf32, #tpu.memory_space<vmem>>) target(%dma_start3A_248 : memref<40x128xf32, #tpu.memory_space<vmem_shared>>) target_semaphore(%run_scoped3A : memref<!tpu.dma_semaphore, #tpu.memory_space<semaphore_mem>>)
        %dma_wait3A_249 = arith.constant 0 : i32
        %dma_wait3A_250 = tpu.memref_slice %arg10[%add3A_218, %dma_wait3A_249] : memref<10000x128xf32, #tpu.memory_space<vmem_shared>> -> memref<40x128xf32, #tpu.memory_space<vmem_shared>>
        %dma_wait3A_251 = arith.constant 0 : i32
        %dma_wait3A_252 = tpu.memref_slice %arg10[%add3A_218, %dma_wait3A_251] : memref<10000x128xf32, #tpu.memory_space<vmem_shared>> -> memref<40x128xf32, #tpu.memory_space<vmem_shared>>
        tpu.wait_dma2 semaphore(%run_scoped3A : memref<!tpu.dma_semaphore, #tpu.memory_space<semaphore_mem>>) src(%arg9 : memref<40x128xf32, #tpu.memory_space<vmem>>) dst(%dma_wait3A_252 : memref<40x128xf32, #tpu.memory_space<vmem_shared>>)
        tpu.yield
      }) : () -> ()
      %add3A_219 = arith.constant 480 : i32
      %add3A_220 = arith.addi %mul3A_6, %add3A_219 : i32
      "tpu.region"() ({
        %run_scoped3A = tpu.sem_alloc : memref<!tpu.dma_semaphore, #tpu.memory_space<semaphore_mem>>
        %dma_start3A_245 = arith.constant 0 : i32
        %dma_start3A_246 = tpu.memref_slice %arg10[%add3A_220, %dma_start3A_245] : memref<10000x128xf32, #tpu.memory_space<vmem_shared>> -> memref<40x128xf32, #tpu.memory_space<vmem_shared>>
        %dma_start3A_247 = arith.constant 0 : i32
        %dma_start3A_248 = tpu.memref_slice %arg10[%add3A_220, %dma_start3A_247] : memref<10000x128xf32, #tpu.memory_space<vmem_shared>> -> memref<40x128xf32, #tpu.memory_space<vmem_shared>>
        tpu.enqueue_dma source(%arg9 : memref<40x128xf32, #tpu.memory_space<vmem>>) target(%dma_start3A_248 : memref<40x128xf32, #tpu.memory_space<vmem_shared>>) target_semaphore(%run_scoped3A : memref<!tpu.dma_semaphore, #tpu.memory_space<semaphore_mem>>)
        %dma_wait3A_249 = arith.constant 0 : i32
        %dma_wait3A_250 = tpu.memref_slice %arg10[%add3A_220, %dma_wait3A_249] : memref<10000x128xf32, #tpu.memory_space<vmem_shared>> -> memref<40x128xf32, #tpu.memory_space<vmem_shared>>
        %dma_wait3A_251 = arith.constant 0 : i32
        %dma_wait3A_252 = tpu.memref_slice %arg10[%add3A_220, %dma_wait3A_251] : memref<10000x128xf32, #tpu.memory_space<vmem_shared>> -> memref<40x128xf32, #tpu.memory_space<vmem_shared>>
        tpu.wait_dma2 semaphore(%run_scoped3A : memref<!tpu.dma_semaphore, #tpu.memory_space<semaphore_mem>>) src(%arg9 : memref<40x128xf32, #tpu.memory_space<vmem>>) dst(%dma_wait3A_252 : memref<40x128xf32, #tpu.memory_space<vmem_shared>>)
        tpu.yield
      }) : () -> ()
      %add3A_221 = arith.constant 520 : i32
      %add3A_222 = arith.addi %mul3A_6, %add3A_221 : i32
      "tpu.region"() ({
        %run_scoped3A = tpu.sem_alloc : memref<!tpu.dma_semaphore, #tpu.memory_space<semaphore_mem>>
        %dma_start3A_245 = arith.constant 0 : i32
        %dma_start3A_246 = tpu.memref_slice %arg10[%add3A_222, %dma_start3A_245] : memref<10000x128xf32, #tpu.memory_space<vmem_shared>> -> memref<40x128xf32, #tpu.memory_space<vmem_shared>>
        %dma_start3A_247 = arith.constant 0 : i32
        %dma_start3A_248 = tpu.memref_slice %arg10[%add3A_222, %dma_start3A_247] : memref<10000x128xf32, #tpu.memory_space<vmem_shared>> -> memref<40x128xf32, #tpu.memory_space<vmem_shared>>
        tpu.enqueue_dma source(%arg9 : memref<40x128xf32, #tpu.memory_space<vmem>>) target(%dma_start3A_248 : memref<40x128xf32, #tpu.memory_space<vmem_shared>>) target_semaphore(%run_scoped3A : memref<!tpu.dma_semaphore, #tpu.memory_space<semaphore_mem>>)
        %dma_wait3A_249 = arith.constant 0 : i32
        %dma_wait3A_250 = tpu.memref_slice %arg10[%add3A_222, %dma_wait3A_249] : memref<10000x128xf32, #tpu.memory_space<vmem_shared>> -> memref<40x128xf32, #tpu.memory_space<vmem_shared>>
        %dma_wait3A_251 = arith.constant 0 : i32
        %dma_wait3A_252 = tpu.memref_slice %arg10[%add3A_222, %dma_wait3A_251] : memref<10000x128xf32, #tpu.memory_space<vmem_shared>> -> memref<40x128xf32, #tpu.memory_space<vmem_shared>>
        tpu.wait_dma2 semaphore(%run_scoped3A : memref<!tpu.dma_semaphore, #tpu.memory_space<semaphore_mem>>) src(%arg9 : memref<40x128xf32, #tpu.memory_space<vmem>>) dst(%dma_wait3A_252 : memref<40x128xf32, #tpu.memory_space<vmem_shared>>)
        tpu.yield
      }) : () -> ()
      %add3A_223 = arith.constant 560 : i32
      %add3A_224 = arith.addi %mul3A_6, %add3A_223 : i32
      "tpu.region"() ({
        %run_scoped3A = tpu.sem_alloc : memref<!tpu.dma_semaphore, #tpu.memory_space<semaphore_mem>>
        %dma_start3A_245 = arith.constant 0 : i32
        %dma_start3A_246 = tpu.memref_slice %arg10[%add3A_224, %dma_start3A_245] : memref<10000x128xf32, #tpu.memory_space<vmem_shared>> -> memref<40x128xf32, #tpu.memory_space<vmem_shared>>
        %dma_start3A_247 = arith.constant 0 : i32
        %dma_start3A_248 = tpu.memref_slice %arg10[%add3A_224, %dma_start3A_247] : memref<10000x128xf32, #tpu.memory_space<vmem_shared>> -> memref<40x128xf32, #tpu.memory_space<vmem_shared>>
        tpu.enqueue_dma source(%arg9 : memref<40x128xf32, #tpu.memory_space<vmem>>) target(%dma_start3A_248 : memref<40x128xf32, #tpu.memory_space<vmem_shared>>) target_semaphore(%run_scoped3A : memref<!tpu.dma_semaphore, #tpu.memory_space<semaphore_mem>>)
        %dma_wait3A_249 = arith.constant 0 : i32
        %dma_wait3A_250 = tpu.memref_slice %arg10[%add3A_224, %dma_wait3A_249] : memref<10000x128xf32, #tpu.memory_space<vmem_shared>> -> memref<40x128xf32, #tpu.memory_space<vmem_shared>>
        %dma_wait3A_251 = arith.constant 0 : i32
        %dma_wait3A_252 = tpu.memref_slice %arg10[%add3A_224, %dma_wait3A_251] : memref<10000x128xf32, #tpu.memory_space<vmem_shared>> -> memref<40x128xf32, #tpu.memory_space<vmem_shared>>
        tpu.wait_dma2 semaphore(%run_scoped3A : memref<!tpu.dma_semaphore, #tpu.memory_space<semaphore_mem>>) src(%arg9 : memref<40x128xf32, #tpu.memory_space<vmem>>) dst(%dma_wait3A_252 : memref<40x128xf32, #tpu.memory_space<vmem_shared>>)
        tpu.yield
      }) : () -> ()
      %add3A_225 = arith.constant 600 : i32
      %add3A_226 = arith.addi %mul3A_6, %add3A_225 : i32
      "tpu.region"() ({
        %run_scoped3A = tpu.sem_alloc : memref<!tpu.dma_semaphore, #tpu.memory_space<semaphore_mem>>
        %dma_start3A_245 = arith.constant 0 : i32
        %dma_start3A_246 = tpu.memref_slice %arg10[%add3A_226, %dma_start3A_245] : memref<10000x128xf32, #tpu.memory_space<vmem_shared>> -> memref<40x128xf32, #tpu.memory_space<vmem_shared>>
        %dma_start3A_247 = arith.constant 0 : i32
        %dma_start3A_248 = tpu.memref_slice %arg10[%add3A_226, %dma_start3A_247] : memref<10000x128xf32, #tpu.memory_space<vmem_shared>> -> memref<40x128xf32, #tpu.memory_space<vmem_shared>>
        tpu.enqueue_dma source(%arg9 : memref<40x128xf32, #tpu.memory_space<vmem>>) target(%dma_start3A_248 : memref<40x128xf32, #tpu.memory_space<vmem_shared>>) target_semaphore(%run_scoped3A : memref<!tpu.dma_semaphore, #tpu.memory_space<semaphore_mem>>)
        %dma_wait3A_249 = arith.constant 0 : i32
        %dma_wait3A_250 = tpu.memref_slice %arg10[%add3A_226, %dma_wait3A_249] : memref<10000x128xf32, #tpu.memory_space<vmem_shared>> -> memref<40x128xf32, #tpu.memory_space<vmem_shared>>
        %dma_wait3A_251 = arith.constant 0 : i32
        %dma_wait3A_252 = tpu.memref_slice %arg10[%add3A_226, %dma_wait3A_251] : memref<10000x128xf32, #tpu.memory_space<vmem_shared>> -> memref<40x128xf32, #tpu.memory_space<vmem_shared>>
        tpu.wait_dma2 semaphore(%run_scoped3A : memref<!tpu.dma_semaphore, #tpu.memory_space<semaphore_mem>>) src(%arg9 : memref<40x128xf32, #tpu.memory_space<vmem>>) dst(%dma_wait3A_252 : memref<40x128xf32, #tpu.memory_space<vmem_shared>>)
        tpu.yield
      }) : () -> ()
      %add3A_227 = arith.constant 640 : i32
      %add3A_228 = arith.addi %mul3A_6, %add3A_227 : i32
      "tpu.region"() ({
        %run_scoped3A = tpu.sem_alloc : memref<!tpu.dma_semaphore, #tpu.memory_space<semaphore_mem>>
        %dma_start3A_245 = arith.constant 0 : i32
        %dma_start3A_246 = tpu.memref_slice %arg10[%add3A_228, %dma_start3A_245] : memref<10000x128xf32, #tpu.memory_space<vmem_shared>> -> memref<40x128xf32, #tpu.memory_space<vmem_shared>>
        %dma_start3A_247 = arith.constant 0 : i32
        %dma_start3A_248 = tpu.memref_slice %arg10[%add3A_228, %dma_start3A_247] : memref<10000x128xf32, #tpu.memory_space<vmem_shared>> -> memref<40x128xf32, #tpu.memory_space<vmem_shared>>
        tpu.enqueue_dma source(%arg9 : memref<40x128xf32, #tpu.memory_space<vmem>>) target(%dma_start3A_248 : memref<40x128xf32, #tpu.memory_space<vmem_shared>>) target_semaphore(%run_scoped3A : memref<!tpu.dma_semaphore, #tpu.memory_space<semaphore_mem>>)
        %dma_wait3A_249 = arith.constant 0 : i32
        %dma_wait3A_250 = tpu.memref_slice %arg10[%add3A_228, %dma_wait3A_249] : memref<10000x128xf32, #tpu.memory_space<vmem_shared>> -> memref<40x128xf32, #tpu.memory_space<vmem_shared>>
        %dma_wait3A_251 = arith.constant 0 : i32
        %dma_wait3A_252 = tpu.memref_slice %arg10[%add3A_228, %dma_wait3A_251] : memref<10000x128xf32, #tpu.memory_space<vmem_shared>> -> memref<40x128xf32, #tpu.memory_space<vmem_shared>>
        tpu.wait_dma2 semaphore(%run_scoped3A : memref<!tpu.dma_semaphore, #tpu.memory_space<semaphore_mem>>) src(%arg9 : memref<40x128xf32, #tpu.memory_space<vmem>>) dst(%dma_wait3A_252 : memref<40x128xf32, #tpu.memory_space<vmem_shared>>)
        tpu.yield
      }) : () -> ()
      %add3A_229 = arith.constant 680 : i32
      %add3A_230 = arith.addi %mul3A_6, %add3A_229 : i32
      "tpu.region"() ({
        %run_scoped3A = tpu.sem_alloc : memref<!tpu.dma_semaphore, #tpu.memory_space<semaphore_mem>>
        %dma_start3A_245 = arith.constant 0 : i32
        %dma_start3A_246 = tpu.memref_slice %arg10[%add3A_230, %dma_start3A_245] : memref<10000x128xf32, #tpu.memory_space<vmem_shared>> -> memref<40x128xf32, #tpu.memory_space<vmem_shared>>
        %dma_start3A_247 = arith.constant 0 : i32
        %dma_start3A_248 = tpu.memref_slice %arg10[%add3A_230, %dma_start3A_247] : memref<10000x128xf32, #tpu.memory_space<vmem_shared>> -> memref<40x128xf32, #tpu.memory_space<vmem_shared>>
        tpu.enqueue_dma source(%arg9 : memref<40x128xf32, #tpu.memory_space<vmem>>) target(%dma_start3A_248 : memref<40x128xf32, #tpu.memory_space<vmem_shared>>) target_semaphore(%run_scoped3A : memref<!tpu.dma_semaphore, #tpu.memory_space<semaphore_mem>>)
        %dma_wait3A_249 = arith.constant 0 : i32
        %dma_wait3A_250 = tpu.memref_slice %arg10[%add3A_230, %dma_wait3A_249] : memref<10000x128xf32, #tpu.memory_space<vmem_shared>> -> memref<40x128xf32, #tpu.memory_space<vmem_shared>>
        %dma_wait3A_251 = arith.constant 0 : i32
        %dma_wait3A_252 = tpu.memref_slice %arg10[%add3A_230, %dma_wait3A_251] : memref<10000x128xf32, #tpu.memory_space<vmem_shared>> -> memref<40x128xf32, #tpu.memory_space<vmem_shared>>
        tpu.wait_dma2 semaphore(%run_scoped3A : memref<!tpu.dma_semaphore, #tpu.memory_space<semaphore_mem>>) src(%arg9 : memref<40x128xf32, #tpu.memory_space<vmem>>) dst(%dma_wait3A_252 : memref<40x128xf32, #tpu.memory_space<vmem_shared>>)
        tpu.yield
      }) : () -> ()
      %add3A_231 = arith.constant 720 : i32
      %add3A_232 = arith.addi %mul3A_6, %add3A_231 : i32
      "tpu.region"() ({
        %run_scoped3A = tpu.sem_alloc : memref<!tpu.dma_semaphore, #tpu.memory_space<semaphore_mem>>
        %dma_start3A_245 = arith.constant 0 : i32
        %dma_start3A_246 = tpu.memref_slice %arg10[%add3A_232, %dma_start3A_245] : memref<10000x128xf32, #tpu.memory_space<vmem_shared>> -> memref<40x128xf32, #tpu.memory_space<vmem_shared>>
        %dma_start3A_247 = arith.constant 0 : i32
        %dma_start3A_248 = tpu.memref_slice %arg10[%add3A_232, %dma_start3A_247] : memref<10000x128xf32, #tpu.memory_space<vmem_shared>> -> memref<40x128xf32, #tpu.memory_space<vmem_shared>>
        tpu.enqueue_dma source(%arg9 : memref<40x128xf32, #tpu.memory_space<vmem>>) target(%dma_start3A_248 : memref<40x128xf32, #tpu.memory_space<vmem_shared>>) target_semaphore(%run_scoped3A : memref<!tpu.dma_semaphore, #tpu.memory_space<semaphore_mem>>)
        %dma_wait3A_249 = arith.constant 0 : i32
        %dma_wait3A_250 = tpu.memref_slice %arg10[%add3A_232, %dma_wait3A_249] : memref<10000x128xf32, #tpu.memory_space<vmem_shared>> -> memref<40x128xf32, #tpu.memory_space<vmem_shared>>
        %dma_wait3A_251 = arith.constant 0 : i32
        %dma_wait3A_252 = tpu.memref_slice %arg10[%add3A_232, %dma_wait3A_251] : memref<10000x128xf32, #tpu.memory_space<vmem_shared>> -> memref<40x128xf32, #tpu.memory_space<vmem_shared>>
        tpu.wait_dma2 semaphore(%run_scoped3A : memref<!tpu.dma_semaphore, #tpu.memory_space<semaphore_mem>>) src(%arg9 : memref<40x128xf32, #tpu.memory_space<vmem>>) dst(%dma_wait3A_252 : memref<40x128xf32, #tpu.memory_space<vmem_shared>>)
        tpu.yield
      }) : () -> ()
      %add3A_233 = arith.constant 760 : i32
      %add3A_234 = arith.addi %mul3A_6, %add3A_233 : i32
      "tpu.region"() ({
        %run_scoped3A = tpu.sem_alloc : memref<!tpu.dma_semaphore, #tpu.memory_space<semaphore_mem>>
        %dma_start3A_245 = arith.constant 0 : i32
        %dma_start3A_246 = tpu.memref_slice %arg10[%add3A_234, %dma_start3A_245] : memref<10000x128xf32, #tpu.memory_space<vmem_shared>> -> memref<40x128xf32, #tpu.memory_space<vmem_shared>>
        %dma_start3A_247 = arith.constant 0 : i32
        %dma_start3A_248 = tpu.memref_slice %arg10[%add3A_234, %dma_start3A_247] : memref<10000x128xf32, #tpu.memory_space<vmem_shared>> -> memref<40x128xf32, #tpu.memory_space<vmem_shared>>
        tpu.enqueue_dma source(%arg9 : memref<40x128xf32, #tpu.memory_space<vmem>>) target(%dma_start3A_248 : memref<40x128xf32, #tpu.memory_space<vmem_shared>>) target_semaphore(%run_scoped3A : memref<!tpu.dma_semaphore, #tpu.memory_space<semaphore_mem>>)
        %dma_wait3A_249 = arith.constant 0 : i32
        %dma_wait3A_250 = tpu.memref_slice %arg10[%add3A_234, %dma_wait3A_249] : memref<10000x128xf32, #tpu.memory_space<vmem_shared>> -> memref<40x128xf32, #tpu.memory_space<vmem_shared>>
        %dma_wait3A_251 = arith.constant 0 : i32
        %dma_wait3A_252 = tpu.memref_slice %arg10[%add3A_234, %dma_wait3A_251] : memref<10000x128xf32, #tpu.memory_space<vmem_shared>> -> memref<40x128xf32, #tpu.memory_space<vmem_shared>>
        tpu.wait_dma2 semaphore(%run_scoped3A : memref<!tpu.dma_semaphore, #tpu.memory_space<semaphore_mem>>) src(%arg9 : memref<40x128xf32, #tpu.memory_space<vmem>>) dst(%dma_wait3A_252 : memref<40x128xf32, #tpu.memory_space<vmem_shared>>)
        tpu.yield
      }) : () -> ()
      %add3A_235 = arith.constant 800 : i32
      %add3A_236 = arith.addi %mul3A_6, %add3A_235 : i32
      "tpu.region"() ({
        %run_scoped3A = tpu.sem_alloc : memref<!tpu.dma_semaphore, #tpu.memory_space<semaphore_mem>>
        %dma_start3A_245 = arith.constant 0 : i32
        %dma_start3A_246 = tpu.memref_slice %arg10[%add3A_236, %dma_start3A_245] : memref<10000x128xf32, #tpu.memory_space<vmem_shared>> -> memref<40x128xf32, #tpu.memory_space<vmem_shared>>
        %dma_start3A_247 = arith.constant 0 : i32
        %dma_start3A_248 = tpu.memref_slice %arg10[%add3A_236, %dma_start3A_247] : memref<10000x128xf32, #tpu.memory_space<vmem_shared>> -> memref<40x128xf32, #tpu.memory_space<vmem_shared>>
        tpu.enqueue_dma source(%arg9 : memref<40x128xf32, #tpu.memory_space<vmem>>) target(%dma_start3A_248 : memref<40x128xf32, #tpu.memory_space<vmem_shared>>) target_semaphore(%run_scoped3A : memref<!tpu.dma_semaphore, #tpu.memory_space<semaphore_mem>>)
        %dma_wait3A_249 = arith.constant 0 : i32
        %dma_wait3A_250 = tpu.memref_slice %arg10[%add3A_236, %dma_wait3A_249] : memref<10000x128xf32, #tpu.memory_space<vmem_shared>> -> memref<40x128xf32, #tpu.memory_space<vmem_shared>>
        %dma_wait3A_251 = arith.constant 0 : i32
        %dma_wait3A_252 = tpu.memref_slice %arg10[%add3A_236, %dma_wait3A_251] : memref<10000x128xf32, #tpu.memory_space<vmem_shared>> -> memref<40x128xf32, #tpu.memory_space<vmem_shared>>
        tpu.wait_dma2 semaphore(%run_scoped3A : memref<!tpu.dma_semaphore, #tpu.memory_space<semaphore_mem>>) src(%arg9 : memref<40x128xf32, #tpu.memory_space<vmem>>) dst(%dma_wait3A_252 : memref<40x128xf32, #tpu.memory_space<vmem_shared>>)
        tpu.yield
      }) : () -> ()
      %add3A_237 = arith.constant 840 : i32
      %add3A_238 = arith.addi %mul3A_6, %add3A_237 : i32
      "tpu.region"() ({
        %run_scoped3A = tpu.sem_alloc : memref<!tpu.dma_semaphore, #tpu.memory_space<semaphore_mem>>
        %dma_start3A_245 = arith.constant 0 : i32
        %dma_start3A_246 = tpu.memref_slice %arg10[%add3A_238, %dma_start3A_245] : memref<10000x128xf32, #tpu.memory_space<vmem_shared>> -> memref<40x128xf32, #tpu.memory_space<vmem_shared>>
        %dma_start3A_247 = arith.constant 0 : i32
        %dma_start3A_248 = tpu.memref_slice %arg10[%add3A_238, %dma_start3A_247] : memref<10000x128xf32, #tpu.memory_space<vmem_shared>> -> memref<40x128xf32, #tpu.memory_space<vmem_shared>>
        tpu.enqueue_dma source(%arg9 : memref<40x128xf32, #tpu.memory_space<vmem>>) target(%dma_start3A_248 : memref<40x128xf32, #tpu.memory_space<vmem_shared>>) target_semaphore(%run_scoped3A : memref<!tpu.dma_semaphore, #tpu.memory_space<semaphore_mem>>)
        %dma_wait3A_249 = arith.constant 0 : i32
        %dma_wait3A_250 = tpu.memref_slice %arg10[%add3A_238, %dma_wait3A_249] : memref<10000x128xf32, #tpu.memory_space<vmem_shared>> -> memref<40x128xf32, #tpu.memory_space<vmem_shared>>
        %dma_wait3A_251 = arith.constant 0 : i32
        %dma_wait3A_252 = tpu.memref_slice %arg10[%add3A_238, %dma_wait3A_251] : memref<10000x128xf32, #tpu.memory_space<vmem_shared>> -> memref<40x128xf32, #tpu.memory_space<vmem_shared>>
        tpu.wait_dma2 semaphore(%run_scoped3A : memref<!tpu.dma_semaphore, #tpu.memory_space<semaphore_mem>>) src(%arg9 : memref<40x128xf32, #tpu.memory_space<vmem>>) dst(%dma_wait3A_252 : memref<40x128xf32, #tpu.memory_space<vmem_shared>>)
        tpu.yield
      }) : () -> ()
      %add3A_239 = arith.constant 880 : i32
      %add3A_240 = arith.addi %mul3A_6, %add3A_239 : i32
      "tpu.region"() ({
        %run_scoped3A = tpu.sem_alloc : memref<!tpu.dma_semaphore, #tpu.memory_space<semaphore_mem>>
        %dma_start3A_245 = arith.constant 0 : i32
        %dma_start3A_246 = tpu.memref_slice %arg10[%add3A_240, %dma_start3A_245] : memref<10000x128xf32, #tpu.memory_space<vmem_shared>> -> memref<40x128xf32, #tpu.memory_space<vmem_shared>>
        %dma_start3A_247 = arith.constant 0 : i32
        %dma_start3A_248 = tpu.memref_slice %arg10[%add3A_240, %dma_start3A_247] : memref<10000x128xf32, #tpu.memory_space<vmem_shared>> -> memref<40x128xf32, #tpu.memory_space<vmem_shared>>
        tpu.enqueue_dma source(%arg9 : memref<40x128xf32, #tpu.memory_space<vmem>>) target(%dma_start3A_248 : memref<40x128xf32, #tpu.memory_space<vmem_shared>>) target_semaphore(%run_scoped3A : memref<!tpu.dma_semaphore, #tpu.memory_space<semaphore_mem>>)
        %dma_wait3A_249 = arith.constant 0 : i32
        %dma_wait3A_250 = tpu.memref_slice %arg10[%add3A_240, %dma_wait3A_249] : memref<10000x128xf32, #tpu.memory_space<vmem_shared>> -> memref<40x128xf32, #tpu.memory_space<vmem_shared>>
        %dma_wait3A_251 = arith.constant 0 : i32
        %dma_wait3A_252 = tpu.memref_slice %arg10[%add3A_240, %dma_wait3A_251] : memref<10000x128xf32, #tpu.memory_space<vmem_shared>> -> memref<40x128xf32, #tpu.memory_space<vmem_shared>>
        tpu.wait_dma2 semaphore(%run_scoped3A : memref<!tpu.dma_semaphore, #tpu.memory_space<semaphore_mem>>) src(%arg9 : memref<40x128xf32, #tpu.memory_space<vmem>>) dst(%dma_wait3A_252 : memref<40x128xf32, #tpu.memory_space<vmem_shared>>)
        tpu.yield
      }) : () -> ()
      %add3A_241 = arith.constant 920 : i32
      %add3A_242 = arith.addi %mul3A_6, %add3A_241 : i32
      "tpu.region"() ({
        %run_scoped3A = tpu.sem_alloc : memref<!tpu.dma_semaphore, #tpu.memory_space<semaphore_mem>>
        %dma_start3A_245 = arith.constant 0 : i32
        %dma_start3A_246 = tpu.memref_slice %arg10[%add3A_242, %dma_start3A_245] : memref<10000x128xf32, #tpu.memory_space<vmem_shared>> -> memref<40x128xf32, #tpu.memory_space<vmem_shared>>
        %dma_start3A_247 = arith.constant 0 : i32
        %dma_start3A_248 = tpu.memref_slice %arg10[%add3A_242, %dma_start3A_247] : memref<10000x128xf32, #tpu.memory_space<vmem_shared>> -> memref<40x128xf32, #tpu.memory_space<vmem_shared>>
        tpu.enqueue_dma source(%arg9 : memref<40x128xf32, #tpu.memory_space<vmem>>) target(%dma_start3A_248 : memref<40x128xf32, #tpu.memory_space<vmem_shared>>) target_semaphore(%run_scoped3A : memref<!tpu.dma_semaphore, #tpu.memory_space<semaphore_mem>>)
        %dma_wait3A_249 = arith.constant 0 : i32
        %dma_wait3A_250 = tpu.memref_slice %arg10[%add3A_242, %dma_wait3A_249] : memref<10000x128xf32, #tpu.memory_space<vmem_shared>> -> memref<40x128xf32, #tpu.memory_space<vmem_shared>>
        %dma_wait3A_251 = arith.constant 0 : i32
        %dma_wait3A_252 = tpu.memref_slice %arg10[%add3A_242, %dma_wait3A_251] : memref<10000x128xf32, #tpu.memory_space<vmem_shared>> -> memref<40x128xf32, #tpu.memory_space<vmem_shared>>
        tpu.wait_dma2 semaphore(%run_scoped3A : memref<!tpu.dma_semaphore, #tpu.memory_space<semaphore_mem>>) src(%arg9 : memref<40x128xf32, #tpu.memory_space<vmem>>) dst(%dma_wait3A_252 : memref<40x128xf32, #tpu.memory_space<vmem_shared>>)
        tpu.yield
      }) : () -> ()
      %add3A_243 = arith.constant 960 : i32
      %add3A_244 = arith.addi %mul3A_6, %add3A_243 : i32
      "tpu.region"() ({
        %run_scoped3A = tpu.sem_alloc : memref<!tpu.dma_semaphore, #tpu.memory_space<semaphore_mem>>
        %dma_start3A_245 = arith.constant 0 : i32
        %dma_start3A_246 = tpu.memref_slice %arg10[%add3A_244, %dma_start3A_245] : memref<10000x128xf32, #tpu.memory_space<vmem_shared>> -> memref<40x128xf32, #tpu.memory_space<vmem_shared>>
        %dma_start3A_247 = arith.constant 0 : i32
        %dma_start3A_248 = tpu.memref_slice %arg10[%add3A_244, %dma_start3A_247] : memref<10000x128xf32, #tpu.memory_space<vmem_shared>> -> memref<40x128xf32, #tpu.memory_space<vmem_shared>>
        tpu.enqueue_dma source(%arg9 : memref<40x128xf32, #tpu.memory_space<vmem>>) target(%dma_start3A_248 : memref<40x128xf32, #tpu.memory_space<vmem_shared>>) target_semaphore(%run_scoped3A : memref<!tpu.dma_semaphore, #tpu.memory_space<semaphore_mem>>)
        %dma_wait3A_249 = arith.constant 0 : i32
        %dma_wait3A_250 = tpu.memref_slice %arg10[%add3A_244, %dma_wait3A_249] : memref<10000x128xf32, #tpu.memory_space<vmem_shared>> -> memref<40x128xf32, #tpu.memory_space<vmem_shared>>
        %dma_wait3A_251 = arith.constant 0 : i32
        %dma_wait3A_252 = tpu.memref_slice %arg10[%add3A_244, %dma_wait3A_251] : memref<10000x128xf32, #tpu.memory_space<vmem_shared>> -> memref<40x128xf32, #tpu.memory_space<vmem_shared>>
        tpu.wait_dma2 semaphore(%run_scoped3A : memref<!tpu.dma_semaphore, #tpu.memory_space<semaphore_mem>>) src(%arg9 : memref<40x128xf32, #tpu.memory_space<vmem>>) dst(%dma_wait3A_252 : memref<40x128xf32, #tpu.memory_space<vmem_shared>>)
        tpu.yield
      }) : () -> ()
    } else {
    }
    %barrier3A = arith.constant 0 : index
    tpu.barrier barrier_id(%barrier3A)
    %mul3A_9 = arith.constant 16 : i32
    %mul3A_10 = arith.muli %arg0, %mul3A_9 : i32
    %add3A = arith.addi %mul3A_10, %arg1 : i32
    %mul3A_11 = arith.constant 10000 : i32
    %mul3A_12 = arith.muli %add3A, %mul3A_11 : i32
    %add3A_13 = arith.constant 0 : i32
    %add3A_14 = arith.addi %mul3A_12, %add3A_13 : i32
    %dma_start3A = arith.constant 0 : i32
    %dma_start3A_15 = arith.constant 0 : i32
    %dma_start3A_16 = tpu.memref_slice %arg6[%dma_start3A, %dma_start3A_15] : memref<4x80xi32, #tpu.memory_space<vmem>> -> memref<1x80xi32, #tpu.memory_space<vmem>>
    %dma_start3A_17 = tpu.memref_squeeze %dma_start3A_16 : memref<1x80xi32, #tpu.memory_space<vmem>> -> memref<80xi32, #tpu.memory_space<vmem>>
    %dma_start3A_18 = tpu.memref_slice %arg2[%add3A_14] : memref<320000xi32, #tpu.memory_space<hbm>> -> memref<80xi32, #tpu.memory_space<hbm>>
    %dma_start3A_19 = arith.constant 0 : i32
    %dma_start3A_20 = tpu.memref_slice %arg6[%dma_start3A, %dma_start3A_19] : memref<4x80xi32, #tpu.memory_space<vmem>> -> memref<1x80xi32, #tpu.memory_space<vmem>>
    %dma_start3A_21 = tpu.memref_squeeze %dma_start3A_20 : memref<1x80xi32, #tpu.memory_space<vmem>> -> memref<80xi32, #tpu.memory_space<vmem>>
    %dma_start3A_22 = tpu.memref_slice %arg2[%add3A_14] : memref<320000xi32, #tpu.memory_space<hbm>> -> memref<80xi32, #tpu.memory_space<hbm>>
    tpu.enqueue_dma source(%dma_start3A_22 : memref<80xi32, #tpu.memory_space<hbm>>) target(%dma_start3A_21 : memref<80xi32, #tpu.memory_space<vmem>>) target_semaphore(%arg11 : memref<!tpu.dma_semaphore, #tpu.memory_space<semaphore_mem>>)
    %dma_start3A_23 = arith.constant 0 : i32
    %dma_start3A_24 = arith.constant 0 : i32
    %dma_start3A_25 = tpu.memref_slice %arg7[%dma_start3A_23, %dma_start3A_24] : memref<4x80xi32, #tpu.memory_space<vmem>> -> memref<1x80xi32, #tpu.memory_space<vmem>>
    %dma_start3A_26 = tpu.memref_squeeze %dma_start3A_25 : memref<1x80xi32, #tpu.memory_space<vmem>> -> memref<80xi32, #tpu.memory_space<vmem>>
    %dma_start3A_27 = tpu.memref_slice %arg3[%add3A_14] : memref<320000xi32, #tpu.memory_space<hbm>> -> memref<80xi32, #tpu.memory_space<hbm>>
    %dma_start3A_28 = arith.constant 0 : i32
    %dma_start3A_29 = tpu.memref_slice %arg7[%dma_start3A_23, %dma_start3A_28] : memref<4x80xi32, #tpu.memory_space<vmem>> -> memref<1x80xi32, #tpu.memory_space<vmem>>
    %dma_start3A_30 = tpu.memref_squeeze %dma_start3A_29 : memref<1x80xi32, #tpu.memory_space<vmem>> -> memref<80xi32, #tpu.memory_space<vmem>>
    %dma_start3A_31 = tpu.memref_slice %arg3[%add3A_14] : memref<320000xi32, #tpu.memory_space<hbm>> -> memref<80xi32, #tpu.memory_space<hbm>>
    tpu.enqueue_dma source(%dma_start3A_31 : memref<80xi32, #tpu.memory_space<hbm>>) target(%dma_start3A_30 : memref<80xi32, #tpu.memory_space<vmem>>) target_semaphore(%arg11 : memref<!tpu.dma_semaphore, #tpu.memory_space<semaphore_mem>>)
    %add3A_32 = arith.constant 80 : i32
    %add3A_33 = arith.addi %mul3A_12, %add3A_32 : i32
    %dma_start3A_34 = arith.constant 1 : i32
    %dma_start3A_35 = arith.constant 0 : i32
    %dma_start3A_36 = tpu.memref_slice %arg6[%dma_start3A_34, %dma_start3A_35] : memref<4x80xi32, #tpu.memory_space<vmem>> -> memref<1x80xi32, #tpu.memory_space<vmem>>
    %dma_start3A_37 = tpu.memref_squeeze %dma_start3A_36 : memref<1x80xi32, #tpu.memory_space<vmem>> -> memref<80xi32, #tpu.memory_space<vmem>>
    %dma_start3A_38 = tpu.memref_slice %arg2[%add3A_33] : memref<320000xi32, #tpu.memory_space<hbm>> -> memref<80xi32, #tpu.memory_space<hbm>>
    %dma_start3A_39 = arith.constant 0 : i32
    %dma_start3A_40 = tpu.memref_slice %arg6[%dma_start3A_34, %dma_start3A_39] : memref<4x80xi32, #tpu.memory_space<vmem>> -> memref<1x80xi32, #tpu.memory_space<vmem>>
    %dma_start3A_41 = tpu.memref_squeeze %dma_start3A_40 : memref<1x80xi32, #tpu.memory_space<vmem>> -> memref<80xi32, #tpu.memory_space<vmem>>
    %dma_start3A_42 = tpu.memref_slice %arg2[%add3A_33] : memref<320000xi32, #tpu.memory_space<hbm>> -> memref<80xi32, #tpu.memory_space<hbm>>
    tpu.enqueue_dma source(%dma_start3A_42 : memref<80xi32, #tpu.memory_space<hbm>>) target(%dma_start3A_41 : memref<80xi32, #tpu.memory_space<vmem>>) target_semaphore(%arg12 : memref<!tpu.dma_semaphore, #tpu.memory_space<semaphore_mem>>)
    %dma_start3A_43 = arith.constant 1 : i32
    %dma_start3A_44 = arith.constant 0 : i32
    %dma_start3A_45 = tpu.memref_slice %arg7[%dma_start3A_43, %dma_start3A_44] : memref<4x80xi32, #tpu.memory_space<vmem>> -> memref<1x80xi32, #tpu.memory_space<vmem>>
    %dma_start3A_46 = tpu.memref_squeeze %dma_start3A_45 : memref<1x80xi32, #tpu.memory_space<vmem>> -> memref<80xi32, #tpu.memory_space<vmem>>
    %dma_start3A_47 = tpu.memref_slice %arg3[%add3A_33] : memref<320000xi32, #tpu.memory_space<hbm>> -> memref<80xi32, #tpu.memory_space<hbm>>
    %dma_start3A_48 = arith.constant 0 : i32
    %dma_start3A_49 = tpu.memref_slice %arg7[%dma_start3A_43, %dma_start3A_48] : memref<4x80xi32, #tpu.memory_space<vmem>> -> memref<1x80xi32, #tpu.memory_space<vmem>>
    %dma_start3A_50 = tpu.memref_squeeze %dma_start3A_49 : memref<1x80xi32, #tpu.memory_space<vmem>> -> memref<80xi32, #tpu.memory_space<vmem>>
    %dma_start3A_51 = tpu.memref_slice %arg3[%add3A_33] : memref<320000xi32, #tpu.memory_space<hbm>> -> memref<80xi32, #tpu.memory_space<hbm>>
    tpu.enqueue_dma source(%dma_start3A_51 : memref<80xi32, #tpu.memory_space<hbm>>) target(%dma_start3A_50 : memref<80xi32, #tpu.memory_space<vmem>>) target_semaphore(%arg12 : memref<!tpu.dma_semaphore, #tpu.memory_space<semaphore_mem>>)
    %add3A_52 = arith.constant 160 : i32
    %add3A_53 = arith.addi %mul3A_12, %add3A_52 : i32
    %dma_start3A_54 = arith.constant 2 : i32
    %dma_start3A_55 = arith.constant 0 : i32
    %dma_start3A_56 = tpu.memref_slice %arg6[%dma_start3A_54, %dma_start3A_55] : memref<4x80xi32, #tpu.memory_space<vmem>> -> memref<1x80xi32, #tpu.memory_space<vmem>>
    %dma_start3A_57 = tpu.memref_squeeze %dma_start3A_56 : memref<1x80xi32, #tpu.memory_space<vmem>> -> memref<80xi32, #tpu.memory_space<vmem>>
    %dma_start3A_58 = tpu.memref_slice %arg2[%add3A_53] : memref<320000xi32, #tpu.memory_space<hbm>> -> memref<80xi32, #tpu.memory_space<hbm>>
    %dma_start3A_59 = arith.constant 0 : i32
    %dma_start3A_60 = tpu.memref_slice %arg6[%dma_start3A_54, %dma_start3A_59] : memref<4x80xi32, #tpu.memory_space<vmem>> -> memref<1x80xi32, #tpu.memory_space<vmem>>
    %dma_start3A_61 = tpu.memref_squeeze %dma_start3A_60 : memref<1x80xi32, #tpu.memory_space<vmem>> -> memref<80xi32, #tpu.memory_space<vmem>>
    %dma_start3A_62 = tpu.memref_slice %arg2[%add3A_53] : memref<320000xi32, #tpu.memory_space<hbm>> -> memref<80xi32, #tpu.memory_space<hbm>>
    tpu.enqueue_dma source(%dma_start3A_62 : memref<80xi32, #tpu.memory_space<hbm>>) target(%dma_start3A_61 : memref<80xi32, #tpu.memory_space<vmem>>) target_semaphore(%arg13 : memref<!tpu.dma_semaphore, #tpu.memory_space<semaphore_mem>>)
    %dma_start3A_63 = arith.constant 2 : i32
    %dma_start3A_64 = arith.constant 0 : i32
    %dma_start3A_65 = tpu.memref_slice %arg7[%dma_start3A_63, %dma_start3A_64] : memref<4x80xi32, #tpu.memory_space<vmem>> -> memref<1x80xi32, #tpu.memory_space<vmem>>
    %dma_start3A_66 = tpu.memref_squeeze %dma_start3A_65 : memref<1x80xi32, #tpu.memory_space<vmem>> -> memref<80xi32, #tpu.memory_space<vmem>>
    %dma_start3A_67 = tpu.memref_slice %arg3[%add3A_53] : memref<320000xi32, #tpu.memory_space<hbm>> -> memref<80xi32, #tpu.memory_space<hbm>>
    %dma_start3A_68 = arith.constant 0 : i32
    %dma_start3A_69 = tpu.memref_slice %arg7[%dma_start3A_63, %dma_start3A_68] : memref<4x80xi32, #tpu.memory_space<vmem>> -> memref<1x80xi32, #tpu.memory_space<vmem>>
    %dma_start3A_70 = tpu.memref_squeeze %dma_start3A_69 : memref<1x80xi32, #tpu.memory_space<vmem>> -> memref<80xi32, #tpu.memory_space<vmem>>
    %dma_start3A_71 = tpu.memref_slice %arg3[%add3A_53] : memref<320000xi32, #tpu.memory_space<hbm>> -> memref<80xi32, #tpu.memory_space<hbm>>
    tpu.enqueue_dma source(%dma_start3A_71 : memref<80xi32, #tpu.memory_space<hbm>>) target(%dma_start3A_70 : memref<80xi32, #tpu.memory_space<vmem>>) target_semaphore(%arg13 : memref<!tpu.dma_semaphore, #tpu.memory_space<semaphore_mem>>)
    %dma_wait3A = arith.constant 0 : i32
    %dma_wait3A_72 = arith.constant 0 : i32
    %dma_wait3A_73 = tpu.memref_slice %arg6[%dma_wait3A, %dma_wait3A_72] : memref<4x80xi32, #tpu.memory_space<vmem>> -> memref<1x80xi32, #tpu.memory_space<vmem>>
    %dma_wait3A_74 = tpu.memref_squeeze %dma_wait3A_73 : memref<1x80xi32, #tpu.memory_space<vmem>> -> memref<80xi32, #tpu.memory_space<vmem>>
    %dma_wait3A_75 = tpu.memref_slice %arg2[%mul3A_12] : memref<320000xi32, #tpu.memory_space<hbm>> -> memref<80xi32, #tpu.memory_space<hbm>>
    %dma_wait3A_76 = arith.constant 0 : i32
    %dma_wait3A_77 = tpu.memref_slice %arg6[%dma_wait3A, %dma_wait3A_76] : memref<4x80xi32, #tpu.memory_space<vmem>> -> memref<1x80xi32, #tpu.memory_space<vmem>>
    %dma_wait3A_78 = tpu.memref_squeeze %dma_wait3A_77 : memref<1x80xi32, #tpu.memory_space<vmem>> -> memref<80xi32, #tpu.memory_space<vmem>>
    %dma_wait3A_79 = tpu.memref_slice %arg2[%mul3A_12] : memref<320000xi32, #tpu.memory_space<hbm>> -> memref<80xi32, #tpu.memory_space<hbm>>
    tpu.wait_dma2 semaphore(%arg11 : memref<!tpu.dma_semaphore, #tpu.memory_space<semaphore_mem>>) src(%dma_wait3A_79 : memref<80xi32, #tpu.memory_space<hbm>>) dst(%dma_wait3A_78 : memref<80xi32, #tpu.memory_space<vmem>>)
    %dma_wait3A_80 = arith.constant 0 : i32
    %dma_wait3A_81 = arith.constant 0 : i32
    %dma_wait3A_82 = tpu.memref_slice %arg7[%dma_wait3A_80, %dma_wait3A_81] : memref<4x80xi32, #tpu.memory_space<vmem>> -> memref<1x80xi32, #tpu.memory_space<vmem>>
    %dma_wait3A_83 = tpu.memref_squeeze %dma_wait3A_82 : memref<1x80xi32, #tpu.memory_space<vmem>> -> memref<80xi32, #tpu.memory_space<vmem>>
    %dma_wait3A_84 = tpu.memref_slice %arg3[%mul3A_12] : memref<320000xi32, #tpu.memory_space<hbm>> -> memref<80xi32, #tpu.memory_space<hbm>>
    %dma_wait3A_85 = arith.constant 0 : i32
    %dma_wait3A_86 = tpu.memref_slice %arg7[%dma_wait3A_80, %dma_wait3A_85] : memref<4x80xi32, #tpu.memory_space<vmem>> -> memref<1x80xi32, #tpu.memory_space<vmem>>
    %dma_wait3A_87 = tpu.memref_squeeze %dma_wait3A_86 : memref<1x80xi32, #tpu.memory_space<vmem>> -> memref<80xi32, #tpu.memory_space<vmem>>
    %dma_wait3A_88 = tpu.memref_slice %arg3[%mul3A_12] : memref<320000xi32, #tpu.memory_space<hbm>> -> memref<80xi32, #tpu.memory_space<hbm>>
    tpu.wait_dma2 semaphore(%arg11 : memref<!tpu.dma_semaphore, #tpu.memory_space<semaphore_mem>>) src(%dma_wait3A_88 : memref<80xi32, #tpu.memory_space<hbm>>) dst(%dma_wait3A_87 : memref<80xi32, #tpu.memory_space<vmem>>)
    %dma_start3A_89 = arith.constant 0 : i32
    %dma_start3A_90 = arith.constant 0 : i32
    %dma_start3A_91 = arith.constant 0 : i32
    %dma_start3A_92 = arith.constant 0 : i32
    %dma_start3A_93 = tpu.memref_slice %arg8[%dma_start3A_90, %dma_start3A_91, %dma_start3A_92] : memref<4x80x128xf32, #tpu.memory_space<vmem>> -> memref<1x80x128xf32, #tpu.memory_space<vmem>>
    %dma_start3A_94 = tpu.memref_squeeze %dma_start3A_93 : memref<1x80x128xf32, #tpu.memory_space<vmem>> -> memref<80x128xf32, #tpu.memory_space<vmem>>
    %dma_start3A_95 = arith.constant 0 : i32
    %dma_start3A_96 = tpu.memref_slice %arg6[%dma_start3A_89, %dma_start3A_95] : memref<4x80xi32, #tpu.memory_space<vmem>> -> memref<1x80xi32, #tpu.memory_space<vmem>>
    %dma_start3A_97 = tpu.memref_squeeze %dma_start3A_96 : memref<1x80xi32, #tpu.memory_space<vmem>> -> memref<80xi32, #tpu.memory_space<vmem>>
    %dma_start3A_98 = arith.constant 0 : i32
    %dma_start3A_99 = arith.constant 0 : i32
    %dma_start3A_100 = tpu.memref_slice %arg4[%dma_start3A_98, %dma_start3A_99] : memref<10000x128xf32, #tpu.memory_space<hbm>> -> memref<10000x128xf32, #tpu.memory_space<hbm>>
    tpu.enqueue_indirect_dma source(%dma_start3A_100 : memref<10000x128xf32, #tpu.memory_space<hbm>>) target(%dma_start3A_94 : memref<80x128xf32, #tpu.memory_space<vmem>>) offsets(%dma_start3A_97 : memref<80xi32, #tpu.memory_space<vmem>>) semaphore(%arg15 : memref<!tpu.dma_semaphore, #tpu.memory_space<semaphore_mem>>)
    %dma_wait3A_101 = arith.constant 1 : i32
    %dma_wait3A_102 = arith.constant 0 : i32
    %dma_wait3A_103 = tpu.memref_slice %arg6[%dma_wait3A_101, %dma_wait3A_102] : memref<4x80xi32, #tpu.memory_space<vmem>> -> memref<1x80xi32, #tpu.memory_space<vmem>>
    %dma_wait3A_104 = tpu.memref_squeeze %dma_wait3A_103 : memref<1x80xi32, #tpu.memory_space<vmem>> -> memref<80xi32, #tpu.memory_space<vmem>>
    %dma_wait3A_105 = tpu.memref_slice %arg2[%mul3A_12] : memref<320000xi32, #tpu.memory_space<hbm>> -> memref<80xi32, #tpu.memory_space<hbm>>
    %dma_wait3A_106 = arith.constant 0 : i32
    %dma_wait3A_107 = tpu.memref_slice %arg6[%dma_wait3A_101, %dma_wait3A_106] : memref<4x80xi32, #tpu.memory_space<vmem>> -> memref<1x80xi32, #tpu.memory_space<vmem>>
    %dma_wait3A_108 = tpu.memref_squeeze %dma_wait3A_107 : memref<1x80xi32, #tpu.memory_space<vmem>> -> memref<80xi32, #tpu.memory_space<vmem>>
    %dma_wait3A_109 = tpu.memref_slice %arg2[%mul3A_12] : memref<320000xi32, #tpu.memory_space<hbm>> -> memref<80xi32, #tpu.memory_space<hbm>>
    tpu.wait_dma2 semaphore(%arg12 : memref<!tpu.dma_semaphore, #tpu.memory_space<semaphore_mem>>) src(%dma_wait3A_109 : memref<80xi32, #tpu.memory_space<hbm>>) dst(%dma_wait3A_108 : memref<80xi32, #tpu.memory_space<vmem>>)
    %dma_wait3A_110 = arith.constant 1 : i32
    %dma_wait3A_111 = arith.constant 0 : i32
    %dma_wait3A_112 = tpu.memref_slice %arg7[%dma_wait3A_110, %dma_wait3A_111] : memref<4x80xi32, #tpu.memory_space<vmem>> -> memref<1x80xi32, #tpu.memory_space<vmem>>
    %dma_wait3A_113 = tpu.memref_squeeze %dma_wait3A_112 : memref<1x80xi32, #tpu.memory_space<vmem>> -> memref<80xi32, #tpu.memory_space<vmem>>
    %dma_wait3A_114 = tpu.memref_slice %arg3[%mul3A_12] : memref<320000xi32, #tpu.memory_space<hbm>> -> memref<80xi32, #tpu.memory_space<hbm>>
    %dma_wait3A_115 = arith.constant 0 : i32
    %dma_wait3A_116 = tpu.memref_slice %arg7[%dma_wait3A_110, %dma_wait3A_115] : memref<4x80xi32, #tpu.memory_space<vmem>> -> memref<1x80xi32, #tpu.memory_space<vmem>>
    %dma_wait3A_117 = tpu.memref_squeeze %dma_wait3A_116 : memref<1x80xi32, #tpu.memory_space<vmem>> -> memref<80xi32, #tpu.memory_space<vmem>>
    %dma_wait3A_118 = tpu.memref_slice %arg3[%mul3A_12] : memref<320000xi32, #tpu.memory_space<hbm>> -> memref<80xi32, #tpu.memory_space<hbm>>
    tpu.wait_dma2 semaphore(%arg12 : memref<!tpu.dma_semaphore, #tpu.memory_space<semaphore_mem>>) src(%dma_wait3A_118 : memref<80xi32, #tpu.memory_space<hbm>>) dst(%dma_wait3A_117 : memref<80xi32, #tpu.memory_space<vmem>>)
    %dma_start3A_119 = arith.constant 1 : i32
    %dma_start3A_120 = arith.constant 1 : i32
    %dma_start3A_121 = arith.constant 0 : i32
    %dma_start3A_122 = arith.constant 0 : i32
    %dma_start3A_123 = tpu.memref_slice %arg8[%dma_start3A_120, %dma_start3A_121, %dma_start3A_122] : memref<4x80x128xf32, #tpu.memory_space<vmem>> -> memref<1x80x128xf32, #tpu.memory_space<vmem>>
    %dma_start3A_124 = tpu.memref_squeeze %dma_start3A_123 : memref<1x80x128xf32, #tpu.memory_space<vmem>> -> memref<80x128xf32, #tpu.memory_space<vmem>>
    %dma_start3A_125 = arith.constant 0 : i32
    %dma_start3A_126 = tpu.memref_slice %arg6[%dma_start3A_119, %dma_start3A_125] : memref<4x80xi32, #tpu.memory_space<vmem>> -> memref<1x80xi32, #tpu.memory_space<vmem>>
    %dma_start3A_127 = tpu.memref_squeeze %dma_start3A_126 : memref<1x80xi32, #tpu.memory_space<vmem>> -> memref<80xi32, #tpu.memory_space<vmem>>
    %dma_start3A_128 = arith.constant 0 : i32
    %dma_start3A_129 = arith.constant 0 : i32
    %dma_start3A_130 = tpu.memref_slice %arg4[%dma_start3A_128, %dma_start3A_129] : memref<10000x128xf32, #tpu.memory_space<hbm>> -> memref<10000x128xf32, #tpu.memory_space<hbm>>
    tpu.enqueue_indirect_dma source(%dma_start3A_130 : memref<10000x128xf32, #tpu.memory_space<hbm>>) target(%dma_start3A_124 : memref<80x128xf32, #tpu.memory_space<vmem>>) offsets(%dma_start3A_127 : memref<80xi32, #tpu.memory_space<vmem>>) semaphore(%arg16 : memref<!tpu.dma_semaphore, #tpu.memory_space<semaphore_mem>>)
    %scan3A_131 = arith.constant 0 : i32
    %scan3A_132 = arith.constant 0 : i32
    %scan3A_133 = arith.constant 31 : i32
    %scan3A_134 = arith.addi %scan3A_132, %scan3A_133 : i32
    %scan3A_135 = arith.constant 1 : i32
    scf.for %scan3A_195 = %scan3A_132 to %scan3A_134 step %scan3A_135  : i32 {
      %mul3A_196 = arith.constant 4 : i32
      %mul3A_197 = arith.muli %scan3A_195, %mul3A_196 : i32
      %add3A_198 = arith.constant 0 : i32
      %add3A_199 = arith.addi %mul3A_197, %add3A_198 : i32
      %dma_wait3A_200 = arith.constant 0 : i32
      %dma_wait3A_201 = arith.constant 0 : i32
      %dma_wait3A_202 = arith.constant 0 : i32
      %dma_wait3A_203 = arith.constant 0 : i32
      %dma_wait3A_204 = tpu.memref_slice %arg8[%dma_wait3A_201, %dma_wait3A_202, %dma_wait3A_203] : memref<4x80x128xf32, #tpu.memory_space<vmem>> -> memref<1x80x128xf32, #tpu.memory_space<vmem>>
      %dma_wait3A_205 = tpu.memref_squeeze %dma_wait3A_204 : memref<1x80x128xf32, #tpu.memory_space<vmem>> -> memref<80x128xf32, #tpu.memory_space<vmem>>
      %dma_wait3A_206 = arith.constant 0 : i32
      %dma_wait3A_207 = tpu.memref_slice %arg6[%dma_wait3A_200, %dma_wait3A_206] : memref<4x80xi32, #tpu.memory_space<vmem>> -> memref<1x80xi32, #tpu.memory_space<vmem>>
      %dma_wait3A_208 = tpu.memref_squeeze %dma_wait3A_207 : memref<1x80xi32, #tpu.memory_space<vmem>> -> memref<80xi32, #tpu.memory_space<vmem>>
      %dma_wait3A_209 = arith.constant 0 : i32
      %dma_wait3A_210 = arith.constant 0 : i32
      %dma_wait3A_211 = tpu.memref_slice %arg4[%dma_wait3A_209, %dma_wait3A_210] : memref<10000x128xf32, #tpu.memory_space<hbm>> -> memref<10000x128xf32, #tpu.memory_space<hbm>>
      tpu.wait_indirect_dma semaphore(%arg15 : memref<!tpu.dma_semaphore, #tpu.memory_space<semaphore_mem>>) src(%dma_wait3A_211 : memref<10000x128xf32, #tpu.memory_space<hbm>>) dst(%dma_wait3A_205 : memref<80x128xf32, #tpu.memory_space<vmem>>)
      %ge3A = arith.constant 1 : i32
      %ge3A_212 = arith.cmpi sge, %add3A_199, %ge3A : i32
      %convert_element_type3A_213 = arith.extui %ge3A_212 : i1 to i32
      %cond3A_214 = arith.constant 0 : i32
      %cond3A_215 = arith.cmpi ne, %convert_element_type3A_213, %cond3A_214 : i32
      scf.if %cond3A_215 {
        %dma_wait3A_383 = arith.constant 3 : i32
        %dma_wait3A_384 = arith.constant 3 : i32
        %dma_wait3A_385 = arith.constant 0 : i32
        %dma_wait3A_386 = arith.constant 0 : i32
        %dma_wait3A_387 = tpu.memref_slice %arg8[%dma_wait3A_383, %dma_wait3A_385, %dma_wait3A_386] : memref<4x80x128xf32, #tpu.memory_space<vmem>> -> memref<1x80x128xf32, #tpu.memory_space<vmem>>
        %dma_wait3A_388 = tpu.memref_squeeze %dma_wait3A_387 : memref<1x80x128xf32, #tpu.memory_space<vmem>> -> memref<80x128xf32, #tpu.memory_space<vmem>>
        %dma_wait3A_389 = arith.constant 0 : i32
        %dma_wait3A_390 = tpu.memref_slice %arg7[%dma_wait3A_384, %dma_wait3A_389] : memref<4x80xi32, #tpu.memory_space<vmem>> -> memref<1x80xi32, #tpu.memory_space<vmem>>
        %dma_wait3A_391 = tpu.memref_squeeze %dma_wait3A_390 : memref<1x80xi32, #tpu.memory_space<vmem>> -> memref<80xi32, #tpu.memory_space<vmem>>
        %dma_wait3A_392 = arith.constant 0 : i32
        %dma_wait3A_393 = arith.constant 0 : i32
        %dma_wait3A_394 = tpu.memref_slice %arg10[%dma_wait3A_392, %dma_wait3A_393] : memref<10000x128xf32, #tpu.memory_space<vmem_shared>> -> memref<10000x128xf32, #tpu.memory_space<vmem_shared>>
        tpu.wait_indirect_dma semaphore(%arg22 : memref<!tpu.dma_semaphore, #tpu.memory_space<semaphore_mem>>) src(%dma_wait3A_388 : memref<80x128xf32, #tpu.memory_space<vmem>>) dst(%dma_wait3A_394 : memref<10000x128xf32, #tpu.memory_space<vmem_shared>>)
      } else {
      }
      %dma_start3A_216 = arith.constant 0 : i32
      %dma_start3A_217 = arith.constant 0 : i32
      %dma_start3A_218 = arith.constant 0 : i32
      %dma_start3A_219 = arith.constant 0 : i32
      %dma_start3A_220 = tpu.memref_slice %arg8[%dma_start3A_216, %dma_start3A_218, %dma_start3A_219] : memref<4x80x128xf32, #tpu.memory_space<vmem>> -> memref<1x80x128xf32, #tpu.memory_space<vmem>>
      %dma_start3A_221 = tpu.memref_squeeze %dma_start3A_220 : memref<1x80x128xf32, #tpu.memory_space<vmem>> -> memref<80x128xf32, #tpu.memory_space<vmem>>
      %dma_start3A_222 = arith.constant 0 : i32
      %dma_start3A_223 = tpu.memref_slice %arg7[%dma_start3A_217, %dma_start3A_222] : memref<4x80xi32, #tpu.memory_space<vmem>> -> memref<1x80xi32, #tpu.memory_space<vmem>>
      %dma_start3A_224 = tpu.memref_squeeze %dma_start3A_223 : memref<1x80xi32, #tpu.memory_space<vmem>> -> memref<80xi32, #tpu.memory_space<vmem>>
      %dma_start3A_225 = arith.constant 0 : i32
      %dma_start3A_226 = arith.constant 0 : i32
      %dma_start3A_227 = tpu.memref_slice %arg10[%dma_start3A_225, %dma_start3A_226] : memref<10000x128xf32, #tpu.memory_space<vmem_shared>> -> memref<10000x128xf32, #tpu.memory_space<vmem_shared>>
      tpu.enqueue_indirect_dma source(%dma_start3A_221 : memref<80x128xf32, #tpu.memory_space<vmem>>) target(%dma_start3A_227 : memref<10000x128xf32, #tpu.memory_space<vmem_shared>>) offsets(%dma_start3A_224 : memref<80xi32, #tpu.memory_space<vmem>>) semaphore(%arg19 : memref<!tpu.dma_semaphore, #tpu.memory_space<semaphore_mem>>) {add = true}
      %add3A_228 = arith.constant 2 : i32
      %add3A_229 = arith.addi %add3A_199, %add3A_228 : i32
      %lt3A_230 = arith.constant 125 : i32
      %lt3A_231 = arith.cmpi slt, %add3A_229, %lt3A_230 : i32
      %convert_element_type3A_232 = arith.extui %lt3A_231 : i1 to i32
      %cond3A_233 = arith.constant 0 : i32
      %cond3A_234 = arith.cmpi ne, %convert_element_type3A_232, %cond3A_233 : i32
      scf.if %cond3A_234 {
        %dma_wait3A_383 = arith.constant 2 : i32
        %dma_wait3A_384 = arith.constant 0 : i32
        %dma_wait3A_385 = tpu.memref_slice %arg6[%dma_wait3A_383, %dma_wait3A_384] : memref<4x80xi32, #tpu.memory_space<vmem>> -> memref<1x80xi32, #tpu.memory_space<vmem>>
        %dma_wait3A_386 = tpu.memref_squeeze %dma_wait3A_385 : memref<1x80xi32, #tpu.memory_space<vmem>> -> memref<80xi32, #tpu.memory_space<vmem>>
        %dma_wait3A_387 = tpu.memref_slice %arg2[%mul3A_12] : memref<320000xi32, #tpu.memory_space<hbm>> -> memref<80xi32, #tpu.memory_space<hbm>>
        %dma_wait3A_388 = arith.constant 0 : i32
        %dma_wait3A_389 = tpu.memref_slice %arg6[%dma_wait3A_383, %dma_wait3A_388] : memref<4x80xi32, #tpu.memory_space<vmem>> -> memref<1x80xi32, #tpu.memory_space<vmem>>
        %dma_wait3A_390 = tpu.memref_squeeze %dma_wait3A_389 : memref<1x80xi32, #tpu.memory_space<vmem>> -> memref<80xi32, #tpu.memory_space<vmem>>
        %dma_wait3A_391 = tpu.memref_slice %arg2[%mul3A_12] : memref<320000xi32, #tpu.memory_space<hbm>> -> memref<80xi32, #tpu.memory_space<hbm>>
        tpu.wait_dma2 semaphore(%arg13 : memref<!tpu.dma_semaphore, #tpu.memory_space<semaphore_mem>>) src(%dma_wait3A_391 : memref<80xi32, #tpu.memory_space<hbm>>) dst(%dma_wait3A_390 : memref<80xi32, #tpu.memory_space<vmem>>)
        %dma_wait3A_392 = arith.constant 2 : i32
        %dma_wait3A_393 = arith.constant 0 : i32
        %dma_wait3A_394 = tpu.memref_slice %arg7[%dma_wait3A_392, %dma_wait3A_393] : memref<4x80xi32, #tpu.memory_space<vmem>> -> memref<1x80xi32, #tpu.memory_space<vmem>>
        %dma_wait3A_395 = tpu.memref_squeeze %dma_wait3A_394 : memref<1x80xi32, #tpu.memory_space<vmem>> -> memref<80xi32, #tpu.memory_space<vmem>>
        %dma_wait3A_396 = tpu.memref_slice %arg3[%mul3A_12] : memref<320000xi32, #tpu.memory_space<hbm>> -> memref<80xi32, #tpu.memory_space<hbm>>
        %dma_wait3A_397 = arith.constant 0 : i32
        %dma_wait3A_398 = tpu.memref_slice %arg7[%dma_wait3A_392, %dma_wait3A_397] : memref<4x80xi32, #tpu.memory_space<vmem>> -> memref<1x80xi32, #tpu.memory_space<vmem>>
        %dma_wait3A_399 = tpu.memref_squeeze %dma_wait3A_398 : memref<1x80xi32, #tpu.memory_space<vmem>> -> memref<80xi32, #tpu.memory_space<vmem>>
        %dma_wait3A_400 = tpu.memref_slice %arg3[%mul3A_12] : memref<320000xi32, #tpu.memory_space<hbm>> -> memref<80xi32, #tpu.memory_space<hbm>>
        tpu.wait_dma2 semaphore(%arg13 : memref<!tpu.dma_semaphore, #tpu.memory_space<semaphore_mem>>) src(%dma_wait3A_400 : memref<80xi32, #tpu.memory_space<hbm>>) dst(%dma_wait3A_399 : memref<80xi32, #tpu.memory_space<vmem>>)
        %add3A_401 = arith.constant 2 : i32
        %add3A_402 = arith.addi %add3A_199, %add3A_401 : i32
        %dma_start3A_403 = arith.constant 2 : i32
        %dma_start3A_404 = arith.constant 2 : i32
        %dma_start3A_405 = arith.constant 0 : i32
        %dma_start3A_406 = arith.constant 0 : i32
        %dma_start3A_407 = tpu.memref_slice %arg8[%dma_start3A_404, %dma_start3A_405, %dma_start3A_406] : memref<4x80x128xf32, #tpu.memory_space<vmem>> -> memref<1x80x128xf32, #tpu.memory_space<vmem>>
        %dma_start3A_408 = tpu.memref_squeeze %dma_start3A_407 : memref<1x80x128xf32, #tpu.memory_space<vmem>> -> memref<80x128xf32, #tpu.memory_space<vmem>>
        %dma_start3A_409 = arith.constant 0 : i32
        %dma_start3A_410 = tpu.memref_slice %arg6[%dma_start3A_403, %dma_start3A_409] : memref<4x80xi32, #tpu.memory_space<vmem>> -> memref<1x80xi32, #tpu.memory_space<vmem>>
        %dma_start3A_411 = tpu.memref_squeeze %dma_start3A_410 : memref<1x80xi32, #tpu.memory_space<vmem>> -> memref<80xi32, #tpu.memory_space<vmem>>
        %dma_start3A_412 = arith.constant 0 : i32
        %dma_start3A_413 = arith.constant 0 : i32
        %dma_start3A_414 = tpu.memref_slice %arg4[%dma_start3A_412, %dma_start3A_413] : memref<10000x128xf32, #tpu.memory_space<hbm>> -> memref<10000x128xf32, #tpu.memory_space<hbm>>
        tpu.enqueue_indirect_dma source(%dma_start3A_414 : memref<10000x128xf32, #tpu.memory_space<hbm>>) target(%dma_start3A_408 : memref<80x128xf32, #tpu.memory_space<vmem>>) offsets(%dma_start3A_411 : memref<80xi32, #tpu.memory_space<vmem>>) semaphore(%arg17 : memref<!tpu.dma_semaphore, #tpu.memory_space<semaphore_mem>>)
      } else {
      }
      %add3A_235 = arith.constant 3 : i32
      %add3A_236 = arith.addi %add3A_199, %add3A_235 : i32
      %lt3A_237 = arith.constant 125 : i32
      %lt3A_238 = arith.cmpi slt, %add3A_236, %lt3A_237 : i32
      %convert_element_type3A_239 = arith.extui %lt3A_238 : i1 to i32
      %cond3A_240 = arith.constant 0 : i32
      %cond3A_241 = arith.cmpi ne, %convert_element_type3A_239, %cond3A_240 : i32
      scf.if %cond3A_241 {
        %add3A_383 = arith.constant 3 : i32
        %add3A_384 = arith.addi %add3A_199, %add3A_383 : i32
        %mul3A_385 = arith.constant 80 : i32
        %mul3A_386 = arith.muli %add3A_384, %mul3A_385 : i32
        %add3A_387 = arith.addi %mul3A_12, %mul3A_386 : i32
        %dma_start3A_388 = arith.constant 3 : i32
        %dma_start3A_389 = arith.constant 0 : i32
        %dma_start3A_390 = tpu.memref_slice %arg6[%dma_start3A_388, %dma_start3A_389] : memref<4x80xi32, #tpu.memory_space<vmem>> -> memref<1x80xi32, #tpu.memory_space<vmem>>
        %dma_start3A_391 = tpu.memref_squeeze %dma_start3A_390 : memref<1x80xi32, #tpu.memory_space<vmem>> -> memref<80xi32, #tpu.memory_space<vmem>>
        %dma_start3A_392 = tpu.memref_slice %arg2[%add3A_387] : memref<320000xi32, #tpu.memory_space<hbm>> -> memref<80xi32, #tpu.memory_space<hbm>>
        %dma_start3A_393 = arith.constant 0 : i32
        %dma_start3A_394 = tpu.memref_slice %arg6[%dma_start3A_388, %dma_start3A_393] : memref<4x80xi32, #tpu.memory_space<vmem>> -> memref<1x80xi32, #tpu.memory_space<vmem>>
        %dma_start3A_395 = tpu.memref_squeeze %dma_start3A_394 : memref<1x80xi32, #tpu.memory_space<vmem>> -> memref<80xi32, #tpu.memory_space<vmem>>
        %dma_start3A_396 = tpu.memref_slice %arg2[%add3A_387] : memref<320000xi32, #tpu.memory_space<hbm>> -> memref<80xi32, #tpu.memory_space<hbm>>
        tpu.enqueue_dma source(%dma_start3A_396 : memref<80xi32, #tpu.memory_space<hbm>>) target(%dma_start3A_395 : memref<80xi32, #tpu.memory_space<vmem>>) target_semaphore(%arg14 : memref<!tpu.dma_semaphore, #tpu.memory_space<semaphore_mem>>)
        %dma_start3A_397 = arith.constant 3 : i32
        %dma_start3A_398 = arith.constant 0 : i32
        %dma_start3A_399 = tpu.memref_slice %arg7[%dma_start3A_397, %dma_start3A_398] : memref<4x80xi32, #tpu.memory_space<vmem>> -> memref<1x80xi32, #tpu.memory_space<vmem>>
        %dma_start3A_400 = tpu.memref_squeeze %dma_start3A_399 : memref<1x80xi32, #tpu.memory_space<vmem>> -> memref<80xi32, #tpu.memory_space<vmem>>
        %dma_start3A_401 = tpu.memref_slice %arg3[%add3A_387] : memref<320000xi32, #tpu.memory_space<hbm>> -> memref<80xi32, #tpu.memory_space<hbm>>
        %dma_start3A_402 = arith.constant 0 : i32
        %dma_start3A_403 = tpu.memref_slice %arg7[%dma_start3A_397, %dma_start3A_402] : memref<4x80xi32, #tpu.memory_space<vmem>> -> memref<1x80xi32, #tpu.memory_space<vmem>>
        %dma_start3A_404 = tpu.memref_squeeze %dma_start3A_403 : memref<1x80xi32, #tpu.memory_space<vmem>> -> memref<80xi32, #tpu.memory_space<vmem>>
        %dma_start3A_405 = tpu.memref_slice %arg3[%add3A_387] : memref<320000xi32, #tpu.memory_space<hbm>> -> memref<80xi32, #tpu.memory_space<hbm>>
        tpu.enqueue_dma source(%dma_start3A_405 : memref<80xi32, #tpu.memory_space<hbm>>) target(%dma_start3A_404 : memref<80xi32, #tpu.memory_space<vmem>>) target_semaphore(%arg14 : memref<!tpu.dma_semaphore, #tpu.memory_space<semaphore_mem>>)
      } else {
      }
      %mul3A_242 = arith.constant 4 : i32
      %mul3A_243 = arith.muli %scan3A_195, %mul3A_242 : i32
      %add3A_244 = arith.constant 1 : i32
      %add3A_245 = arith.addi %mul3A_243, %add3A_244 : i32
      %dma_wait3A_246 = arith.constant 1 : i32
      %dma_wait3A_247 = arith.constant 1 : i32
      %dma_wait3A_248 = arith.constant 0 : i32
      %dma_wait3A_249 = arith.constant 0 : i32
      %dma_wait3A_250 = tpu.memref_slice %arg8[%dma_wait3A_247, %dma_wait3A_248, %dma_wait3A_249] : memref<4x80x128xf32, #tpu.memory_space<vmem>> -> memref<1x80x128xf32, #tpu.memory_space<vmem>>
      %dma_wait3A_251 = tpu.memref_squeeze %dma_wait3A_250 : memref<1x80x128xf32, #tpu.memory_space<vmem>> -> memref<80x128xf32, #tpu.memory_space<vmem>>
      %dma_wait3A_252 = arith.constant 0 : i32
      %dma_wait3A_253 = tpu.memref_slice %arg6[%dma_wait3A_246, %dma_wait3A_252] : memref<4x80xi32, #tpu.memory_space<vmem>> -> memref<1x80xi32, #tpu.memory_space<vmem>>
      %dma_wait3A_254 = tpu.memref_squeeze %dma_wait3A_253 : memref<1x80xi32, #tpu.memory_space<vmem>> -> memref<80xi32, #tpu.memory_space<vmem>>
      %dma_wait3A_255 = arith.constant 0 : i32
      %dma_wait3A_256 = arith.constant 0 : i32
      %dma_wait3A_257 = tpu.memref_slice %arg4[%dma_wait3A_255, %dma_wait3A_256] : memref<10000x128xf32, #tpu.memory_space<hbm>> -> memref<10000x128xf32, #tpu.memory_space<hbm>>
      tpu.wait_indirect_dma semaphore(%arg16 : memref<!tpu.dma_semaphore, #tpu.memory_space<semaphore_mem>>) src(%dma_wait3A_257 : memref<10000x128xf32, #tpu.memory_space<hbm>>) dst(%dma_wait3A_251 : memref<80x128xf32, #tpu.memory_space<vmem>>)
      %ge3A_258 = arith.constant 1 : i32
      %ge3A_259 = arith.cmpi sge, %add3A_245, %ge3A_258 : i32
      %convert_element_type3A_260 = arith.extui %ge3A_259 : i1 to i32
      %cond3A_261 = arith.constant 0 : i32
      %cond3A_262 = arith.cmpi ne, %convert_element_type3A_260, %cond3A_261 : i32
      scf.if %cond3A_262 {
        %dma_wait3A_383 = arith.constant 0 : i32
        %dma_wait3A_384 = arith.constant 0 : i32
        %dma_wait3A_385 = arith.constant 0 : i32
        %dma_wait3A_386 = arith.constant 0 : i32
        %dma_wait3A_387 = tpu.memref_slice %arg8[%dma_wait3A_383, %dma_wait3A_385, %dma_wait3A_386] : memref<4x80x128xf32, #tpu.memory_space<vmem>> -> memref<1x80x128xf32, #tpu.memory_space<vmem>>
        %dma_wait3A_388 = tpu.memref_squeeze %dma_wait3A_387 : memref<1x80x128xf32, #tpu.memory_space<vmem>> -> memref<80x128xf32, #tpu.memory_space<vmem>>
        %dma_wait3A_389 = arith.constant 0 : i32
        %dma_wait3A_390 = tpu.memref_slice %arg7[%dma_wait3A_384, %dma_wait3A_389] : memref<4x80xi32, #tpu.memory_space<vmem>> -> memref<1x80xi32, #tpu.memory_space<vmem>>
        %dma_wait3A_391 = tpu.memref_squeeze %dma_wait3A_390 : memref<1x80xi32, #tpu.memory_space<vmem>> -> memref<80xi32, #tpu.memory_space<vmem>>
        %dma_wait3A_392 = arith.constant 0 : i32
        %dma_wait3A_393 = arith.constant 0 : i32
        %dma_wait3A_394 = tpu.memref_slice %arg10[%dma_wait3A_392, %dma_wait3A_393] : memref<10000x128xf32, #tpu.memory_space<vmem_shared>> -> memref<10000x128xf32, #tpu.memory_space<vmem_shared>>
        tpu.wait_indirect_dma semaphore(%arg19 : memref<!tpu.dma_semaphore, #tpu.memory_space<semaphore_mem>>) src(%dma_wait3A_388 : memref<80x128xf32, #tpu.memory_space<vmem>>) dst(%dma_wait3A_394 : memref<10000x128xf32, #tpu.memory_space<vmem_shared>>)
      } else {
      }
      %dma_start3A_263 = arith.constant 1 : i32
      %dma_start3A_264 = arith.constant 1 : i32
      %dma_start3A_265 = arith.constant 0 : i32
      %dma_start3A_266 = arith.constant 0 : i32
      %dma_start3A_267 = tpu.memref_slice %arg8[%dma_start3A_263, %dma_start3A_265, %dma_start3A_266] : memref<4x80x128xf32, #tpu.memory_space<vmem>> -> memref<1x80x128xf32, #tpu.memory_space<vmem>>
      %dma_start3A_268 = tpu.memref_squeeze %dma_start3A_267 : memref<1x80x128xf32, #tpu.memory_space<vmem>> -> memref<80x128xf32, #tpu.memory_space<vmem>>
      %dma_start3A_269 = arith.constant 0 : i32
      %dma_start3A_270 = tpu.memref_slice %arg7[%dma_start3A_264, %dma_start3A_269] : memref<4x80xi32, #tpu.memory_space<vmem>> -> memref<1x80xi32, #tpu.memory_space<vmem>>
      %dma_start3A_271 = tpu.memref_squeeze %dma_start3A_270 : memref<1x80xi32, #tpu.memory_space<vmem>> -> memref<80xi32, #tpu.memory_space<vmem>>
      %dma_start3A_272 = arith.constant 0 : i32
      %dma_start3A_273 = arith.constant 0 : i32
      %dma_start3A_274 = tpu.memref_slice %arg10[%dma_start3A_272, %dma_start3A_273] : memref<10000x128xf32, #tpu.memory_space<vmem_shared>> -> memref<10000x128xf32, #tpu.memory_space<vmem_shared>>
      tpu.enqueue_indirect_dma source(%dma_start3A_268 : memref<80x128xf32, #tpu.memory_space<vmem>>) target(%dma_start3A_274 : memref<10000x128xf32, #tpu.memory_space<vmem_shared>>) offsets(%dma_start3A_271 : memref<80xi32, #tpu.memory_space<vmem>>) semaphore(%arg20 : memref<!tpu.dma_semaphore, #tpu.memory_space<semaphore_mem>>) {add = true}
      %add3A_275 = arith.constant 2 : i32
      %add3A_276 = arith.addi %add3A_245, %add3A_275 : i32
      %lt3A_277 = arith.constant 125 : i32
      %lt3A_278 = arith.cmpi slt, %add3A_276, %lt3A_277 : i32
      %convert_element_type3A_279 = arith.extui %lt3A_278 : i1 to i32
      %cond3A_280 = arith.constant 0 : i32
      %cond3A_281 = arith.cmpi ne, %convert_element_type3A_279, %cond3A_280 : i32
      scf.if %cond3A_281 {
        %dma_wait3A_383 = arith.constant 3 : i32
        %dma_wait3A_384 = arith.constant 0 : i32
        %dma_wait3A_385 = tpu.memref_slice %arg6[%dma_wait3A_383, %dma_wait3A_384] : memref<4x80xi32, #tpu.memory_space<vmem>> -> memref<1x80xi32, #tpu.memory_space<vmem>>
        %dma_wait3A_386 = tpu.memref_squeeze %dma_wait3A_385 : memref<1x80xi32, #tpu.memory_space<vmem>> -> memref<80xi32, #tpu.memory_space<vmem>>
        %dma_wait3A_387 = tpu.memref_slice %arg2[%mul3A_12] : memref<320000xi32, #tpu.memory_space<hbm>> -> memref<80xi32, #tpu.memory_space<hbm>>
        %dma_wait3A_388 = arith.constant 0 : i32
        %dma_wait3A_389 = tpu.memref_slice %arg6[%dma_wait3A_383, %dma_wait3A_388] : memref<4x80xi32, #tpu.memory_space<vmem>> -> memref<1x80xi32, #tpu.memory_space<vmem>>
        %dma_wait3A_390 = tpu.memref_squeeze %dma_wait3A_389 : memref<1x80xi32, #tpu.memory_space<vmem>> -> memref<80xi32, #tpu.memory_space<vmem>>
        %dma_wait3A_391 = tpu.memref_slice %arg2[%mul3A_12] : memref<320000xi32, #tpu.memory_space<hbm>> -> memref<80xi32, #tpu.memory_space<hbm>>
        tpu.wait_dma2 semaphore(%arg14 : memref<!tpu.dma_semaphore, #tpu.memory_space<semaphore_mem>>) src(%dma_wait3A_391 : memref<80xi32, #tpu.memory_space<hbm>>) dst(%dma_wait3A_390 : memref<80xi32, #tpu.memory_space<vmem>>)
        %dma_wait3A_392 = arith.constant 3 : i32
        %dma_wait3A_393 = arith.constant 0 : i32
        %dma_wait3A_394 = tpu.memref_slice %arg7[%dma_wait3A_392, %dma_wait3A_393] : memref<4x80xi32, #tpu.memory_space<vmem>> -> memref<1x80xi32, #tpu.memory_space<vmem>>
        %dma_wait3A_395 = tpu.memref_squeeze %dma_wait3A_394 : memref<1x80xi32, #tpu.memory_space<vmem>> -> memref<80xi32, #tpu.memory_space<vmem>>
        %dma_wait3A_396 = tpu.memref_slice %arg3[%mul3A_12] : memref<320000xi32, #tpu.memory_space<hbm>> -> memref<80xi32, #tpu.memory_space<hbm>>
        %dma_wait3A_397 = arith.constant 0 : i32
        %dma_wait3A_398 = tpu.memref_slice %arg7[%dma_wait3A_392, %dma_wait3A_397] : memref<4x80xi32, #tpu.memory_space<vmem>> -> memref<1x80xi32, #tpu.memory_space<vmem>>
        %dma_wait3A_399 = tpu.memref_squeeze %dma_wait3A_398 : memref<1x80xi32, #tpu.memory_space<vmem>> -> memref<80xi32, #tpu.memory_space<vmem>>
        %dma_wait3A_400 = tpu.memref_slice %arg3[%mul3A_12] : memref<320000xi32, #tpu.memory_space<hbm>> -> memref<80xi32, #tpu.memory_space<hbm>>
        tpu.wait_dma2 semaphore(%arg14 : memref<!tpu.dma_semaphore, #tpu.memory_space<semaphore_mem>>) src(%dma_wait3A_400 : memref<80xi32, #tpu.memory_space<hbm>>) dst(%dma_wait3A_399 : memref<80xi32, #tpu.memory_space<vmem>>)
        %add3A_401 = arith.constant 2 : i32
        %add3A_402 = arith.addi %add3A_245, %add3A_401 : i32
        %dma_start3A_403 = arith.constant 3 : i32
        %dma_start3A_404 = arith.constant 3 : i32
        %dma_start3A_405 = arith.constant 0 : i32
        %dma_start3A_406 = arith.constant 0 : i32
        %dma_start3A_407 = tpu.memref_slice %arg8[%dma_start3A_404, %dma_start3A_405, %dma_start3A_406] : memref<4x80x128xf32, #tpu.memory_space<vmem>> -> memref<1x80x128xf32, #tpu.memory_space<vmem>>
        %dma_start3A_408 = tpu.memref_squeeze %dma_start3A_407 : memref<1x80x128xf32, #tpu.memory_space<vmem>> -> memref<80x128xf32, #tpu.memory_space<vmem>>
        %dma_start3A_409 = arith.constant 0 : i32
        %dma_start3A_410 = tpu.memref_slice %arg6[%dma_start3A_403, %dma_start3A_409] : memref<4x80xi32, #tpu.memory_space<vmem>> -> memref<1x80xi32, #tpu.memory_space<vmem>>
        %dma_start3A_411 = tpu.memref_squeeze %dma_start3A_410 : memref<1x80xi32, #tpu.memory_space<vmem>> -> memref<80xi32, #tpu.memory_space<vmem>>
        %dma_start3A_412 = arith.constant 0 : i32
        %dma_start3A_413 = arith.constant 0 : i32
        %dma_start3A_414 = tpu.memref_slice %arg4[%dma_start3A_412, %dma_start3A_413] : memref<10000x128xf32, #tpu.memory_space<hbm>> -> memref<10000x128xf32, #tpu.memory_space<hbm>>
        tpu.enqueue_indirect_dma source(%dma_start3A_414 : memref<10000x128xf32, #tpu.memory_space<hbm>>) target(%dma_start3A_408 : memref<80x128xf32, #tpu.memory_space<vmem>>) offsets(%dma_start3A_411 : memref<80xi32, #tpu.memory_space<vmem>>) semaphore(%arg18 : memref<!tpu.dma_semaphore, #tpu.memory_space<semaphore_mem>>)
      } else {
      }
      %add3A_282 = arith.constant 3 : i32
      %add3A_283 = arith.addi %add3A_245, %add3A_282 : i32
      %lt3A_284 = arith.constant 125 : i32
      %lt3A_285 = arith.cmpi slt, %add3A_283, %lt3A_284 : i32
      %convert_element_type3A_286 = arith.extui %lt3A_285 : i1 to i32
      %cond3A_287 = arith.constant 0 : i32
      %cond3A_288 = arith.cmpi ne, %convert_element_type3A_286, %cond3A_287 : i32
      scf.if %cond3A_288 {
        %add3A_383 = arith.constant 3 : i32
        %add3A_384 = arith.addi %add3A_245, %add3A_383 : i32
        %mul3A_385 = arith.constant 80 : i32
        %mul3A_386 = arith.muli %add3A_384, %mul3A_385 : i32
        %add3A_387 = arith.addi %mul3A_12, %mul3A_386 : i32
        %dma_start3A_388 = arith.constant 0 : i32
        %dma_start3A_389 = arith.constant 0 : i32
        %dma_start3A_390 = tpu.memref_slice %arg6[%dma_start3A_388, %dma_start3A_389] : memref<4x80xi32, #tpu.memory_space<vmem>> -> memref<1x80xi32, #tpu.memory_space<vmem>>
        %dma_start3A_391 = tpu.memref_squeeze %dma_start3A_390 : memref<1x80xi32, #tpu.memory_space<vmem>> -> memref<80xi32, #tpu.memory_space<vmem>>
        %dma_start3A_392 = tpu.memref_slice %arg2[%add3A_387] : memref<320000xi32, #tpu.memory_space<hbm>> -> memref<80xi32, #tpu.memory_space<hbm>>
        %dma_start3A_393 = arith.constant 0 : i32
        %dma_start3A_394 = tpu.memref_slice %arg6[%dma_start3A_388, %dma_start3A_393] : memref<4x80xi32, #tpu.memory_space<vmem>> -> memref<1x80xi32, #tpu.memory_space<vmem>>
        %dma_start3A_395 = tpu.memref_squeeze %dma_start3A_394 : memref<1x80xi32, #tpu.memory_space<vmem>> -> memref<80xi32, #tpu.memory_space<vmem>>
        %dma_start3A_396 = tpu.memref_slice %arg2[%add3A_387] : memref<320000xi32, #tpu.memory_space<hbm>> -> memref<80xi32, #tpu.memory_space<hbm>>
        tpu.enqueue_dma source(%dma_start3A_396 : memref<80xi32, #tpu.memory_space<hbm>>) target(%dma_start3A_395 : memref<80xi32, #tpu.memory_space<vmem>>) target_semaphore(%arg11 : memref<!tpu.dma_semaphore, #tpu.memory_space<semaphore_mem>>)
        %dma_start3A_397 = arith.constant 0 : i32
        %dma_start3A_398 = arith.constant 0 : i32
        %dma_start3A_399 = tpu.memref_slice %arg7[%dma_start3A_397, %dma_start3A_398] : memref<4x80xi32, #tpu.memory_space<vmem>> -> memref<1x80xi32, #tpu.memory_space<vmem>>
        %dma_start3A_400 = tpu.memref_squeeze %dma_start3A_399 : memref<1x80xi32, #tpu.memory_space<vmem>> -> memref<80xi32, #tpu.memory_space<vmem>>
        %dma_start3A_401 = tpu.memref_slice %arg3[%add3A_387] : memref<320000xi32, #tpu.memory_space<hbm>> -> memref<80xi32, #tpu.memory_space<hbm>>
        %dma_start3A_402 = arith.constant 0 : i32
        %dma_start3A_403 = tpu.memref_slice %arg7[%dma_start3A_397, %dma_start3A_402] : memref<4x80xi32, #tpu.memory_space<vmem>> -> memref<1x80xi32, #tpu.memory_space<vmem>>
        %dma_start3A_404 = tpu.memref_squeeze %dma_start3A_403 : memref<1x80xi32, #tpu.memory_space<vmem>> -> memref<80xi32, #tpu.memory_space<vmem>>
        %dma_start3A_405 = tpu.memref_slice %arg3[%add3A_387] : memref<320000xi32, #tpu.memory_space<hbm>> -> memref<80xi32, #tpu.memory_space<hbm>>
        tpu.enqueue_dma source(%dma_start3A_405 : memref<80xi32, #tpu.memory_space<hbm>>) target(%dma_start3A_404 : memref<80xi32, #tpu.memory_space<vmem>>) target_semaphore(%arg11 : memref<!tpu.dma_semaphore, #tpu.memory_space<semaphore_mem>>)
      } else {
      }
      %mul3A_289 = arith.constant 4 : i32
      %mul3A_290 = arith.muli %scan3A_195, %mul3A_289 : i32
      %add3A_291 = arith.constant 2 : i32
      %add3A_292 = arith.addi %mul3A_290, %add3A_291 : i32
      %dma_wait3A_293 = arith.constant 2 : i32
      %dma_wait3A_294 = arith.constant 2 : i32
      %dma_wait3A_295 = arith.constant 0 : i32
      %dma_wait3A_296 = arith.constant 0 : i32
      %dma_wait3A_297 = tpu.memref_slice %arg8[%dma_wait3A_294, %dma_wait3A_295, %dma_wait3A_296] : memref<4x80x128xf32, #tpu.memory_space<vmem>> -> memref<1x80x128xf32, #tpu.memory_space<vmem>>
      %dma_wait3A_298 = tpu.memref_squeeze %dma_wait3A_297 : memref<1x80x128xf32, #tpu.memory_space<vmem>> -> memref<80x128xf32, #tpu.memory_space<vmem>>
      %dma_wait3A_299 = arith.constant 0 : i32
      %dma_wait3A_300 = tpu.memref_slice %arg6[%dma_wait3A_293, %dma_wait3A_299] : memref<4x80xi32, #tpu.memory_space<vmem>> -> memref<1x80xi32, #tpu.memory_space<vmem>>
      %dma_wait3A_301 = tpu.memref_squeeze %dma_wait3A_300 : memref<1x80xi32, #tpu.memory_space<vmem>> -> memref<80xi32, #tpu.memory_space<vmem>>
      %dma_wait3A_302 = arith.constant 0 : i32
      %dma_wait3A_303 = arith.constant 0 : i32
      %dma_wait3A_304 = tpu.memref_slice %arg4[%dma_wait3A_302, %dma_wait3A_303] : memref<10000x128xf32, #tpu.memory_space<hbm>> -> memref<10000x128xf32, #tpu.memory_space<hbm>>
      tpu.wait_indirect_dma semaphore(%arg17 : memref<!tpu.dma_semaphore, #tpu.memory_space<semaphore_mem>>) src(%dma_wait3A_304 : memref<10000x128xf32, #tpu.memory_space<hbm>>) dst(%dma_wait3A_298 : memref<80x128xf32, #tpu.memory_space<vmem>>)
      %ge3A_305 = arith.constant 1 : i32
      %ge3A_306 = arith.cmpi sge, %add3A_292, %ge3A_305 : i32
      %convert_element_type3A_307 = arith.extui %ge3A_306 : i1 to i32
      %cond3A_308 = arith.constant 0 : i32
      %cond3A_309 = arith.cmpi ne, %convert_element_type3A_307, %cond3A_308 : i32
      scf.if %cond3A_309 {
        %dma_wait3A_383 = arith.constant 1 : i32
        %dma_wait3A_384 = arith.constant 1 : i32
        %dma_wait3A_385 = arith.constant 0 : i32
        %dma_wait3A_386 = arith.constant 0 : i32
        %dma_wait3A_387 = tpu.memref_slice %arg8[%dma_wait3A_383, %dma_wait3A_385, %dma_wait3A_386] : memref<4x80x128xf32, #tpu.memory_space<vmem>> -> memref<1x80x128xf32, #tpu.memory_space<vmem>>
        %dma_wait3A_388 = tpu.memref_squeeze %dma_wait3A_387 : memref<1x80x128xf32, #tpu.memory_space<vmem>> -> memref<80x128xf32, #tpu.memory_space<vmem>>
        %dma_wait3A_389 = arith.constant 0 : i32
        %dma_wait3A_390 = tpu.memref_slice %arg7[%dma_wait3A_384, %dma_wait3A_389] : memref<4x80xi32, #tpu.memory_space<vmem>> -> memref<1x80xi32, #tpu.memory_space<vmem>>
        %dma_wait3A_391 = tpu.memref_squeeze %dma_wait3A_390 : memref<1x80xi32, #tpu.memory_space<vmem>> -> memref<80xi32, #tpu.memory_space<vmem>>
        %dma_wait3A_392 = arith.constant 0 : i32
        %dma_wait3A_393 = arith.constant 0 : i32
        %dma_wait3A_394 = tpu.memref_slice %arg10[%dma_wait3A_392, %dma_wait3A_393] : memref<10000x128xf32, #tpu.memory_space<vmem_shared>> -> memref<10000x128xf32, #tpu.memory_space<vmem_shared>>
        tpu.wait_indirect_dma semaphore(%arg20 : memref<!tpu.dma_semaphore, #tpu.memory_space<semaphore_mem>>) src(%dma_wait3A_388 : memref<80x128xf32, #tpu.memory_space<vmem>>) dst(%dma_wait3A_394 : memref<10000x128xf32, #tpu.memory_space<vmem_shared>>)
      } else {
      }
      %dma_start3A_310 = arith.constant 2 : i32
      %dma_start3A_311 = arith.constant 2 : i32
      %dma_start3A_312 = arith.constant 0 : i32
      %dma_start3A_313 = arith.constant 0 : i32
      %dma_start3A_314 = tpu.memref_slice %arg8[%dma_start3A_310, %dma_start3A_312, %dma_start3A_313] : memref<4x80x128xf32, #tpu.memory_space<vmem>> -> memref<1x80x128xf32, #tpu.memory_space<vmem>>
      %dma_start3A_315 = tpu.memref_squeeze %dma_start3A_314 : memref<1x80x128xf32, #tpu.memory_space<vmem>> -> memref<80x128xf32, #tpu.memory_space<vmem>>
      %dma_start3A_316 = arith.constant 0 : i32
      %dma_start3A_317 = tpu.memref_slice %arg7[%dma_start3A_311, %dma_start3A_316] : memref<4x80xi32, #tpu.memory_space<vmem>> -> memref<1x80xi32, #tpu.memory_space<vmem>>
      %dma_start3A_318 = tpu.memref_squeeze %dma_start3A_317 : memref<1x80xi32, #tpu.memory_space<vmem>> -> memref<80xi32, #tpu.memory_space<vmem>>
      %dma_start3A_319 = arith.constant 0 : i32
      %dma_start3A_320 = arith.constant 0 : i32
      %dma_start3A_321 = tpu.memref_slice %arg10[%dma_start3A_319, %dma_start3A_320] : memref<10000x128xf32, #tpu.memory_space<vmem_shared>> -> memref<10000x128xf32, #tpu.memory_space<vmem_shared>>
      tpu.enqueue_indirect_dma source(%dma_start3A_315 : memref<80x128xf32, #tpu.memory_space<vmem>>) target(%dma_start3A_321 : memref<10000x128xf32, #tpu.memory_space<vmem_shared>>) offsets(%dma_start3A_318 : memref<80xi32, #tpu.memory_space<vmem>>) semaphore(%arg21 : memref<!tpu.dma_semaphore, #tpu.memory_space<semaphore_mem>>) {add = true}
      %add3A_322 = arith.constant 2 : i32
      %add3A_323 = arith.addi %add3A_292, %add3A_322 : i32
      %lt3A_324 = arith.constant 125 : i32
      %lt3A_325 = arith.cmpi slt, %add3A_323, %lt3A_324 : i32
      %convert_element_type3A_326 = arith.extui %lt3A_325 : i1 to i32
      %cond3A_327 = arith.constant 0 : i32
      %cond3A_328 = arith.cmpi ne, %convert_element_type3A_326, %cond3A_327 : i32
      scf.if %cond3A_328 {
        %dma_wait3A_383 = arith.constant 0 : i32
        %dma_wait3A_384 = arith.constant 0 : i32
        %dma_wait3A_385 = tpu.memref_slice %arg6[%dma_wait3A_383, %dma_wait3A_384] : memref<4x80xi32, #tpu.memory_space<vmem>> -> memref<1x80xi32, #tpu.memory_space<vmem>>
        %dma_wait3A_386 = tpu.memref_squeeze %dma_wait3A_385 : memref<1x80xi32, #tpu.memory_space<vmem>> -> memref<80xi32, #tpu.memory_space<vmem>>
        %dma_wait3A_387 = tpu.memref_slice %arg2[%mul3A_12] : memref<320000xi32, #tpu.memory_space<hbm>> -> memref<80xi32, #tpu.memory_space<hbm>>
        %dma_wait3A_388 = arith.constant 0 : i32
        %dma_wait3A_389 = tpu.memref_slice %arg6[%dma_wait3A_383, %dma_wait3A_388] : memref<4x80xi32, #tpu.memory_space<vmem>> -> memref<1x80xi32, #tpu.memory_space<vmem>>
        %dma_wait3A_390 = tpu.memref_squeeze %dma_wait3A_389 : memref<1x80xi32, #tpu.memory_space<vmem>> -> memref<80xi32, #tpu.memory_space<vmem>>
        %dma_wait3A_391 = tpu.memref_slice %arg2[%mul3A_12] : memref<320000xi32, #tpu.memory_space<hbm>> -> memref<80xi32, #tpu.memory_space<hbm>>
        tpu.wait_dma2 semaphore(%arg11 : memref<!tpu.dma_semaphore, #tpu.memory_space<semaphore_mem>>) src(%dma_wait3A_391 : memref<80xi32, #tpu.memory_space<hbm>>) dst(%dma_wait3A_390 : memref<80xi32, #tpu.memory_space<vmem>>)
        %dma_wait3A_392 = arith.constant 0 : i32
        %dma_wait3A_393 = arith.constant 0 : i32
        %dma_wait3A_394 = tpu.memref_slice %arg7[%dma_wait3A_392, %dma_wait3A_393] : memref<4x80xi32, #tpu.memory_space<vmem>> -> memref<1x80xi32, #tpu.memory_space<vmem>>
        %dma_wait3A_395 = tpu.memref_squeeze %dma_wait3A_394 : memref<1x80xi32, #tpu.memory_space<vmem>> -> memref<80xi32, #tpu.memory_space<vmem>>
        %dma_wait3A_396 = tpu.memref_slice %arg3[%mul3A_12] : memref<320000xi32, #tpu.memory_space<hbm>> -> memref<80xi32, #tpu.memory_space<hbm>>
        %dma_wait3A_397 = arith.constant 0 : i32
        %dma_wait3A_398 = tpu.memref_slice %arg7[%dma_wait3A_392, %dma_wait3A_397] : memref<4x80xi32, #tpu.memory_space<vmem>> -> memref<1x80xi32, #tpu.memory_space<vmem>>
        %dma_wait3A_399 = tpu.memref_squeeze %dma_wait3A_398 : memref<1x80xi32, #tpu.memory_space<vmem>> -> memref<80xi32, #tpu.memory_space<vmem>>
        %dma_wait3A_400 = tpu.memref_slice %arg3[%mul3A_12] : memref<320000xi32, #tpu.memory_space<hbm>> -> memref<80xi32, #tpu.memory_space<hbm>>
        tpu.wait_dma2 semaphore(%arg11 : memref<!tpu.dma_semaphore, #tpu.memory_space<semaphore_mem>>) src(%dma_wait3A_400 : memref<80xi32, #tpu.memory_space<hbm>>) dst(%dma_wait3A_399 : memref<80xi32, #tpu.memory_space<vmem>>)
        %add3A_401 = arith.constant 2 : i32
        %add3A_402 = arith.addi %add3A_292, %add3A_401 : i32
        %dma_start3A_403 = arith.constant 0 : i32
        %dma_start3A_404 = arith.constant 0 : i32
        %dma_start3A_405 = arith.constant 0 : i32
        %dma_start3A_406 = arith.constant 0 : i32
        %dma_start3A_407 = tpu.memref_slice %arg8[%dma_start3A_404, %dma_start3A_405, %dma_start3A_406] : memref<4x80x128xf32, #tpu.memory_space<vmem>> -> memref<1x80x128xf32, #tpu.memory_space<vmem>>
        %dma_start3A_408 = tpu.memref_squeeze %dma_start3A_407 : memref<1x80x128xf32, #tpu.memory_space<vmem>> -> memref<80x128xf32, #tpu.memory_space<vmem>>
        %dma_start3A_409 = arith.constant 0 : i32
        %dma_start3A_410 = tpu.memref_slice %arg6[%dma_start3A_403, %dma_start3A_409] : memref<4x80xi32, #tpu.memory_space<vmem>> -> memref<1x80xi32, #tpu.memory_space<vmem>>
        %dma_start3A_411 = tpu.memref_squeeze %dma_start3A_410 : memref<1x80xi32, #tpu.memory_space<vmem>> -> memref<80xi32, #tpu.memory_space<vmem>>
        %dma_start3A_412 = arith.constant 0 : i32
        %dma_start3A_413 = arith.constant 0 : i32
        %dma_start3A_414 = tpu.memref_slice %arg4[%dma_start3A_412, %dma_start3A_413] : memref<10000x128xf32, #tpu.memory_space<hbm>> -> memref<10000x128xf32, #tpu.memory_space<hbm>>
        tpu.enqueue_indirect_dma source(%dma_start3A_414 : memref<10000x128xf32, #tpu.memory_space<hbm>>) target(%dma_start3A_408 : memref<80x128xf32, #tpu.memory_space<vmem>>) offsets(%dma_start3A_411 : memref<80xi32, #tpu.memory_space<vmem>>) semaphore(%arg15 : memref<!tpu.dma_semaphore, #tpu.memory_space<semaphore_mem>>)
      } else {
      }
      %add3A_329 = arith.constant 3 : i32
      %add3A_330 = arith.addi %add3A_292, %add3A_329 : i32
      %lt3A_331 = arith.constant 125 : i32
      %lt3A_332 = arith.cmpi slt, %add3A_330, %lt3A_331 : i32
      %convert_element_type3A_333 = arith.extui %lt3A_332 : i1 to i32
      %cond3A_334 = arith.constant 0 : i32
      %cond3A_335 = arith.cmpi ne, %convert_element_type3A_333, %cond3A_334 : i32
      scf.if %cond3A_335 {
        %add3A_383 = arith.constant 3 : i32
        %add3A_384 = arith.addi %add3A_292, %add3A_383 : i32
        %mul3A_385 = arith.constant 80 : i32
        %mul3A_386 = arith.muli %add3A_384, %mul3A_385 : i32
        %add3A_387 = arith.addi %mul3A_12, %mul3A_386 : i32
        %dma_start3A_388 = arith.constant 1 : i32
        %dma_start3A_389 = arith.constant 0 : i32
        %dma_start3A_390 = tpu.memref_slice %arg6[%dma_start3A_388, %dma_start3A_389] : memref<4x80xi32, #tpu.memory_space<vmem>> -> memref<1x80xi32, #tpu.memory_space<vmem>>
        %dma_start3A_391 = tpu.memref_squeeze %dma_start3A_390 : memref<1x80xi32, #tpu.memory_space<vmem>> -> memref<80xi32, #tpu.memory_space<vmem>>
        %dma_start3A_392 = tpu.memref_slice %arg2[%add3A_387] : memref<320000xi32, #tpu.memory_space<hbm>> -> memref<80xi32, #tpu.memory_space<hbm>>
        %dma_start3A_393 = arith.constant 0 : i32
        %dma_start3A_394 = tpu.memref_slice %arg6[%dma_start3A_388, %dma_start3A_393] : memref<4x80xi32, #tpu.memory_space<vmem>> -> memref<1x80xi32, #tpu.memory_space<vmem>>
        %dma_start3A_395 = tpu.memref_squeeze %dma_start3A_394 : memref<1x80xi32, #tpu.memory_space<vmem>> -> memref<80xi32, #tpu.memory_space<vmem>>
        %dma_start3A_396 = tpu.memref_slice %arg2[%add3A_387] : memref<320000xi32, #tpu.memory_space<hbm>> -> memref<80xi32, #tpu.memory_space<hbm>>
        tpu.enqueue_dma source(%dma_start3A_396 : memref<80xi32, #tpu.memory_space<hbm>>) target(%dma_start3A_395 : memref<80xi32, #tpu.memory_space<vmem>>) target_semaphore(%arg12 : memref<!tpu.dma_semaphore, #tpu.memory_space<semaphore_mem>>)
        %dma_start3A_397 = arith.constant 1 : i32
        %dma_start3A_398 = arith.constant 0 : i32
        %dma_start3A_399 = tpu.memref_slice %arg7[%dma_start3A_397, %dma_start3A_398] : memref<4x80xi32, #tpu.memory_space<vmem>> -> memref<1x80xi32, #tpu.memory_space<vmem>>
        %dma_start3A_400 = tpu.memref_squeeze %dma_start3A_399 : memref<1x80xi32, #tpu.memory_space<vmem>> -> memref<80xi32, #tpu.memory_space<vmem>>
        %dma_start3A_401 = tpu.memref_slice %arg3[%add3A_387] : memref<320000xi32, #tpu.memory_space<hbm>> -> memref<80xi32, #tpu.memory_space<hbm>>
        %dma_start3A_402 = arith.constant 0 : i32
        %dma_start3A_403 = tpu.memref_slice %arg7[%dma_start3A_397, %dma_start3A_402] : memref<4x80xi32, #tpu.memory_space<vmem>> -> memref<1x80xi32, #tpu.memory_space<vmem>>
        %dma_start3A_404 = tpu.memref_squeeze %dma_start3A_403 : memref<1x80xi32, #tpu.memory_space<vmem>> -> memref<80xi32, #tpu.memory_space<vmem>>
        %dma_start3A_405 = tpu.memref_slice %arg3[%add3A_387] : memref<320000xi32, #tpu.memory_space<hbm>> -> memref<80xi32, #tpu.memory_space<hbm>>
        tpu.enqueue_dma source(%dma_start3A_405 : memref<80xi32, #tpu.memory_space<hbm>>) target(%dma_start3A_404 : memref<80xi32, #tpu.memory_space<vmem>>) target_semaphore(%arg12 : memref<!tpu.dma_semaphore, #tpu.memory_space<semaphore_mem>>)
      } else {
      }
      %mul3A_336 = arith.constant 4 : i32
      %mul3A_337 = arith.muli %scan3A_195, %mul3A_336 : i32
      %add3A_338 = arith.constant 3 : i32
      %add3A_339 = arith.addi %mul3A_337, %add3A_338 : i32
      %dma_wait3A_340 = arith.constant 3 : i32
      %dma_wait3A_341 = arith.constant 3 : i32
      %dma_wait3A_342 = arith.constant 0 : i32
      %dma_wait3A_343 = arith.constant 0 : i32
      %dma_wait3A_344 = tpu.memref_slice %arg8[%dma_wait3A_341, %dma_wait3A_342, %dma_wait3A_343] : memref<4x80x128xf32, #tpu.memory_space<vmem>> -> memref<1x80x128xf32, #tpu.memory_space<vmem>>
      %dma_wait3A_345 = tpu.memref_squeeze %dma_wait3A_344 : memref<1x80x128xf32, #tpu.memory_space<vmem>> -> memref<80x128xf32, #tpu.memory_space<vmem>>
      %dma_wait3A_346 = arith.constant 0 : i32
      %dma_wait3A_347 = tpu.memref_slice %arg6[%dma_wait3A_340, %dma_wait3A_346] : memref<4x80xi32, #tpu.memory_space<vmem>> -> memref<1x80xi32, #tpu.memory_space<vmem>>
      %dma_wait3A_348 = tpu.memref_squeeze %dma_wait3A_347 : memref<1x80xi32, #tpu.memory_space<vmem>> -> memref<80xi32, #tpu.memory_space<vmem>>
      %dma_wait3A_349 = arith.constant 0 : i32
      %dma_wait3A_350 = arith.constant 0 : i32
      %dma_wait3A_351 = tpu.memref_slice %arg4[%dma_wait3A_349, %dma_wait3A_350] : memref<10000x128xf32, #tpu.memory_space<hbm>> -> memref<10000x128xf32, #tpu.memory_space<hbm>>
      tpu.wait_indirect_dma semaphore(%arg18 : memref<!tpu.dma_semaphore, #tpu.memory_space<semaphore_mem>>) src(%dma_wait3A_351 : memref<10000x128xf32, #tpu.memory_space<hbm>>) dst(%dma_wait3A_345 : memref<80x128xf32, #tpu.memory_space<vmem>>)
      %ge3A_352 = arith.constant 1 : i32
      %ge3A_353 = arith.cmpi sge, %add3A_339, %ge3A_352 : i32
      %convert_element_type3A_354 = arith.extui %ge3A_353 : i1 to i32
      %cond3A_355 = arith.constant 0 : i32
      %cond3A_356 = arith.cmpi ne, %convert_element_type3A_354, %cond3A_355 : i32
      scf.if %cond3A_356 {
        %dma_wait3A_383 = arith.constant 2 : i32
        %dma_wait3A_384 = arith.constant 2 : i32
        %dma_wait3A_385 = arith.constant 0 : i32
        %dma_wait3A_386 = arith.constant 0 : i32
        %dma_wait3A_387 = tpu.memref_slice %arg8[%dma_wait3A_383, %dma_wait3A_385, %dma_wait3A_386] : memref<4x80x128xf32, #tpu.memory_space<vmem>> -> memref<1x80x128xf32, #tpu.memory_space<vmem>>
        %dma_wait3A_388 = tpu.memref_squeeze %dma_wait3A_387 : memref<1x80x128xf32, #tpu.memory_space<vmem>> -> memref<80x128xf32, #tpu.memory_space<vmem>>
        %dma_wait3A_389 = arith.constant 0 : i32
        %dma_wait3A_390 = tpu.memref_slice %arg7[%dma_wait3A_384, %dma_wait3A_389] : memref<4x80xi32, #tpu.memory_space<vmem>> -> memref<1x80xi32, #tpu.memory_space<vmem>>
        %dma_wait3A_391 = tpu.memref_squeeze %dma_wait3A_390 : memref<1x80xi32, #tpu.memory_space<vmem>> -> memref<80xi32, #tpu.memory_space<vmem>>
        %dma_wait3A_392 = arith.constant 0 : i32
        %dma_wait3A_393 = arith.constant 0 : i32
        %dma_wait3A_394 = tpu.memref_slice %arg10[%dma_wait3A_392, %dma_wait3A_393] : memref<10000x128xf32, #tpu.memory_space<vmem_shared>> -> memref<10000x128xf32, #tpu.memory_space<vmem_shared>>
        tpu.wait_indirect_dma semaphore(%arg21 : memref<!tpu.dma_semaphore, #tpu.memory_space<semaphore_mem>>) src(%dma_wait3A_388 : memref<80x128xf32, #tpu.memory_space<vmem>>) dst(%dma_wait3A_394 : memref<10000x128xf32, #tpu.memory_space<vmem_shared>>)
      } else {
      }
      %dma_start3A_357 = arith.constant 3 : i32
      %dma_start3A_358 = arith.constant 3 : i32
      %dma_start3A_359 = arith.constant 0 : i32
      %dma_start3A_360 = arith.constant 0 : i32
      %dma_start3A_361 = tpu.memref_slice %arg8[%dma_start3A_357, %dma_start3A_359, %dma_start3A_360] : memref<4x80x128xf32, #tpu.memory_space<vmem>> -> memref<1x80x128xf32, #tpu.memory_space<vmem>>
      %dma_start3A_362 = tpu.memref_squeeze %dma_start3A_361 : memref<1x80x128xf32, #tpu.memory_space<vmem>> -> memref<80x128xf32, #tpu.memory_space<vmem>>
      %dma_start3A_363 = arith.constant 0 : i32
      %dma_start3A_364 = tpu.memref_slice %arg7[%dma_start3A_358, %dma_start3A_363] : memref<4x80xi32, #tpu.memory_space<vmem>> -> memref<1x80xi32, #tpu.memory_space<vmem>>
      %dma_start3A_365 = tpu.memref_squeeze %dma_start3A_364 : memref<1x80xi32, #tpu.memory_space<vmem>> -> memref<80xi32, #tpu.memory_space<vmem>>
      %dma_start3A_366 = arith.constant 0 : i32
      %dma_start3A_367 = arith.constant 0 : i32
      %dma_start3A_368 = tpu.memref_slice %arg10[%dma_start3A_366, %dma_start3A_367] : memref<10000x128xf32, #tpu.memory_space<vmem_shared>> -> memref<10000x128xf32, #tpu.memory_space<vmem_shared>>
      tpu.enqueue_indirect_dma source(%dma_start3A_362 : memref<80x128xf32, #tpu.memory_space<vmem>>) target(%dma_start3A_368 : memref<10000x128xf32, #tpu.memory_space<vmem_shared>>) offsets(%dma_start3A_365 : memref<80xi32, #tpu.memory_space<vmem>>) semaphore(%arg22 : memref<!tpu.dma_semaphore, #tpu.memory_space<semaphore_mem>>) {add = true}
      %add3A_369 = arith.constant 2 : i32
      %add3A_370 = arith.addi %add3A_339, %add3A_369 : i32
      %lt3A_371 = arith.constant 125 : i32
      %lt3A_372 = arith.cmpi slt, %add3A_370, %lt3A_371 : i32
      %convert_element_type3A_373 = arith.extui %lt3A_372 : i1 to i32
      %cond3A_374 = arith.constant 0 : i32
      %cond3A_375 = arith.cmpi ne, %convert_element_type3A_373, %cond3A_374 : i32
      scf.if %cond3A_375 {
        %dma_wait3A_383 = arith.constant 1 : i32
        %dma_wait3A_384 = arith.constant 0 : i32
        %dma_wait3A_385 = tpu.memref_slice %arg6[%dma_wait3A_383, %dma_wait3A_384] : memref<4x80xi32, #tpu.memory_space<vmem>> -> memref<1x80xi32, #tpu.memory_space<vmem>>
        %dma_wait3A_386 = tpu.memref_squeeze %dma_wait3A_385 : memref<1x80xi32, #tpu.memory_space<vmem>> -> memref<80xi32, #tpu.memory_space<vmem>>
        %dma_wait3A_387 = tpu.memref_slice %arg2[%mul3A_12] : memref<320000xi32, #tpu.memory_space<hbm>> -> memref<80xi32, #tpu.memory_space<hbm>>
        %dma_wait3A_388 = arith.constant 0 : i32
        %dma_wait3A_389 = tpu.memref_slice %arg6[%dma_wait3A_383, %dma_wait3A_388] : memref<4x80xi32, #tpu.memory_space<vmem>> -> memref<1x80xi32, #tpu.memory_space<vmem>>
        %dma_wait3A_390 = tpu.memref_squeeze %dma_wait3A_389 : memref<1x80xi32, #tpu.memory_space<vmem>> -> memref<80xi32, #tpu.memory_space<vmem>>
        %dma_wait3A_391 = tpu.memref_slice %arg2[%mul3A_12] : memref<320000xi32, #tpu.memory_space<hbm>> -> memref<80xi32, #tpu.memory_space<hbm>>
        tpu.wait_dma2 semaphore(%arg12 : memref<!tpu.dma_semaphore, #tpu.memory_space<semaphore_mem>>) src(%dma_wait3A_391 : memref<80xi32, #tpu.memory_space<hbm>>) dst(%dma_wait3A_390 : memref<80xi32, #tpu.memory_space<vmem>>)
        %dma_wait3A_392 = arith.constant 1 : i32
        %dma_wait3A_393 = arith.constant 0 : i32
        %dma_wait3A_394 = tpu.memref_slice %arg7[%dma_wait3A_392, %dma_wait3A_393] : memref<4x80xi32, #tpu.memory_space<vmem>> -> memref<1x80xi32, #tpu.memory_space<vmem>>
        %dma_wait3A_395 = tpu.memref_squeeze %dma_wait3A_394 : memref<1x80xi32, #tpu.memory_space<vmem>> -> memref<80xi32, #tpu.memory_space<vmem>>
        %dma_wait3A_396 = tpu.memref_slice %arg3[%mul3A_12] : memref<320000xi32, #tpu.memory_space<hbm>> -> memref<80xi32, #tpu.memory_space<hbm>>
        %dma_wait3A_397 = arith.constant 0 : i32
        %dma_wait3A_398 = tpu.memref_slice %arg7[%dma_wait3A_392, %dma_wait3A_397] : memref<4x80xi32, #tpu.memory_space<vmem>> -> memref<1x80xi32, #tpu.memory_space<vmem>>
        %dma_wait3A_399 = tpu.memref_squeeze %dma_wait3A_398 : memref<1x80xi32, #tpu.memory_space<vmem>> -> memref<80xi32, #tpu.memory_space<vmem>>
        %dma_wait3A_400 = tpu.memref_slice %arg3[%mul3A_12] : memref<320000xi32, #tpu.memory_space<hbm>> -> memref<80xi32, #tpu.memory_space<hbm>>
        tpu.wait_dma2 semaphore(%arg12 : memref<!tpu.dma_semaphore, #tpu.memory_space<semaphore_mem>>) src(%dma_wait3A_400 : memref<80xi32, #tpu.memory_space<hbm>>) dst(%dma_wait3A_399 : memref<80xi32, #tpu.memory_space<vmem>>)
        %add3A_401 = arith.constant 2 : i32
        %add3A_402 = arith.addi %add3A_339, %add3A_401 : i32
        %dma_start3A_403 = arith.constant 1 : i32
        %dma_start3A_404 = arith.constant 1 : i32
        %dma_start3A_405 = arith.constant 0 : i32
        %dma_start3A_406 = arith.constant 0 : i32
        %dma_start3A_407 = tpu.memref_slice %arg8[%dma_start3A_404, %dma_start3A_405, %dma_start3A_406] : memref<4x80x128xf32, #tpu.memory_space<vmem>> -> memref<1x80x128xf32, #tpu.memory_space<vmem>>
        %dma_start3A_408 = tpu.memref_squeeze %dma_start3A_407 : memref<1x80x128xf32, #tpu.memory_space<vmem>> -> memref<80x128xf32, #tpu.memory_space<vmem>>
        %dma_start3A_409 = arith.constant 0 : i32
        %dma_start3A_410 = tpu.memref_slice %arg6[%dma_start3A_403, %dma_start3A_409] : memref<4x80xi32, #tpu.memory_space<vmem>> -> memref<1x80xi32, #tpu.memory_space<vmem>>
        %dma_start3A_411 = tpu.memref_squeeze %dma_start3A_410 : memref<1x80xi32, #tpu.memory_space<vmem>> -> memref<80xi32, #tpu.memory_space<vmem>>
        %dma_start3A_412 = arith.constant 0 : i32
        %dma_start3A_413 = arith.constant 0 : i32
        %dma_start3A_414 = tpu.memref_slice %arg4[%dma_start3A_412, %dma_start3A_413] : memref<10000x128xf32, #tpu.memory_space<hbm>> -> memref<10000x128xf32, #tpu.memory_space<hbm>>
        tpu.enqueue_indirect_dma source(%dma_start3A_414 : memref<10000x128xf32, #tpu.memory_space<hbm>>) target(%dma_start3A_408 : memref<80x128xf32, #tpu.memory_space<vmem>>) offsets(%dma_start3A_411 : memref<80xi32, #tpu.memory_space<vmem>>) semaphore(%arg16 : memref<!tpu.dma_semaphore, #tpu.memory_space<semaphore_mem>>)
      } else {
      }
      %add3A_376 = arith.constant 3 : i32
      %add3A_377 = arith.addi %add3A_339, %add3A_376 : i32
      %lt3A_378 = arith.constant 125 : i32
      %lt3A_379 = arith.cmpi slt, %add3A_377, %lt3A_378 : i32
      %convert_element_type3A_380 = arith.extui %lt3A_379 : i1 to i32
      %cond3A_381 = arith.constant 0 : i32
      %cond3A_382 = arith.cmpi ne, %convert_element_type3A_380, %cond3A_381 : i32
      scf.if %cond3A_382 {
        %add3A_383 = arith.constant 3 : i32
        %add3A_384 = arith.addi %add3A_339, %add3A_383 : i32
        %mul3A_385 = arith.constant 80 : i32
        %mul3A_386 = arith.muli %add3A_384, %mul3A_385 : i32
        %add3A_387 = arith.addi %mul3A_12, %mul3A_386 : i32
        %dma_start3A_388 = arith.constant 2 : i32
        %dma_start3A_389 = arith.constant 0 : i32
        %dma_start3A_390 = tpu.memref_slice %arg6[%dma_start3A_388, %dma_start3A_389] : memref<4x80xi32, #tpu.memory_space<vmem>> -> memref<1x80xi32, #tpu.memory_space<vmem>>
        %dma_start3A_391 = tpu.memref_squeeze %dma_start3A_390 : memref<1x80xi32, #tpu.memory_space<vmem>> -> memref<80xi32, #tpu.memory_space<vmem>>
        %dma_start3A_392 = tpu.memref_slice %arg2[%add3A_387] : memref<320000xi32, #tpu.memory_space<hbm>> -> memref<80xi32, #tpu.memory_space<hbm>>
        %dma_start3A_393 = arith.constant 0 : i32
        %dma_start3A_394 = tpu.memref_slice %arg6[%dma_start3A_388, %dma_start3A_393] : memref<4x80xi32, #tpu.memory_space<vmem>> -> memref<1x80xi32, #tpu.memory_space<vmem>>
        %dma_start3A_395 = tpu.memref_squeeze %dma_start3A_394 : memref<1x80xi32, #tpu.memory_space<vmem>> -> memref<80xi32, #tpu.memory_space<vmem>>
        %dma_start3A_396 = tpu.memref_slice %arg2[%add3A_387] : memref<320000xi32, #tpu.memory_space<hbm>> -> memref<80xi32, #tpu.memory_space<hbm>>
        tpu.enqueue_dma source(%dma_start3A_396 : memref<80xi32, #tpu.memory_space<hbm>>) target(%dma_start3A_395 : memref<80xi32, #tpu.memory_space<vmem>>) target_semaphore(%arg13 : memref<!tpu.dma_semaphore, #tpu.memory_space<semaphore_mem>>)
        %dma_start3A_397 = arith.constant 2 : i32
        %dma_start3A_398 = arith.constant 0 : i32
        %dma_start3A_399 = tpu.memref_slice %arg7[%dma_start3A_397, %dma_start3A_398] : memref<4x80xi32, #tpu.memory_space<vmem>> -> memref<1x80xi32, #tpu.memory_space<vmem>>
        %dma_start3A_400 = tpu.memref_squeeze %dma_start3A_399 : memref<1x80xi32, #tpu.memory_space<vmem>> -> memref<80xi32, #tpu.memory_space<vmem>>
        %dma_start3A_401 = tpu.memref_slice %arg3[%add3A_387] : memref<320000xi32, #tpu.memory_space<hbm>> -> memref<80xi32, #tpu.memory_space<hbm>>
        %dma_start3A_402 = arith.constant 0 : i32
        %dma_start3A_403 = tpu.memref_slice %arg7[%dma_start3A_397, %dma_start3A_402] : memref<4x80xi32, #tpu.memory_space<vmem>> -> memref<1x80xi32, #tpu.memory_space<vmem>>
        %dma_start3A_404 = tpu.memref_squeeze %dma_start3A_403 : memref<1x80xi32, #tpu.memory_space<vmem>> -> memref<80xi32, #tpu.memory_space<vmem>>
        %dma_start3A_405 = tpu.memref_slice %arg3[%add3A_387] : memref<320000xi32, #tpu.memory_space<hbm>> -> memref<80xi32, #tpu.memory_space<hbm>>
        tpu.enqueue_dma source(%dma_start3A_405 : memref<80xi32, #tpu.memory_space<hbm>>) target(%dma_start3A_404 : memref<80xi32, #tpu.memory_space<vmem>>) target_semaphore(%arg13 : memref<!tpu.dma_semaphore, #tpu.memory_space<semaphore_mem>>)
      } else {
      }
    }
    %scan3A_136 = arith.constant 31 : i32
    %dma_wait3A_137 = arith.constant 0 : i32
    %dma_wait3A_138 = arith.constant 0 : i32
    %dma_wait3A_139 = arith.constant 0 : i32
    %dma_wait3A_140 = arith.constant 0 : i32
    %dma_wait3A_141 = tpu.memref_slice %arg8[%dma_wait3A_138, %dma_wait3A_139, %dma_wait3A_140] : memref<4x80x128xf32, #tpu.memory_space<vmem>> -> memref<1x80x128xf32, #tpu.memory_space<vmem>>
    %dma_wait3A_142 = tpu.memref_squeeze %dma_wait3A_141 : memref<1x80x128xf32, #tpu.memory_space<vmem>> -> memref<80x128xf32, #tpu.memory_space<vmem>>
    %dma_wait3A_143 = arith.constant 0 : i32
    %dma_wait3A_144 = tpu.memref_slice %arg6[%dma_wait3A_137, %dma_wait3A_143] : memref<4x80xi32, #tpu.memory_space<vmem>> -> memref<1x80xi32, #tpu.memory_space<vmem>>
    %dma_wait3A_145 = tpu.memref_squeeze %dma_wait3A_144 : memref<1x80xi32, #tpu.memory_space<vmem>> -> memref<80xi32, #tpu.memory_space<vmem>>
    %dma_wait3A_146 = arith.constant 0 : i32
    %dma_wait3A_147 = arith.constant 0 : i32
    %dma_wait3A_148 = tpu.memref_slice %arg4[%dma_wait3A_146, %dma_wait3A_147] : memref<10000x128xf32, #tpu.memory_space<hbm>> -> memref<10000x128xf32, #tpu.memory_space<hbm>>
    tpu.wait_indirect_dma semaphore(%arg15 : memref<!tpu.dma_semaphore, #tpu.memory_space<semaphore_mem>>) src(%dma_wait3A_148 : memref<10000x128xf32, #tpu.memory_space<hbm>>) dst(%dma_wait3A_142 : memref<80x128xf32, #tpu.memory_space<vmem>>)
    %dma_wait3A_149 = arith.constant 3 : i32
    %dma_wait3A_150 = arith.constant 3 : i32
    %dma_wait3A_151 = arith.constant 0 : i32
    %dma_wait3A_152 = arith.constant 0 : i32
    %dma_wait3A_153 = tpu.memref_slice %arg8[%dma_wait3A_149, %dma_wait3A_151, %dma_wait3A_152] : memref<4x80x128xf32, #tpu.memory_space<vmem>> -> memref<1x80x128xf32, #tpu.memory_space<vmem>>
    %dma_wait3A_154 = tpu.memref_squeeze %dma_wait3A_153 : memref<1x80x128xf32, #tpu.memory_space<vmem>> -> memref<80x128xf32, #tpu.memory_space<vmem>>
    %dma_wait3A_155 = arith.constant 0 : i32
    %dma_wait3A_156 = tpu.memref_slice %arg7[%dma_wait3A_150, %dma_wait3A_155] : memref<4x80xi32, #tpu.memory_space<vmem>> -> memref<1x80xi32, #tpu.memory_space<vmem>>
    %dma_wait3A_157 = tpu.memref_squeeze %dma_wait3A_156 : memref<1x80xi32, #tpu.memory_space<vmem>> -> memref<80xi32, #tpu.memory_space<vmem>>
    %dma_wait3A_158 = arith.constant 0 : i32
    %dma_wait3A_159 = arith.constant 0 : i32
    %dma_wait3A_160 = tpu.memref_slice %arg10[%dma_wait3A_158, %dma_wait3A_159] : memref<10000x128xf32, #tpu.memory_space<vmem_shared>> -> memref<10000x128xf32, #tpu.memory_space<vmem_shared>>
    tpu.wait_indirect_dma semaphore(%arg22 : memref<!tpu.dma_semaphore, #tpu.memory_space<semaphore_mem>>) src(%dma_wait3A_154 : memref<80x128xf32, #tpu.memory_space<vmem>>) dst(%dma_wait3A_160 : memref<10000x128xf32, #tpu.memory_space<vmem_shared>>)
    %dma_start3A_161 = arith.constant 0 : i32
    %dma_start3A_162 = arith.constant 0 : i32
    %dma_start3A_163 = arith.constant 0 : i32
    %dma_start3A_164 = arith.constant 0 : i32
    %dma_start3A_165 = tpu.memref_slice %arg8[%dma_start3A_161, %dma_start3A_163, %dma_start3A_164] : memref<4x80x128xf32, #tpu.memory_space<vmem>> -> memref<1x80x128xf32, #tpu.memory_space<vmem>>
    %dma_start3A_166 = tpu.memref_squeeze %dma_start3A_165 : memref<1x80x128xf32, #tpu.memory_space<vmem>> -> memref<80x128xf32, #tpu.memory_space<vmem>>
    %dma_start3A_167 = arith.constant 0 : i32
    %dma_start3A_168 = tpu.memref_slice %arg7[%dma_start3A_162, %dma_start3A_167] : memref<4x80xi32, #tpu.memory_space<vmem>> -> memref<1x80xi32, #tpu.memory_space<vmem>>
    %dma_start3A_169 = tpu.memref_squeeze %dma_start3A_168 : memref<1x80xi32, #tpu.memory_space<vmem>> -> memref<80xi32, #tpu.memory_space<vmem>>
    %dma_start3A_170 = arith.constant 0 : i32
    %dma_start3A_171 = arith.constant 0 : i32
    %dma_start3A_172 = tpu.memref_slice %arg10[%dma_start3A_170, %dma_start3A_171] : memref<10000x128xf32, #tpu.memory_space<vmem_shared>> -> memref<10000x128xf32, #tpu.memory_space<vmem_shared>>
    tpu.enqueue_indirect_dma source(%dma_start3A_166 : memref<80x128xf32, #tpu.memory_space<vmem>>) target(%dma_start3A_172 : memref<10000x128xf32, #tpu.memory_space<vmem_shared>>) offsets(%dma_start3A_169 : memref<80xi32, #tpu.memory_space<vmem>>) semaphore(%arg19 : memref<!tpu.dma_semaphore, #tpu.memory_space<semaphore_mem>>) {add = true}
    %dma_wait3A_173 = arith.constant 0 : i32
    %dma_wait3A_174 = arith.constant 0 : i32
    %dma_wait3A_175 = arith.constant 0 : i32
    %dma_wait3A_176 = arith.constant 0 : i32
    %dma_wait3A_177 = tpu.memref_slice %arg8[%dma_wait3A_173, %dma_wait3A_175, %dma_wait3A_176] : memref<4x80x128xf32, #tpu.memory_space<vmem>> -> memref<1x80x128xf32, #tpu.memory_space<vmem>>
    %dma_wait3A_178 = tpu.memref_squeeze %dma_wait3A_177 : memref<1x80x128xf32, #tpu.memory_space<vmem>> -> memref<80x128xf32, #tpu.memory_space<vmem>>
    %dma_wait3A_179 = arith.constant 0 : i32
    %dma_wait3A_180 = tpu.memref_slice %arg7[%dma_wait3A_174, %dma_wait3A_179] : memref<4x80xi32, #tpu.memory_space<vmem>> -> memref<1x80xi32, #tpu.memory_space<vmem>>
    %dma_wait3A_181 = tpu.memref_squeeze %dma_wait3A_180 : memref<1x80xi32, #tpu.memory_space<vmem>> -> memref<80xi32, #tpu.memory_space<vmem>>
    %dma_wait3A_182 = arith.constant 0 : i32
    %dma_wait3A_183 = arith.constant 0 : i32
    %dma_wait3A_184 = tpu.memref_slice %arg10[%dma_wait3A_182, %dma_wait3A_183] : memref<10000x128xf32, #tpu.memory_space<vmem_shared>> -> memref<10000x128xf32, #tpu.memory_space<vmem_shared>>
    tpu.wait_indirect_dma semaphore(%arg19 : memref<!tpu.dma_semaphore, #tpu.memory_space<semaphore_mem>>) src(%dma_wait3A_178 : memref<80x128xf32, #tpu.memory_space<vmem>>) dst(%dma_wait3A_184 : memref<10000x128xf32, #tpu.memory_space<vmem_shared>>)
    %mul3A_185 = arith.constant 10000 : i32
    %mul3A_186 = arith.muli %arg0, %mul3A_185 : i32
    %barrier3A_187 = arith.constant 0 : index
    tpu.barrier barrier_id(%barrier3A_187)
    %mul3A_188 = arith.constant 1000 : i32
    %mul3A_189 = arith.muli %arg1, %mul3A_188 : i32
    %lt3A_190 = arith.constant 10 : i32
    %lt3A_191 = arith.cmpi slt, %arg1, %lt3A_190 : i32
    %convert_element_type3A_192 = arith.extui %lt3A_191 : i1 to i32
    %cond3A_193 = arith.constant 0 : i32
    %cond3A_194 = arith.cmpi ne, %convert_element_type3A_192, %cond3A_193 : i32
    scf.if %cond3A_194 {
      %add3A_195 = arith.addi %mul3A_186, %mul3A_189 : i32
      "tpu.region"() ({
        %run_scoped3A = tpu.sem_alloc : memref<!tpu.dma_semaphore, #tpu.memory_space<semaphore_mem>>
        %dma_start3A_196 = arith.constant 0 : i32
        %dma_start3A_197 = tpu.memref_slice %arg5[%add3A_195, %dma_start3A_196] : memref<20000x128xf32, #tpu.memory_space<hbm>> -> memref<1000x128xf32, #tpu.memory_space<hbm>>
        %dma_start3A_198 = arith.constant 0 : i32
        %dma_start3A_199 = tpu.memref_slice %arg10[%mul3A_189, %dma_start3A_198] : memref<10000x128xf32, #tpu.memory_space<vmem_shared>> -> memref<1000x128xf32, #tpu.memory_space<vmem_shared>>
        tpu.enqueue_dma source(%dma_start3A_199 : memref<1000x128xf32, #tpu.memory_space<vmem_shared>>) target(%dma_start3A_197 : memref<1000x128xf32, #tpu.memory_space<hbm>>) target_semaphore(%run_scoped3A : memref<!tpu.dma_semaphore, #tpu.memory_space<semaphore_mem>>)
        %dma_wait3A_200 = arith.constant 0 : i32
        %dma_wait3A_201 = tpu.memref_slice %arg5[%add3A_195, %dma_wait3A_200] : memref<20000x128xf32, #tpu.memory_space<hbm>> -> memref<1000x128xf32, #tpu.memory_space<hbm>>
        %dma_wait3A_202 = arith.constant 0 : i32
        %dma_wait3A_203 = tpu.memref_slice %arg10[%mul3A_189, %dma_wait3A_202] : memref<10000x128xf32, #tpu.memory_space<vmem_shared>> -> memref<1000x128xf32, #tpu.memory_space<vmem_shared>>
        tpu.wait_dma2 semaphore(%run_scoped3A : memref<!tpu.dma_semaphore, #tpu.memory_space<semaphore_mem>>) src(%dma_wait3A_203 : memref<1000x128xf32, #tpu.memory_space<vmem_shared>>) dst(%dma_wait3A_201 : memref<1000x128xf32, #tpu.memory_space<hbm>>)
        tpu.yield
      }) : () -> ()
    } else {
    }
    return
  }
}

module attributes {stable_mosaic.version = 14 : i64} {
  func.func @_tc_scale0_body(%arg0: memref<10000x128xf32, #tpu.memory_space<vmem>>, %arg1: memref<20000x128xf32, #tpu.memory_space<vmem>>, %arg2: memref<10000x128xf32, #tpu.memory_space<vmem>>) attributes {dimension_semantics = [], scalar_prefetch = 0 : i64, scratch_operands = 0 : i64, tpu.core_type = #tpu.core_type<tc>} {
    %get3A = arith.constant 0 : index
    %get3A_0 = arith.constant 0 : index
    %get3A_1 = vector.load %arg1[%get3A, %get3A_0] : memref<20000x128xf32, #tpu.memory_space<vmem>>, vector<20000x128xf32>
    %slice3A = vector.extract_strided_slice %get3A_1 {offsets = [0, 0], sizes = [10000, 1], strides = [1, 1]} : vector<20000x128xf32> to vector<10000x1xf32>
    %slice3A_2 = vector.extract_strided_slice %get3A_1 {offsets = [10000, 0], sizes = [10000, 1], strides = [1, 1]} : vector<20000x128xf32> to vector<10000x1xf32>
    %add3A = arith.addf %slice3A, %slice3A_2 : vector<10000x1xf32>
    %add3A_3 = arith.constant 1.000000e+00 : f32
    %add3A_4 = vector.broadcast %add3A_3 : f32 to vector<10000x1xf32>
    %add3A_5 = arith.addf %add3A, %add3A_4 : vector<10000x1xf32>
    %rsqrt3A = math.rsqrt %add3A_5 : vector<10000x1xf32>
    %get3A_6 = arith.constant 0 : index
    %get3A_7 = arith.constant 0 : index
    %get3A_8 = vector.load %arg0[%get3A_6, %get3A_7] : memref<10000x128xf32, #tpu.memory_space<vmem>>, vector<10000x128xf32>
    %mul3A = vector.broadcast %rsqrt3A : vector<10000x1xf32> to vector<10000x128xf32>
    %mul3A_9 = arith.mulf %get3A_8, %mul3A : vector<10000x128xf32>
    %swap3A = arith.constant 0 : index
    %swap3A_10 = arith.constant 0 : index
    %swap3A_11 = vector.load %arg2[%swap3A, %swap3A_10] : memref<10000x128xf32, #tpu.memory_space<vmem>>, vector<10000x128xf32>
    tpu.vector_store %arg2[%swap3A, %swap3A_10], %mul3A_9 {strides = array<i32>} : memref<10000x128xf32, #tpu.memory_space<vmem>>, vector<10000x128xf32>,
    return
  }
}

module attributes {stable_mosaic.version = 14 : i64} {
  func.func @_tc_layer2_body(%arg0: memref<20000x128xf32, #tpu.memory_space<vmem>>, %arg1: memref<10000x128xf32, #tpu.memory_space<vmem>>, %arg2: memref<128x128xf32, #tpu.memory_space<vmem>>, %arg3: memref<1x128xf32, #tpu.memory_space<vmem>>, %arg4: memref<20000x128xf32, #tpu.memory_space<vmem>>, %arg5: memref<10000x128xf32, #tpu.memory_space<vmem>>) attributes {dimension_semantics = [], scalar_prefetch = 0 : i64, scratch_operands = 0 : i64, tpu.core_type = #tpu.core_type<tc>} {
    %get3A = arith.constant 0 : index
    %get3A_0 = arith.constant 0 : index
    %get3A_1 = vector.load %arg4[%get3A, %get3A_0] : memref<20000x128xf32, #tpu.memory_space<vmem>>, vector<20000x128xf32>
    %slice3A = vector.extract_strided_slice %get3A_1 {offsets = [0, 0], sizes = [10000, 1], strides = [1, 1]} : vector<20000x128xf32> to vector<10000x1xf32>
    %slice3A_2 = vector.extract_strided_slice %get3A_1 {offsets = [10000, 0], sizes = [10000, 1], strides = [1, 1]} : vector<20000x128xf32> to vector<10000x1xf32>
    %add3A = arith.addf %slice3A, %slice3A_2 : vector<10000x1xf32>
    %add3A_3 = arith.constant 1.000000e+00 : f32
    %add3A_4 = vector.broadcast %add3A_3 : f32 to vector<10000x1xf32>
    %add3A_5 = arith.addf %add3A, %add3A_4 : vector<10000x1xf32>
    %rsqrt3A = math.rsqrt %add3A_5 : vector<10000x1xf32>
    %get3A_6 = arith.constant 0 : index
    %get3A_7 = arith.constant 0 : index
    %get3A_8 = vector.load %arg0[%get3A_6, %get3A_7] : memref<20000x128xf32, #tpu.memory_space<vmem>>, vector<10000x128xf32>
    %get3A_9 = arith.constant 10000 : index
    %get3A_10 = arith.constant 0 : index
    %get3A_11 = vector.load %arg0[%get3A_9, %get3A_10] : memref<20000x128xf32, #tpu.memory_space<vmem>>, vector<10000x128xf32>
    %add3A_12 = arith.addf %get3A_8, %get3A_11 : vector<10000x128xf32>
    %get3A_13 = arith.constant 0 : index
    %get3A_14 = arith.constant 0 : index
    %get3A_15 = vector.load %arg1[%get3A_13, %get3A_14] : memref<10000x128xf32, #tpu.memory_space<vmem>>, vector<10000x128xf32>
    %add3A_16 = arith.addf %add3A_12, %get3A_15 : vector<10000x128xf32>
    %mul3A = vector.broadcast %rsqrt3A : vector<10000x1xf32> to vector<10000x128xf32>
    %mul3A_17 = arith.mulf %add3A_16, %mul3A : vector<10000x128xf32>
    %get3A_18 = arith.constant 0 : index
    %get3A_19 = arith.constant 0 : index
    %get3A_20 = vector.load %arg2[%get3A_18, %get3A_19] : memref<128x128xf32, #tpu.memory_space<vmem>>, vector<128x128xf32>
    %dot_general3A = arith.constant dense<0.000000e+00> : vector<10000x128xf32>
    %dot_general3A_21 = tpu.matmul %mul3A_17, %get3A_20, %dot_general3A {dimension_numbers = #tpu.dot_dimension_numbers<[1], [0], [0], [1], [0, 0, 1, 1], [], []>, transpose_lhs_hint = false} : vector<10000x128xf32>, vector<128x128xf32>, vector<10000x128xf32> -> vector<10000x128xf32>
    %get3A_22 = arith.constant 0 : index
    %get3A_23 = arith.constant 0 : index
    %get3A_24 = vector.load %arg3[%get3A_22, %get3A_23] : memref<1x128xf32, #tpu.memory_space<vmem>>, vector<1x128xf32>
    %add3A_25 = vector.broadcast %get3A_24 : vector<1x128xf32> to vector<10000x128xf32>
    %add3A_26 = arith.addf %dot_general3A_21, %add3A_25 : vector<10000x128xf32>
    %max3A = arith.constant 0.000000e+00 : f32
    %max3A_27 = vector.broadcast %max3A : f32 to vector<10000x128xf32>
    %max3A_28 = arith.maximumf %add3A_26, %max3A_27 : vector<10000x128xf32>
    %mul3A_29 = vector.broadcast %rsqrt3A : vector<10000x1xf32> to vector<10000x128xf32>
    %mul3A_30 = arith.mulf %max3A_28, %mul3A_29 : vector<10000x128xf32>
    %swap3A = arith.constant 0 : index
    %swap3A_31 = arith.constant 0 : index
    %swap3A_32 = vector.load %arg5[%swap3A, %swap3A_31] : memref<10000x128xf32, #tpu.memory_space<vmem>>, vector<10000x128xf32>
    tpu.vector_store %arg5[%swap3A, %swap3A_31], %mul3A_30 {strides = array<i32>} : memref<10000x128xf32, #tpu.memory_space<vmem>>, vector<10000x128xf32>,
    return
  }
}

module attributes {stable_mosaic.version = 14 : i64} {
  func.func @_tc_final_body(%arg0: memref<20000x128xf32, #tpu.memory_space<vmem>>, %arg1: memref<10000x128xf32, #tpu.memory_space<vmem>>, %arg2: memref<128x256xf32, #tpu.memory_space<vmem>>, %arg3: memref<1x256xf32, #tpu.memory_space<vmem>>, %arg4: memref<20000x128xf32, #tpu.memory_space<vmem>>, %arg5: memref<10000x1xi32, #tpu.memory_space<vmem>>, %arg6: memref<256x16xf32, #tpu.memory_space<vmem>>, %arg7: memref<1x16xf32, #tpu.memory_space<vmem>>, %arg8: memref<64x256xf32, #tpu.memory_space<vmem>>, %arg9: memref<64x16xf32, #tpu.memory_space<vmem>>) attributes {dimension_semantics = [], scalar_prefetch = 0 : i64, scratch_operands = 0 : i64, tpu.core_type = #tpu.core_type<tc>} {
    %get3A = arith.constant 0 : index
    %get3A_0 = arith.constant 0 : index
    %get3A_1 = vector.load %arg4[%get3A, %get3A_0] : memref<20000x128xf32, #tpu.memory_space<vmem>>, vector<20000x128xf32>
    %slice3A = vector.extract_strided_slice %get3A_1 {offsets = [0, 0], sizes = [10000, 1], strides = [1, 1]} : vector<20000x128xf32> to vector<10000x1xf32>
    %slice3A_2 = vector.extract_strided_slice %get3A_1 {offsets = [10000, 0], sizes = [10000, 1], strides = [1, 1]} : vector<20000x128xf32> to vector<10000x1xf32>
    %add3A = arith.addf %slice3A, %slice3A_2 : vector<10000x1xf32>
    %add3A_3 = arith.constant 1.000000e+00 : f32
    %add3A_4 = vector.broadcast %add3A_3 : f32 to vector<10000x1xf32>
    %add3A_5 = arith.addf %add3A, %add3A_4 : vector<10000x1xf32>
    %rsqrt3A = math.rsqrt %add3A_5 : vector<10000x1xf32>
    %get3A_6 = arith.constant 0 : index
    %get3A_7 = arith.constant 0 : index
    %get3A_8 = vector.load %arg0[%get3A_6, %get3A_7] : memref<20000x128xf32, #tpu.memory_space<vmem>>, vector<10000x128xf32>
    %get3A_9 = arith.constant 10000 : index
    %get3A_10 = arith.constant 0 : index
    %get3A_11 = vector.load %arg0[%get3A_9, %get3A_10] : memref<20000x128xf32, #tpu.memory_space<vmem>>, vector<10000x128xf32>
    %add3A_12 = arith.addf %get3A_8, %get3A_11 : vector<10000x128xf32>
    %get3A_13 = arith.constant 0 : index
    %get3A_14 = arith.constant 0 : index
    %get3A_15 = vector.load %arg1[%get3A_13, %get3A_14] : memref<10000x128xf32, #tpu.memory_space<vmem>>, vector<10000x128xf32>
    %add3A_16 = arith.addf %add3A_12, %get3A_15 : vector<10000x128xf32>
    %mul3A = vector.broadcast %rsqrt3A : vector<10000x1xf32> to vector<10000x128xf32>
    %mul3A_17 = arith.mulf %add3A_16, %mul3A : vector<10000x128xf32>
    %get3A_18 = arith.constant 0 : index
    %get3A_19 = arith.constant 0 : index
    %get3A_20 = vector.load %arg5[%get3A_18, %get3A_19] : memref<10000x1xi32, #tpu.memory_space<vmem>>, vector<10000x1xi32>
    %iota3A = tpu.iota {dimensions = array<i32: 1>} : vector<1x64xi32>
    %eq3A = vector.broadcast %get3A_20 : vector<10000x1xi32> to vector<10000x64xi32>
    %eq3A_21 = vector.broadcast %iota3A : vector<1x64xi32> to vector<10000x64xi32>
    %eq3A_22 = arith.cmpi eq, %eq3A, %eq3A_21 : vector<10000x64xi32>
    %convert_element_type3A = arith.extui %eq3A_22 : vector<10000x64xi1> to vector<10000x64xi32>
    %convert_element_type3A_23 = arith.sitofp %convert_element_type3A : vector<10000x64xi32> to vector<10000x64xf32>
    %dot_general3A = arith.constant dense<0.000000e+00> : vector<64x128xf32>
    %dot_general3A_24 = tpu.matmul %convert_element_type3A_23, %mul3A_17, %dot_general3A {dimension_numbers = #tpu.dot_dimension_numbers<[0], [0], [1], [1], [0, 1, 1, 1], [], []>, transpose_lhs_hint = false} : vector<10000x64xf32>, vector<10000x128xf32>, vector<64x128xf32> -> vector<64x128xf32>
    %broadcast_in_dim3A = arith.constant 1.000000e+00 : f32
    %broadcast_in_dim3A_25 = vector.broadcast %broadcast_in_dim3A : f32 to vector<10000x1xf32>
    %dot_general3A_26 = arith.constant dense<0.000000e+00> : vector<64x1xf32>
    %dot_general3A_27 = tpu.matmul %convert_element_type3A_23, %broadcast_in_dim3A_25, %dot_general3A_26 {dimension_numbers = #tpu.dot_dimension_numbers<[0], [0], [1], [1], [0, 1, 1, 1], [], []>, transpose_lhs_hint = false} : vector<10000x64xf32>, vector<10000x1xf32>, vector<64x1xf32> -> vector<64x1xf32>
    %get3A_28 = arith.constant 0 : index
    %get3A_29 = arith.constant 0 : index
    %get3A_30 = vector.load %arg2[%get3A_28, %get3A_29] : memref<128x256xf32, #tpu.memory_space<vmem>>, vector<128x256xf32>
    %dot_general3A_31 = arith.constant dense<0.000000e+00> : vector<64x256xf32>
    %dot_general3A_32 = tpu.matmul %dot_general3A_24, %get3A_30, %dot_general3A_31 {dimension_numbers = #tpu.dot_dimension_numbers<[1], [0], [0], [1], [0, 0, 1, 1], [], []>, transpose_lhs_hint = false} : vector<64x128xf32>, vector<128x256xf32>, vector<64x256xf32> -> vector<64x256xf32>
    %get3A_33 = arith.constant 0 : index
    %get3A_34 = arith.constant 0 : index
    %get3A_35 = vector.load %arg3[%get3A_33, %get3A_34] : memref<1x256xf32, #tpu.memory_space<vmem>>, vector<1x256xf32>
    %mul3A_36 = vector.broadcast %dot_general3A_27 : vector<64x1xf32> to vector<64x256xf32>
    %mul3A_37 = vector.broadcast %get3A_35 : vector<1x256xf32> to vector<64x256xf32>
    %mul3A_38 = arith.mulf %mul3A_36, %mul3A_37 : vector<64x256xf32>
    %add3A_39 = arith.addf %dot_general3A_32, %mul3A_38 : vector<64x256xf32>
    %max3A = arith.constant 1.000000e+00 : f32
    %max3A_40 = vector.broadcast %max3A : f32 to vector<64x1xf32>
    %max3A_41 = arith.maximumf %dot_general3A_27, %max3A_40 : vector<64x1xf32>
    %div3A = vector.broadcast %max3A_41 : vector<64x1xf32> to vector<64x256xf32>
    %div3A_42 = arith.divf %add3A_39, %div3A : vector<64x256xf32>
    %swap3A = arith.constant 0 : index
    %swap3A_43 = arith.constant 0 : index
    %swap3A_44 = vector.load %arg8[%swap3A, %swap3A_43] : memref<64x256xf32, #tpu.memory_space<vmem>>, vector<64x256xf32>
    tpu.vector_store %arg8[%swap3A, %swap3A_43], %div3A_42 {strides = array<i32>} : memref<64x256xf32, #tpu.memory_space<vmem>>, vector<64x256xf32>,
    %get3A_45 = arith.constant 0 : index
    %get3A_46 = arith.constant 0 : index
    %get3A_47 = vector.load %arg6[%get3A_45, %get3A_46] : memref<256x16xf32, #tpu.memory_space<vmem>>, vector<256x16xf32>
    %dot_general3A_48 = arith.constant dense<0.000000e+00> : vector<64x16xf32>
    %dot_general3A_49 = tpu.matmul %div3A_42, %get3A_47, %dot_general3A_48 {dimension_numbers = #tpu.dot_dimension_numbers<[1], [0], [0], [1], [0, 0, 1, 1], [], []>, transpose_lhs_hint = false} : vector<64x256xf32>, vector<256x16xf32>, vector<64x16xf32> -> vector<64x16xf32>
    %get3A_50 = arith.constant 0 : index
    %get3A_51 = arith.constant 0 : index
    %get3A_52 = vector.load %arg7[%get3A_50, %get3A_51] : memref<1x16xf32, #tpu.memory_space<vmem>>, vector<1x16xf32>
    %add3A_53 = vector.broadcast %get3A_52 : vector<1x16xf32> to vector<64x16xf32>
    %add3A_54 = arith.addf %dot_general3A_49, %add3A_53 : vector<64x16xf32>
    %swap3A_55 = arith.constant 0 : index
    %swap3A_56 = arith.constant 0 : index
    %swap3A_57 = vector.load %arg9[%swap3A_55, %swap3A_56] : memref<64x16xf32, #tpu.memory_space<vmem>>, vector<64x16xf32>
    tpu.vector_store %arg9[%swap3A_55, %swap3A_56], %add3A_54 {strides = array<i32>} : memref<64x16xf32, #tpu.memory_space<vmem>>, vector<64x16xf32>,
    return
  }
}

</mosaic_0001>

<sc_bundles>
// kernel: kernel.11.cloned.1.call-start
scs
__scs_entry_jumppad:
0x0: {  	(pc) =	sbr.rel $0x88, $3  }
0x1: {  	(tag) =	ssettag $0x0;
	lr =	simm.s32 $0x1  }
0x2: {  	[smem:$0x3F98] =	sst lr;
	_ =	strace $0xD0000000  }
0x3: {  	_ = 	snop  }
0x4: {  	_ = 	snop  }
0x5: {  	_ = 	snop  }
0x6: {  	_ = 	snop  }
0x7: {  	_ = 	snop  }
__scs_overlays_trampoline_lowered:
0x8: {  	[smem:$0x3FA7] =	sst s0  }
0x9: {  	[smem:$0x3FA8] =	sst s1  }
0xa: {  	[smem:$0x3FA9] =	sst s2  }
0xb: {  	[smem:$0x3FAA] =	sst s3  }
0xc: {  	[smem:$0x3FAB] =	sst s4  }
0xd: {  	[smem:$0x3FAC] =	sst s5  }
0xe: {  	[smem:$0x3FAD] =	sst s6  }
0xf: {  	[smem:$0x3FAE] =	sst s7  }
0x10: {  	[smem:$0x3FAF] =	sst s8  }
0x11: {  	[smem:$0x3FB0] =	sst s9;
	s0 =	simm.s32 @!p0 $0x0  }
0x12: {  	s1 =	sld [smem:$0x3F96];
	s0 =	simm.s32 @p0 $0x1  }
0x13: {  	[smem:$0x3FB1] =	sst s0;
	s0 =	simm.s32 @!p1 $0x0  }
0x14: {  	s2 =	sld [smem:$0x3F95];
	s0 =	simm.s32 @p1 $0x1  }
0x15: {  	[smem:$0x3FB2] =	sst s0;
	s0 =	simm.s32 @!p2 $0x0  }
0x16: {  	s3 =	sld [smem:$0x3FDB];
	s0 =	simm.s32 @p2 $0x1  }
0x17: {  	s4 =	simm.s32 $0x1BF5;
	[smem:$0x3FB4] =	sst s0  }
0x18: {  	s0 =	sld [smem:$0x3F97];
	_ =	swait.ge [sflag:s4], $0x0  }
0x19: {  	s7 =	sld [smem:$0x3F98]  }
0x1a: {  	s8 =	sadd.s32 $0xFFFFE003, lr  }
0x1b: {  	s9 =	sadd.s32 $0xFFFFFEF7, lr;
	s5 =	simm.s32 $0xFFFFFFFF;
	p2 =	slt.u32 s8, $0xFFFFF086  }
0x1c: {  	p1 =	slt.u32 s9, $0xF7A;
	s5 =	simm.s32 @!p2 $0x0  }
0x1d: {  	s5 =	simm.s32 @p1 $0x1;
	p0 =	seq.s32 s7, s2  }
0x1e: {  	s7 =	smul.u32 @!p0 $0xF7A, s2;
	p2 =	seq.s32 @!p0 s5, $0x0  }
0x1f: {  	s9 =	smul.u32 $0xF7A, s1;
	s8 =	simm.s32 @!p0 $0x1BF5;
	p2 =	por !p2, p0  }
0x20: {  	[sflag:s8] =	ssyncset.s32 @!p0 $0xFFFFF086;
	s6 =	sadd.s32 @!p0 s3, s7;
	s7 =	simm.s32 @!p0 $0x108  }
0x21: {  	s3 =	sadd.s32 s3, s9;
	s6 =	sadd.s32 @!p0 $0x88, s6;
	s7 =	simm.s32 @p2 $0x1082  }
0x22: {  	[simem:s7], [sflag:s8] =	dma.local @!p0 [hbm:s6], $0xF7A  }
0x23: {  	s9 =	sor.u32 $0xD0000000, s2;
	s6 =	simm.s32 $0x108;
	_ =	swait.ge @!p0 [sflag:s8], $0x0  }
0x24: {  	s3 =	sadd.s32 $0x88, s3;
	s6 =	simm.s32 @!p1 $0x1082;
	[sflag:s4] =	ssyncset.s32 $0xFFFFF086  }
0x25: {  	[simem:s6], [sflag:s4] =	dma.local [hbm:s3], $0xF7A  }
0x26: {  	[smem:$0x3F98] =	sst s1;
	(tag) =	ssettag s2;
	_ =	strace s9  }
0x27: {  	s1 =	sld [smem:$0x3FA8]  }
0x28: {  	s2 =	sld [smem:$0x3FA9]  }
0x29: {  	s4 =	sld [smem:$0x3FAB]  }
0x2a: {  	p0 =	seq.s32 s5, $0x0;
	s5 =	sld [smem:$0x3FAC]  }
0x2b: {  	s6 =	sld [smem:$0x3FAD]  }
0x2c: {  	s7 =	sld [smem:$0x3FAE]  }
0x2d: {  	s3 =	simm.s32 $0x108;
	s8 =	sld [smem:$0x3FAF]  }
0x2e: {  	s3 =	simm.s32 @!p0 $0x1082;
	s9 =	sld [smem:$0x3FB0]  }
0x2f: {  	lr =	sadd.s32 s0, s3;
	s0 =	sld [smem:$0x3FA7]  }
0x30: {  	s3 =	sld [smem:$0x3FAA]  }
0x31: {  	[smem:$0x3FB3] =	sst s10  }
0x32: {  	s10 =	sld [smem:$0x3FB1];
	_ =	sdelay $0x3  }
0x33: {  	p0 =	seq.s32 s10, $0x1;
	s10 =	sld [smem:$0x3FB3];
	_ =	sdelay $0x3  }
0x34: {  	[smem:$0x3FB3] =	sst s10  }
0x35: {  	s10 =	sld [smem:$0x3FB2];
	_ =	sdelay $0x3  }
0x36: {  	p1 =	seq.s32 s10, $0x1;
	s10 =	sld [smem:$0x3FB3];
	_ =	sdelay $0x3  }
0x37: {  	[smem:$0x3FB3] =	sst s10  }
0x38: {  	s10 =	sld [smem:$0x3FB4]  }
0x39: {  	_ = 	snop;
	(pc) =	sbr.ind lr, $3  }
0x3a: {  	_ = 	snop  }
0x3b: {  	_ = 	snop  }
0x3c: {  	p2 =	seq.s32 s10, $0x1;
	s10 =	sld [smem:$0x3FB3]  }
0x3d: {  	_ =	shalt  }
0x3e: {  	_ =	shalt  }
0x3f: {  	_ =	shalt  }
0x40: {  	_ =	shalt  }
0x41: {  	_ =	shalt  }
0x42: {  	_ =	shalt  }
0x43: {  	_ =	shalt  }
0x44: {  	_ =	shalt  }
0x45: {  	_ =	shalt  }
0x46: {  	_ =	shalt  }
0x47: {  	_ =	shalt  }
0x48: {  	_ =	shalt  }
0x49: {  	_ =	shalt  }
0x4a: {  	_ =	shalt  }
0x4b: {  	_ =	shalt  }
0x4c: {  	_ =	shalt  }
0x4d: {  	_ =	shalt  }
0x4e: {  	_ =	shalt  }
0x4f: {  	_ =	shalt  }
0x50: {  	_ =	shalt  }
0x51: {  	_ =	shalt  }
0x52: {  	_ =	shalt  }
0x53: {  	_ =	shalt  }
0x54: {  	_ =	shalt  }
0x55: {  	_ =	shalt  }
0x56: {  	_ =	shalt  }
0x57: {  	_ =	shalt  }
0x58: {  	_ =	shalt  }
0x59: {  	_ =	shalt  }
0x5a: {  	_ =	shalt  }
0x5b: {  	_ =	shalt  }
0x5c: {  	_ =	shalt  }
0x5d: {  	_ =	shalt  }
0x5e: {  	_ =	shalt  }
0x5f: {  	_ =	shalt  }
0x60: {  	_ =	shalt  }
0x61: {  	_ =	shalt  }
0x62: {  	_ =	shalt  }
0x63: {  	_ =	shalt  }
0x64: {  	_ =	shalt  }
0x65: {  	_ =	shalt  }
0x66: {  	_ =	shalt  }
0x67: {  	_ =	shalt  }
0x68: {  	_ =	shalt  }
0x69: {  	_ =	shalt  }
0x6a: {  	_ =	shalt  }
0x6b: {  	_ =	shalt  }
0x6c: {  	_ =	shalt  }
0x6d: {  	_ =	shalt  }
0x6e: {  	_ =	shalt  }
0x6f: {  	_ =	shalt  }
0x70: {  	_ =	shalt  }
0x71: {  	_ =	shalt  }
0x72: {  	_ =	shalt  }
0x73: {  	_ =	shalt  }
0x74: {  	_ =	shalt  }
0x75: {  	_ =	shalt  }
0x76: {  	_ =	shalt  }
0x77: {  	_ =	shalt  }
0x78: {  	_ =	shalt  }
0x79: {  	_ =	shalt  }
0x7a: {  	_ =	shalt  }
0x7b: {  	_ =	shalt  }
0x7c: {  	_ =	shalt  }
0x7d: {  	_ =	shalt  }
0x7e: {  	_ =	shalt  }
0x7f: {  	_ =	shalt  }
0x80: {  	_ =	shalt  }
0x81: {  	_ =	shalt  }
0x82: {  	_ =	shalt  }
0x83: {  	_ =	shalt  }
0x84: {  	_ =	shalt  }
0x85: {  	_ =	shalt  }
0x86: {  	_ =	shalt  }
0x87: {  	_ =	shalt  }
.Lfunc_end0:
.L_simem_size_0:
called_computation.1_lowered:
.L_overlay_start_0:
0x88: {  	s2 =	sld [smem:$0x3FD9]  }
0x89: {  	s3 =	sld [smem:$0x3FFE];
	_ =	sdelay $0x1  }
0x8a: {  	s1 =	srdreg.scid  }
0x8b: {  	s0 =	sand.u32 $0x1, s1  }
0x8c: {  	s16 =	sshll.u32 s0, $0xA;
	s2 =	sadd.s32 s3, s2  }
0x8d: {  	s2 =	sadd.s32 s2, s16  }
0x8e: {  	[smem:$0x3FBF] =	sst s2  }
0x8f: {  	_ = 	snop  }
0x90: {  	(tm) =	ssettm $0x1  }
0x91: {  	s17 =	sld [smem:$0x3FFB];
	_ =	sdelay $0x3  }
0x92: {  	_ =	strace s17  }
0x93: {  	s2 =	sld [smem:$0x3FFC];
	_ =	sdelay $0x3  }
0x94: {  	_ =	strace s2  }
0x95: {  	s2 =	sld [smem:$0x3FFD];
	_ =	sdelay $0x3  }
0x96: {  	_ =	strace s2  }
0x97: {  	_ =	strace $0x8FFFFFFF  }
0x98: {  	s18 =	sld [smem:$0x3FDB];
	_ =	sdelay $0x1  }
0x99: {  	s19 =	simm.s32 $_scs_section_size  }
0x9a: {  	s4 =	simm.s32 $_size__tile_overlayer_lowered;
	s5 =	simm.s32 $_tile_overlayer_lowered  }
0x9b: {  	s22 =	simm.s32 $0x1BFF;
	s21 =	sshll.u32 s5, $0x1;
	s2 =	sadd.s32 s19, s18  }
0x9c: {  	s6 =	simm.s32 $0x0;
	s20 =	sshll.u32 s4, $0x1;
	s4 =	sadd.s32 s21, s2  }
0x9d: {  	[timem:s6], [sflag:s22] =	dma.local [hbm:s4], s20  }
0x9e: {  	_ =	swait.ge [sflag:s22], s20  }
0x9f: {  	s3 =	ssub.s32 $0x0, s20;
	[sflag:s22] =	ssyncset.done $0x0  }
0xa0: {  	[sflag:s22] =	ssyncadd.s32 s3;
	_ =	sdelay $0x1  }
0xa1: {  	s23 =	simm.s32 $0x1B8B  }
0xa2: {  	_ =	swait.ge [sflag:s23], $0x1  }
0xa3: {  	[sflag:s23] =	ssyncset.done $0x0  }
0xa4: {  	s25 =	simm.s32 $0x1B8E;
	s24 =	sld [smem:$0x3FFE];
	[sflag:s23] =	ssyncadd.s32 $0xFFFFFFFF  }
0xa5: {  	s26 =	simm.s32 $execute0_lowered;
	[smem:$0x3FD2] =	sst s25  }
0xa6: {  	s4 =	sshll.u32 s26, $0x1;
	_ =	strace $0x80000049;
	[dreg:$0x1] =	wrdreg $0xFFFFFFFF  }
0xa7: {  	s28 =	simm.s32 $_size_execute0_lowered;
	s2 =	sadd.s32 s2, s4;
	[dreg:$0x0] =	wrdreg $0x0  }
0xa8: {  	s4 =	sshll.u32 s28, $0x1;
	[dreg:$0x2] =	wrdreg s2  }
0xa9: {  	[dreg:$0x3] =	wrdreg s4  }
0xaa: {  	[dreg:$0x4] =	wrdreg $0xC0  }
0xab: {  	_ =	task [dreg:s6], $0x5FFFF  }
0xac: {  	[dreg:$0x1] =	wrdreg $0xFFFFFFFF  }
0xad: {  	[dreg:$0x0] =	wrdreg $0x60  }
0xae: {  	[dreg:$0x2] =	wrdreg s24  }
0xaf: {  	[dreg:$0x3] =	wrdreg $0xB8000  }
0xb0: {  	[dreg:$0x4] =	wrdreg $0x9  }
0xb1: {  	_ =	task.clear_ibuf [dreg:s6], $0x5FFFF;
	_ =	strace $0x90000049  }
0xb2: {  	s29 =	simm.s32 $0x9;
	_ =	strace $0x8000004B  }
0xb3: {  	_ =	swait.ge [sflag:s29], $0x1  }
0xb4: {  	[sflag:s29] =	ssyncadd.s32 $0xFFFFFFFF  }
0xb5: {  	_ =	strace $0x9000004B  }
0xb6: {  	_ =	sfence  }
0xb7: {  	s30 =	sld [smem:$0x0];
	_ =	sdelay $0x2  }
0xb8: {  	s31 =	sshll.u32 s1, $0xD;
	s1 =	sshrl.u32 s1, $0x2  }
0xb9: {  	s3 =	sand.u32 $0x4000, s31;
	s1 =	sadd.s32 s1, s30  }
0xba: {  	s0 =	sor.u32 s3, s0;
	s1 =	sshll.u32 s1, $0x11  }
0xbb: {  	s0 =	sor.u32 s1, s0  }
0xbc: {  	s0 =	sadd.s32 $0x8F2B, s0  }
0xbd: {  	[sflag:s0] =	ssyncadd.remote.s32 $0x1  }
0xbe: {  	_ =	sfence.sel $0xFFFF  }
0xbf: {  	[dreg:$0x0] =	wrdreg $0xFFFFFFFF;
	(pc) =	sbr.abs _section_cstart, $3  }
0xc0: {  	[dreg:$0x1] =	wrdreg $0xFFFFFFFF  }
0xc1: {  	_ =	task.clear_ibuf [dreg:s6], $0x2FFFF;
	_ =	strace $0x9FFFFFFF  }
0xc2: {  	(tm) =	ssettm $0x7FFFFFFF  }
0xc3: {  	_ =	shalt  }
tec
execute0_lowered:
.L_overlay_start_1:
0x0: {  	(tag) =	ssettag $0x1  }
0x1: {  	s0 =	rddreg [dreg:$0x0]  }
0x2: {  	s1 =	rddreg [dreg:$0x1]  }
0x3: {  	s3 =	simm.s32 $0x0;
	s2 =	srdreg.scid;
	s10 =	stileid.u32  }
0x4: {  	[smem:$0x7FF] =	sst s3;
	s4 =	smul.u32 $0x3E80, s10  }
0x5: {  	s2 =	sand.u32 $0x1, s2;
	s11 =	sadd.s32 $0xCE00, s0;
	s7 =	smul.u32 $0x7D000, s10  }
0x6: {  	s12 =	sadd.s32 $0x3000, s0;
	s6 =	sadd.s32 $0x64E00, s0;
	s26 =	smul.u32 $0x2710, s10  }
0x7: {  	s5 =	smul.u32 $0x27100, s2;
	s8 =	sshll.u32 s2, $0x4;
	s2 =	ssub.s32 $0x2, s2  }
0x8: {  	_ =	strace $0x8000004A;
	s9 =	sshrl.u32 s2, $0x1;
	s7 =	sshrl.u32 s7, $0x2  }
0x9: {  	[dreg:$0x3] =	wrdreg s12;
	s2 =	ssub.s32 s2, s9;
	s9 =	sadd.s32 s7, s1  }
0xa: {  	p0 =	sgt.u32 s10, $0x9;
	s22 =	sadd.s32 $0x1400, s9;
	[dreg:$0x4] =	wrdreg s9  }
0xb: {  	s8 =	sor.u32 s10, s8;
	s23 =	sadd.s32 $0x2800, s9;
	[dreg:$0x5] =	wrdreg s22  }
0xc: {  	s4 =	sadd.s32 s4, s5;
	s7 =	sadd.s32 $0x3C00, s9;
	[dreg:$0x6] =	wrdreg s23  }
0xd: {  	s5 =	sadd.s32 s26, s5;
	s18 =	smax.u32 s2, $0x1;
	[dreg:$0x7] =	wrdreg s7  }
0xe: {  	s8 =	smul.u32 $0x2710, s8;
	s20 =	sadd.s32 $0x140, s5;
	[dreg:$0xf] =	wrdreg s18  }
0xf: {  	s0 =	sadd.s32 s4, s0;
	s10 =	sadd.s32 $0xB400, s9;
	[dreg:$0x10] =	wrdreg s20  }
0x10: {  	s17 =	sadd.s32 $0x190, s5;
	s0 =	sadd.s32 $0x8C000, s0;
	[dreg:$0x1c] =	wrdreg s10  }
0x11: {  	s24 =	sshrl.u32 s8, $0x3;
	s8 =	sadd.s32 $0xA000, s9;
	[dreg:$0xe] =	wrdreg s0  }
0x12: {  	s19 =	sshrl.u32 s17, $0x3;
	s17 =	sadd.s32 $0x14000, s9;
	[dreg:$0x1b] =	wrdreg s8  }
0x13: {  	s18 =	sadd.s32 $0x15400, s9;
	[smem:$0x7F5] =	sst s17  }
0x14: {  	s20 =	sadd.s32 $0x17C00, s9;
	[smem:$0x7F6] =	sst s18  }
0x15: {  	s13 =	sadd.s32 s11, s24;
	[smem:$0x7F8] =	sst s20  }
0x16: {  	s22 =	sadd.s32 $0x1E0, s5;
	s14 =	sadd.s32 s12, s24;
	[dreg:$0x8] =	wrdreg s13  }
0x17: {  	s25 =	sadd.s32 $0xA, s24;
	s21 =	sadd.s32 s19, s12;
	[dreg:$0x9] =	wrdreg s14  }
0x18: {  	s4 =	sadd.s32 $0x14, s24;
	s0 =	sadd.s32 s19, s11;
	[dreg:$0x11] =	wrdreg s21  }
0x19: {  	s24 =	sadd.s32 $0xF0, s5;
	s5 =	sadd.s32 $0x7800, s9;
	[dreg:$0x12] =	wrdreg s0  }
0x1a: {  	s19 =	sadd.s32 $0x16800, s9;
	[dreg:$0x19] =	wrdreg s5  }
0x1b: {  	s23 =	sshrl.u32 s22, $0x3;
	s22 =	sadd.s32 $0x1A400, s9;
	[smem:$0x7F7] =	sst s19  }
0x1c: {  	s15 =	sadd.s32 s11, s25;
	[smem:$0x7FA] =	sst s22  }
0x1d: {  	s7 =	sadd.s32 s12, s25;
	[dreg:$0xa] =	wrdreg s15  }
0x1e: {  	s30 =	simm.s32 $0x200;
	s16 =	sadd.s32 s11, s4;
	[dreg:$0xb] =	wrdreg s7  }
0x1f: {  	s31 =	simm.s32 $0x80;
	s4 =	sadd.s32 s12, s4;
	[dreg:$0xc] =	wrdreg s16  }
0x20: {  	s28 =	simm.s32 $0x7C00;
	s25 =	sadd.s32 s23, s12;
	[dreg:$0xd] =	wrdreg s4  }
0x21: {  	s29 =	simm.s32 $0x7;
	s0 =	sadd.s32 s23, s11;
	[dreg:$0x13] =	wrdreg s25  }
0x22: {  	s10 =	simm.s32 $0x1;
	s13 =	sadd.s32 $0xF000, s9;
	[dreg:$0x14] =	wrdreg s0  }
0x23: {  	s8 =	simm.s32 $0x100;
	s14 =	sadd.s32 $0x10400, s9;
	[dreg:$0x1f] =	wrdreg s13  }
0x24: {  	s17 =	simm.s32 $0x380;
	s21 =	sadd.s32 $0x19000, s9;
	[smem:$0x7F2] =	sst s14  }
0x25: {  	s18 =	simm.s32 $0x6;
	s23 =	sadd.s32 $0x1B800, s9;
	[smem:$0x7F9] =	sst s21  }
0x26: {  	s26 =	sshrl.u32 s24, $0x3;
	s24 =	sadd.s32 $0x1CC00, s9;
	[smem:$0x7FB] =	sst s23  }
0x27: {  	s20 =	simm.s32 $0xB;
	s2 =	sadd.s32 s26, s12;
	[smem:$0x7FC] =	sst s24  }
0x28: {  	s19 =	simm.s32 $0x9;
	s0 =	sadd.s32 s26, s11;
	[dreg:$0x15] =	wrdreg s2  }
0x29: {  	s5 =	simm.s32 $0x8;
	s4 =	sadd.s32 $0x6400, s9;
	[dreg:$0x16] =	wrdreg s0  }
0x2a: {  	s25 =	smov.u32 s11;
	s7 =	sadd.s32 $0x8C00, s9;
	[dreg:$0x18] =	wrdreg s4  }
0x2b: {  	s11 =	sadd.s32 $0xC800, s9;
	s12 =	sadd.s32 $0xDC00, s9;
	[dreg:$0x1a] =	wrdreg s7  }
0x2c: {  	s15 =	sadd.s32 $0x11800, s9;
	s16 =	sadd.s32 $0x12C00, s9;
	[dreg:$0x1d] =	wrdreg s11  }
0x2d: {  	s26 =	sadd.s32 $0x1E000, s9;
	s13 =	simm.s32 $0x5;
	[dreg:$0x1e] =	wrdreg s12  }
0x2e: {  	s14 =	simm.s32 $0x3;
	s23 =	simm.s32 $0x0;
	[smem:$0x7F3] =	sst s15  }
.Ltmp0:
0x2f: {  	s2 =	sadd.s32 $0x5000, s9;
	[smem:$0x7F4] =	sst s16;
	(pc) =	sbr.rel .LBB2_1-.Ltmp0, $4  }
0x30: {  	[smem:$0x7FD] =	sst s26;
	s0 =	simm.s32 $0x280;
	s9 =	simm.s32 $0x300  }
0x31: {  	s26 =	simm.s32 $0x400;
	s11 =	simm.s32 $0x2;
	s12 =	simm.s32 $0x2C00  }
0x32: {  	s15 =	simm.s32 $0x5400;
	s16 =	simm.s32 $0x180;
	s7 =	simm.s32 $0x4  }
0x33: {  	v0 =	vimm.f32 $0.0e+00;
	s4 =	simm.s32 $0xA;
	[dreg:$0x17] =	wrdreg s2;
	s2 =	simm.s32 $0x50  }
.LBB2_8:
0x34: {  	_ =	swait.ge [sflag:s5], $0x2800  }
0x35: {  	[sflag:s5] =	ssyncset.done $0x0  }
0x36: {  	[sflag:s5] =	ssyncadd.s32 $0xFFFFD800  }
0x37: {  	_ =	swait.ge [sflag:s20], $0x2800  }
0x38: {  	[sflag:s20] =	ssyncset.done $0x0  }
0x39: {  	[sflag:s20] =	ssyncadd.s32 $0xFFFFD800  }
0x3a: {  	[spmem:s1] =	stream.indirect.scatter.add.f32 [tilespmem:s28], [sflag:$0xC], $0x80, s17, s2, $0xb8;
	[tilespmem:$0x1F080] =	vst v63  }
0x3b: {  	_ =	swait.ge [sflag:s13], $0x2800  }
0x3c: {  	[sflag:s13] =	ssyncset.done $0x0  }
0x3d: {  	s21 =	simm.s32 $0xC;
	[sflag:s13] =	ssyncadd.s32 $0xFFFFD800  }
0x3e: {  	_ =	swait.ge [sflag:s21], $0x2800  }
0x3f: {  	[sflag:s21] =	ssyncset.done $0x0  }
0x40: {  	[sflag:s21] =	ssyncadd.s32 $0xFFFFD800  }
0x41: {  	[spmem:s1] =	stream.indirect.scatter.add.f32 [tilespmem:s26], [sflag:$0x9], $0x80, s30, s2, $0xb8;
	[tilespmem:$0x1F080] =	vst v63  }
0x42: {  	_ =	swait.ge [sflag:s19], $0x2800  }
0x43: {  	[sflag:s19] =	ssyncset.done $0x0  }
0x44: {  	[sflag:s19] =	ssyncadd.s32 $0xFFFFD800  }
0x45: {  	s21 =	stileid.u32;
	[bflag:$0x0] =	sbarrier.arrive $0xFFFF  }
0x46: {  	s21 =	sshll.u32 @!p0 s21, $0x6;
	s22 =	rddreg [dreg:$0x4]  }
0x47: {  	s21 =	sor.u32 @!p0 $0x1C0D, s21;
	s23 =	rddreg [dreg:$0xe];
	s22 =	sshrl.u32 @!p0 s22, $0x3  }
0x48: {  	[hbm:s23], [sflag:s21] =	dma.local @!p0 [spmem:s22], $0x3E80  }
0x49: {  	s21 =	simm.s32 @!p0 $0xD  }
0x4a: {  	_ =	swait.ge @!p0 [sflag:s21], $0x3E80  }
0x4b: {  	s22 =	sld [smem:$0x7F1];
	_ =	sdelay $0x2  }
0x4c: {  	s24 =	rddreg [dreg:$0xf];
	s23 =	sadd.s32 $0x1, s22  }
0x4d: {  	p1 =	sne.s32 s23, s24  }
.Ltmp1:
0x4e: {  	_ = 	snop;
	(pc) =	sbr.rel @!p1 .LBB2_9-.Ltmp1, $3  }
0x4f: {  	_ =	sdelay $0x1  }
0x50: {  	[sflag:s21] =	ssyncset.done @!p0 $0x0  }
0x51: {  	[sflag:s21] =	ssyncadd.s32 @!p0 $0xFFFFC180  }
.LBB2_1:
0x52: {  	[smem:$0x7F1] =	sst s23;
	s21 =	simm.s32 $0x0;
	s22 =	simm.s32 $0x200  }
.LBB2_2:
0x53: {  	p1 =	sne.s32 s22, $0x4E00;
	[tilespmem:s21+$0xA470] =	vst v0  }
0x54: {  	[tilespmem:s21+$0xA400] =	vst v0  }
0x55: {  	[tilespmem:s21+$0xA410] =	vst v0  }
.Ltmp2:
0x56: {  	[tilespmem:s21+$0xA420] =	vst v0;
	(pc) =	sbr.rel @p1 .LBB2_2-.Ltmp2, $4  }
0x57: {  	[tilespmem:s21+$0xA430] =	vst v0  }
0x58: {  	[tilespmem:s21+$0xA440] =	vst v0  }
0x59: {  	[tilespmem:s21+$0xA450] =	vst v0  }
0x5a: {  	[tilespmem:s21+$0xA460] =	vst v0;
	s21 =	sshra.s32 s22, $0x2;
	s22 =	sadd.s32 $0x200, s22  }
0x5b: {  	[tilespmem:s21+$0xA470] =	vst v0  }
0x5c: {  	[tilespmem:s21+$0xA400] =	vst v0  }
0x5d: {  	[tilespmem:s21+$0xA410] =	vst v0  }
.Ltmp3:
0x5e: {  	[tilespmem:s21+$0xA420] =	vst v0;
	(pc) =	sbr.rel @p0 .LBB2_5-.Ltmp3, $4  }
0x5f: {  	[tilespmem:s21+$0xA430] =	vst v0  }
0x60: {  	[tilespmem:s21+$0xA440] =	vst v0  }
0x61: {  	[tilespmem:s21+$0xA450] =	vst v0  }
0x62: {  	[tilespmem:s21+$0xA460] =	vst v0  }
0x63: {  	s21 =	rddreg [dreg:$0x4];
	s22 =	simm.s32 $0xA400;
	s23 =	simm.s32 $0xD  }
0x64: {  	[spmem:s21] =	stream.linear.scatter [tilespmem:s22], [sflag:$0xD], $0x1400, $0x38;
	[tilespmem:$0x1F080] =	vst v63  }
0x65: {  	_ =	swait.ge [sflag:s23], $0x1400  }
0x66: {  	[sflag:s23] =	ssyncset.done $0x0  }
0x67: {  	s24 =	rddreg [dreg:$0x5];
	[sflag:s23] =	ssyncadd.s32 $0xFFFFEC00  }
0x68: {  	[spmem:s24] =	stream.linear.scatter [tilespmem:s22], [sflag:$0xD], $0x1400, $0x38;
	[tilespmem:$0x1F080] =	vst v63  }
0x69: {  	_ =	swait.ge [sflag:s23], $0x1400  }
0x6a: {  	[sflag:s23] =	ssyncset.done $0x0  }
0x6b: {  	s24 =	rddreg [dreg:$0x6];
	[sflag:s23] =	ssyncadd.s32 $0xFFFFEC00  }
0x6c: {  	[spmem:s24] =	stream.linear.scatter [tilespmem:s22], [sflag:$0xD], $0x1400, $0x38;
	[tilespmem:$0x1F080] =	vst v63  }
0x6d: {  	_ =	swait.ge [sflag:s23], $0x1400  }
0x6e: {  	[sflag:s23] =	ssyncset.done $0x0  }
0x6f: {  	s24 =	rddreg [dreg:$0x7];
	[sflag:s23] =	ssyncadd.s32 $0xFFFFEC00  }
0x70: {  	[spmem:s24] =	stream.linear.scatter [tilespmem:s22], [sflag:$0xD], $0x1400, $0x38;
	[tilespmem:$0x1F080] =	vst v63  }
0x71: {  	_ =	swait.ge [sflag:s23], $0x1400  }
0x72: {  	[sflag:s23] =	ssyncset.done $0x0  }
0x73: {  	s24 =	rddreg [dreg:$0x17];
	[sflag:s23] =	ssyncadd.s32 $0xFFFFEC00  }
0x74: {  	[spmem:s24] =	stream.linear.scatter [tilespmem:s22], [sflag:$0xD], $0x1400, $0x38;
	[tilespmem:$0x1F080] =	vst v63  }
0x75: {  	_ =	swait.ge [sflag:s23], $0x1400  }
0x76: {  	[sflag:s23] =	ssyncset.done $0x0  }
0x77: {  	s24 =	rddreg [dreg:$0x18];
	[sflag:s23] =	ssyncadd.s32 $0xFFFFEC00  }
0x78: {  	[spmem:s24] =	stream.linear.scatter [tilespmem:s22], [sflag:$0xD], $0x1400, $0x38;
	[tilespmem:$0x1F080] =	vst v63  }
0x79: {  	_ =	swait.ge [sflag:s23], $0x1400  }
0x7a: {  	[sflag:s23] =	ssyncset.done $0x0  }
0x7b: {  	s24 =	rddreg [dreg:$0x19];
	[sflag:s23] =	ssyncadd.s32 $0xFFFFEC00  }
0x7c: {  	[spmem:s24] =	stream.linear.scatter [tilespmem:s22], [sflag:$0xD], $0x1400, $0x38;
	[tilespmem:$0x1F080] =	vst v63  }
0x7d: {  	_ =	swait.ge [sflag:s23], $0x1400  }
0x7e: {  	[sflag:s23] =	ssyncset.done $0x0  }
0x7f: {  	s24 =	rddreg [dreg:$0x1a];
	[sflag:s23] =	ssyncadd.s32 $0xFFFFEC00  }
0x80: {  	[spmem:s24] =	stream.linear.scatter [tilespmem:s22], [sflag:$0xD], $0x1400, $0x38;
	[tilespmem:$0x1F080] =	vst v63  }
0x81: {  	_ =	swait.ge [sflag:s23], $0x1400  }
0x82: {  	[sflag:s23] =	ssyncset.done $0x0  }
0x83: {  	s24 =	rddreg [dreg:$0x1b];
	[sflag:s23] =	ssyncadd.s32 $0xFFFFEC00  }
0x84: {  	[spmem:s24] =	stream.linear.scatter [tilespmem:s22], [sflag:$0xD], $0x1400, $0x38;
	[tilespmem:$0x1F080] =	vst v63  }
0x85: {  	_ =	swait.ge [sflag:s23], $0x1400  }
0x86: {  	[sflag:s23] =	ssyncset.done $0x0  }
0x87: {  	s24 =	rddreg [dreg:$0x1c];
	[sflag:s23] =	ssyncadd.s32 $0xFFFFEC00  }
0x88: {  	[spmem:s24] =	stream.linear.scatter [tilespmem:s22], [sflag:$0xD], $0x1400, $0x38;
	[tilespmem:$0x1F080] =	vst v63  }
0x89: {  	_ =	swait.ge [sflag:s23], $0x1400  }
0x8a: {  	[sflag:s23] =	ssyncset.done $0x0  }
0x8b: {  	s24 =	rddreg [dreg:$0x1d];
	[sflag:s23] =	ssyncadd.s32 $0xFFFFEC00  }
0x8c: {  	[spmem:s24] =	stream.linear.scatter [tilespmem:s22], [sflag:$0xD], $0x1400, $0x38;
	[tilespmem:$0x1F080] =	vst v63  }
0x8d: {  	_ =	swait.ge [sflag:s23], $0x1400  }
0x8e: {  	[sflag:s23] =	ssyncset.done $0x0  }
0x8f: {  	s24 =	rddreg [dreg:$0x1e];
	[sflag:s23] =	ssyncadd.s32 $0xFFFFEC00  }
0x90: {  	[spmem:s24] =	stream.linear.scatter [tilespmem:s22], [sflag:$0xD], $0x1400, $0x38;
	[tilespmem:$0x1F080] =	vst v63  }
0x91: {  	_ =	swait.ge [sflag:s23], $0x1400  }
0x92: {  	[sflag:s23] =	ssyncset.done $0x0  }
0x93: {  	s24 =	rddreg [dreg:$0x1f];
	[sflag:s23] =	ssyncadd.s32 $0xFFFFEC00  }
0x94: {  	[spmem:s24] =	stream.linear.scatter [tilespmem:s22], [sflag:$0xD], $0x1400, $0x38;
	[tilespmem:$0x1F080] =	vst v63  }
0x95: {  	_ =	swait.ge [sflag:s23], $0x1400  }
0x96: {  	s24 =	sld [smem:$0x7F2]  }
0x97: {  	[sflag:s23] =	ssyncset.done $0x0  }
0x98: {  	[sflag:s23] =	ssyncadd.s32 $0xFFFFEC00  }
0x99: {  	[spmem:s24] =	stream.linear.scatter [tilespmem:s22], [sflag:$0xD], $0x1400, $0x38;
	[tilespmem:$0x1F080] =	vst v63  }
0x9a: {  	_ =	swait.ge [sflag:s23], $0x1400  }
0x9b: {  	s24 =	sld [smem:$0x7F3]  }
0x9c: {  	[sflag:s23] =	ssyncset.done $0x0  }
0x9d: {  	[sflag:s23] =	ssyncadd.s32 $0xFFFFEC00  }
0x9e: {  	[spmem:s24] =	stream.linear.scatter [tilespmem:s22], [sflag:$0xD], $0x1400, $0x38;
	[tilespmem:$0x1F080] =	vst v63  }
0x9f: {  	_ =	swait.ge [sflag:s23], $0x1400  }
0xa0: {  	s24 =	sld [smem:$0x7F4]  }
0xa1: {  	[sflag:s23] =	ssyncset.done $0x0  }
0xa2: {  	[sflag:s23] =	ssyncadd.s32 $0xFFFFEC00  }
0xa3: {  	[spmem:s24] =	stream.linear.scatter [tilespmem:s22], [sflag:$0xD], $0x1400, $0x38;
	[tilespmem:$0x1F080] =	vst v63  }
0xa4: {  	_ =	swait.ge [sflag:s23], $0x1400  }
0xa5: {  	s24 =	sld [smem:$0x7F5]  }
0xa6: {  	[sflag:s23] =	ssyncset.done $0x0  }
0xa7: {  	[sflag:s23] =	ssyncadd.s32 $0xFFFFEC00  }
0xa8: {  	[spmem:s24] =	stream.linear.scatter [tilespmem:s22], [sflag:$0xD], $0x1400, $0x38;
	[tilespmem:$0x1F080] =	vst v63  }
0xa9: {  	_ =	swait.ge [sflag:s23], $0x1400  }
0xaa: {  	s24 =	sld [smem:$0x7F6]  }
0xab: {  	[sflag:s23] =	ssyncset.done $0x0  }
0xac: {  	[sflag:s23] =	ssyncadd.s32 $0xFFFFEC00  }
0xad: {  	[spmem:s24] =	stream.linear.scatter [tilespmem:s22], [sflag:$0xD], $0x1400, $0x38;
	[tilespmem:$0x1F080] =	vst v63  }
0xae: {  	_ =	swait.ge [sflag:s23], $0x1400  }
0xaf: {  	s24 =	sld [smem:$0x7F7]  }
0xb0: {  	[sflag:s23] =	ssyncset.done $0x0  }
0xb1: {  	[sflag:s23] =	ssyncadd.s32 $0xFFFFEC00  }
0xb2: {  	[spmem:s24] =	stream.linear.scatter [tilespmem:s22], [sflag:$0xD], $0x1400, $0x38;
	[tilespmem:$0x1F080] =	vst v63  }
0xb3: {  	_ =	swait.ge [sflag:s23], $0x1400  }
0xb4: {  	s24 =	sld [smem:$0x7F8]  }
0xb5: {  	[sflag:s23] =	ssyncset.done $0x0  }
0xb6: {  	[sflag:s23] =	ssyncadd.s32 $0xFFFFEC00  }
0xb7: {  	[spmem:s24] =	stream.linear.scatter [tilespmem:s22], [sflag:$0xD], $0x1400, $0x38;
	[tilespmem:$0x1F080] =	vst v63  }
0xb8: {  	_ =	swait.ge [sflag:s23], $0x1400  }
0xb9: {  	s24 =	sld [smem:$0x7F9]  }
0xba: {  	[sflag:s23] =	ssyncset.done $0x0  }
0xbb: {  	[sflag:s23] =	ssyncadd.s32 $0xFFFFEC00  }
0xbc: {  	[spmem:s24] =	stream.linear.scatter [tilespmem:s22], [sflag:$0xD], $0x1400, $0x38;
	[tilespmem:$0x1F080] =	vst v63  }
0xbd: {  	_ =	swait.ge [sflag:s23], $0x1400  }
0xbe: {  	s24 =	sld [smem:$0x7FA]  }
0xbf: {  	[sflag:s23] =	ssyncset.done $0x0  }
0xc0: {  	[sflag:s23] =	ssyncadd.s32 $0xFFFFEC00  }
0xc1: {  	[spmem:s24] =	stream.linear.scatter [tilespmem:s22], [sflag:$0xD], $0x1400, $0x38;
	[tilespmem:$0x1F080] =	vst v63  }
0xc2: {  	_ =	swait.ge [sflag:s23], $0x1400  }
0xc3: {  	s24 =	sld [smem:$0x7FB]  }
0xc4: {  	[sflag:s23] =	ssyncset.done $0x0  }
0xc5: {  	[sflag:s23] =	ssyncadd.s32 $0xFFFFEC00  }
0xc6: {  	[spmem:s24] =	stream.linear.scatter [tilespmem:s22], [sflag:$0xD], $0x1400, $0x38;
	[tilespmem:$0x1F080] =	vst v63  }
0xc7: {  	_ =	swait.ge [sflag:s23], $0x1400  }
0xc8: {  	s24 =	sld [smem:$0x7FC]  }
0xc9: {  	[sflag:s23] =	ssyncset.done $0x0  }
0xca: {  	[sflag:s23] =	ssyncadd.s32 $0xFFFFEC00  }
0xcb: {  	[spmem:s24] =	stream.linear.scatter [tilespmem:s22], [sflag:$0xD], $0x1400, $0x38;
	[tilespmem:$0x1F080] =	vst v63  }
0xcc: {  	_ =	swait.ge [sflag:s23], $0x1400  }
0xcd: {  	s24 =	sld [smem:$0x7FD]  }
0xce: {  	[sflag:s23] =	ssyncset.done $0x0  }
0xcf: {  	[sflag:s23] =	ssyncadd.s32 $0xFFFFEC00  }
0xd0: {  	[spmem:s24] =	stream.linear.scatter [tilespmem:s22], [sflag:$0xD], $0x1400, $0x38;
	[tilespmem:$0x1F080] =	vst v63  }
0xd1: {  	_ =	swait.ge [sflag:s23], $0x1400  }
0xd2: {  	[sflag:s23] =	ssyncset.done $0x0  }
0xd3: {  	[sflag:s23] =	ssyncadd.s32 $0xFFFFEC00  }
.LBB2_5:
0xd4: {  	[bflag:$0x0] =	sbarrier.arrive $0xFFFF  }
0xd5: {  	s21 =	simm.s32 $0x0;
	s22 =	rddreg [dreg:$0x8]  }
0xd6: {  	[tilespmem:s21], [sflag:$0x1] =	stream.linear.gather [hbm4b:s22+s21], $0x50, $0x38;
	[tilespmem:$0x1F080] =	vst v63  }
0xd7: {  	s24 =	rddreg [dreg:$0x9]  }
0xd8: {  	[tilespmem:s30], [sflag:$0x1] =	stream.linear.gather [hbm4b:s24+s21], $0x50, $0x38;
	[tilespmem:$0x1F080] =	vst v63  }
0xd9: {  	s23 =	rddreg [dreg:$0xa]  }
0xda: {  	[tilespmem:s31], [sflag:$0x2] =	stream.linear.gather [hbm4b:s23+s21], $0x50, $0x38;
	[tilespmem:$0x1F080] =	vst v63  }
0xdb: {  	s24 =	rddreg [dreg:$0xb]  }
0xdc: {  	[tilespmem:s0], [sflag:$0x2] =	stream.linear.gather [hbm4b:s24+s21], $0x50, $0x38;
	[tilespmem:$0x1F080] =	vst v63  }
0xdd: {  	s23 =	rddreg [dreg:$0xc]  }
0xde: {  	[tilespmem:s8], [sflag:$0x3] =	stream.linear.gather [hbm4b:s23+s21], $0x50, $0x38;
	[tilespmem:$0x1F080] =	vst v63  }
0xdf: {  	s24 =	rddreg [dreg:$0xd]  }
0xe0: {  	[tilespmem:s9], [sflag:$0x3] =	stream.linear.gather [hbm4b:s24+s21], $0x50, $0x38;
	[tilespmem:$0x1F080] =	vst v63  }
0xe1: {  	_ =	swait.ge [sflag:s10], $0x50  }
0xe2: {  	[sflag:s10] =	ssyncset.done $0x0  }
0xe3: {  	[sflag:s10] =	ssyncadd.s32 $0xFFFFFFB0  }
0xe4: {  	_ =	swait.ge [sflag:s10], $0x50  }
0xe5: {  	[sflag:s10] =	ssyncset.done $0x0  }
0xe6: {  	[sflag:s10] =	ssyncadd.s32 $0xFFFFFFB0  }
0xe7: {  	[tilespmem:s26], [sflag:$0x5] =	stream.indirect.gather [hbm4b:s6+s2], $0x80, s21, s2, $0xb8;
	[tilespmem:$0x1F080] =	vst v63  }
0xe8: {  	_ =	swait.ge [sflag:s11], $0x50  }
0xe9: {  	[sflag:s11] =	ssyncset.done $0x0  }
0xea: {  	[sflag:s11] =	ssyncadd.s32 $0xFFFFFFB0  }
0xeb: {  	_ =	swait.ge [sflag:s11], $0x50  }
0xec: {  	[sflag:s11] =	ssyncset.done $0x0  }
0xed: {  	s22 =	rddreg [dreg:$0x10];
	[sflag:s11] =	ssyncadd.s32 $0xFFFFFFB0  }
0xee: {  	[tilespmem:s12], [sflag:$0x6] =	stream.indirect.gather [hbm4b:s6+s2], $0x80, s31, s2, $0xb8;
	[tilespmem:$0x1F080] =	vst v63  }
.LBB2_6:
0xef: {  	_ =	swait.ge [sflag:s13], $0x2800  }
0xf0: {  	p1 =	seq.s32 s21, $0x0;
	[sflag:s13] =	ssyncset.done $0x0  }
0xf1: {  	s23 =	simm.s32 @!p1 $0xC;
	[sflag:s13] =	ssyncadd.s32 $0xFFFFD800  }
0xf2: {  	_ =	swait.ge @!p1 [sflag:s23], $0x2800  }
0xf3: {  	[sflag:s23] =	ssyncset.done @!p1 $0x0  }
0xf4: {  	[sflag:s23] =	ssyncadd.s32 @!p1 $0xFFFFD800  }
0xf5: {  	[spmem:s1] =	stream.indirect.scatter.add.f32 [tilespmem:s26], [sflag:$0x9], $0x80, s30, s2, $0xb8;
	[tilespmem:$0x1F080] =	vst v63  }
0xf6: {  	_ =	swait.ge [sflag:s14], $0x50  }
0xf7: {  	[sflag:s14] =	ssyncset.done $0x0  }
0xf8: {  	[sflag:s14] =	ssyncadd.s32 $0xFFFFFFB0  }
0xf9: {  	_ =	swait.ge [sflag:s14], $0x50  }
0xfa: {  	[sflag:s14] =	ssyncset.done $0x0  }
0xfb: {  	s24 =	rddreg [dreg:$0x16];
	[sflag:s14] =	ssyncadd.s32 $0xFFFFFFB0  }
0xfc: {  	[tilespmem:s15], [sflag:$0x7] =	stream.indirect.gather [hbm4b:s6+s2], $0x80, s8, s2, $0xb8;
	[tilespmem:$0x1F080] =	vst v63  }
0xfd: {  	s23 =	sadd.s32 s21, s24;
	s24 =	rddreg [dreg:$0x15]  }
0xfe: {  	[tilespmem:s16], [sflag:$0x4] =	stream.linear.gather [hbm4b:s23+s3], $0x50, $0x38;
	[tilespmem:$0x1F080] =	vst v63  }
0xff: {  	s23 =	sadd.s32 s21, s24  }
0x100: {  	[tilespmem:s17], [sflag:$0x4] =	stream.linear.gather [hbm4b:s23+s3], $0x50, $0x38;
	[tilespmem:$0x1F080] =	vst v63  }
0x101: {  	_ =	swait.ge [sflag:s18], $0x2800  }
0x102: {  	[sflag:s18] =	ssyncset.done $0x0  }
0x103: {  	[sflag:s18] =	ssyncadd.s32 $0xFFFFD800  }
0x104: {  	_ =	swait.ge [sflag:s19], $0x2800  }
0x105: {  	[sflag:s19] =	ssyncset.done $0x0  }
0x106: {  	[sflag:s19] =	ssyncadd.s32 $0xFFFFD800  }
0x107: {  	[spmem:s1] =	stream.indirect.scatter.add.f32 [tilespmem:s12], [sflag:$0xA], $0x80, s0, s2, $0xb8;
	[tilespmem:$0x1F080] =	vst v63  }
0x108: {  	_ =	swait.ge [sflag:s7], $0x50  }
0x109: {  	[sflag:s7] =	ssyncset.done $0x0  }
0x10a: {  	[sflag:s7] =	ssyncadd.s32 $0xFFFFFFB0  }
0x10b: {  	_ =	swait.ge [sflag:s7], $0x50  }
0x10c: {  	[sflag:s7] =	ssyncset.done $0x0  }
0x10d: {  	s23 =	sshrl.u32 s22, $0x3;
	[sflag:s7] =	ssyncadd.s32 $0xFFFFFFB0  }
0x10e: {  	[tilespmem:s28], [sflag:$0x8] =	stream.indirect.gather [hbm4b:s6+s2], $0x80, s16, s2, $0xb8;
	[tilespmem:$0x1F080] =	vst v63  }
0x10f: {  	s24 =	sadd.s32 s25, s23  }
0x110: {  	[tilespmem:s3], [sflag:$0x1] =	stream.linear.gather [hbm4b:s24+s3], $0x50, $0x38;
	[tilespmem:$0x1F080] =	vst v63  }
0x111: {  	s24 =	rddreg [dreg:$0x3]  }
0x112: {  	s23 =	sadd.s32 s24, s23  }
0x113: {  	[tilespmem:s30], [sflag:$0x1] =	stream.linear.gather [hbm4b:s23+s3], $0x50, $0x38;
	[tilespmem:$0x1F080] =	vst v63  }
0x114: {  	_ =	swait.ge [sflag:s29], $0x2800  }
0x115: {  	[sflag:s29] =	ssyncset.done $0x0  }
0x116: {  	[sflag:s29] =	ssyncadd.s32 $0xFFFFD800  }
0x117: {  	_ =	swait.ge [sflag:s4], $0x2800  }
0x118: {  	[sflag:s4] =	ssyncset.done $0x0  }
0x119: {  	[sflag:s4] =	ssyncadd.s32 $0xFFFFD800  }
0x11a: {  	[spmem:s1] =	stream.indirect.scatter.add.f32 [tilespmem:s15], [sflag:$0xB], $0x80, s9, s2, $0xb8;
	[tilespmem:$0x1F080] =	vst v63  }
0x11b: {  	_ =	swait.ge [sflag:s10], $0x50  }
0x11c: {  	p1 =	seq.s32 s21, $0x4B0;
	[sflag:s10] =	ssyncset.done $0x0  }
.Ltmp4:
0x11d: {  	[sflag:s10] =	ssyncadd.s32 $0xFFFFFFB0;
	(pc) =	sbr.rel @p1 .LBB2_8-.Ltmp4, $4  }
0x11e: {  	_ =	swait.ge [sflag:s10], $0x50  }
0x11f: {  	[sflag:s10] =	ssyncset.done $0x0  }
0x120: {  	[sflag:s10] =	ssyncadd.s32 $0xFFFFFFB0  }
0x121: {  	[tilespmem:s26], [sflag:$0x5] =	stream.indirect.gather [hbm4b:s6+s2], $0x80, s3, s2, $0xb8;
	[tilespmem:$0x1F080] =	vst v63  }
0x122: {  	s23 =	rddreg [dreg:$0x12]  }
0x123: {  	s24 =	rddreg [dreg:$0x11];
	s23 =	sadd.s32 s21, s23  }
0x124: {  	[tilespmem:s31], [sflag:$0x2] =	stream.linear.gather [hbm4b:s23+s3], $0x50, $0x38;
	[tilespmem:$0x1F080] =	vst v63  }
0x125: {  	s23 =	sadd.s32 s21, s24  }
0x126: {  	[tilespmem:s0], [sflag:$0x2] =	stream.linear.gather [hbm4b:s23+s3], $0x50, $0x38;
	[tilespmem:$0x1F080] =	vst v63  }
0x127: {  	_ =	swait.ge [sflag:s5], $0x2800  }
0x128: {  	[sflag:s5] =	ssyncset.done $0x0  }
0x129: {  	[sflag:s5] =	ssyncadd.s32 $0xFFFFD800  }
0x12a: {  	_ =	swait.ge [sflag:s20], $0x2800  }
0x12b: {  	[sflag:s20] =	ssyncset.done $0x0  }
0x12c: {  	[sflag:s20] =	ssyncadd.s32 $0xFFFFD800  }
0x12d: {  	[spmem:s1] =	stream.indirect.scatter.add.f32 [tilespmem:s28], [sflag:$0xC], $0x80, s17, s2, $0xb8;
	[tilespmem:$0x1F080] =	vst v63  }
0x12e: {  	_ =	swait.ge [sflag:s11], $0x50  }
0x12f: {  	[sflag:s11] =	ssyncset.done $0x0  }
0x130: {  	[sflag:s11] =	ssyncadd.s32 $0xFFFFFFB0  }
0x131: {  	_ =	swait.ge [sflag:s11], $0x50  }
0x132: {  	[sflag:s11] =	ssyncset.done $0x0  }
0x133: {  	[sflag:s11] =	ssyncadd.s32 $0xFFFFFFB0  }
0x134: {  	[tilespmem:s12], [sflag:$0x6] =	stream.indirect.gather [hbm4b:s6+s2], $0x80, s31, s2, $0xb8;
	[tilespmem:$0x1F080] =	vst v63  }
.Ltmp5:
0x135: {  	s24 =	rddreg [dreg:$0x14];
	(pc) =	sbr.rel .LBB2_6-.Ltmp5, $4  }
0x136: {  	s23 =	sadd.s32 s21, s24;
	s24 =	rddreg [dreg:$0x13]  }
0x137: {  	[tilespmem:s8], [sflag:$0x3] =	stream.linear.gather [hbm4b:s23+s3], $0x50, $0x38;
	[tilespmem:$0x1F080] =	vst v63  }
0x138: {  	s22 =	sadd.s32 $0x140, s22;
	s23 =	sadd.s32 s21, s24;
	s21 =	sadd.s32 $0x28, s21  }
0x139: {  	[tilespmem:s9], [sflag:$0x3] =	stream.linear.gather [hbm4b:s23+s3], $0x50, $0x38;
	[tilespmem:$0x1F080] =	vst v63  }
.LBB2_9:
0x13a: {  	_ =	sfence.sel $0x180000  }
0x13b: {  	[bflag:$0x0] =	sbarrier.arrive $0xFFFF  }
0x13c: {  	_ =	strace $0x9000004A  }
0x13d: {  	s0 =	stileid.u32;
	[bflag:$0x2] =	sbarrier.arrive $0xFFFF  }
0x13e: {  	p0 =	sne.s32 s0, $0x0;
	s0 =	rddreg [dreg:$0x2]  }
0x13f: {  	s0 =	sadd.s32 @!p0 $0x100000, s0  }
0x140: {  	[sflag:s0] =	ssyncadd.tile.s32 @!p0 $0x1;
	_ =	shalt  }
.Lfunc_end2:
_tile_overlayer_lowered:
.L_overlay_start_2:
0x141: {  	(tag) =	ssettag $0x2  }
0x142: {  	s0 =	rddreg [dreg:$0x0];
	s2 =	stileid.u32  }
0x143: {  	s1 =	rddreg [dreg:$0x1];
	p0 =	sne.s32 s2, $0x0  }
0x144: {  	s3 =	rddreg [dreg:$0x2];
	[bflag:$0x3] =	sbarrier.arrive $0xFFFF;
	s2 =	simm.s32 @!p0 $0x1C0D  }
0x145: {  	[timem:s3], [sflag:s2] =	dma.local @!p0 [hbm:s0], s1  }
0x146: {  	s0 =	simm.s32 @!p0 $0xD  }
0x147: {  	_ =	swait.ge @!p0 [sflag:s0], s1  }
0x148: {  	s1 =	ssub.s32 @!p0 $0x0, s1;
	[sflag:s0] =	ssyncset.done @!p0 $0x0  }
0x149: {  	[sflag:s0] =	ssyncadd.s32 @!p0 s1  }
0x14a: {  	[bflag:$0x3] =	sbarrier.arrive $0xFFFF  }
0x14b: {  	_ =	shalt  }

// kernel: kernel.14.cloned.1.call-start
scs
__scs_entry_jumppad:
0x0: {  	(pc) =	sbr.rel $0x88, $3  }
0x1: {  	(tag) =	ssettag $0x0;
	lr =	simm.s32 $0x1  }
0x2: {  	[smem:$0x3F98] =	sst lr;
	_ =	strace $0xD0000000  }
0x3: {  	_ = 	snop  }
0x4: {  	_ = 	snop  }
0x5: {  	_ = 	snop  }
0x6: {  	_ = 	snop  }
0x7: {  	_ = 	snop  }
__scs_overlays_trampoline_lowered:
0x8: {  	[smem:$0x3FA7] =	sst s0  }
0x9: {  	[smem:$0x3FA8] =	sst s1  }
0xa: {  	[smem:$0x3FA9] =	sst s2  }
0xb: {  	[smem:$0x3FAA] =	sst s3  }
0xc: {  	[smem:$0x3FAB] =	sst s4  }
0xd: {  	[smem:$0x3FAC] =	sst s5  }
0xe: {  	[smem:$0x3FAD] =	sst s6  }
0xf: {  	[smem:$0x3FAE] =	sst s7  }
0x10: {  	[smem:$0x3FAF] =	sst s8  }
0x11: {  	[smem:$0x3FB0] =	sst s9;
	s0 =	simm.s32 @!p0 $0x0  }
0x12: {  	s1 =	sld [smem:$0x3F96];
	s0 =	simm.s32 @p0 $0x1  }
0x13: {  	[smem:$0x3FB1] =	sst s0;
	s0 =	simm.s32 @!p1 $0x0  }
0x14: {  	s2 =	sld [smem:$0x3F95];
	s0 =	simm.s32 @p1 $0x1  }
0x15: {  	[smem:$0x3FB2] =	sst s0;
	s0 =	simm.s32 @!p2 $0x0  }
0x16: {  	s3 =	sld [smem:$0x3FDB];
	s0 =	simm.s32 @p2 $0x1  }
0x17: {  	s4 =	simm.s32 $0x1BF5;
	[smem:$0x3FB4] =	sst s0  }
0x18: {  	s0 =	sld [smem:$0x3F97];
	_ =	swait.ge [sflag:s4], $0x0  }
0x19: {  	s7 =	sld [smem:$0x3F98]  }
0x1a: {  	s8 =	sadd.s32 $0xFFFFE003, lr  }
0x1b: {  	s9 =	sadd.s32 $0xFFFFFEF7, lr;
	s5 =	simm.s32 $0xFFFFFFFF;
	p2 =	slt.u32 s8, $0xFFFFF086  }
0x1c: {  	p1 =	slt.u32 s9, $0xF7A;
	s5 =	simm.s32 @!p2 $0x0  }
0x1d: {  	s5 =	simm.s32 @p1 $0x1;
	p0 =	seq.s32 s7, s2  }
0x1e: {  	s7 =	smul.u32 @!p0 $0xF7A, s2;
	p2 =	seq.s32 @!p0 s5, $0x0  }
0x1f: {  	s9 =	smul.u32 $0xF7A, s1;
	s8 =	simm.s32 @!p0 $0x1BF5;
	p2 =	por !p2, p0  }
0x20: {  	[sflag:s8] =	ssyncset.s32 @!p0 $0xFFFFF086;
	s6 =	sadd.s32 @!p0 s3, s7;
	s7 =	simm.s32 @!p0 $0x108  }
0x21: {  	s3 =	sadd.s32 s3, s9;
	s6 =	sadd.s32 @!p0 $0x88, s6;
	s7 =	simm.s32 @p2 $0x1082  }
0x22: {  	[simem:s7], [sflag:s8] =	dma.local @!p0 [hbm:s6], $0xF7A  }
0x23: {  	s9 =	sor.u32 $0xD0000000, s2;
	s6 =	simm.s32 $0x108;
	_ =	swait.ge @!p0 [sflag:s8], $0x0  }
0x24: {  	s3 =	sadd.s32 $0x88, s3;
	s6 =	simm.s32 @!p1 $0x1082;
	[sflag:s4] =	ssyncset.s32 $0xFFFFF086  }
0x25: {  	[simem:s6], [sflag:s4] =	dma.local [hbm:s3], $0xF7A  }
0x26: {  	[smem:$0x3F98] =	sst s1;
	(tag) =	ssettag s2;
	_ =	strace s9  }
0x27: {  	s1 =	sld [smem:$0x3FA8]  }
0x28: {  	s2 =	sld [smem:$0x3FA9]  }
0x29: {  	s4 =	sld [smem:$0x3FAB]  }
0x2a: {  	p0 =	seq.s32 s5, $0x0;
	s5 =	sld [smem:$0x3FAC]  }
0x2b: {  	s6 =	sld [smem:$0x3FAD]  }
0x2c: {  	s7 =	sld [smem:$0x3FAE]  }
0x2d: {  	s3 =	simm.s32 $0x108;
	s8 =	sld [smem:$0x3FAF]  }
0x2e: {  	s3 =	simm.s32 @!p0 $0x1082;
	s9 =	sld [smem:$0x3FB0]  }
0x2f: {  	lr =	sadd.s32 s0, s3;
	s0 =	sld [smem:$0x3FA7]  }
0x30: {  	s3 =	sld [smem:$0x3FAA]  }
0x31: {  	[smem:$0x3FB3] =	sst s10  }
0x32: {  	s10 =	sld [smem:$0x3FB1];
	_ =	sdelay $0x3  }
0x33: {  	p0 =	seq.s32 s10, $0x1;
	s10 =	sld [smem:$0x3FB3];
	_ =	sdelay $0x3  }
0x34: {  	[smem:$0x3FB3] =	sst s10  }
0x35: {  	s10 =	sld [smem:$0x3FB2];
	_ =	sdelay $0x3  }
0x36: {  	p1 =	seq.s32 s10, $0x1;
	s10 =	sld [smem:$0x3FB3];
	_ =	sdelay $0x3  }
0x37: {  	[smem:$0x3FB3] =	sst s10  }
0x38: {  	s10 =	sld [smem:$0x3FB4]  }
0x39: {  	_ = 	snop;
	(pc) =	sbr.ind lr, $3  }
0x3a: {  	_ = 	snop  }
0x3b: {  	_ = 	snop  }
0x3c: {  	p2 =	seq.s32 s10, $0x1;
	s10 =	sld [smem:$0x3FB3]  }
0x3d: {  	_ =	shalt  }
0x3e: {  	_ =	shalt  }
0x3f: {  	_ =	shalt  }
0x40: {  	_ =	shalt  }
0x41: {  	_ =	shalt  }
0x42: {  	_ =	shalt  }
0x43: {  	_ =	shalt  }
0x44: {  	_ =	shalt  }
0x45: {  	_ =	shalt  }
0x46: {  	_ =	shalt  }
0x47: {  	_ =	shalt  }
0x48: {  	_ =	shalt  }
0x49: {  	_ =	shalt  }
0x4a: {  	_ =	shalt  }
0x4b: {  	_ =	shalt  }
0x4c: {  	_ =	shalt  }
0x4d: {  	_ =	shalt  }
0x4e: {  	_ =	shalt  }
0x4f: {  	_ =	shalt  }
0x50: {  	_ =	shalt  }
0x51: {  	_ =	shalt  }
0x52: {  	_ =	shalt  }
0x53: {  	_ =	shalt  }
0x54: {  	_ =	shalt  }
0x55: {  	_ =	shalt  }
0x56: {  	_ =	shalt  }
0x57: {  	_ =	shalt  }
0x58: {  	_ =	shalt  }
0x59: {  	_ =	shalt  }
0x5a: {  	_ =	shalt  }
0x5b: {  	_ =	shalt  }
0x5c: {  	_ =	shalt  }
0x5d: {  	_ =	shalt  }
0x5e: {  	_ =	shalt  }
0x5f: {  	_ =	shalt  }
0x60: {  	_ =	shalt  }
0x61: {  	_ =	shalt  }
0x62: {  	_ =	shalt  }
0x63: {  	_ =	shalt  }
0x64: {  	_ =	shalt  }
0x65: {  	_ =	shalt  }
0x66: {  	_ =	shalt  }
0x67: {  	_ =	shalt  }
0x68: {  	_ =	shalt  }
0x69: {  	_ =	shalt  }
0x6a: {  	_ =	shalt  }
0x6b: {  	_ =	shalt  }
0x6c: {  	_ =	shalt  }
0x6d: {  	_ =	shalt  }
0x6e: {  	_ =	shalt  }
0x6f: {  	_ =	shalt  }
0x70: {  	_ =	shalt  }
0x71: {  	_ =	shalt  }
0x72: {  	_ =	shalt  }
0x73: {  	_ =	shalt  }
0x74: {  	_ =	shalt  }
0x75: {  	_ =	shalt  }
0x76: {  	_ =	shalt  }
0x77: {  	_ =	shalt  }
0x78: {  	_ =	shalt  }
0x79: {  	_ =	shalt  }
0x7a: {  	_ =	shalt  }
0x7b: {  	_ =	shalt  }
0x7c: {  	_ =	shalt  }
0x7d: {  	_ =	shalt  }
0x7e: {  	_ =	shalt  }
0x7f: {  	_ =	shalt  }
0x80: {  	_ =	shalt  }
0x81: {  	_ =	shalt  }
0x82: {  	_ =	shalt  }
0x83: {  	_ =	shalt  }
0x84: {  	_ =	shalt  }
0x85: {  	_ =	shalt  }
0x86: {  	_ =	shalt  }
0x87: {  	_ =	shalt  }
.Lfunc_end0:
.L_simem_size_0:
called_computation.2_lowered:
.L_overlay_start_0:
0x88: {  	s2 =	sld [smem:$0x3FD9]  }
0x89: {  	s3 =	sld [smem:$0x3FFE];
	_ =	sdelay $0x1  }
0x8a: {  	s1 =	srdreg.scid  }
0x8b: {  	s0 =	sand.u32 $0x1, s1  }
0x8c: {  	s16 =	sshll.u32 s0, $0xA;
	s2 =	sadd.s32 s3, s2  }
0x8d: {  	s2 =	sadd.s32 s2, s16  }
0x8e: {  	[smem:$0x3FBF] =	sst s2  }
0x8f: {  	_ = 	snop  }
0x90: {  	(tm) =	ssettm $0x1  }
0x91: {  	s17 =	sld [smem:$0x3FFB];
	_ =	sdelay $0x3  }
0x92: {  	_ =	strace s17  }
0x93: {  	s2 =	sld [smem:$0x3FFC];
	_ =	sdelay $0x3  }
0x94: {  	_ =	strace s2  }
0x95: {  	s2 =	sld [smem:$0x3FFD];
	_ =	sdelay $0x3  }
0x96: {  	_ =	strace s2  }
0x97: {  	_ =	strace $0x8FFFFFFF  }
0x98: {  	s18 =	sld [smem:$0x3FDB];
	_ =	sdelay $0x1  }
0x99: {  	s19 =	simm.s32 $_scs_section_size  }
0x9a: {  	s4 =	simm.s32 $_size__tile_overlayer_lowered;
	s5 =	simm.s32 $_tile_overlayer_lowered  }
0x9b: {  	s22 =	simm.s32 $0x1BFF;
	s21 =	sshll.u32 s5, $0x1;
	s2 =	sadd.s32 s19, s18  }
0x9c: {  	s6 =	simm.s32 $0x0;
	s20 =	sshll.u32 s4, $0x1;
	s4 =	sadd.s32 s21, s2  }
0x9d: {  	[timem:s6], [sflag:s22] =	dma.local [hbm:s4], s20  }
0x9e: {  	_ =	swait.ge [sflag:s22], s20  }
0x9f: {  	s3 =	ssub.s32 $0x0, s20;
	[sflag:s22] =	ssyncset.done $0x0  }
0xa0: {  	[sflag:s22] =	ssyncadd.s32 s3;
	_ =	sdelay $0x1  }
0xa1: {  	s23 =	simm.s32 $0x1B8B  }
0xa2: {  	_ =	swait.ge [sflag:s23], $0x1  }
0xa3: {  	[sflag:s23] =	ssyncset.done $0x0  }
0xa4: {  	s25 =	simm.s32 $0x1B8E;
	s24 =	sld [smem:$0x3FFE];
	[sflag:s23] =	ssyncadd.s32 $0xFFFFFFFF  }
0xa5: {  	s26 =	simm.s32 $execute0_lowered;
	[smem:$0x3FD2] =	sst s25  }
0xa6: {  	s4 =	sshll.u32 s26, $0x1;
	_ =	strace $0x8000004C;
	[dreg:$0x1] =	wrdreg $0xFFFFFFFF  }
0xa7: {  	s28 =	simm.s32 $_size_execute0_lowered;
	s2 =	sadd.s32 s2, s4;
	[dreg:$0x0] =	wrdreg $0x0  }
0xa8: {  	s4 =	sshll.u32 s28, $0x1;
	[dreg:$0x2] =	wrdreg s2  }
0xa9: {  	[dreg:$0x3] =	wrdreg s4  }
0xaa: {  	[dreg:$0x4] =	wrdreg $0xC0  }
0xab: {  	_ =	task [dreg:s6], $0x5FFFF  }
0xac: {  	[dreg:$0x1] =	wrdreg $0xFFFFFFFF  }
0xad: {  	[dreg:$0x0] =	wrdreg $0x60  }
0xae: {  	[dreg:$0x2] =	wrdreg s24  }
0xaf: {  	[dreg:$0x3] =	wrdreg $0xB8000  }
0xb0: {  	[dreg:$0x4] =	wrdreg $0x9  }
0xb1: {  	_ =	task.clear_ibuf [dreg:s6], $0x5FFFF;
	_ =	strace $0x9000004C  }
0xb2: {  	s29 =	simm.s32 $0x9;
	_ =	strace $0x8000004E  }
0xb3: {  	_ =	swait.ge [sflag:s29], $0x1  }
0xb4: {  	[sflag:s29] =	ssyncadd.s32 $0xFFFFFFFF  }
0xb5: {  	_ =	strace $0x9000004E  }
0xb6: {  	_ =	sfence  }
0xb7: {  	s30 =	sld [smem:$0x0];
	_ =	sdelay $0x2  }
0xb8: {  	s31 =	sshll.u32 s1, $0xD;
	s1 =	sshrl.u32 s1, $0x2  }
0xb9: {  	s3 =	sand.u32 $0x4000, s31;
	s1 =	sadd.s32 s1, s30  }
0xba: {  	s0 =	sor.u32 s3, s0;
	s1 =	sshll.u32 s1, $0x11  }
0xbb: {  	s0 =	sor.u32 s1, s0  }
0xbc: {  	s0 =	sadd.s32 $0x8F2B, s0  }
0xbd: {  	[sflag:s0] =	ssyncadd.remote.s32 $0x1  }
0xbe: {  	_ =	sfence.sel $0xFFFF  }
0xbf: {  	[dreg:$0x0] =	wrdreg $0xFFFFFFFF;
	(pc) =	sbr.abs _section_cstart, $3  }
0xc0: {  	[dreg:$0x1] =	wrdreg $0xFFFFFFFF  }
0xc1: {  	_ =	task.clear_ibuf [dreg:s6], $0x2FFFF;
	_ =	strace $0x9FFFFFFF  }
0xc2: {  	(tm) =	ssettm $0x7FFFFFFF  }
0xc3: {  	_ =	shalt  }
tec
execute0_lowered:
.L_overlay_start_1:
0x0: {  	(tag) =	ssettag $0x1  }
0x1: {  	s0 =	rddreg [dreg:$0x0]  }
0x2: {  	s1 =	rddreg [dreg:$0x1]  }
0x3: {  	s3 =	simm.s32 $0x0;
	s2 =	srdreg.scid;
	s10 =	stileid.u32  }
0x4: {  	[smem:$0x7FF] =	sst s3;
	s4 =	smul.u32 $0x3E80, s10  }
0x5: {  	s2 =	sand.u32 $0x1, s2;
	s11 =	sadd.s32 $0xCE00, s0;
	s7 =	smul.u32 $0x7D000, s10  }
0x6: {  	s12 =	sadd.s32 $0x3000, s0;
	s6 =	sadd.s32 $0x64E00, s0;
	s26 =	smul.u32 $0x2710, s10  }
0x7: {  	s5 =	smul.u32 $0x27100, s2;
	s8 =	sshll.u32 s2, $0x4;
	s2 =	ssub.s32 $0x2, s2  }
0x8: {  	_ =	strace $0x8000004D;
	s9 =	sshrl.u32 s2, $0x1;
	s7 =	sshrl.u32 s7, $0x2  }
0x9: {  	[dreg:$0x3] =	wrdreg s12;
	s2 =	ssub.s32 s2, s9;
	s9 =	sadd.s32 s7, s1  }
0xa: {  	p0 =	sgt.u32 s10, $0x9;
	s22 =	sadd.s32 $0x1400, s9;
	[dreg:$0x4] =	wrdreg s9  }
0xb: {  	s8 =	sor.u32 s10, s8;
	s23 =	sadd.s32 $0x2800, s9;
	[dreg:$0x5] =	wrdreg s22  }
0xc: {  	s4 =	sadd.s32 s4, s5;
	s7 =	sadd.s32 $0x3C00, s9;
	[dreg:$0x6] =	wrdreg s23  }
0xd: {  	s5 =	sadd.s32 s26, s5;
	s18 =	smax.u32 s2, $0x1;
	[dreg:$0x7] =	wrdreg s7  }
0xe: {  	s8 =	smul.u32 $0x2710, s8;
	s20 =	sadd.s32 $0x140, s5;
	[dreg:$0xf] =	wrdreg s18  }
0xf: {  	s0 =	sadd.s32 s4, s0;
	s10 =	sadd.s32 $0xB400, s9;
	[dreg:$0x10] =	wrdreg s20  }
0x10: {  	s17 =	sadd.s32 $0x190, s5;
	s0 =	sadd.s32 $0x8C000, s0;
	[dreg:$0x1c] =	wrdreg s10  }
0x11: {  	s24 =	sshrl.u32 s8, $0x3;
	s8 =	sadd.s32 $0xA000, s9;
	[dreg:$0xe] =	wrdreg s0  }
0x12: {  	s19 =	sshrl.u32 s17, $0x3;
	s17 =	sadd.s32 $0x14000, s9;
	[dreg:$0x1b] =	wrdreg s8  }
0x13: {  	s18 =	sadd.s32 $0x15400, s9;
	[smem:$0x7F5] =	sst s17  }
0x14: {  	s20 =	sadd.s32 $0x17C00, s9;
	[smem:$0x7F6] =	sst s18  }
0x15: {  	s13 =	sadd.s32 s11, s24;
	[smem:$0x7F8] =	sst s20  }
0x16: {  	s22 =	sadd.s32 $0x1E0, s5;
	s14 =	sadd.s32 s12, s24;
	[dreg:$0x8] =	wrdreg s13  }
0x17: {  	s25 =	sadd.s32 $0xA, s24;
	s21 =	sadd.s32 s19, s12;
	[dreg:$0x9] =	wrdreg s14  }
0x18: {  	s4 =	sadd.s32 $0x14, s24;
	s0 =	sadd.s32 s19, s11;
	[dreg:$0x11] =	wrdreg s21  }
0x19: {  	s24 =	sadd.s32 $0xF0, s5;
	s5 =	sadd.s32 $0x7800, s9;
	[dreg:$0x12] =	wrdreg s0  }
0x1a: {  	s19 =	sadd.s32 $0x16800, s9;
	[dreg:$0x19] =	wrdreg s5  }
0x1b: {  	s23 =	sshrl.u32 s22, $0x3;
	s22 =	sadd.s32 $0x1A400, s9;
	[smem:$0x7F7] =	sst s19  }
0x1c: {  	s15 =	sadd.s32 s11, s25;
	[smem:$0x7FA] =	sst s22  }
0x1d: {  	s7 =	sadd.s32 s12, s25;
	[dreg:$0xa] =	wrdreg s15  }
0x1e: {  	s30 =	simm.s32 $0x200;
	s16 =	sadd.s32 s11, s4;
	[dreg:$0xb] =	wrdreg s7  }
0x1f: {  	s31 =	simm.s32 $0x80;
	s4 =	sadd.s32 s12, s4;
	[dreg:$0xc] =	wrdreg s16  }
0x20: {  	s28 =	simm.s32 $0x7C00;
	s25 =	sadd.s32 s23, s12;
	[dreg:$0xd] =	wrdreg s4  }
0x21: {  	s29 =	simm.s32 $0x7;
	s0 =	sadd.s32 s23, s11;
	[dreg:$0x13] =	wrdreg s25  }
0x22: {  	s10 =	simm.s32 $0x1;
	s13 =	sadd.s32 $0xF000, s9;
	[dreg:$0x14] =	wrdreg s0  }
0x23: {  	s8 =	simm.s32 $0x100;
	s14 =	sadd.s32 $0x10400, s9;
	[dreg:$0x1f] =	wrdreg s13  }
0x24: {  	s17 =	simm.s32 $0x380;
	s21 =	sadd.s32 $0x19000, s9;
	[smem:$0x7F2] =	sst s14  }
0x25: {  	s18 =	simm.s32 $0x6;
	s23 =	sadd.s32 $0x1B800, s9;
	[smem:$0x7F9] =	sst s21  }
0x26: {  	s26 =	sshrl.u32 s24, $0x3;
	s24 =	sadd.s32 $0x1CC00, s9;
	[smem:$0x7FB] =	sst s23  }
0x27: {  	s20 =	simm.s32 $0xB;
	s2 =	sadd.s32 s26, s12;
	[smem:$0x7FC] =	sst s24  }
0x28: {  	s19 =	simm.s32 $0x9;
	s0 =	sadd.s32 s26, s11;
	[dreg:$0x15] =	wrdreg s2  }
0x29: {  	s5 =	simm.s32 $0x8;
	s4 =	sadd.s32 $0x6400, s9;
	[dreg:$0x16] =	wrdreg s0  }
0x2a: {  	s25 =	smov.u32 s11;
	s7 =	sadd.s32 $0x8C00, s9;
	[dreg:$0x18] =	wrdreg s4  }
0x2b: {  	s11 =	sadd.s32 $0xC800, s9;
	s12 =	sadd.s32 $0xDC00, s9;
	[dreg:$0x1a] =	wrdreg s7  }
0x2c: {  	s15 =	sadd.s32 $0x11800, s9;
	s16 =	sadd.s32 $0x12C00, s9;
	[dreg:$0x1d] =	wrdreg s11  }
0x2d: {  	s26 =	sadd.s32 $0x1E000, s9;
	s13 =	simm.s32 $0x5;
	[dreg:$0x1e] =	wrdreg s12  }
0x2e: {  	s14 =	simm.s32 $0x3;
	s23 =	simm.s32 $0x0;
	[smem:$0x7F3] =	sst s15  }
.Ltmp0:
0x2f: {  	s2 =	sadd.s32 $0x5000, s9;
	[smem:$0x7F4] =	sst s16;
	(pc) =	sbr.rel .LBB2_1-.Ltmp0, $4  }
0x30: {  	[smem:$0x7FD] =	sst s26;
	s0 =	simm.s32 $0x280;
	s9 =	simm.s32 $0x300  }
0x31: {  	s26 =	simm.s32 $0x400;
	s11 =	simm.s32 $0x2;
	s12 =	simm.s32 $0x2C00  }
0x32: {  	s15 =	simm.s32 $0x5400;
	s16 =	simm.s32 $0x180;
	s7 =	simm.s32 $0x4  }
0x33: {  	v0 =	vimm.f32 $0.0e+00;
	s4 =	simm.s32 $0xA;
	[dreg:$0x17] =	wrdreg s2;
	s2 =	simm.s32 $0x50  }
.LBB2_8:
0x34: {  	_ =	swait.ge [sflag:s5], $0x2800  }
0x35: {  	[sflag:s5] =	ssyncset.done $0x0  }
0x36: {  	[sflag:s5] =	ssyncadd.s32 $0xFFFFD800  }
0x37: {  	_ =	swait.ge [sflag:s20], $0x2800  }
0x38: {  	[sflag:s20] =	ssyncset.done $0x0  }
0x39: {  	[sflag:s20] =	ssyncadd.s32 $0xFFFFD800  }
0x3a: {  	[spmem:s1] =	stream.indirect.scatter.add.f32 [tilespmem:s28], [sflag:$0xC], $0x80, s17, s2, $0xb8;
	[tilespmem:$0x1F080] =	vst v63  }
0x3b: {  	_ =	swait.ge [sflag:s13], $0x2800  }
0x3c: {  	[sflag:s13] =	ssyncset.done $0x0  }
0x3d: {  	s21 =	simm.s32 $0xC;
	[sflag:s13] =	ssyncadd.s32 $0xFFFFD800  }
0x3e: {  	_ =	swait.ge [sflag:s21], $0x2800  }
0x3f: {  	[sflag:s21] =	ssyncset.done $0x0  }
0x40: {  	[sflag:s21] =	ssyncadd.s32 $0xFFFFD800  }
0x41: {  	[spmem:s1] =	stream.indirect.scatter.add.f32 [tilespmem:s26], [sflag:$0x9], $0x80, s30, s2, $0xb8;
	[tilespmem:$0x1F080] =	vst v63  }
0x42: {  	_ =	swait.ge [sflag:s19], $0x2800  }
0x43: {  	[sflag:s19] =	ssyncset.done $0x0  }
0x44: {  	[sflag:s19] =	ssyncadd.s32 $0xFFFFD800  }
0x45: {  	s21 =	stileid.u32;
	[bflag:$0x0] =	sbarrier.arrive $0xFFFF  }
0x46: {  	s21 =	sshll.u32 @!p0 s21, $0x6;
	s22 =	rddreg [dreg:$0x4]  }
0x47: {  	s21 =	sor.u32 @!p0 $0x1C0D, s21;
	s23 =	rddreg [dreg:$0xe];
	s22 =	sshrl.u32 @!p0 s22, $0x3  }
0x48: {  	[hbm:s23], [sflag:s21] =	dma.local @!p0 [spmem:s22], $0x3E80  }
0x49: {  	s21 =	simm.s32 @!p0 $0xD  }
0x4a: {  	_ =	swait.ge @!p0 [sflag:s21], $0x3E80  }
0x4b: {  	s22 =	sld [smem:$0x7F1];
	_ =	sdelay $0x2  }
0x4c: {  	s24 =	rddreg [dreg:$0xf];
	s23 =	sadd.s32 $0x1, s22  }
0x4d: {  	p1 =	sne.s32 s23, s24  }
.Ltmp1:
0x4e: {  	_ = 	snop;
	(pc) =	sbr.rel @!p1 .LBB2_9-.Ltmp1, $3  }
0x4f: {  	_ =	sdelay $0x1  }
0x50: {  	[sflag:s21] =	ssyncset.done @!p0 $0x0  }
0x51: {  	[sflag:s21] =	ssyncadd.s32 @!p0 $0xFFFFC180  }
.LBB2_1:
0x52: {  	[smem:$0x7F1] =	sst s23;
	s21 =	simm.s32 $0x0;
	s22 =	simm.s32 $0x200  }
.LBB2_2:
0x53: {  	p1 =	sne.s32 s22, $0x4E00;
	[tilespmem:s21+$0xA470] =	vst v0  }
0x54: {  	[tilespmem:s21+$0xA400] =	vst v0  }
0x55: {  	[tilespmem:s21+$0xA410] =	vst v0  }
.Ltmp2:
0x56: {  	[tilespmem:s21+$0xA420] =	vst v0;
	(pc) =	sbr.rel @p1 .LBB2_2-.Ltmp2, $4  }
0x57: {  	[tilespmem:s21+$0xA430] =	vst v0  }
0x58: {  	[tilespmem:s21+$0xA440] =	vst v0  }
0x59: {  	[tilespmem:s21+$0xA450] =	vst v0  }
0x5a: {  	[tilespmem:s21+$0xA460] =	vst v0;
	s21 =	sshra.s32 s22, $0x2;
	s22 =	sadd.s32 $0x200, s22  }
0x5b: {  	[tilespmem:s21+$0xA470] =	vst v0  }
0x5c: {  	[tilespmem:s21+$0xA400] =	vst v0  }
0x5d: {  	[tilespmem:s21+$0xA410] =	vst v0  }
.Ltmp3:
0x5e: {  	[tilespmem:s21+$0xA420] =	vst v0;
	(pc) =	sbr.rel @p0 .LBB2_5-.Ltmp3, $4  }
0x5f: {  	[tilespmem:s21+$0xA430] =	vst v0  }
0x60: {  	[tilespmem:s21+$0xA440] =	vst v0  }
0x61: {  	[tilespmem:s21+$0xA450] =	vst v0  }
0x62: {  	[tilespmem:s21+$0xA460] =	vst v0  }
0x63: {  	s21 =	rddreg [dreg:$0x4];
	s22 =	simm.s32 $0xA400;
	s23 =	simm.s32 $0xD  }
0x64: {  	[spmem:s21] =	stream.linear.scatter [tilespmem:s22], [sflag:$0xD], $0x1400, $0x38;
	[tilespmem:$0x1F080] =	vst v63  }
0x65: {  	_ =	swait.ge [sflag:s23], $0x1400  }
0x66: {  	[sflag:s23] =	ssyncset.done $0x0  }
0x67: {  	s24 =	rddreg [dreg:$0x5];
	[sflag:s23] =	ssyncadd.s32 $0xFFFFEC00  }
0x68: {  	[spmem:s24] =	stream.linear.scatter [tilespmem:s22], [sflag:$0xD], $0x1400, $0x38;
	[tilespmem:$0x1F080] =	vst v63  }
0x69: {  	_ =	swait.ge [sflag:s23], $0x1400  }
0x6a: {  	[sflag:s23] =	ssyncset.done $0x0  }
0x6b: {  	s24 =	rddreg [dreg:$0x6];
	[sflag:s23] =	ssyncadd.s32 $0xFFFFEC00  }
0x6c: {  	[spmem:s24] =	stream.linear.scatter [tilespmem:s22], [sflag:$0xD], $0x1400, $0x38;
	[tilespmem:$0x1F080] =	vst v63  }
0x6d: {  	_ =	swait.ge [sflag:s23], $0x1400  }
0x6e: {  	[sflag:s23] =	ssyncset.done $0x0  }
0x6f: {  	s24 =	rddreg [dreg:$0x7];
	[sflag:s23] =	ssyncadd.s32 $0xFFFFEC00  }
0x70: {  	[spmem:s24] =	stream.linear.scatter [tilespmem:s22], [sflag:$0xD], $0x1400, $0x38;
	[tilespmem:$0x1F080] =	vst v63  }
0x71: {  	_ =	swait.ge [sflag:s23], $0x1400  }
0x72: {  	[sflag:s23] =	ssyncset.done $0x0  }
0x73: {  	s24 =	rddreg [dreg:$0x17];
	[sflag:s23] =	ssyncadd.s32 $0xFFFFEC00  }
0x74: {  	[spmem:s24] =	stream.linear.scatter [tilespmem:s22], [sflag:$0xD], $0x1400, $0x38;
	[tilespmem:$0x1F080] =	vst v63  }
0x75: {  	_ =	swait.ge [sflag:s23], $0x1400  }
0x76: {  	[sflag:s23] =	ssyncset.done $0x0  }
0x77: {  	s24 =	rddreg [dreg:$0x18];
	[sflag:s23] =	ssyncadd.s32 $0xFFFFEC00  }
0x78: {  	[spmem:s24] =	stream.linear.scatter [tilespmem:s22], [sflag:$0xD], $0x1400, $0x38;
	[tilespmem:$0x1F080] =	vst v63  }
0x79: {  	_ =	swait.ge [sflag:s23], $0x1400  }
0x7a: {  	[sflag:s23] =	ssyncset.done $0x0  }
0x7b: {  	s24 =	rddreg [dreg:$0x19];
	[sflag:s23] =	ssyncadd.s32 $0xFFFFEC00  }
0x7c: {  	[spmem:s24] =	stream.linear.scatter [tilespmem:s22], [sflag:$0xD], $0x1400, $0x38;
	[tilespmem:$0x1F080] =	vst v63  }
0x7d: {  	_ =	swait.ge [sflag:s23], $0x1400  }
0x7e: {  	[sflag:s23] =	ssyncset.done $0x0  }
0x7f: {  	s24 =	rddreg [dreg:$0x1a];
	[sflag:s23] =	ssyncadd.s32 $0xFFFFEC00  }
0x80: {  	[spmem:s24] =	stream.linear.scatter [tilespmem:s22], [sflag:$0xD], $0x1400, $0x38;
	[tilespmem:$0x1F080] =	vst v63  }
0x81: {  	_ =	swait.ge [sflag:s23], $0x1400  }
0x82: {  	[sflag:s23] =	ssyncset.done $0x0  }
0x83: {  	s24 =	rddreg [dreg:$0x1b];
	[sflag:s23] =	ssyncadd.s32 $0xFFFFEC00  }
0x84: {  	[spmem:s24] =	stream.linear.scatter [tilespmem:s22], [sflag:$0xD], $0x1400, $0x38;
	[tilespmem:$0x1F080] =	vst v63  }
0x85: {  	_ =	swait.ge [sflag:s23], $0x1400  }
0x86: {  	[sflag:s23] =	ssyncset.done $0x0  }
0x87: {  	s24 =	rddreg [dreg:$0x1c];
	[sflag:s23] =	ssyncadd.s32 $0xFFFFEC00  }
0x88: {  	[spmem:s24] =	stream.linear.scatter [tilespmem:s22], [sflag:$0xD], $0x1400, $0x38;
	[tilespmem:$0x1F080] =	vst v63  }
0x89: {  	_ =	swait.ge [sflag:s23], $0x1400  }
0x8a: {  	[sflag:s23] =	ssyncset.done $0x0  }
0x8b: {  	s24 =	rddreg [dreg:$0x1d];
	[sflag:s23] =	ssyncadd.s32 $0xFFFFEC00  }
0x8c: {  	[spmem:s24] =	stream.linear.scatter [tilespmem:s22], [sflag:$0xD], $0x1400, $0x38;
	[tilespmem:$0x1F080] =	vst v63  }
0x8d: {  	_ =	swait.ge [sflag:s23], $0x1400  }
0x8e: {  	[sflag:s23] =	ssyncset.done $0x0  }
0x8f: {  	s24 =	rddreg [dreg:$0x1e];
	[sflag:s23] =	ssyncadd.s32 $0xFFFFEC00  }
0x90: {  	[spmem:s24] =	stream.linear.scatter [tilespmem:s22], [sflag:$0xD], $0x1400, $0x38;
	[tilespmem:$0x1F080] =	vst v63  }
0x91: {  	_ =	swait.ge [sflag:s23], $0x1400  }
0x92: {  	[sflag:s23] =	ssyncset.done $0x0  }
0x93: {  	s24 =	rddreg [dreg:$0x1f];
	[sflag:s23] =	ssyncadd.s32 $0xFFFFEC00  }
0x94: {  	[spmem:s24] =	stream.linear.scatter [tilespmem:s22], [sflag:$0xD], $0x1400, $0x38;
	[tilespmem:$0x1F080] =	vst v63  }
0x95: {  	_ =	swait.ge [sflag:s23], $0x1400  }
0x96: {  	s24 =	sld [smem:$0x7F2]  }
0x97: {  	[sflag:s23] =	ssyncset.done $0x0  }
0x98: {  	[sflag:s23] =	ssyncadd.s32 $0xFFFFEC00  }
0x99: {  	[spmem:s24] =	stream.linear.scatter [tilespmem:s22], [sflag:$0xD], $0x1400, $0x38;
	[tilespmem:$0x1F080] =	vst v63  }
0x9a: {  	_ =	swait.ge [sflag:s23], $0x1400  }
0x9b: {  	s24 =	sld [smem:$0x7F3]  }
0x9c: {  	[sflag:s23] =	ssyncset.done $0x0  }
0x9d: {  	[sflag:s23] =	ssyncadd.s32 $0xFFFFEC00  }
0x9e: {  	[spmem:s24] =	stream.linear.scatter [tilespmem:s22], [sflag:$0xD], $0x1400, $0x38;
	[tilespmem:$0x1F080] =	vst v63  }
0x9f: {  	_ =	swait.ge [sflag:s23], $0x1400  }
0xa0: {  	s24 =	sld [smem:$0x7F4]  }
0xa1: {  	[sflag:s23] =	ssyncset.done $0x0  }
0xa2: {  	[sflag:s23] =	ssyncadd.s32 $0xFFFFEC00  }
0xa3: {  	[spmem:s24] =	stream.linear.scatter [tilespmem:s22], [sflag:$0xD], $0x1400, $0x38;
	[tilespmem:$0x1F080] =	vst v63  }
0xa4: {  	_ =	swait.ge [sflag:s23], $0x1400  }
0xa5: {  	s24 =	sld [smem:$0x7F5]  }
0xa6: {  	[sflag:s23] =	ssyncset.done $0x0  }
0xa7: {  	[sflag:s23] =	ssyncadd.s32 $0xFFFFEC00  }
0xa8: {  	[spmem:s24] =	stream.linear.scatter [tilespmem:s22], [sflag:$0xD], $0x1400, $0x38;
	[tilespmem:$0x1F080] =	vst v63  }
0xa9: {  	_ =	swait.ge [sflag:s23], $0x1400  }
0xaa: {  	s24 =	sld [smem:$0x7F6]  }
0xab: {  	[sflag:s23] =	ssyncset.done $0x0  }
0xac: {  	[sflag:s23] =	ssyncadd.s32 $0xFFFFEC00  }
0xad: {  	[spmem:s24] =	stream.linear.scatter [tilespmem:s22], [sflag:$0xD], $0x1400, $0x38;
	[tilespmem:$0x1F080] =	vst v63  }
0xae: {  	_ =	swait.ge [sflag:s23], $0x1400  }
0xaf: {  	s24 =	sld [smem:$0x7F7]  }
0xb0: {  	[sflag:s23] =	ssyncset.done $0x0  }
0xb1: {  	[sflag:s23] =	ssyncadd.s32 $0xFFFFEC00  }
0xb2: {  	[spmem:s24] =	stream.linear.scatter [tilespmem:s22], [sflag:$0xD], $0x1400, $0x38;
	[tilespmem:$0x1F080] =	vst v63  }
0xb3: {  	_ =	swait.ge [sflag:s23], $0x1400  }
0xb4: {  	s24 =	sld [smem:$0x7F8]  }
0xb5: {  	[sflag:s23] =	ssyncset.done $0x0  }
0xb6: {  	[sflag:s23] =	ssyncadd.s32 $0xFFFFEC00  }
0xb7: {  	[spmem:s24] =	stream.linear.scatter [tilespmem:s22], [sflag:$0xD], $0x1400, $0x38;
	[tilespmem:$0x1F080] =	vst v63  }
0xb8: {  	_ =	swait.ge [sflag:s23], $0x1400  }
0xb9: {  	s24 =	sld [smem:$0x7F9]  }
0xba: {  	[sflag:s23] =	ssyncset.done $0x0  }
0xbb: {  	[sflag:s23] =	ssyncadd.s32 $0xFFFFEC00  }
0xbc: {  	[spmem:s24] =	stream.linear.scatter [tilespmem:s22], [sflag:$0xD], $0x1400, $0x38;
	[tilespmem:$0x1F080] =	vst v63  }
0xbd: {  	_ =	swait.ge [sflag:s23], $0x1400  }
0xbe: {  	s24 =	sld [smem:$0x7FA]  }
0xbf: {  	[sflag:s23] =	ssyncset.done $0x0  }
0xc0: {  	[sflag:s23] =	ssyncadd.s32 $0xFFFFEC00  }
0xc1: {  	[spmem:s24] =	stream.linear.scatter [tilespmem:s22], [sflag:$0xD], $0x1400, $0x38;
	[tilespmem:$0x1F080] =	vst v63  }
0xc2: {  	_ =	swait.ge [sflag:s23], $0x1400  }
0xc3: {  	s24 =	sld [smem:$0x7FB]  }
0xc4: {  	[sflag:s23] =	ssyncset.done $0x0  }
0xc5: {  	[sflag:s23] =	ssyncadd.s32 $0xFFFFEC00  }
0xc6: {  	[spmem:s24] =	stream.linear.scatter [tilespmem:s22], [sflag:$0xD], $0x1400, $0x38;
	[tilespmem:$0x1F080] =	vst v63  }
0xc7: {  	_ =	swait.ge [sflag:s23], $0x1400  }
0xc8: {  	s24 =	sld [smem:$0x7FC]  }
0xc9: {  	[sflag:s23] =	ssyncset.done $0x0  }
0xca: {  	[sflag:s23] =	ssyncadd.s32 $0xFFFFEC00  }
0xcb: {  	[spmem:s24] =	stream.linear.scatter [tilespmem:s22], [sflag:$0xD], $0x1400, $0x38;
	[tilespmem:$0x1F080] =	vst v63  }
0xcc: {  	_ =	swait.ge [sflag:s23], $0x1400  }
0xcd: {  	s24 =	sld [smem:$0x7FD]  }
0xce: {  	[sflag:s23] =	ssyncset.done $0x0  }
0xcf: {  	[sflag:s23] =	ssyncadd.s32 $0xFFFFEC00  }
0xd0: {  	[spmem:s24] =	stream.linear.scatter [tilespmem:s22], [sflag:$0xD], $0x1400, $0x38;
	[tilespmem:$0x1F080] =	vst v63  }
0xd1: {  	_ =	swait.ge [sflag:s23], $0x1400  }
0xd2: {  	[sflag:s23] =	ssyncset.done $0x0  }
0xd3: {  	[sflag:s23] =	ssyncadd.s32 $0xFFFFEC00  }
.LBB2_5:
0xd4: {  	[bflag:$0x0] =	sbarrier.arrive $0xFFFF  }
0xd5: {  	s21 =	simm.s32 $0x0;
	s22 =	rddreg [dreg:$0x8]  }
0xd6: {  	[tilespmem:s21], [sflag:$0x1] =	stream.linear.gather [hbm4b:s22+s21], $0x50, $0x38;
	[tilespmem:$0x1F080] =	vst v63  }
0xd7: {  	s24 =	rddreg [dreg:$0x9]  }
0xd8: {  	[tilespmem:s30], [sflag:$0x1] =	stream.linear.gather [hbm4b:s24+s21], $0x50, $0x38;
	[tilespmem:$0x1F080] =	vst v63  }
0xd9: {  	s23 =	rddreg [dreg:$0xa]  }
0xda: {  	[tilespmem:s31], [sflag:$0x2] =	stream.linear.gather [hbm4b:s23+s21], $0x50, $0x38;
	[tilespmem:$0x1F080] =	vst v63  }
0xdb: {  	s24 =	rddreg [dreg:$0xb]  }
0xdc: {  	[tilespmem:s0], [sflag:$0x2] =	stream.linear.gather [hbm4b:s24+s21], $0x50, $0x38;
	[tilespmem:$0x1F080] =	vst v63  }
0xdd: {  	s23 =	rddreg [dreg:$0xc]  }
0xde: {  	[tilespmem:s8], [sflag:$0x3] =	stream.linear.gather [hbm4b:s23+s21], $0x50, $0x38;
	[tilespmem:$0x1F080] =	vst v63  }
0xdf: {  	s24 =	rddreg [dreg:$0xd]  }
0xe0: {  	[tilespmem:s9], [sflag:$0x3] =	stream.linear.gather [hbm4b:s24+s21], $0x50, $0x38;
	[tilespmem:$0x1F080] =	vst v63  }
0xe1: {  	_ =	swait.ge [sflag:s10], $0x50  }
0xe2: {  	[sflag:s10] =	ssyncset.done $0x0  }
0xe3: {  	[sflag:s10] =	ssyncadd.s32 $0xFFFFFFB0  }
0xe4: {  	_ =	swait.ge [sflag:s10], $0x50  }
0xe5: {  	[sflag:s10] =	ssyncset.done $0x0  }
0xe6: {  	[sflag:s10] =	ssyncadd.s32 $0xFFFFFFB0  }
0xe7: {  	[tilespmem:s26], [sflag:$0x5] =	stream.indirect.gather [hbm4b:s6+s2], $0x80, s21, s2, $0xb8;
	[tilespmem:$0x1F080] =	vst v63  }
0xe8: {  	_ =	swait.ge [sflag:s11], $0x50  }
0xe9: {  	[sflag:s11] =	ssyncset.done $0x0  }
0xea: {  	[sflag:s11] =	ssyncadd.s32 $0xFFFFFFB0  }
0xeb: {  	_ =	swait.ge [sflag:s11], $0x50  }
0xec: {  	[sflag:s11] =	ssyncset.done $0x0  }
0xed: {  	s22 =	rddreg [dreg:$0x10];
	[sflag:s11] =	ssyncadd.s32 $0xFFFFFFB0  }
0xee: {  	[tilespmem:s12], [sflag:$0x6] =	stream.indirect.gather [hbm4b:s6+s2], $0x80, s31, s2, $0xb8;
	[tilespmem:$0x1F080] =	vst v63  }
.LBB2_6:
0xef: {  	_ =	swait.ge [sflag:s13], $0x2800  }
0xf0: {  	p1 =	seq.s32 s21, $0x0;
	[sflag:s13] =	ssyncset.done $0x0  }
0xf1: {  	s23 =	simm.s32 @!p1 $0xC;
	[sflag:s13] =	ssyncadd.s32 $0xFFFFD800  }
0xf2: {  	_ =	swait.ge @!p1 [sflag:s23], $0x2800  }
0xf3: {  	[sflag:s23] =	ssyncset.done @!p1 $0x0  }
0xf4: {  	[sflag:s23] =	ssyncadd.s32 @!p1 $0xFFFFD800  }
0xf5: {  	[spmem:s1] =	stream.indirect.scatter.add.f32 [tilespmem:s26], [sflag:$0x9], $0x80, s30, s2, $0xb8;
	[tilespmem:$0x1F080] =	vst v63  }
0xf6: {  	_ =	swait.ge [sflag:s14], $0x50  }
0xf7: {  	[sflag:s14] =	ssyncset.done $0x0  }
0xf8: {  	[sflag:s14] =	ssyncadd.s32 $0xFFFFFFB0  }
0xf9: {  	_ =	swait.ge [sflag:s14], $0x50  }
0xfa: {  	[sflag:s14] =	ssyncset.done $0x0  }
0xfb: {  	s24 =	rddreg [dreg:$0x16];
	[sflag:s14] =	ssyncadd.s32 $0xFFFFFFB0  }
0xfc: {  	[tilespmem:s15], [sflag:$0x7] =	stream.indirect.gather [hbm4b:s6+s2], $0x80, s8, s2, $0xb8;
	[tilespmem:$0x1F080] =	vst v63  }
0xfd: {  	s23 =	sadd.s32 s21, s24;
	s24 =	rddreg [dreg:$0x15]  }
0xfe: {  	[tilespmem:s16], [sflag:$0x4] =	stream.linear.gather [hbm4b:s23+s3], $0x50, $0x38;
	[tilespmem:$0x1F080] =	vst v63  }
0xff: {  	s23 =	sadd.s32 s21, s24  }
0x100: {  	[tilespmem:s17], [sflag:$0x4] =	stream.linear.gather [hbm4b:s23+s3], $0x50, $0x38;
	[tilespmem:$0x1F080] =	vst v63  }
0x101: {  	_ =	swait.ge [sflag:s18], $0x2800  }
0x102: {  	[sflag:s18] =	ssyncset.done $0x0  }
0x103: {  	[sflag:s18] =	ssyncadd.s32 $0xFFFFD800  }
0x104: {  	_ =	swait.ge [sflag:s19], $0x2800  }
0x105: {  	[sflag:s19] =	ssyncset.done $0x0  }
0x106: {  	[sflag:s19] =	ssyncadd.s32 $0xFFFFD800  }
0x107: {  	[spmem:s1] =	stream.indirect.scatter.add.f32 [tilespmem:s12], [sflag:$0xA], $0x80, s0, s2, $0xb8;
	[tilespmem:$0x1F080] =	vst v63  }
0x108: {  	_ =	swait.ge [sflag:s7], $0x50  }
0x109: {  	[sflag:s7] =	ssyncset.done $0x0  }
0x10a: {  	[sflag:s7] =	ssyncadd.s32 $0xFFFFFFB0  }
0x10b: {  	_ =	swait.ge [sflag:s7], $0x50  }
0x10c: {  	[sflag:s7] =	ssyncset.done $0x0  }
0x10d: {  	s23 =	sshrl.u32 s22, $0x3;
	[sflag:s7] =	ssyncadd.s32 $0xFFFFFFB0  }
0x10e: {  	[tilespmem:s28], [sflag:$0x8] =	stream.indirect.gather [hbm4b:s6+s2], $0x80, s16, s2, $0xb8;
	[tilespmem:$0x1F080] =	vst v63  }
0x10f: {  	s24 =	sadd.s32 s25, s23  }
0x110: {  	[tilespmem:s3], [sflag:$0x1] =	stream.linear.gather [hbm4b:s24+s3], $0x50, $0x38;
	[tilespmem:$0x1F080] =	vst v63  }
0x111: {  	s24 =	rddreg [dreg:$0x3]  }
0x112: {  	s23 =	sadd.s32 s24, s23  }
0x113: {  	[tilespmem:s30], [sflag:$0x1] =	stream.linear.gather [hbm4b:s23+s3], $0x50, $0x38;
	[tilespmem:$0x1F080] =	vst v63  }
0x114: {  	_ =	swait.ge [sflag:s29], $0x2800  }
0x115: {  	[sflag:s29] =	ssyncset.done $0x0  }
0x116: {  	[sflag:s29] =	ssyncadd.s32 $0xFFFFD800  }
0x117: {  	_ =	swait.ge [sflag:s4], $0x2800  }
0x118: {  	[sflag:s4] =	ssyncset.done $0x0  }
0x119: {  	[sflag:s4] =	ssyncadd.s32 $0xFFFFD800  }
0x11a: {  	[spmem:s1] =	stream.indirect.scatter.add.f32 [tilespmem:s15], [sflag:$0xB], $0x80, s9, s2, $0xb8;
	[tilespmem:$0x1F080] =	vst v63  }
0x11b: {  	_ =	swait.ge [sflag:s10], $0x50  }
0x11c: {  	p1 =	seq.s32 s21, $0x4B0;
	[sflag:s10] =	ssyncset.done $0x0  }
.Ltmp4:
0x11d: {  	[sflag:s10] =	ssyncadd.s32 $0xFFFFFFB0;
	(pc) =	sbr.rel @p1 .LBB2_8-.Ltmp4, $4  }
0x11e: {  	_ =	swait.ge [sflag:s10], $0x50  }
0x11f: {  	[sflag:s10] =	ssyncset.done $0x0  }
0x120: {  	[sflag:s10] =	ssyncadd.s32 $0xFFFFFFB0  }
0x121: {  	[tilespmem:s26], [sflag:$0x5] =	stream.indirect.gather [hbm4b:s6+s2], $0x80, s3, s2, $0xb8;
	[tilespmem:$0x1F080] =	vst v63  }
0x122: {  	s23 =	rddreg [dreg:$0x12]  }
0x123: {  	s24 =	rddreg [dreg:$0x11];
	s23 =	sadd.s32 s21, s23  }
0x124: {  	[tilespmem:s31], [sflag:$0x2] =	stream.linear.gather [hbm4b:s23+s3], $0x50, $0x38;
	[tilespmem:$0x1F080] =	vst v63  }
0x125: {  	s23 =	sadd.s32 s21, s24  }
0x126: {  	[tilespmem:s0], [sflag:$0x2] =	stream.linear.gather [hbm4b:s23+s3], $0x50, $0x38;
	[tilespmem:$0x1F080] =	vst v63  }
0x127: {  	_ =	swait.ge [sflag:s5], $0x2800  }
0x128: {  	[sflag:s5] =	ssyncset.done $0x0  }
0x129: {  	[sflag:s5] =	ssyncadd.s32 $0xFFFFD800  }
0x12a: {  	_ =	swait.ge [sflag:s20], $0x2800  }
0x12b: {  	[sflag:s20] =	ssyncset.done $0x0  }
0x12c: {  	[sflag:s20] =	ssyncadd.s32 $0xFFFFD800  }
0x12d: {  	[spmem:s1] =	stream.indirect.scatter.add.f32 [tilespmem:s28], [sflag:$0xC], $0x80, s17, s2, $0xb8;
	[tilespmem:$0x1F080] =	vst v63  }
0x12e: {  	_ =	swait.ge [sflag:s11], $0x50  }
0x12f: {  	[sflag:s11] =	ssyncset.done $0x0  }
0x130: {  	[sflag:s11] =	ssyncadd.s32 $0xFFFFFFB0  }
0x131: {  	_ =	swait.ge [sflag:s11], $0x50  }
0x132: {  	[sflag:s11] =	ssyncset.done $0x0  }
0x133: {  	[sflag:s11] =	ssyncadd.s32 $0xFFFFFFB0  }
0x134: {  	[tilespmem:s12], [sflag:$0x6] =	stream.indirect.gather [hbm4b:s6+s2], $0x80, s31, s2, $0xb8;
	[tilespmem:$0x1F080] =	vst v63  }
.Ltmp5:
0x135: {  	s24 =	rddreg [dreg:$0x14];
	(pc) =	sbr.rel .LBB2_6-.Ltmp5, $4  }
0x136: {  	s23 =	sadd.s32 s21, s24;
	s24 =	rddreg [dreg:$0x13]  }
0x137: {  	[tilespmem:s8], [sflag:$0x3] =	stream.linear.gather [hbm4b:s23+s3], $0x50, $0x38;
	[tilespmem:$0x1F080] =	vst v63  }
0x138: {  	s22 =	sadd.s32 $0x140, s22;
	s23 =	sadd.s32 s21, s24;
	s21 =	sadd.s32 $0x28, s21  }
0x139: {  	[tilespmem:s9], [sflag:$0x3] =	stream.linear.gather [hbm4b:s23+s3], $0x50, $0x38;
	[tilespmem:$0x1F080] =	vst v63  }
.LBB2_9:
0x13a: {  	_ =	sfence.sel $0x180000  }
0x13b: {  	[bflag:$0x0] =	sbarrier.arrive $0xFFFF  }
0x13c: {  	_ =	strace $0x9000004D  }
0x13d: {  	s0 =	stileid.u32;
	[bflag:$0x2] =	sbarrier.arrive $0xFFFF  }
0x13e: {  	p0 =	sne.s32 s0, $0x0;
	s0 =	rddreg [dreg:$0x2]  }
0x13f: {  	s0 =	sadd.s32 @!p0 $0x100000, s0  }
0x140: {  	[sflag:s0] =	ssyncadd.tile.s32 @!p0 $0x1;
	_ =	shalt  }
.Lfunc_end2:
_tile_overlayer_lowered:
.L_overlay_start_2:
0x141: {  	(tag) =	ssettag $0x2  }
0x142: {  	s0 =	rddreg [dreg:$0x0];
	s2 =	stileid.u32  }
0x143: {  	s1 =	rddreg [dreg:$0x1];
	p0 =	sne.s32 s2, $0x0  }
0x144: {  	s3 =	rddreg [dreg:$0x2];
	[bflag:$0x3] =	sbarrier.arrive $0xFFFF;
	s2 =	simm.s32 @!p0 $0x1C0D  }
0x145: {  	[timem:s3], [sflag:s2] =	dma.local @!p0 [hbm:s0], s1  }
0x146: {  	s0 =	simm.s32 @!p0 $0xD  }
0x147: {  	_ =	swait.ge @!p0 [sflag:s0], s1  }
0x148: {  	s1 =	ssub.s32 @!p0 $0x0, s1;
	[sflag:s0] =	ssyncset.done @!p0 $0x0  }
0x149: {  	[sflag:s0] =	ssyncadd.s32 @!p0 s1  }
0x14a: {  	[bflag:$0x3] =	sbarrier.arrive $0xFFFF  }
0x14b: {  	_ =	shalt  }

// kernel: kernel.8.cloned.1.call-start
scs
__scs_entry_jumppad:
0x0: {  	(pc) =	sbr.rel $0x88, $3  }
0x1: {  	(tag) =	ssettag $0x0;
	lr =	simm.s32 $0x1  }
0x2: {  	[smem:$0x3F98] =	sst lr;
	_ =	strace $0xD0000000  }
0x3: {  	_ = 	snop  }
0x4: {  	_ = 	snop  }
0x5: {  	_ = 	snop  }
0x6: {  	_ = 	snop  }
0x7: {  	_ = 	snop  }
__scs_overlays_trampoline_lowered:
0x8: {  	[smem:$0x3FA7] =	sst s0  }
0x9: {  	[smem:$0x3FA8] =	sst s1  }
0xa: {  	[smem:$0x3FA9] =	sst s2  }
0xb: {  	[smem:$0x3FAA] =	sst s3  }
0xc: {  	[smem:$0x3FAB] =	sst s4  }
0xd: {  	[smem:$0x3FAC] =	sst s5  }
0xe: {  	[smem:$0x3FAD] =	sst s6  }
0xf: {  	[smem:$0x3FAE] =	sst s7  }
0x10: {  	[smem:$0x3FAF] =	sst s8  }
0x11: {  	[smem:$0x3FB0] =	sst s9;
	s0 =	simm.s32 @!p0 $0x0  }
0x12: {  	s1 =	sld [smem:$0x3F96];
	s0 =	simm.s32 @p0 $0x1  }
0x13: {  	[smem:$0x3FB1] =	sst s0;
	s0 =	simm.s32 @!p1 $0x0  }
0x14: {  	s2 =	sld [smem:$0x3F95];
	s0 =	simm.s32 @p1 $0x1  }
0x15: {  	[smem:$0x3FB2] =	sst s0;
	s0 =	simm.s32 @!p2 $0x0  }
0x16: {  	s3 =	sld [smem:$0x3FDB];
	s0 =	simm.s32 @p2 $0x1  }
0x17: {  	s4 =	simm.s32 $0x1BF5;
	[smem:$0x3FB4] =	sst s0  }
0x18: {  	s0 =	sld [smem:$0x3F97];
	_ =	swait.ge [sflag:s4], $0x0  }
0x19: {  	s7 =	sld [smem:$0x3F98]  }
0x1a: {  	s8 =	sadd.s32 $0xFFFFE003, lr  }
0x1b: {  	s9 =	sadd.s32 $0xFFFFFEF7, lr;
	s5 =	simm.s32 $0xFFFFFFFF;
	p2 =	slt.u32 s8, $0xFFFFF086  }
0x1c: {  	p1 =	slt.u32 s9, $0xF7A;
	s5 =	simm.s32 @!p2 $0x0  }
0x1d: {  	s5 =	simm.s32 @p1 $0x1;
	p0 =	seq.s32 s7, s2  }
0x1e: {  	s7 =	smul.u32 @!p0 $0xF7A, s2;
	p2 =	seq.s32 @!p0 s5, $0x0  }
0x1f: {  	s9 =	smul.u32 $0xF7A, s1;
	s8 =	simm.s32 @!p0 $0x1BF5;
	p2 =	por !p2, p0  }
0x20: {  	[sflag:s8] =	ssyncset.s32 @!p0 $0xFFFFF086;
	s6 =	sadd.s32 @!p0 s3, s7;
	s7 =	simm.s32 @!p0 $0x108  }
0x21: {  	s3 =	sadd.s32 s3, s9;
	s6 =	sadd.s32 @!p0 $0x88, s6;
	s7 =	simm.s32 @p2 $0x1082  }
0x22: {  	[simem:s7], [sflag:s8] =	dma.local @!p0 [hbm:s6], $0xF7A  }
0x23: {  	s9 =	sor.u32 $0xD0000000, s2;
	s6 =	simm.s32 $0x108;
	_ =	swait.ge @!p0 [sflag:s8], $0x0  }
0x24: {  	s3 =	sadd.s32 $0x88, s3;
	s6 =	simm.s32 @!p1 $0x1082;
	[sflag:s4] =	ssyncset.s32 $0xFFFFF086  }
0x25: {  	[simem:s6], [sflag:s4] =	dma.local [hbm:s3], $0xF7A  }
0x26: {  	[smem:$0x3F98] =	sst s1;
	(tag) =	ssettag s2;
	_ =	strace s9  }
0x27: {  	s1 =	sld [smem:$0x3FA8]  }
0x28: {  	s2 =	sld [smem:$0x3FA9]  }
0x29: {  	s4 =	sld [smem:$0x3FAB]  }
0x2a: {  	p0 =	seq.s32 s5, $0x0;
	s5 =	sld [smem:$0x3FAC]  }
0x2b: {  	s6 =	sld [smem:$0x3FAD]  }
0x2c: {  	s7 =	sld [smem:$0x3FAE]  }
0x2d: {  	s3 =	simm.s32 $0x108;
	s8 =	sld [smem:$0x3FAF]  }
0x2e: {  	s3 =	simm.s32 @!p0 $0x1082;
	s9 =	sld [smem:$0x3FB0]  }
0x2f: {  	lr =	sadd.s32 s0, s3;
	s0 =	sld [smem:$0x3FA7]  }
0x30: {  	s3 =	sld [smem:$0x3FAA]  }
0x31: {  	[smem:$0x3FB3] =	sst s10  }
0x32: {  	s10 =	sld [smem:$0x3FB1];
	_ =	sdelay $0x3  }
0x33: {  	p0 =	seq.s32 s10, $0x1;
	s10 =	sld [smem:$0x3FB3];
	_ =	sdelay $0x3  }
0x34: {  	[smem:$0x3FB3] =	sst s10  }
0x35: {  	s10 =	sld [smem:$0x3FB2];
	_ =	sdelay $0x3  }
0x36: {  	p1 =	seq.s32 s10, $0x1;
	s10 =	sld [smem:$0x3FB3];
	_ =	sdelay $0x3  }
0x37: {  	[smem:$0x3FB3] =	sst s10  }
0x38: {  	s10 =	sld [smem:$0x3FB4]  }
0x39: {  	_ = 	snop;
	(pc) =	sbr.ind lr, $3  }
0x3a: {  	_ = 	snop  }
0x3b: {  	_ = 	snop  }
0x3c: {  	p2 =	seq.s32 s10, $0x1;
	s10 =	sld [smem:$0x3FB3]  }
0x3d: {  	_ =	shalt  }
0x3e: {  	_ =	shalt  }
0x3f: {  	_ =	shalt  }
0x40: {  	_ =	shalt  }
0x41: {  	_ =	shalt  }
0x42: {  	_ =	shalt  }
0x43: {  	_ =	shalt  }
0x44: {  	_ =	shalt  }
0x45: {  	_ =	shalt  }
0x46: {  	_ =	shalt  }
0x47: {  	_ =	shalt  }
0x48: {  	_ =	shalt  }
0x49: {  	_ =	shalt  }
0x4a: {  	_ =	shalt  }
0x4b: {  	_ =	shalt  }
0x4c: {  	_ =	shalt  }
0x4d: {  	_ =	shalt  }
0x4e: {  	_ =	shalt  }
0x4f: {  	_ =	shalt  }
0x50: {  	_ =	shalt  }
0x51: {  	_ =	shalt  }
0x52: {  	_ =	shalt  }
0x53: {  	_ =	shalt  }
0x54: {  	_ =	shalt  }
0x55: {  	_ =	shalt  }
0x56: {  	_ =	shalt  }
0x57: {  	_ =	shalt  }
0x58: {  	_ =	shalt  }
0x59: {  	_ =	shalt  }
0x5a: {  	_ =	shalt  }
0x5b: {  	_ =	shalt  }
0x5c: {  	_ =	shalt  }
0x5d: {  	_ =	shalt  }
0x5e: {  	_ =	shalt  }
0x5f: {  	_ =	shalt  }
0x60: {  	_ =	shalt  }
0x61: {  	_ =	shalt  }
0x62: {  	_ =	shalt  }
0x63: {  	_ =	shalt  }
0x64: {  	_ =	shalt  }
0x65: {  	_ =	shalt  }
0x66: {  	_ =	shalt  }
0x67: {  	_ =	shalt  }
0x68: {  	_ =	shalt  }
0x69: {  	_ =	shalt  }
0x6a: {  	_ =	shalt  }
0x6b: {  	_ =	shalt  }
0x6c: {  	_ =	shalt  }
0x6d: {  	_ =	shalt  }
0x6e: {  	_ =	shalt  }
0x6f: {  	_ =	shalt  }
0x70: {  	_ =	shalt  }
0x71: {  	_ =	shalt  }
0x72: {  	_ =	shalt  }
0x73: {  	_ =	shalt  }
0x74: {  	_ =	shalt  }
0x75: {  	_ =	shalt  }
0x76: {  	_ =	shalt  }
0x77: {  	_ =	shalt  }
0x78: {  	_ =	shalt  }
0x79: {  	_ =	shalt  }
0x7a: {  	_ =	shalt  }
0x7b: {  	_ =	shalt  }
0x7c: {  	_ =	shalt  }
0x7d: {  	_ =	shalt  }
0x7e: {  	_ =	shalt  }
0x7f: {  	_ =	shalt  }
0x80: {  	_ =	shalt  }
0x81: {  	_ =	shalt  }
0x82: {  	_ =	shalt  }
0x83: {  	_ =	shalt  }
0x84: {  	_ =	shalt  }
0x85: {  	_ =	shalt  }
0x86: {  	_ =	shalt  }
0x87: {  	_ =	shalt  }
.Lfunc_end0:
.L_simem_size_0:
called_computation_lowered:
.L_overlay_start_0:
0x88: {  	s2 =	sld [smem:$0x3FD9]  }
0x89: {  	s3 =	sld [smem:$0x3FFE];
	_ =	sdelay $0x1  }
0x8a: {  	s1 =	srdreg.scid  }
0x8b: {  	s0 =	sand.u32 $0x1, s1  }
0x8c: {  	s16 =	sshll.u32 s0, $0xA;
	s2 =	sadd.s32 s3, s2  }
0x8d: {  	s2 =	sadd.s32 s2, s16  }
0x8e: {  	[smem:$0x3FBF] =	sst s2  }
0x8f: {  	_ = 	snop  }
0x90: {  	(tm) =	ssettm $0x1  }
0x91: {  	s17 =	sld [smem:$0x3FFB];
	_ =	sdelay $0x3  }
0x92: {  	_ =	strace s17  }
0x93: {  	s2 =	sld [smem:$0x3FFC];
	_ =	sdelay $0x3  }
0x94: {  	_ =	strace s2  }
0x95: {  	s2 =	sld [smem:$0x3FFD];
	_ =	sdelay $0x3  }
0x96: {  	_ =	strace s2  }
0x97: {  	_ =	strace $0x8FFFFFFF  }
0x98: {  	s18 =	sld [smem:$0x3FDB];
	_ =	sdelay $0x1  }
0x99: {  	s19 =	simm.s32 $_scs_section_size  }
0x9a: {  	s4 =	simm.s32 $_size__tile_overlayer_lowered;
	s5 =	simm.s32 $_tile_overlayer_lowered  }
0x9b: {  	s22 =	simm.s32 $0x1BFF;
	s21 =	sshll.u32 s5, $0x1;
	s2 =	sadd.s32 s19, s18  }
0x9c: {  	s6 =	simm.s32 $0x0;
	s20 =	sshll.u32 s4, $0x1;
	s4 =	sadd.s32 s21, s2  }
0x9d: {  	[timem:s6], [sflag:s22] =	dma.local [hbm:s4], s20  }
0x9e: {  	_ =	swait.ge [sflag:s22], s20  }
0x9f: {  	s3 =	ssub.s32 $0x0, s20;
	[sflag:s22] =	ssyncset.done $0x0  }
0xa0: {  	[sflag:s22] =	ssyncadd.s32 s3;
	_ =	sdelay $0x1  }
0xa1: {  	s23 =	simm.s32 $0x1B8B  }
0xa2: {  	_ =	swait.ge [sflag:s23], $0x1  }
0xa3: {  	[sflag:s23] =	ssyncset.done $0x0  }
0xa4: {  	s25 =	simm.s32 $0x1B8E;
	s24 =	sld [smem:$0x3FFE];
	[sflag:s23] =	ssyncadd.s32 $0xFFFFFFFF  }
0xa5: {  	s26 =	simm.s32 $execute0_lowered;
	[smem:$0x3FD2] =	sst s25  }
0xa6: {  	s4 =	sshll.u32 s26, $0x1;
	_ =	strace $0x80000046;
	[dreg:$0x1] =	wrdreg $0xFFFFFFFF  }
0xa7: {  	s28 =	simm.s32 $_size_execute0_lowered;
	s2 =	sadd.s32 s2, s4;
	[dreg:$0x0] =	wrdreg $0x0  }
0xa8: {  	s4 =	sshll.u32 s28, $0x1;
	[dreg:$0x2] =	wrdreg s2  }
0xa9: {  	[dreg:$0x3] =	wrdreg s4  }
0xaa: {  	[dreg:$0x4] =	wrdreg $0xC0  }
0xab: {  	_ =	task [dreg:s6], $0x5FFFF  }
0xac: {  	[dreg:$0x1] =	wrdreg $0xFFFFFFFF  }
0xad: {  	[dreg:$0x0] =	wrdreg $0x60  }
0xae: {  	[dreg:$0x2] =	wrdreg s24  }
0xaf: {  	[dreg:$0x3] =	wrdreg $0x3E000  }
0xb0: {  	[dreg:$0x4] =	wrdreg $0x9  }
0xb1: {  	_ =	task.clear_ibuf [dreg:s6], $0x5FFFF;
	_ =	strace $0x90000046  }
0xb2: {  	s29 =	simm.s32 $0x9;
	_ =	strace $0x80000048  }
0xb3: {  	_ =	swait.ge [sflag:s29], $0x1  }
0xb4: {  	[sflag:s29] =	ssyncadd.s32 $0xFFFFFFFF  }
0xb5: {  	_ =	strace $0x90000048  }
0xb6: {  	_ =	sfence  }
0xb7: {  	s30 =	sld [smem:$0x0];
	_ =	sdelay $0x2  }
0xb8: {  	s31 =	sshll.u32 s1, $0xD;
	s1 =	sshrl.u32 s1, $0x2  }
0xb9: {  	s3 =	sand.u32 $0x4000, s31;
	s1 =	sadd.s32 s1, s30  }
0xba: {  	s0 =	sor.u32 s3, s0;
	s1 =	sshll.u32 s1, $0x11  }
0xbb: {  	s0 =	sor.u32 s1, s0  }
0xbc: {  	s0 =	sadd.s32 $0x8F2B, s0  }
0xbd: {  	[sflag:s0] =	ssyncadd.remote.s32 $0x1  }
0xbe: {  	_ =	sfence.sel $0xFFFF  }
0xbf: {  	[dreg:$0x0] =	wrdreg $0xFFFFFFFF;
	(pc) =	sbr.abs _section_cstart, $3  }
0xc0: {  	[dreg:$0x1] =	wrdreg $0xFFFFFFFF  }
0xc1: {  	_ =	task.clear_ibuf [dreg:s6], $0x2FFFF;
	_ =	strace $0x9FFFFFFF  }
0xc2: {  	(tm) =	ssettm $0x7FFFFFFF  }
0xc3: {  	_ =	shalt  }
tec
execute0_lowered:
.L_overlay_start_1:
0x0: {  	(tag) =	ssettag $0x1  }
0x1: {  	s0 =	rddreg [dreg:$0x0]  }
0x2: {  	s1 =	srdreg.scid;
	s10 =	stileid.u32  }
0x3: {  	s2 =	rddreg [dreg:$0x1];
	s4 =	smul.u32 $0x3E80, s10  }
0x4: {  	s3 =	simm.s32 $0x0;
	s1 =	sand.u32 $0x1, s1;
	s6 =	smul.u32 $0x7D000, s10  }
0x5: {  	s28 =	simm.s32 $0x200;
	s29 =	simm.s32 $0x180;
	s5 =	smul.u32 $0x27100, s1  }
0x6: {  	s30 =	simm.s32 $0x2;
	s31 =	simm.s32 $0x5;
	s7 =	sadd.s32 $0x3000, s0  }
0x7: {  	s8 =	ssub.s32 $0x2, s1;
	s6 =	sshrl.u32 s6, $0x2;
	s4 =	sadd.s32 s4, s5  }
0x8: {  	s9 =	sshrl.u32 s8, $0x1;
	s0 =	sadd.s32 s4, s0;
	s4 =	sadd.s32 s6, s2  }
0x9: {  	[smem:$0x7FF] =	sst s3;
	s6 =	ssub.s32 s8, s9;
	s9 =	sadd.s32 $0x1400, s4  }
0xa: {  	_ =	strace $0x80000047;
	s11 =	sadd.s32 $0x2800, s4;
	[dreg:$0x3] =	wrdreg s9  }
0xb: {  	s16 =	smul.u32 $0x2710, s10;
	s12 =	sadd.s32 $0x3C00, s4;
	[dreg:$0x4] =	wrdreg s11  }
0xc: {  	p0 =	sgt.u32 s10, $0x9;
	s13 =	sadd.s32 $0x5000, s4;
	[dreg:$0x5] =	wrdreg s12  }
0xd: {  	s1 =	sshll.u32 s1, $0x4;
	s14 =	sadd.s32 $0x6400, s4;
	[dreg:$0x6] =	wrdreg s13  }
0xe: {  	s1 =	sor.u32 s10, s1;
	s15 =	sadd.s32 $0x7800, s4;
	[dreg:$0x7] =	wrdreg s14  }
0xf: {  	s1 =	smul.u32 $0x2710, s1;
	s17 =	sadd.s32 $0x8C00, s4;
	[dreg:$0x8] =	wrdreg s15  }
0x10: {  	s5 =	sadd.s32 s16, s5;
	s18 =	sadd.s32 $0xA000, s4;
	[dreg:$0x9] =	wrdreg s17  }
0x11: {  	s22 =	sadd.s32 $0x320, s5;
	s19 =	sadd.s32 $0xB400, s4;
	[dreg:$0xa] =	wrdreg s18  }
0x12: {  	s25 =	sadd.s32 $0x2D0, s5;
	s20 =	sadd.s32 $0xC800, s4;
	[dreg:$0xb] =	wrdreg s19  }
0x13: {  	s26 =	sadd.s32 $0x280, s5;
	s21 =	sadd.s32 $0xDC00, s4;
	[dreg:$0xc] =	wrdreg s20  }
0x14: {  	s5 =	sadd.s32 $0x230, s5;
	s23 =	sadd.s32 $0xF000, s4;
	[dreg:$0xd] =	wrdreg s21  }
0x15: {  	s1 =	sshrl.u32 s1, $0x3;
	s24 =	sadd.s32 $0x10400, s4;
	[dreg:$0xe] =	wrdreg s23  }
0x16: {  	s8 =	sshrl.u32 s22, $0x3;
	s0 =	sadd.s32 $0x16C00, s0;
	[dreg:$0xf] =	wrdreg s24  }
0x17: {  	s5 =	sshrl.u32 s5, $0x3;
	s10 =	sadd.s32 $0x12C00, s4;
	[dreg:$0x11] =	wrdreg s0  }
0x18: {  	s16 =	sadd.s32 $0x1A400, s4;
	s18 =	sadd.s32 s7, s1;
	[dreg:$0x13] =	wrdreg s10  }
0x19: {  	s19 =	sadd.s32 s8, s7;
	s9 =	smax.u32 s6, $0x1;
	[dreg:$0x19] =	wrdreg s16  }
0x1a: {  	s1 =	sshrl.u32 s25, $0x3;
	s11 =	sadd.s32 $0x14000, s4;
	[dreg:$0x12] =	wrdreg s9  }
0x1b: {  	s8 =	sshrl.u32 s26, $0x3;
	s12 =	sadd.s32 $0x15400, s4;
	[dreg:$0x14] =	wrdreg s11  }
0x1c: {  	s22 =	sadd.s32 s5, s7;
	s13 =	sadd.s32 $0x16800, s4;
	[dreg:$0x15] =	wrdreg s12  }
0x1d: {  	s14 =	sadd.s32 $0x17C00, s4;
	s15 =	sadd.s32 $0x19000, s4;
	[dreg:$0x16] =	wrdreg s13  }
0x1e: {  	s17 =	sadd.s32 $0x1B800, s4;
	s23 =	sadd.s32 $0x1CC00, s4;
	[dreg:$0x17] =	wrdreg s14  }
0x1f: {  	s24 =	sadd.s32 $0x1E000, s4;
	s16 =	simm.s32 $0x9;
	[dreg:$0x18] =	wrdreg s15  }
0x20: {  	s0 =	simm.s32 $0x100;
	s5 =	simm.s32 $0x6;
	[dreg:$0x1a] =	wrdreg s17  }
0x21: {  	s6 =	simm.s32 $0x4;
	s20 =	sadd.s32 s1, s7;
	[dreg:$0x1b] =	wrdreg s23  }
0x22: {  	s21 =	sadd.s32 s8, s7;
	s8 =	sadd.s32 $0x11800, s4;
	[dreg:$0x1c] =	wrdreg s24  }
0x23: {  	s25 =	sadd.s32 $0xA, s18;
	s26 =	sadd.s32 $0x14, s18;
	s11 =	sadd.s32 $0x1E, s18  }
.Ltmp0:
0x24: {  	s12 =	sadd.s32 $0x28, s18;
	s13 =	sadd.s32 $0x32, s18;
	(pc) =	sbr.rel .LBB2_1-.Ltmp0, $4  }
0x25: {  	s14 =	sadd.s32 $0x3C, s18;
	s15 =	simm.s32 $0x2A00;
	s17 =	simm.s32 $0x80  }
0x26: {  	s23 =	simm.s32 $0x1;
	s1 =	simm.s32 $0x3;
	[dreg:$0x10] =	wrdreg s8  }
0x27: {  	s7 =	simm.s32 $0x7;
	s24 =	simm.s32 $0x0;
	[dreg:$0x1d] =	wrdreg s25  }
0x28: {  	v0 =	vimm.f32 $1.000000000e+00;
	v1 =	vimm.f32 $0.0e+00;
	[dreg:$0x1e] =	wrdreg s26;
	s26 =	simm.s32 $0x50;
	s8 =	simm.s32 $0x8  }
.LBB2_10:
0x29: {  	_ =	swait.ge [sflag:s6], $0x50  }
0x2a: {  	[sflag:s6] =	ssyncset.done $0x0  }
0x2b: {  	[sflag:s6] =	ssyncadd.s32 $0xFFFFFFB0  }
0x2c: {  	_ =	swait.ge [sflag:s7], $0x2800  }
0x2d: {  	[sflag:s7] =	ssyncset.done $0x0  }
0x2e: {  	[sflag:s7] =	ssyncadd.s32 $0xFFFFD800  }
0x2f: {  	[spmem:s2] =	stream.indirect.scatter.add.f32 [tilespmem:s28], [sflag:$0x8], $0x80, s29, s26, $0xb8;
	[tilespmem:$0x17680] =	vst v63  }
0x30: {  	_ =	swait.ge [sflag:s23], $0x50  }
0x31: {  	[sflag:s23] =	ssyncset.done $0x0  }
0x32: {  	[sflag:s23] =	ssyncadd.s32 $0xFFFFFFB0  }
0x33: {  	_ =	swait.ge [sflag:s8], $0x2800  }
0x34: {  	[sflag:s8] =	ssyncset.done $0x0  }
0x35: {  	[sflag:s8] =	ssyncadd.s32 $0xFFFFD800  }
0x36: {  	[spmem:s2] =	stream.indirect.scatter.add.f32 [tilespmem:s28], [sflag:$0x5], $0x80, s3, s26, $0xb8;
	[tilespmem:$0x17680] =	vst v63  }
0x37: {  	_ =	swait.ge [sflag:s31], $0x2800  }
0x38: {  	[sflag:s31] =	ssyncset.done $0x0  }
0x39: {  	s9 =	stileid.u32;
	[sflag:s31] =	ssyncadd.s32 $0xFFFFD800  }
0x3a: {  	s9 =	sshll.u32 @!p0 s9, $0x6;
	[bflag:$0x0] =	sbarrier.arrive $0xFFFF  }
0x3b: {  	s25 =	sshrl.u32 @!p0 s4, $0x3;
	s9 =	sor.u32 @!p0 $0x1C09, s9;
	s10 =	rddreg [dreg:$0x11]  }
0x3c: {  	[hbm:s10], [sflag:s9] =	dma.local @!p0 [spmem:s25], $0x3E80  }
0x3d: {  	s9 =	simm.s32 @!p0 $0x9  }
0x3e: {  	_ =	swait.ge @!p0 [sflag:s9], $0x3E80  }
0x3f: {  	s24 =	sadd.s32 $0x1, s24;
	s25 =	rddreg [dreg:$0x12]  }
0x40: {  	p1 =	sne.s32 s24, s25  }
.Ltmp1:
0x41: {  	_ = 	snop;
	(pc) =	sbr.rel @!p1 .LBB2_11-.Ltmp1, $3  }
0x42: {  	_ =	sdelay $0x1  }
0x43: {  	[sflag:s9] =	ssyncset.done @!p0 $0x0  }
0x44: {  	[sflag:s9] =	ssyncadd.s32 @!p0 $0xFFFFC180  }
.LBB2_1:
0x45: {  	s25 =	simm.s32 $0x0;
	s9 =	simm.s32 $0x200  }
.LBB2_2:
0x46: {  	p1 =	sne.s32 s9, $0x9E00;
	[tilespmem:s25+$0x270] =	vst v0  }
0x47: {  	[tilespmem:s25+$0x200] =	vst v0  }
0x48: {  	[tilespmem:s25+$0x210] =	vst v0  }
.Ltmp2:
0x49: {  	[tilespmem:s25+$0x220] =	vst v0;
	(pc) =	sbr.rel @p1 .LBB2_2-.Ltmp2, $4  }
0x4a: {  	[tilespmem:s25+$0x230] =	vst v0  }
0x4b: {  	[tilespmem:s25+$0x240] =	vst v0  }
0x4c: {  	[tilespmem:s25+$0x250] =	vst v0  }
0x4d: {  	[tilespmem:s25+$0x260] =	vst v0;
	s25 =	sshra.s32 s9, $0x2;
	s9 =	sadd.s32 $0x200, s9  }
0x4e: {  	[tilespmem:s25+$0x270] =	vst v0  }
0x4f: {  	[tilespmem:s25+$0x200] =	vst v0  }
0x50: {  	[tilespmem:s25+$0x210] =	vst v0  }
0x51: {  	[tilespmem:s25+$0x220] =	vst v0  }
0x52: {  	[tilespmem:s25+$0x230] =	vst v0  }
0x53: {  	[tilespmem:s25+$0x240] =	vst v0  }
0x54: {  	[tilespmem:s25+$0x250] =	vst v0  }
0x55: {  	[tilespmem:s25+$0x260] =	vst v0;
	s25 =	simm.s32 $0x0;
	s9 =	simm.s32 $0x200  }
.LBB2_4:
0x56: {  	p1 =	sne.s32 s9, $0x4E00;
	[tilespmem:s25+$0x2A70] =	vst v1  }
0x57: {  	[tilespmem:s25+$0x2A00] =	vst v1  }
0x58: {  	[tilespmem:s25+$0x2A10] =	vst v1  }
.Ltmp3:
0x59: {  	[tilespmem:s25+$0x2A20] =	vst v1;
	(pc) =	sbr.rel @p1 .LBB2_4-.Ltmp3, $4  }
0x5a: {  	[tilespmem:s25+$0x2A30] =	vst v1  }
0x5b: {  	[tilespmem:s25+$0x2A40] =	vst v1  }
0x5c: {  	[tilespmem:s25+$0x2A50] =	vst v1  }
0x5d: {  	[tilespmem:s25+$0x2A60] =	vst v1;
	s25 =	sshra.s32 s9, $0x2;
	s9 =	sadd.s32 $0x200, s9  }
0x5e: {  	[tilespmem:s25+$0x2A70] =	vst v1  }
0x5f: {  	[tilespmem:s25+$0x2A00] =	vst v1  }
0x60: {  	[tilespmem:s25+$0x2A10] =	vst v1  }
.Ltmp4:
0x61: {  	[tilespmem:s25+$0x2A20] =	vst v1;
	(pc) =	sbr.rel @p0 .LBB2_7-.Ltmp4, $4  }
0x62: {  	[tilespmem:s25+$0x2A30] =	vst v1  }
0x63: {  	[tilespmem:s25+$0x2A40] =	vst v1  }
0x64: {  	[tilespmem:s25+$0x2A50] =	vst v1  }
0x65: {  	[tilespmem:s25+$0x2A60] =	vst v1  }
0x66: {  	[spmem:s4] =	stream.linear.scatter [tilespmem:s15], [sflag:$0x9], $0x1400, $0x38;
	[tilespmem:$0x17680] =	vst v63  }
0x67: {  	_ =	swait.ge [sflag:s16], $0x1400  }
0x68: {  	[sflag:s16] =	ssyncset.done $0x0  }
0x69: {  	s9 =	rddreg [dreg:$0x3];
	[sflag:s16] =	ssyncadd.s32 $0xFFFFEC00  }
0x6a: {  	[spmem:s9] =	stream.linear.scatter [tilespmem:s15], [sflag:$0x9], $0x1400, $0x38;
	[tilespmem:$0x17680] =	vst v63  }
0x6b: {  	_ =	swait.ge [sflag:s16], $0x1400  }
0x6c: {  	[sflag:s16] =	ssyncset.done $0x0  }
0x6d: {  	s25 =	rddreg [dreg:$0x4];
	[sflag:s16] =	ssyncadd.s32 $0xFFFFEC00  }
0x6e: {  	[spmem:s25] =	stream.linear.scatter [tilespmem:s15], [sflag:$0x9], $0x1400, $0x38;
	[tilespmem:$0x17680] =	vst v63  }
0x6f: {  	_ =	swait.ge [sflag:s16], $0x1400  }
0x70: {  	[sflag:s16] =	ssyncset.done $0x0  }
0x71: {  	s10 =	rddreg [dreg:$0x5];
	[sflag:s16] =	ssyncadd.s32 $0xFFFFEC00  }
0x72: {  	[spmem:s10] =	stream.linear.scatter [tilespmem:s15], [sflag:$0x9], $0x1400, $0x38;
	[tilespmem:$0x17680] =	vst v63  }
0x73: {  	_ =	swait.ge [sflag:s16], $0x1400  }
0x74: {  	[sflag:s16] =	ssyncset.done $0x0  }
0x75: {  	s25 =	rddreg [dreg:$0x6];
	[sflag:s16] =	ssyncadd.s32 $0xFFFFEC00  }
0x76: {  	[spmem:s25] =	stream.linear.scatter [tilespmem:s15], [sflag:$0x9], $0x1400, $0x38;
	[tilespmem:$0x17680] =	vst v63  }
0x77: {  	_ =	swait.ge [sflag:s16], $0x1400  }
0x78: {  	[sflag:s16] =	ssyncset.done $0x0  }
0x79: {  	s10 =	rddreg [dreg:$0x7];
	[sflag:s16] =	ssyncadd.s32 $0xFFFFEC00  }
0x7a: {  	[spmem:s10] =	stream.linear.scatter [tilespmem:s15], [sflag:$0x9], $0x1400, $0x38;
	[tilespmem:$0x17680] =	vst v63  }
0x7b: {  	_ =	swait.ge [sflag:s16], $0x1400  }
0x7c: {  	[sflag:s16] =	ssyncset.done $0x0  }
0x7d: {  	s25 =	rddreg [dreg:$0x8];
	[sflag:s16] =	ssyncadd.s32 $0xFFFFEC00  }
0x7e: {  	[spmem:s25] =	stream.linear.scatter [tilespmem:s15], [sflag:$0x9], $0x1400, $0x38;
	[tilespmem:$0x17680] =	vst v63  }
0x7f: {  	_ =	swait.ge [sflag:s16], $0x1400  }
0x80: {  	[sflag:s16] =	ssyncset.done $0x0  }
0x81: {  	s10 =	rddreg [dreg:$0x9];
	[sflag:s16] =	ssyncadd.s32 $0xFFFFEC00  }
0x82: {  	[spmem:s10] =	stream.linear.scatter [tilespmem:s15], [sflag:$0x9], $0x1400, $0x38;
	[tilespmem:$0x17680] =	vst v63  }
0x83: {  	_ =	swait.ge [sflag:s16], $0x1400  }
0x84: {  	[sflag:s16] =	ssyncset.done $0x0  }
0x85: {  	s25 =	rddreg [dreg:$0xa];
	[sflag:s16] =	ssyncadd.s32 $0xFFFFEC00  }
0x86: {  	[spmem:s25] =	stream.linear.scatter [tilespmem:s15], [sflag:$0x9], $0x1400, $0x38;
	[tilespmem:$0x17680] =	vst v63  }
0x87: {  	_ =	swait.ge [sflag:s16], $0x1400  }
0x88: {  	[sflag:s16] =	ssyncset.done $0x0  }
0x89: {  	s10 =	rddreg [dreg:$0xb];
	[sflag:s16] =	ssyncadd.s32 $0xFFFFEC00  }
0x8a: {  	[spmem:s10] =	stream.linear.scatter [tilespmem:s15], [sflag:$0x9], $0x1400, $0x38;
	[tilespmem:$0x17680] =	vst v63  }
0x8b: {  	_ =	swait.ge [sflag:s16], $0x1400  }
0x8c: {  	[sflag:s16] =	ssyncset.done $0x0  }
0x8d: {  	s25 =	rddreg [dreg:$0xc];
	[sflag:s16] =	ssyncadd.s32 $0xFFFFEC00  }
0x8e: {  	[spmem:s25] =	stream.linear.scatter [tilespmem:s15], [sflag:$0x9], $0x1400, $0x38;
	[tilespmem:$0x17680] =	vst v63  }
0x8f: {  	_ =	swait.ge [sflag:s16], $0x1400  }
0x90: {  	[sflag:s16] =	ssyncset.done $0x0  }
0x91: {  	s10 =	rddreg [dreg:$0xd];
	[sflag:s16] =	ssyncadd.s32 $0xFFFFEC00  }
0x92: {  	[spmem:s10] =	stream.linear.scatter [tilespmem:s15], [sflag:$0x9], $0x1400, $0x38;
	[tilespmem:$0x17680] =	vst v63  }
0x93: {  	_ =	swait.ge [sflag:s16], $0x1400  }
0x94: {  	[sflag:s16] =	ssyncset.done $0x0  }
0x95: {  	s25 =	rddreg [dreg:$0xe];
	[sflag:s16] =	ssyncadd.s32 $0xFFFFEC00  }
0x96: {  	[spmem:s25] =	stream.linear.scatter [tilespmem:s15], [sflag:$0x9], $0x1400, $0x38;
	[tilespmem:$0x17680] =	vst v63  }
0x97: {  	_ =	swait.ge [sflag:s16], $0x1400  }
0x98: {  	[sflag:s16] =	ssyncset.done $0x0  }
0x99: {  	s10 =	rddreg [dreg:$0xf];
	[sflag:s16] =	ssyncadd.s32 $0xFFFFEC00  }
0x9a: {  	[spmem:s10] =	stream.linear.scatter [tilespmem:s15], [sflag:$0x9], $0x1400, $0x38;
	[tilespmem:$0x17680] =	vst v63  }
0x9b: {  	_ =	swait.ge [sflag:s16], $0x1400  }
0x9c: {  	[sflag:s16] =	ssyncset.done $0x0  }
0x9d: {  	s25 =	rddreg [dreg:$0x10];
	[sflag:s16] =	ssyncadd.s32 $0xFFFFEC00  }
0x9e: {  	[spmem:s25] =	stream.linear.scatter [tilespmem:s15], [sflag:$0x9], $0x1400, $0x38;
	[tilespmem:$0x17680] =	vst v63  }
0x9f: {  	_ =	swait.ge [sflag:s16], $0x1400  }
0xa0: {  	[sflag:s16] =	ssyncset.done $0x0  }
0xa1: {  	s10 =	rddreg [dreg:$0x13];
	[sflag:s16] =	ssyncadd.s32 $0xFFFFEC00  }
0xa2: {  	[spmem:s10] =	stream.linear.scatter [tilespmem:s15], [sflag:$0x9], $0x1400, $0x38;
	[tilespmem:$0x17680] =	vst v63  }
0xa3: {  	_ =	swait.ge [sflag:s16], $0x1400  }
0xa4: {  	[sflag:s16] =	ssyncset.done $0x0  }
0xa5: {  	s25 =	rddreg [dreg:$0x14];
	[sflag:s16] =	ssyncadd.s32 $0xFFFFEC00  }
0xa6: {  	[spmem:s25] =	stream.linear.scatter [tilespmem:s15], [sflag:$0x9], $0x1400, $0x38;
	[tilespmem:$0x17680] =	vst v63  }
0xa7: {  	_ =	swait.ge [sflag:s16], $0x1400  }
0xa8: {  	[sflag:s16] =	ssyncset.done $0x0  }
0xa9: {  	s10 =	rddreg [dreg:$0x15];
	[sflag:s16] =	ssyncadd.s32 $0xFFFFEC00  }
0xaa: {  	[spmem:s10] =	stream.linear.scatter [tilespmem:s15], [sflag:$0x9], $0x1400, $0x38;
	[tilespmem:$0x17680] =	vst v63  }
0xab: {  	_ =	swait.ge [sflag:s16], $0x1400  }
0xac: {  	[sflag:s16] =	ssyncset.done $0x0  }
0xad: {  	s25 =	rddreg [dreg:$0x16];
	[sflag:s16] =	ssyncadd.s32 $0xFFFFEC00  }
0xae: {  	[spmem:s25] =	stream.linear.scatter [tilespmem:s15], [sflag:$0x9], $0x1400, $0x38;
	[tilespmem:$0x17680] =	vst v63  }
0xaf: {  	_ =	swait.ge [sflag:s16], $0x1400  }
0xb0: {  	[sflag:s16] =	ssyncset.done $0x0  }
0xb1: {  	s10 =	rddreg [dreg:$0x17];
	[sflag:s16] =	ssyncadd.s32 $0xFFFFEC00  }
0xb2: {  	[spmem:s10] =	stream.linear.scatter [tilespmem:s15], [sflag:$0x9], $0x1400, $0x38;
	[tilespmem:$0x17680] =	vst v63  }
0xb3: {  	_ =	swait.ge [sflag:s16], $0x1400  }
0xb4: {  	[sflag:s16] =	ssyncset.done $0x0  }
0xb5: {  	s25 =	rddreg [dreg:$0x18];
	[sflag:s16] =	ssyncadd.s32 $0xFFFFEC00  }
0xb6: {  	[spmem:s25] =	stream.linear.scatter [tilespmem:s15], [sflag:$0x9], $0x1400, $0x38;
	[tilespmem:$0x17680] =	vst v63  }
0xb7: {  	_ =	swait.ge [sflag:s16], $0x1400  }
0xb8: {  	[sflag:s16] =	ssyncset.done $0x0  }
0xb9: {  	s10 =	rddreg [dreg:$0x19];
	[sflag:s16] =	ssyncadd.s32 $0xFFFFEC00  }
0xba: {  	[spmem:s10] =	stream.linear.scatter [tilespmem:s15], [sflag:$0x9], $0x1400, $0x38;
	[tilespmem:$0x17680] =	vst v63  }
0xbb: {  	_ =	swait.ge [sflag:s16], $0x1400  }
0xbc: {  	[sflag:s16] =	ssyncset.done $0x0  }
0xbd: {  	s25 =	rddreg [dreg:$0x1a];
	[sflag:s16] =	ssyncadd.s32 $0xFFFFEC00  }
0xbe: {  	[spmem:s25] =	stream.linear.scatter [tilespmem:s15], [sflag:$0x9], $0x1400, $0x38;
	[tilespmem:$0x17680] =	vst v63  }
0xbf: {  	_ =	swait.ge [sflag:s16], $0x1400  }
0xc0: {  	[sflag:s16] =	ssyncset.done $0x0  }
0xc1: {  	s10 =	rddreg [dreg:$0x1b];
	[sflag:s16] =	ssyncadd.s32 $0xFFFFEC00  }
0xc2: {  	[spmem:s10] =	stream.linear.scatter [tilespmem:s15], [sflag:$0x9], $0x1400, $0x38;
	[tilespmem:$0x17680] =	vst v63  }
0xc3: {  	_ =	swait.ge [sflag:s16], $0x1400  }
0xc4: {  	[sflag:s16] =	ssyncset.done $0x0  }
0xc5: {  	s25 =	rddreg [dreg:$0x1c];
	[sflag:s16] =	ssyncadd.s32 $0xFFFFEC00  }
0xc6: {  	[spmem:s25] =	stream.linear.scatter [tilespmem:s15], [sflag:$0x9], $0x1400, $0x38;
	[tilespmem:$0x17680] =	vst v63  }
0xc7: {  	_ =	swait.ge [sflag:s16], $0x1400  }
0xc8: {  	[sflag:s16] =	ssyncset.done $0x0  }
0xc9: {  	[sflag:s16] =	ssyncadd.s32 $0xFFFFEC00  }
.LBB2_7:
0xca: {  	[bflag:$0x0] =	sbarrier.arrive $0xFFFF;
	s25 =	simm.s32 $0x0  }
0xcb: {  	[tilespmem:s25], [sflag:$0x1] =	stream.linear.gather [hbm4b:s18+s25], $0x50, $0x38;
	[tilespmem:$0x17680] =	vst v63  }
0xcc: {  	s9 =	rddreg [dreg:$0x1d]  }
0xcd: {  	[tilespmem:s17], [sflag:$0x2] =	stream.linear.gather [hbm4b:s9+s25], $0x50, $0x38;
	[tilespmem:$0x17680] =	vst v63  }
0xce: {  	s10 =	rddreg [dreg:$0x1e]  }
0xcf: {  	[tilespmem:s0], [sflag:$0x3] =	stream.linear.gather [hbm4b:s10+s25], $0x50, $0x38;
	[tilespmem:$0x17680] =	vst v63  }
0xd0: {  	_ =	swait.ge [sflag:s23], $0x50  }
0xd1: {  	[sflag:s23] =	ssyncset.done $0x0  }
0xd2: {  	[sflag:s23] =	ssyncadd.s32 $0xFFFFFFB0  }
0xd3: {  	[spmem:s2] =	stream.indirect.scatter.add.f32 [tilespmem:s28], [sflag:$0x5], $0x80, s25, s26, $0xb8;
	[tilespmem:$0x17680] =	vst v63  }
0xd4: {  	_ = 	snop  }
0xd5: {  	[tilespmem:s29], [sflag:$0x4] =	stream.linear.gather [hbm4b:s11+s25], $0x50, $0x38;
	[tilespmem:$0x17680] =	vst v63  }
0xd6: {  	_ =	swait.ge [sflag:s30], $0x50  }
0xd7: {  	[sflag:s30] =	ssyncset.done $0x0  }
0xd8: {  	[sflag:s30] =	ssyncadd.s32 $0xFFFFFFB0  }
0xd9: {  	_ =	swait.ge [sflag:s31], $0x2800  }
0xda: {  	[sflag:s31] =	ssyncset.done $0x0  }
0xdb: {  	[sflag:s31] =	ssyncadd.s32 $0xFFFFD800  }
0xdc: {  	[spmem:s2] =	stream.indirect.scatter.add.f32 [tilespmem:s28], [sflag:$0x6], $0x80, s17, s26, $0xb8;
	[tilespmem:$0x17680] =	vst v63  }
0xdd: {  	_ = 	snop  }
0xde: {  	[tilespmem:s25], [sflag:$0x1] =	stream.linear.gather [hbm4b:s12+s25], $0x50, $0x38;
	[tilespmem:$0x17680] =	vst v63  }
0xdf: {  	_ =	swait.ge [sflag:s1], $0x50  }
0xe0: {  	[sflag:s1] =	ssyncset.done $0x0  }
0xe1: {  	[sflag:s1] =	ssyncadd.s32 $0xFFFFFFB0  }
0xe2: {  	_ =	swait.ge [sflag:s5], $0x2800  }
0xe3: {  	[sflag:s5] =	ssyncset.done $0x0  }
0xe4: {  	[sflag:s5] =	ssyncadd.s32 $0xFFFFD800  }
0xe5: {  	[spmem:s2] =	stream.indirect.scatter.add.f32 [tilespmem:s28], [sflag:$0x7], $0x80, s0, s26, $0xb8;
	[tilespmem:$0x17680] =	vst v63  }
0xe6: {  	_ = 	snop  }
0xe7: {  	[tilespmem:s17], [sflag:$0x2] =	stream.linear.gather [hbm4b:s13+s25], $0x50, $0x38;
	[tilespmem:$0x17680] =	vst v63  }
0xe8: {  	_ =	swait.ge [sflag:s6], $0x50  }
0xe9: {  	[sflag:s6] =	ssyncset.done $0x0  }
0xea: {  	[sflag:s6] =	ssyncadd.s32 $0xFFFFFFB0  }
0xeb: {  	_ =	swait.ge [sflag:s7], $0x2800  }
0xec: {  	[sflag:s7] =	ssyncset.done $0x0  }
0xed: {  	[sflag:s7] =	ssyncadd.s32 $0xFFFFD800  }
0xee: {  	[spmem:s2] =	stream.indirect.scatter.add.f32 [tilespmem:s28], [sflag:$0x8], $0x80, s29, s26, $0xb8;
	[tilespmem:$0x17680] =	vst v63  }
0xef: {  	_ = 	snop  }
0xf0: {  	[tilespmem:s0], [sflag:$0x3] =	stream.linear.gather [hbm4b:s14+s25], $0x50, $0x38;
	[tilespmem:$0x17680] =	vst v63  }
.LBB2_8:
0xf1: {  	_ =	swait.ge [sflag:s23], $0x50  }
0xf2: {  	[sflag:s23] =	ssyncset.done $0x0  }
0xf3: {  	[sflag:s23] =	ssyncadd.s32 $0xFFFFFFB0  }
0xf4: {  	_ =	swait.ge [sflag:s8], $0x2800  }
0xf5: {  	[sflag:s8] =	ssyncset.done $0x0  }
0xf6: {  	[sflag:s8] =	ssyncadd.s32 $0xFFFFD800  }
0xf7: {  	[spmem:s2] =	stream.indirect.scatter.add.f32 [tilespmem:s28], [sflag:$0x5], $0x80, s3, s26, $0xb8;
	[tilespmem:$0x17680] =	vst v63  }
0xf8: {  	s9 =	sadd.s32 s25, s22  }
0xf9: {  	[tilespmem:s29], [sflag:$0x4] =	stream.linear.gather [hbm4b:s9+s3], $0x50, $0x38;
	[tilespmem:$0x17680] =	vst v63  }
0xfa: {  	_ =	swait.ge [sflag:s30], $0x50  }
0xfb: {  	[sflag:s30] =	ssyncset.done $0x0  }
0xfc: {  	[sflag:s30] =	ssyncadd.s32 $0xFFFFFFB0  }
0xfd: {  	_ =	swait.ge [sflag:s31], $0x2800  }
0xfe: {  	[sflag:s31] =	ssyncset.done $0x0  }
0xff: {  	[sflag:s31] =	ssyncadd.s32 $0xFFFFD800  }
0x100: {  	[spmem:s2] =	stream.indirect.scatter.add.f32 [tilespmem:s28], [sflag:$0x6], $0x80, s17, s26, $0xb8;
	[tilespmem:$0x17680] =	vst v63  }
0x101: {  	s10 =	sadd.s32 s25, s21  }
0x102: {  	[tilespmem:s3], [sflag:$0x1] =	stream.linear.gather [hbm4b:s10+s3], $0x50, $0x38;
	[tilespmem:$0x17680] =	vst v63  }
0x103: {  	_ =	swait.ge [sflag:s1], $0x50  }
0x104: {  	p1 =	seq.s32 s25, $0x488;
	[sflag:s1] =	ssyncset.done $0x0  }
.Ltmp5:
0x105: {  	[sflag:s1] =	ssyncadd.s32 $0xFFFFFFB0;
	(pc) =	sbr.rel @p1 .LBB2_10-.Ltmp5, $4  }
0x106: {  	_ =	swait.ge [sflag:s5], $0x2800  }
0x107: {  	[sflag:s5] =	ssyncset.done $0x0  }
0x108: {  	[sflag:s5] =	ssyncadd.s32 $0xFFFFD800  }
0x109: {  	[spmem:s2] =	stream.indirect.scatter.add.f32 [tilespmem:s28], [sflag:$0x7], $0x80, s0, s26, $0xb8;
	[tilespmem:$0x17680] =	vst v63  }
0x10a: {  	s9 =	sadd.s32 s25, s20  }
0x10b: {  	[tilespmem:s17], [sflag:$0x2] =	stream.linear.gather [hbm4b:s9+s3], $0x50, $0x38;
	[tilespmem:$0x17680] =	vst v63  }
0x10c: {  	_ =	swait.ge [sflag:s6], $0x50  }
0x10d: {  	[sflag:s6] =	ssyncset.done $0x0  }
0x10e: {  	[sflag:s6] =	ssyncadd.s32 $0xFFFFFFB0  }
0x10f: {  	_ =	swait.ge [sflag:s7], $0x2800  }
.Ltmp6:
0x110: {  	[sflag:s7] =	ssyncset.done $0x0;
	(pc) =	sbr.rel .LBB2_8-.Ltmp6, $4  }
0x111: {  	[sflag:s7] =	ssyncadd.s32 $0xFFFFD800  }
0x112: {  	[spmem:s2] =	stream.indirect.scatter.add.f32 [tilespmem:s28], [sflag:$0x8], $0x80, s29, s26, $0xb8;
	[tilespmem:$0x17680] =	vst v63  }
0x113: {  	s10 =	sadd.s32 s25, s19;
	s25 =	sadd.s32 $0x28, s25  }
0x114: {  	[tilespmem:s0], [sflag:$0x3] =	stream.linear.gather [hbm4b:s10+s3], $0x50, $0x38;
	[tilespmem:$0x17680] =	vst v63  }
.LBB2_11:
0x115: {  	_ =	sfence.sel $0x180000  }
0x116: {  	[bflag:$0x0] =	sbarrier.arrive $0xFFFF  }
0x117: {  	_ =	strace $0x90000047  }
0x118: {  	s0 =	stileid.u32;
	[bflag:$0x2] =	sbarrier.arrive $0xFFFF  }
0x119: {  	p0 =	sne.s32 s0, $0x0;
	s0 =	rddreg [dreg:$0x2]  }
0x11a: {  	s0 =	sadd.s32 @!p0 $0x100000, s0  }
0x11b: {  	[sflag:s0] =	ssyncadd.tile.s32 @!p0 $0x1;
	_ =	shalt  }
.Lfunc_end2:
_tile_overlayer_lowered:
.L_overlay_start_2:
0x11c: {  	(tag) =	ssettag $0x2  }
0x11d: {  	s0 =	rddreg [dreg:$0x0];
	s2 =	stileid.u32  }
0x11e: {  	s1 =	rddreg [dreg:$0x1];
	p0 =	sne.s32 s2, $0x0  }
0x11f: {  	s3 =	rddreg [dreg:$0x2];
	[bflag:$0x3] =	sbarrier.arrive $0xFFFF;
	s2 =	simm.s32 @!p0 $0x1C09  }
0x120: {  	[timem:s3], [sflag:s2] =	dma.local @!p0 [hbm:s0], s1  }
0x121: {  	s0 =	simm.s32 @!p0 $0x9  }
0x122: {  	_ =	swait.ge @!p0 [sflag:s0], s1  }
0x123: {  	s1 =	ssub.s32 @!p0 $0x0, s1;
	[sflag:s0] =	ssyncset.done @!p0 $0x0  }
0x124: {  	[sflag:s0] =	ssyncadd.s32 @!p0 s1  }
0x125: {  	[bflag:$0x3] =	sbarrier.arrive $0xFFFF  }
0x126: {  	_ =	shalt  }

</sc_bundles>
